<compile_context>
chip_gen: v7x
topology: tpu7x:2x2x1
jax: 0.10.2.dev20260603
libtpu: 0.0.44.dev20260713+nightly
codegen_flags: <defaults>
</compile_context>

<pallas_src>
import functools

import jax
import jax.numpy as jnp
from jax import lax
from jax.experimental import pallas as pl
from jax.experimental.pallas import tpu as pltpu
from jax.experimental.pallas import tpu_sc as plsc

_NC = 2
_NS = 16
_NW = _NC * _NS
_CHUNK = 128


def _sc_gather(pid2d, cid2d, bid2d, pemb, cemb, bemb, n_pad, nchunk):
    dp = pemb.shape[1]
    dc = cemb.shape[1]
    db = bemb.shape[1]
    nw = nchunk * _CHUNK
    mesh = plsc.VectorSubcoreMesh(core_axis_name="c", subcore_axis_name="s")

    @functools.partial(
        pl.kernel,
        mesh=mesh,
        compiler_params=pltpu.CompilerParams(use_tc_tiling_on_sc=False),
        out_type=jax.ShapeDtypeStruct((n_pad, dp + dc + db), jnp.float32),
        scratch_types=[
            pltpu.VMEM((nw,), jnp.int32),
            pltpu.VMEM((nw,), jnp.int32),
            pltpu.VMEM((nw,), jnp.int32),
            pltpu.VMEM((nw, dp), jnp.float32),
            pltpu.VMEM((nw, dc), jnp.float32),
            pltpu.VMEM((nw, db), jnp.float32),
            pltpu.SemaphoreType.DMA,
        ],
    )
    def k(pid_h, cid_h, bid_h, pemb_h, cemb_h, bemb_h,
          x_h,
          idxp, idxc, idxb, rowsp, rowsc, rowsb, sem):
        wid = lax.axis_index("s") * _NC + lax.axis_index("c")
        base0 = wid * nw
        pltpu.sync_copy(pid_h.at[pl.ds(base0, nw)], idxp)
        pltpu.sync_copy(cid_h.at[pl.ds(base0, nw)], idxc)
        pltpu.sync_copy(bid_h.at[pl.ds(base0, nw)], idxb)

        copies = []
        for j in range(nchunk):
            off = j * _CHUNK
            copies.append(pltpu.async_copy(
                pemb_h.at[idxp.at[pl.ds(off, _CHUNK)]],
                rowsp.at[pl.ds(off, _CHUNK)], sem))
            copies.append(pltpu.async_copy(
                cemb_h.at[idxc.at[pl.ds(off, _CHUNK)]],
                rowsc.at[pl.ds(off, _CHUNK)], sem))
            copies.append(pltpu.async_copy(
                bemb_h.at[idxb.at[pl.ds(off, _CHUNK)]],
                rowsb.at[pl.ds(off, _CHUNK)], sem))
        for c in copies:
            c.wait()
        pltpu.sync_copy(rowsp, x_h.at[pl.ds(base0, nw), pl.ds(0, dp)])
        pltpu.sync_copy(rowsc, x_h.at[pl.ds(base0, nw), pl.ds(dp, dc)])
        pltpu.sync_copy(rowsb,
                        x_h.at[pl.ds(base0, nw), pl.ds(dp + dc, db)])

    return k(pid2d, cid2d, bid2d, pemb, cemb, bemb)


def _mlp_slab(x, ppt, w0a, w0s, b0, w1, b1, prev, n_out, n_rows, blk,
              row_off):
    dx = x.shape[1]
    dh = w0a.shape[1]
    do = w1.shape[1]
    grid = n_rows // blk

    def body(*refs):
        x_r, ppt_r, w0_r, w0s_r, b0_r, w1_r, b1_r = refs[:7]
        o_r = refs[-1]
        h = jnp.dot(x_r[:].astype(jnp.bfloat16), w0_r[:],
                    preferred_element_type=jnp.float32)
        ppv = ppt_r[:]
        s_t = jnp.concatenate([ppv[0:1, :], jnp.log(ppv[1:2, :])], axis=0)
        h = h + jnp.dot(s_t.T, w0s_r[:], preferred_element_type=jnp.float32)
        h = jnp.maximum(h + b0_r[:], 0.0)
        o_r[:] = jnp.dot(h.astype(jnp.bfloat16), w1_r[:],
                         preferred_element_type=jnp.float32) + b1_r[:]

    boff = row_off // blk
    in_specs = [
        pl.BlockSpec((blk, dx), lambda i: (i, 0)),
        pl.BlockSpec((2, blk), lambda i, o=boff: (0, i + o)),
        pl.BlockSpec((dx, dh), lambda i: (0, 0)),
        pl.BlockSpec((2, dh), lambda i: (0, 0)),
        pl.BlockSpec((1, dh), lambda i: (0, 0)),
        pl.BlockSpec((dh, do), lambda i: (0, 0)),
        pl.BlockSpec((1, do), lambda i: (0, 0)),
    ]
    args = [x, ppt, w0a, w0s, b0, w1, b1]
    aliases = {}
    if prev is not None:
        in_specs.append(pl.BlockSpec(memory_space=pl.ANY))
        args.append(prev)
        aliases = {7: 0}

    return pl.pallas_call(
        body,
        grid=(grid,),
        in_specs=in_specs,
        out_specs=pl.BlockSpec((blk, do), lambda i, o=boff: (i + o, 0)),
        out_shape=jax.ShapeDtypeStruct((n_out, do), jnp.float32),
        input_output_aliases=aliases,
    )(*args)


def kernel(product_id, category_id, brand_id, price, popularity,
           product_emb, category_emb, brand_emb, W0, b0, W1, b1):
    n = product_id.shape[0]
    per_round = _NW * _CHUNK
    nchunk = -(-n // per_round)
    n_pad = nchunk * per_round
    pad = n_pad - n

    pid = jnp.pad(product_id.astype(jnp.int32), (0, pad))
    cid = jnp.pad(category_id.astype(jnp.int32), (0, pad))
    bid = jnp.pad(brand_id.astype(jnp.int32), (0, pad))

    ppt = jnp.stack([
        jnp.pad(price, (0, pad)),
        jnp.pad(popularity, (0, pad), constant_values=1.0),
    ], axis=0)

    dcat = product_emb.shape[1] + category_emb.shape[1] + brand_emb.shape[1]
    w0a = W0[:dcat, :].astype(jnp.bfloat16)
    w0s = W0[dcat:dcat + 2, :]
    w1b = W1.astype(jnp.bfloat16)

    n_slabs = 5 if nchunk % 5 == 0 else 1
    nc_s = nchunk // n_slabs
    rows_s = nc_s * per_round
    out = None
    for s in range(n_slabs):
        lo = s * rows_s
        x_s = _sc_gather(
            lax.slice(pid, (lo,), (lo + rows_s,)),
            lax.slice(cid, (lo,), (lo + rows_s,)),
            lax.slice(bid, (lo,), (lo + rows_s,)),
            product_emb, category_emb, brand_emb, rows_s, nc_s)
        out = _mlp_slab(x_s, ppt, w0a, w0s, b0[None, :], w1b,
                        b1[None, :], out, n_pad, rows_s, 1024, lo)
    return out[:n]

# --- scband reference (transcript-rebuilt; emitter-appended) ---
"""Pipeline reference for scband-product-catalog-embedder-35321811042695 (READ-ONLY COPY).

The authoritative reference and input builder live on the scoring server;
editing this copy changes nothing except your own understanding.
"""

import jax, jax.numpy as jnp
import numpy as np

def setup_inputs(seed: int = 0) -> dict:
    key = jax.random.key(seed)
    ks = jax.random.split(key, 10)
    N = 100000
    product_id = jax.random.randint(ks[0], (N,), 0, 100000)
    category_id = jax.random.randint(ks[1], (N,), 0, 1000)
    brand_id = jax.random.randint(ks[2], (N,), 0, 5000)
    price = jax.random.uniform(ks[3], (N,), dtype=jnp.float32)
    popularity = jax.random.uniform(ks[4], (N,), dtype=jnp.float32) + 1.0
    # learned parameters (embedding tables init uniform(0,1) per original code)
    product_emb = jax.random.uniform(ks[5], (100000, 64), dtype=jnp.float32)
    category_emb = jax.random.uniform(ks[6], (1000, 32), dtype=jnp.float32)
    brand_emb = jax.random.uniform(ks[7], (5000, 32), dtype=jnp.float32)
    # MLP: input_dim = 64 + 32 + 32 + 1 + 1 = 130, hidden 256, out 128
    W0 = jax.random.normal(ks[8], (130, 256), dtype=jnp.float32) * 0.05
    b0 = jnp.zeros((256,), dtype=jnp.float32)
    W1 = jax.random.normal(ks[9], (256, 128), dtype=jnp.float32) * 0.05
    b1 = jnp.zeros((128,), dtype=jnp.float32)
    return {"product_id": product_id, "category_id": category_id, "brand_id": brand_id,
            "price": price, "popularity": popularity,
            "product_emb": product_emb, "category_emb": category_emb, "brand_emb": brand_emb,
            "W0": W0, "b0": b0, "W1": W1, "b1": b1}

def reference(product_id, category_id, brand_id, price, popularity,
              product_emb, category_emb, brand_emb, W0, b0, W1, b1):
    # per-feature embedding / passthrough (faithful to torch forward)
    e_pid = jnp.take(product_emb, product_id, axis=0)        # Embedding lookup
    e_cat = jnp.take(category_emb, category_id, axis=0)
    e_brand = jnp.take(brand_emb, brand_id, axis=0)
    f_price = price[:, None]                                  # embedding_dim=None -> raw unsqueeze
    f_pop = jnp.log(popularity)[:, None]                      # embedding_dim='log'
    x = jnp.concatenate([e_pid, e_cat, e_brand, f_price, f_pop], axis=-1)
    # MLP: hidden_dims=[256], relu activation, no dropout/batchnorm
    h = jnp.maximum(x @ W0 + b0, 0.0)
    out = h @ W1 + b1
    return out

if __name__ == "__main__":
    import jax
    _d = setup_inputs()
    print(jax.jit(kernel)(*tuple(_d.values())))

</pallas_src>

<mosaic_0001>
#map = affine_map<(d0, d1) -> (0)>
#map1 = affine_map<(d0, d1) -> (0, 0)>
module attributes {stable_mosaic.version = 14 : i64} {
  func.func @k(%arg0: i32, %arg1: i32, %arg2: memref<20480xi32, #tpu.memory_space<hbm>>, %arg3: memref<20480xi32, #tpu.memory_space<hbm>>, %arg4: memref<20480xi32, #tpu.memory_space<hbm>>, %arg5: memref<100000x64xf32, #tpu.memory_space<hbm>>, %arg6: memref<1000x32xf32, #tpu.memory_space<hbm>>, %arg7: memref<5000x32xf32, #tpu.memory_space<hbm>>, %arg8: memref<20480x128xf32, #tpu.memory_space<hbm>>, %arg9: memref<640xi32, #tpu.memory_space<vmem>>, %arg10: memref<640xi32, #tpu.memory_space<vmem>>, %arg11: memref<640xi32, #tpu.memory_space<vmem>>, %arg12: memref<640x64xf32, #tpu.memory_space<vmem>>, %arg13: memref<640x32xf32, #tpu.memory_space<vmem>>, %arg14: memref<640x32xf32, #tpu.memory_space<vmem>>, %arg15: memref<!tpu.dma_semaphore, #tpu.memory_space<semaphore_mem>>) attributes {dimension_semantics = [#tpu.dimension_semantics<core_parallel>, #tpu.dimension_semantics<subcore_parallel>], iteration_bounds = array<i64: 2, 16>, scalar_prefetch = 0 : i64, scratch_operands = 7 : i64, tpu.core_type = #tpu.core_type<sc_vector_subcore>, window_params = [{transform_indices = #map}, {transform_indices = #map}, {transform_indices = #map}, {transform_indices = #map1}, {transform_indices = #map1}, {transform_indices = #map1}, {transform_indices = #map1}]} {
    %mul3A = arith.constant 2 : i32
    %mul3A_0 = arith.muli %arg1, %mul3A : i32
    %add3A = arith.addi %mul3A_0, %arg0 : i32
    %mul3A_1 = arith.constant 640 : i32
    %mul3A_2 = arith.muli %add3A, %mul3A_1 : i32
    "tpu.region"() ({
      %run_scoped3A = tpu.sem_alloc : memref<!tpu.dma_semaphore, #tpu.memory_space<semaphore_mem>>
      %dma_start3A_241 = tpu.memref_slice %arg2[%mul3A_2] : memref<20480xi32, #tpu.memory_space<hbm>> -> memref<640xi32, #tpu.memory_space<hbm>>
      %dma_start3A_242 = tpu.memref_slice %arg2[%mul3A_2] : memref<20480xi32, #tpu.memory_space<hbm>> -> memref<640xi32, #tpu.memory_space<hbm>>
      tpu.enqueue_dma source(%dma_start3A_242 : memref<640xi32, #tpu.memory_space<hbm>>) target(%arg9 : memref<640xi32, #tpu.memory_space<vmem>>) target_semaphore(%run_scoped3A : memref<!tpu.dma_semaphore, #tpu.memory_space<semaphore_mem>>)
      %dma_wait3A_243 = tpu.memref_slice %arg2[%mul3A_2] : memref<20480xi32, #tpu.memory_space<hbm>> -> memref<640xi32, #tpu.memory_space<hbm>>
      %dma_wait3A_244 = tpu.memref_slice %arg2[%mul3A_2] : memref<20480xi32, #tpu.memory_space<hbm>> -> memref<640xi32, #tpu.memory_space<hbm>>
      tpu.wait_dma2 semaphore(%run_scoped3A : memref<!tpu.dma_semaphore, #tpu.memory_space<semaphore_mem>>) src(%dma_wait3A_244 : memref<640xi32, #tpu.memory_space<hbm>>) dst(%arg9 : memref<640xi32, #tpu.memory_space<vmem>>)
      tpu.yield
    }) : () -> ()
    "tpu.region"() ({
      %run_scoped3A = tpu.sem_alloc : memref<!tpu.dma_semaphore, #tpu.memory_space<semaphore_mem>>
      %dma_start3A_241 = tpu.memref_slice %arg3[%mul3A_2] : memref<20480xi32, #tpu.memory_space<hbm>> -> memref<640xi32, #tpu.memory_space<hbm>>
      %dma_start3A_242 = tpu.memref_slice %arg3[%mul3A_2] : memref<20480xi32, #tpu.memory_space<hbm>> -> memref<640xi32, #tpu.memory_space<hbm>>
      tpu.enqueue_dma source(%dma_start3A_242 : memref<640xi32, #tpu.memory_space<hbm>>) target(%arg10 : memref<640xi32, #tpu.memory_space<vmem>>) target_semaphore(%run_scoped3A : memref<!tpu.dma_semaphore, #tpu.memory_space<semaphore_mem>>)
      %dma_wait3A_243 = tpu.memref_slice %arg3[%mul3A_2] : memref<20480xi32, #tpu.memory_space<hbm>> -> memref<640xi32, #tpu.memory_space<hbm>>
      %dma_wait3A_244 = tpu.memref_slice %arg3[%mul3A_2] : memref<20480xi32, #tpu.memory_space<hbm>> -> memref<640xi32, #tpu.memory_space<hbm>>
      tpu.wait_dma2 semaphore(%run_scoped3A : memref<!tpu.dma_semaphore, #tpu.memory_space<semaphore_mem>>) src(%dma_wait3A_244 : memref<640xi32, #tpu.memory_space<hbm>>) dst(%arg10 : memref<640xi32, #tpu.memory_space<vmem>>)
      tpu.yield
    }) : () -> ()
    "tpu.region"() ({
      %run_scoped3A = tpu.sem_alloc : memref<!tpu.dma_semaphore, #tpu.memory_space<semaphore_mem>>
      %dma_start3A_241 = tpu.memref_slice %arg4[%mul3A_2] : memref<20480xi32, #tpu.memory_space<hbm>> -> memref<640xi32, #tpu.memory_space<hbm>>
      %dma_start3A_242 = tpu.memref_slice %arg4[%mul3A_2] : memref<20480xi32, #tpu.memory_space<hbm>> -> memref<640xi32, #tpu.memory_space<hbm>>
      tpu.enqueue_dma source(%dma_start3A_242 : memref<640xi32, #tpu.memory_space<hbm>>) target(%arg11 : memref<640xi32, #tpu.memory_space<vmem>>) target_semaphore(%run_scoped3A : memref<!tpu.dma_semaphore, #tpu.memory_space<semaphore_mem>>)
      %dma_wait3A_243 = tpu.memref_slice %arg4[%mul3A_2] : memref<20480xi32, #tpu.memory_space<hbm>> -> memref<640xi32, #tpu.memory_space<hbm>>
      %dma_wait3A_244 = tpu.memref_slice %arg4[%mul3A_2] : memref<20480xi32, #tpu.memory_space<hbm>> -> memref<640xi32, #tpu.memory_space<hbm>>
      tpu.wait_dma2 semaphore(%run_scoped3A : memref<!tpu.dma_semaphore, #tpu.memory_space<semaphore_mem>>) src(%dma_wait3A_244 : memref<640xi32, #tpu.memory_space<hbm>>) dst(%arg11 : memref<640xi32, #tpu.memory_space<vmem>>)
      tpu.yield
    }) : () -> ()
    %dma_start3A = arith.constant 0 : i32
    %dma_start3A_3 = arith.constant 0 : i32
    %dma_start3A_4 = tpu.memref_slice %arg12[%dma_start3A, %dma_start3A_3] : memref<640x64xf32, #tpu.memory_space<vmem>> -> memref<128x64xf32, #tpu.memory_space<vmem>>
    %dma_start3A_5 = arith.constant 0 : i32
    %dma_start3A_6 = tpu.memref_slice %arg9[%dma_start3A_5] : memref<640xi32, #tpu.memory_space<vmem>> -> memref<128xi32, #tpu.memory_space<vmem>>
    %dma_start3A_7 = arith.constant 0 : i32
    %dma_start3A_8 = arith.constant 0 : i32
    %dma_start3A_9 = tpu.memref_slice %arg5[%dma_start3A_7, %dma_start3A_8] : memref<100000x64xf32, #tpu.memory_space<hbm>> -> memref<100000x64xf32, #tpu.memory_space<hbm>>
    tpu.enqueue_indirect_dma source(%dma_start3A_9 : memref<100000x64xf32, #tpu.memory_space<hbm>>) target(%dma_start3A_4 : memref<128x64xf32, #tpu.memory_space<vmem>>) offsets(%dma_start3A_6 : memref<128xi32, #tpu.memory_space<vmem>>) semaphore(%arg15 : memref<!tpu.dma_semaphore, #tpu.memory_space<semaphore_mem>>)
    %dma_start3A_10 = arith.constant 0 : i32
    %dma_start3A_11 = arith.constant 0 : i32
    %dma_start3A_12 = tpu.memref_slice %arg13[%dma_start3A_10, %dma_start3A_11] : memref<640x32xf32, #tpu.memory_space<vmem>> -> memref<128x32xf32, #tpu.memory_space<vmem>>
    %dma_start3A_13 = arith.constant 0 : i32
    %dma_start3A_14 = tpu.memref_slice %arg10[%dma_start3A_13] : memref<640xi32, #tpu.memory_space<vmem>> -> memref<128xi32, #tpu.memory_space<vmem>>
    %dma_start3A_15 = arith.constant 0 : i32
    %dma_start3A_16 = arith.constant 0 : i32
    %dma_start3A_17 = tpu.memref_slice %arg6[%dma_start3A_15, %dma_start3A_16] : memref<1000x32xf32, #tpu.memory_space<hbm>> -> memref<1000x32xf32, #tpu.memory_space<hbm>>
    tpu.enqueue_indirect_dma source(%dma_start3A_17 : memref<1000x32xf32, #tpu.memory_space<hbm>>) target(%dma_start3A_12 : memref<128x32xf32, #tpu.memory_space<vmem>>) offsets(%dma_start3A_14 : memref<128xi32, #tpu.memory_space<vmem>>) semaphore(%arg15 : memref<!tpu.dma_semaphore, #tpu.memory_space<semaphore_mem>>)
    %dma_start3A_18 = arith.constant 0 : i32
    %dma_start3A_19 = arith.constant 0 : i32
    %dma_start3A_20 = tpu.memref_slice %arg14[%dma_start3A_18, %dma_start3A_19] : memref<640x32xf32, #tpu.memory_space<vmem>> -> memref<128x32xf32, #tpu.memory_space<vmem>>
    %dma_start3A_21 = arith.constant 0 : i32
    %dma_start3A_22 = tpu.memref_slice %arg11[%dma_start3A_21] : memref<640xi32, #tpu.memory_space<vmem>> -> memref<128xi32, #tpu.memory_space<vmem>>
    %dma_start3A_23 = arith.constant 0 : i32
    %dma_start3A_24 = arith.constant 0 : i32
    %dma_start3A_25 = tpu.memref_slice %arg7[%dma_start3A_23, %dma_start3A_24] : memref<5000x32xf32, #tpu.memory_space<hbm>> -> memref<5000x32xf32, #tpu.memory_space<hbm>>
    tpu.enqueue_indirect_dma source(%dma_start3A_25 : memref<5000x32xf32, #tpu.memory_space<hbm>>) target(%dma_start3A_20 : memref<128x32xf32, #tpu.memory_space<vmem>>) offsets(%dma_start3A_22 : memref<128xi32, #tpu.memory_space<vmem>>) semaphore(%arg15 : memref<!tpu.dma_semaphore, #tpu.memory_space<semaphore_mem>>)
    %dma_start3A_26 = arith.constant 128 : i32
    %dma_start3A_27 = arith.constant 0 : i32
    %dma_start3A_28 = tpu.memref_slice %arg12[%dma_start3A_26, %dma_start3A_27] : memref<640x64xf32, #tpu.memory_space<vmem>> -> memref<128x64xf32, #tpu.memory_space<vmem>>
    %dma_start3A_29 = arith.constant 128 : i32
    %dma_start3A_30 = tpu.memref_slice %arg9[%dma_start3A_29] : memref<640xi32, #tpu.memory_space<vmem>> -> memref<128xi32, #tpu.memory_space<vmem>>
    %dma_start3A_31 = arith.constant 0 : i32
    %dma_start3A_32 = arith.constant 0 : i32
    %dma_start3A_33 = tpu.memref_slice %arg5[%dma_start3A_31, %dma_start3A_32] : memref<100000x64xf32, #tpu.memory_space<hbm>> -> memref<100000x64xf32, #tpu.memory_space<hbm>>
    tpu.enqueue_indirect_dma source(%dma_start3A_33 : memref<100000x64xf32, #tpu.memory_space<hbm>>) target(%dma_start3A_28 : memref<128x64xf32, #tpu.memory_space<vmem>>) offsets(%dma_start3A_30 : memref<128xi32, #tpu.memory_space<vmem>>) semaphore(%arg15 : memref<!tpu.dma_semaphore, #tpu.memory_space<semaphore_mem>>)
    %dma_start3A_34 = arith.constant 128 : i32
    %dma_start3A_35 = arith.constant 0 : i32
    %dma_start3A_36 = tpu.memref_slice %arg13[%dma_start3A_34, %dma_start3A_35] : memref<640x32xf32, #tpu.memory_space<vmem>> -> memref<128x32xf32, #tpu.memory_space<vmem>>
    %dma_start3A_37 = arith.constant 128 : i32
    %dma_start3A_38 = tpu.memref_slice %arg10[%dma_start3A_37] : memref<640xi32, #tpu.memory_space<vmem>> -> memref<128xi32, #tpu.memory_space<vmem>>
    %dma_start3A_39 = arith.constant 0 : i32
    %dma_start3A_40 = arith.constant 0 : i32
    %dma_start3A_41 = tpu.memref_slice %arg6[%dma_start3A_39, %dma_start3A_40] : memref<1000x32xf32, #tpu.memory_space<hbm>> -> memref<1000x32xf32, #tpu.memory_space<hbm>>
    tpu.enqueue_indirect_dma source(%dma_start3A_41 : memref<1000x32xf32, #tpu.memory_space<hbm>>) target(%dma_start3A_36 : memref<128x32xf32, #tpu.memory_space<vmem>>) offsets(%dma_start3A_38 : memref<128xi32, #tpu.memory_space<vmem>>) semaphore(%arg15 : memref<!tpu.dma_semaphore, #tpu.memory_space<semaphore_mem>>)
    %dma_start3A_42 = arith.constant 128 : i32
    %dma_start3A_43 = arith.constant 0 : i32
    %dma_start3A_44 = tpu.memref_slice %arg14[%dma_start3A_42, %dma_start3A_43] : memref<640x32xf32, #tpu.memory_space<vmem>> -> memref<128x32xf32, #tpu.memory_space<vmem>>
    %dma_start3A_45 = arith.constant 128 : i32
    %dma_start3A_46 = tpu.memref_slice %arg11[%dma_start3A_45] : memref<640xi32, #tpu.memory_space<vmem>> -> memref<128xi32, #tpu.memory_space<vmem>>
    %dma_start3A_47 = arith.constant 0 : i32
    %dma_start3A_48 = arith.constant 0 : i32
    %dma_start3A_49 = tpu.memref_slice %arg7[%dma_start3A_47, %dma_start3A_48] : memref<5000x32xf32, #tpu.memory_space<hbm>> -> memref<5000x32xf32, #tpu.memory_space<hbm>>
    tpu.enqueue_indirect_dma source(%dma_start3A_49 : memref<5000x32xf32, #tpu.memory_space<hbm>>) target(%dma_start3A_44 : memref<128x32xf32, #tpu.memory_space<vmem>>) offsets(%dma_start3A_46 : memref<128xi32, #tpu.memory_space<vmem>>) semaphore(%arg15 : memref<!tpu.dma_semaphore, #tpu.memory_space<semaphore_mem>>)
    %dma_start3A_50 = arith.constant 256 : i32
    %dma_start3A_51 = arith.constant 0 : i32
    %dma_start3A_52 = tpu.memref_slice %arg12[%dma_start3A_50, %dma_start3A_51] : memref<640x64xf32, #tpu.memory_space<vmem>> -> memref<128x64xf32, #tpu.memory_space<vmem>>
    %dma_start3A_53 = arith.constant 256 : i32
    %dma_start3A_54 = tpu.memref_slice %arg9[%dma_start3A_53] : memref<640xi32, #tpu.memory_space<vmem>> -> memref<128xi32, #tpu.memory_space<vmem>>
    %dma_start3A_55 = arith.constant 0 : i32
    %dma_start3A_56 = arith.constant 0 : i32
    %dma_start3A_57 = tpu.memref_slice %arg5[%dma_start3A_55, %dma_start3A_56] : memref<100000x64xf32, #tpu.memory_space<hbm>> -> memref<100000x64xf32, #tpu.memory_space<hbm>>
    tpu.enqueue_indirect_dma source(%dma_start3A_57 : memref<100000x64xf32, #tpu.memory_space<hbm>>) target(%dma_start3A_52 : memref<128x64xf32, #tpu.memory_space<vmem>>) offsets(%dma_start3A_54 : memref<128xi32, #tpu.memory_space<vmem>>) semaphore(%arg15 : memref<!tpu.dma_semaphore, #tpu.memory_space<semaphore_mem>>)
    %dma_start3A_58 = arith.constant 256 : i32
    %dma_start3A_59 = arith.constant 0 : i32
    %dma_start3A_60 = tpu.memref_slice %arg13[%dma_start3A_58, %dma_start3A_59] : memref<640x32xf32, #tpu.memory_space<vmem>> -> memref<128x32xf32, #tpu.memory_space<vmem>>
    %dma_start3A_61 = arith.constant 256 : i32
    %dma_start3A_62 = tpu.memref_slice %arg10[%dma_start3A_61] : memref<640xi32, #tpu.memory_space<vmem>> -> memref<128xi32, #tpu.memory_space<vmem>>
    %dma_start3A_63 = arith.constant 0 : i32
    %dma_start3A_64 = arith.constant 0 : i32
    %dma_start3A_65 = tpu.memref_slice %arg6[%dma_start3A_63, %dma_start3A_64] : memref<1000x32xf32, #tpu.memory_space<hbm>> -> memref<1000x32xf32, #tpu.memory_space<hbm>>
    tpu.enqueue_indirect_dma source(%dma_start3A_65 : memref<1000x32xf32, #tpu.memory_space<hbm>>) target(%dma_start3A_60 : memref<128x32xf32, #tpu.memory_space<vmem>>) offsets(%dma_start3A_62 : memref<128xi32, #tpu.memory_space<vmem>>) semaphore(%arg15 : memref<!tpu.dma_semaphore, #tpu.memory_space<semaphore_mem>>)
    %dma_start3A_66 = arith.constant 256 : i32
    %dma_start3A_67 = arith.constant 0 : i32
    %dma_start3A_68 = tpu.memref_slice %arg14[%dma_start3A_66, %dma_start3A_67] : memref<640x32xf32, #tpu.memory_space<vmem>> -> memref<128x32xf32, #tpu.memory_space<vmem>>
    %dma_start3A_69 = arith.constant 256 : i32
    %dma_start3A_70 = tpu.memref_slice %arg11[%dma_start3A_69] : memref<640xi32, #tpu.memory_space<vmem>> -> memref<128xi32, #tpu.memory_space<vmem>>
    %dma_start3A_71 = arith.constant 0 : i32
    %dma_start3A_72 = arith.constant 0 : i32
    %dma_start3A_73 = tpu.memref_slice %arg7[%dma_start3A_71, %dma_start3A_72] : memref<5000x32xf32, #tpu.memory_space<hbm>> -> memref<5000x32xf32, #tpu.memory_space<hbm>>
    tpu.enqueue_indirect_dma source(%dma_start3A_73 : memref<5000x32xf32, #tpu.memory_space<hbm>>) target(%dma_start3A_68 : memref<128x32xf32, #tpu.memory_space<vmem>>) offsets(%dma_start3A_70 : memref<128xi32, #tpu.memory_space<vmem>>) semaphore(%arg15 : memref<!tpu.dma_semaphore, #tpu.memory_space<semaphore_mem>>)
    %dma_start3A_74 = arith.constant 384 : i32
    %dma_start3A_75 = arith.constant 0 : i32
    %dma_start3A_76 = tpu.memref_slice %arg12[%dma_start3A_74, %dma_start3A_75] : memref<640x64xf32, #tpu.memory_space<vmem>> -> memref<128x64xf32, #tpu.memory_space<vmem>>
    %dma_start3A_77 = arith.constant 384 : i32
    %dma_start3A_78 = tpu.memref_slice %arg9[%dma_start3A_77] : memref<640xi32, #tpu.memory_space<vmem>> -> memref<128xi32, #tpu.memory_space<vmem>>
    %dma_start3A_79 = arith.constant 0 : i32
    %dma_start3A_80 = arith.constant 0 : i32
    %dma_start3A_81 = tpu.memref_slice %arg5[%dma_start3A_79, %dma_start3A_80] : memref<100000x64xf32, #tpu.memory_space<hbm>> -> memref<100000x64xf32, #tpu.memory_space<hbm>>
    tpu.enqueue_indirect_dma source(%dma_start3A_81 : memref<100000x64xf32, #tpu.memory_space<hbm>>) target(%dma_start3A_76 : memref<128x64xf32, #tpu.memory_space<vmem>>) offsets(%dma_start3A_78 : memref<128xi32, #tpu.memory_space<vmem>>) semaphore(%arg15 : memref<!tpu.dma_semaphore, #tpu.memory_space<semaphore_mem>>)
    %dma_start3A_82 = arith.constant 384 : i32
    %dma_start3A_83 = arith.constant 0 : i32
    %dma_start3A_84 = tpu.memref_slice %arg13[%dma_start3A_82, %dma_start3A_83] : memref<640x32xf32, #tpu.memory_space<vmem>> -> memref<128x32xf32, #tpu.memory_space<vmem>>
    %dma_start3A_85 = arith.constant 384 : i32
    %dma_start3A_86 = tpu.memref_slice %arg10[%dma_start3A_85] : memref<640xi32, #tpu.memory_space<vmem>> -> memref<128xi32, #tpu.memory_space<vmem>>
    %dma_start3A_87 = arith.constant 0 : i32
    %dma_start3A_88 = arith.constant 0 : i32
    %dma_start3A_89 = tpu.memref_slice %arg6[%dma_start3A_87, %dma_start3A_88] : memref<1000x32xf32, #tpu.memory_space<hbm>> -> memref<1000x32xf32, #tpu.memory_space<hbm>>
    tpu.enqueue_indirect_dma source(%dma_start3A_89 : memref<1000x32xf32, #tpu.memory_space<hbm>>) target(%dma_start3A_84 : memref<128x32xf32, #tpu.memory_space<vmem>>) offsets(%dma_start3A_86 : memref<128xi32, #tpu.memory_space<vmem>>) semaphore(%arg15 : memref<!tpu.dma_semaphore, #tpu.memory_space<semaphore_mem>>)
    %dma_start3A_90 = arith.constant 384 : i32
    %dma_start3A_91 = arith.constant 0 : i32
    %dma_start3A_92 = tpu.memref_slice %arg14[%dma_start3A_90, %dma_start3A_91] : memref<640x32xf32, #tpu.memory_space<vmem>> -> memref<128x32xf32, #tpu.memory_space<vmem>>
    %dma_start3A_93 = arith.constant 384 : i32
    %dma_start3A_94 = tpu.memref_slice %arg11[%dma_start3A_93] : memref<640xi32, #tpu.memory_space<vmem>> -> memref<128xi32, #tpu.memory_space<vmem>>
    %dma_start3A_95 = arith.constant 0 : i32
    %dma_start3A_96 = arith.constant 0 : i32
    %dma_start3A_97 = tpu.memref_slice %arg7[%dma_start3A_95, %dma_start3A_96] : memref<5000x32xf32, #tpu.memory_space<hbm>> -> memref<5000x32xf32, #tpu.memory_space<hbm>>
    tpu.enqueue_indirect_dma source(%dma_start3A_97 : memref<5000x32xf32, #tpu.memory_space<hbm>>) target(%dma_start3A_92 : memref<128x32xf32, #tpu.memory_space<vmem>>) offsets(%dma_start3A_94 : memref<128xi32, #tpu.memory_space<vmem>>) semaphore(%arg15 : memref<!tpu.dma_semaphore, #tpu.memory_space<semaphore_mem>>)
    %dma_start3A_98 = arith.constant 512 : i32
    %dma_start3A_99 = arith.constant 0 : i32
    %dma_start3A_100 = tpu.memref_slice %arg12[%dma_start3A_98, %dma_start3A_99] : memref<640x64xf32, #tpu.memory_space<vmem>> -> memref<128x64xf32, #tpu.memory_space<vmem>>
    %dma_start3A_101 = arith.constant 512 : i32
    %dma_start3A_102 = tpu.memref_slice %arg9[%dma_start3A_101] : memref<640xi32, #tpu.memory_space<vmem>> -> memref<128xi32, #tpu.memory_space<vmem>>
    %dma_start3A_103 = arith.constant 0 : i32
    %dma_start3A_104 = arith.constant 0 : i32
    %dma_start3A_105 = tpu.memref_slice %arg5[%dma_start3A_103, %dma_start3A_104] : memref<100000x64xf32, #tpu.memory_space<hbm>> -> memref<100000x64xf32, #tpu.memory_space<hbm>>
    tpu.enqueue_indirect_dma source(%dma_start3A_105 : memref<100000x64xf32, #tpu.memory_space<hbm>>) target(%dma_start3A_100 : memref<128x64xf32, #tpu.memory_space<vmem>>) offsets(%dma_start3A_102 : memref<128xi32, #tpu.memory_space<vmem>>) semaphore(%arg15 : memref<!tpu.dma_semaphore, #tpu.memory_space<semaphore_mem>>)
    %dma_start3A_106 = arith.constant 512 : i32
    %dma_start3A_107 = arith.constant 0 : i32
    %dma_start3A_108 = tpu.memref_slice %arg13[%dma_start3A_106, %dma_start3A_107] : memref<640x32xf32, #tpu.memory_space<vmem>> -> memref<128x32xf32, #tpu.memory_space<vmem>>
    %dma_start3A_109 = arith.constant 512 : i32
    %dma_start3A_110 = tpu.memref_slice %arg10[%dma_start3A_109] : memref<640xi32, #tpu.memory_space<vmem>> -> memref<128xi32, #tpu.memory_space<vmem>>
    %dma_start3A_111 = arith.constant 0 : i32
    %dma_start3A_112 = arith.constant 0 : i32
    %dma_start3A_113 = tpu.memref_slice %arg6[%dma_start3A_111, %dma_start3A_112] : memref<1000x32xf32, #tpu.memory_space<hbm>> -> memref<1000x32xf32, #tpu.memory_space<hbm>>
    tpu.enqueue_indirect_dma source(%dma_start3A_113 : memref<1000x32xf32, #tpu.memory_space<hbm>>) target(%dma_start3A_108 : memref<128x32xf32, #tpu.memory_space<vmem>>) offsets(%dma_start3A_110 : memref<128xi32, #tpu.memory_space<vmem>>) semaphore(%arg15 : memref<!tpu.dma_semaphore, #tpu.memory_space<semaphore_mem>>)
    %dma_start3A_114 = arith.constant 512 : i32
    %dma_start3A_115 = arith.constant 0 : i32
    %dma_start3A_116 = tpu.memref_slice %arg14[%dma_start3A_114, %dma_start3A_115] : memref<640x32xf32, #tpu.memory_space<vmem>> -> memref<128x32xf32, #tpu.memory_space<vmem>>
    %dma_start3A_117 = arith.constant 512 : i32
    %dma_start3A_118 = tpu.memref_slice %arg11[%dma_start3A_117] : memref<640xi32, #tpu.memory_space<vmem>> -> memref<128xi32, #tpu.memory_space<vmem>>
    %dma_start3A_119 = arith.constant 0 : i32
    %dma_start3A_120 = arith.constant 0 : i32
    %dma_start3A_121 = tpu.memref_slice %arg7[%dma_start3A_119, %dma_start3A_120] : memref<5000x32xf32, #tpu.memory_space<hbm>> -> memref<5000x32xf32, #tpu.memory_space<hbm>>
    tpu.enqueue_indirect_dma source(%dma_start3A_121 : memref<5000x32xf32, #tpu.memory_space<hbm>>) target(%dma_start3A_116 : memref<128x32xf32, #tpu.memory_space<vmem>>) offsets(%dma_start3A_118 : memref<128xi32, #tpu.memory_space<vmem>>) semaphore(%arg15 : memref<!tpu.dma_semaphore, #tpu.memory_space<semaphore_mem>>)
    %dma_wait3A = arith.constant 0 : i32
    %dma_wait3A_122 = arith.constant 0 : i32
    %dma_wait3A_123 = tpu.memref_slice %arg12[%dma_wait3A, %dma_wait3A_122] : memref<640x64xf32, #tpu.memory_space<vmem>> -> memref<128x64xf32, #tpu.memory_space<vmem>>
    %dma_wait3A_124 = arith.constant 0 : i32
    %dma_wait3A_125 = tpu.memref_slice %arg9[%dma_wait3A_124] : memref<640xi32, #tpu.memory_space<vmem>> -> memref<128xi32, #tpu.memory_space<vmem>>
    %dma_wait3A_126 = arith.constant 0 : i32
    %dma_wait3A_127 = arith.constant 0 : i32
    %dma_wait3A_128 = tpu.memref_slice %arg5[%dma_wait3A_126, %dma_wait3A_127] : memref<100000x64xf32, #tpu.memory_space<hbm>> -> memref<100000x64xf32, #tpu.memory_space<hbm>>
    tpu.wait_indirect_dma semaphore(%arg15 : memref<!tpu.dma_semaphore, #tpu.memory_space<semaphore_mem>>) src(%dma_wait3A_128 : memref<100000x64xf32, #tpu.memory_space<hbm>>) dst(%dma_wait3A_123 : memref<128x64xf32, #tpu.memory_space<vmem>>)
    %dma_wait3A_129 = arith.constant 0 : i32
    %dma_wait3A_130 = arith.constant 0 : i32
    %dma_wait3A_131 = tpu.memref_slice %arg13[%dma_wait3A_129, %dma_wait3A_130] : memref<640x32xf32, #tpu.memory_space<vmem>> -> memref<128x32xf32, #tpu.memory_space<vmem>>
    %dma_wait3A_132 = arith.constant 0 : i32
    %dma_wait3A_133 = tpu.memref_slice %arg10[%dma_wait3A_132] : memref<640xi32, #tpu.memory_space<vmem>> -> memref<128xi32, #tpu.memory_space<vmem>>
    %dma_wait3A_134 = arith.constant 0 : i32
    %dma_wait3A_135 = arith.constant 0 : i32
    %dma_wait3A_136 = tpu.memref_slice %arg6[%dma_wait3A_134, %dma_wait3A_135] : memref<1000x32xf32, #tpu.memory_space<hbm>> -> memref<1000x32xf32, #tpu.memory_space<hbm>>
    tpu.wait_indirect_dma semaphore(%arg15 : memref<!tpu.dma_semaphore, #tpu.memory_space<semaphore_mem>>) src(%dma_wait3A_136 : memref<1000x32xf32, #tpu.memory_space<hbm>>) dst(%dma_wait3A_131 : memref<128x32xf32, #tpu.memory_space<vmem>>)
    %dma_wait3A_137 = arith.constant 0 : i32
    %dma_wait3A_138 = arith.constant 0 : i32
    %dma_wait3A_139 = tpu.memref_slice %arg14[%dma_wait3A_137, %dma_wait3A_138] : memref<640x32xf32, #tpu.memory_space<vmem>> -> memref<128x32xf32, #tpu.memory_space<vmem>>
    %dma_wait3A_140 = arith.constant 0 : i32
    %dma_wait3A_141 = tpu.memref_slice %arg11[%dma_wait3A_140] : memref<640xi32, #tpu.memory_space<vmem>> -> memref<128xi32, #tpu.memory_space<vmem>>
    %dma_wait3A_142 = arith.constant 0 : i32
    %dma_wait3A_143 = arith.constant 0 : i32
    %dma_wait3A_144 = tpu.memref_slice %arg7[%dma_wait3A_142, %dma_wait3A_143] : memref<5000x32xf32, #tpu.memory_space<hbm>> -> memref<5000x32xf32, #tpu.memory_space<hbm>>
    tpu.wait_indirect_dma semaphore(%arg15 : memref<!tpu.dma_semaphore, #tpu.memory_space<semaphore_mem>>) src(%dma_wait3A_144 : memref<5000x32xf32, #tpu.memory_space<hbm>>) dst(%dma_wait3A_139 : memref<128x32xf32, #tpu.memory_space<vmem>>)
    %dma_wait3A_145 = arith.constant 128 : i32
    %dma_wait3A_146 = arith.constant 0 : i32
    %dma_wait3A_147 = tpu.memref_slice %arg12[%dma_wait3A_145, %dma_wait3A_146] : memref<640x64xf32, #tpu.memory_space<vmem>> -> memref<128x64xf32, #tpu.memory_space<vmem>>
    %dma_wait3A_148 = arith.constant 128 : i32
    %dma_wait3A_149 = tpu.memref_slice %arg9[%dma_wait3A_148] : memref<640xi32, #tpu.memory_space<vmem>> -> memref<128xi32, #tpu.memory_space<vmem>>
    %dma_wait3A_150 = arith.constant 0 : i32
    %dma_wait3A_151 = arith.constant 0 : i32
    %dma_wait3A_152 = tpu.memref_slice %arg5[%dma_wait3A_150, %dma_wait3A_151] : memref<100000x64xf32, #tpu.memory_space<hbm>> -> memref<100000x64xf32, #tpu.memory_space<hbm>>
    tpu.wait_indirect_dma semaphore(%arg15 : memref<!tpu.dma_semaphore, #tpu.memory_space<semaphore_mem>>) src(%dma_wait3A_152 : memref<100000x64xf32, #tpu.memory_space<hbm>>) dst(%dma_wait3A_147 : memref<128x64xf32, #tpu.memory_space<vmem>>)
    %dma_wait3A_153 = arith.constant 128 : i32
    %dma_wait3A_154 = arith.constant 0 : i32
    %dma_wait3A_155 = tpu.memref_slice %arg13[%dma_wait3A_153, %dma_wait3A_154] : memref<640x32xf32, #tpu.memory_space<vmem>> -> memref<128x32xf32, #tpu.memory_space<vmem>>
    %dma_wait3A_156 = arith.constant 128 : i32
    %dma_wait3A_157 = tpu.memref_slice %arg10[%dma_wait3A_156] : memref<640xi32, #tpu.memory_space<vmem>> -> memref<128xi32, #tpu.memory_space<vmem>>
    %dma_wait3A_158 = arith.constant 0 : i32
    %dma_wait3A_159 = arith.constant 0 : i32
    %dma_wait3A_160 = tpu.memref_slice %arg6[%dma_wait3A_158, %dma_wait3A_159] : memref<1000x32xf32, #tpu.memory_space<hbm>> -> memref<1000x32xf32, #tpu.memory_space<hbm>>
    tpu.wait_indirect_dma semaphore(%arg15 : memref<!tpu.dma_semaphore, #tpu.memory_space<semaphore_mem>>) src(%dma_wait3A_160 : memref<1000x32xf32, #tpu.memory_space<hbm>>) dst(%dma_wait3A_155 : memref<128x32xf32, #tpu.memory_space<vmem>>)
    %dma_wait3A_161 = arith.constant 128 : i32
    %dma_wait3A_162 = arith.constant 0 : i32
    %dma_wait3A_163 = tpu.memref_slice %arg14[%dma_wait3A_161, %dma_wait3A_162] : memref<640x32xf32, #tpu.memory_space<vmem>> -> memref<128x32xf32, #tpu.memory_space<vmem>>
    %dma_wait3A_164 = arith.constant 128 : i32
    %dma_wait3A_165 = tpu.memref_slice %arg11[%dma_wait3A_164] : memref<640xi32, #tpu.memory_space<vmem>> -> memref<128xi32, #tpu.memory_space<vmem>>
    %dma_wait3A_166 = arith.constant 0 : i32
    %dma_wait3A_167 = arith.constant 0 : i32
    %dma_wait3A_168 = tpu.memref_slice %arg7[%dma_wait3A_166, %dma_wait3A_167] : memref<5000x32xf32, #tpu.memory_space<hbm>> -> memref<5000x32xf32, #tpu.memory_space<hbm>>
    tpu.wait_indirect_dma semaphore(%arg15 : memref<!tpu.dma_semaphore, #tpu.memory_space<semaphore_mem>>) src(%dma_wait3A_168 : memref<5000x32xf32, #tpu.memory_space<hbm>>) dst(%dma_wait3A_163 : memref<128x32xf32, #tpu.memory_space<vmem>>)
    %dma_wait3A_169 = arith.constant 256 : i32
    %dma_wait3A_170 = arith.constant 0 : i32
    %dma_wait3A_171 = tpu.memref_slice %arg12[%dma_wait3A_169, %dma_wait3A_170] : memref<640x64xf32, #tpu.memory_space<vmem>> -> memref<128x64xf32, #tpu.memory_space<vmem>>
    %dma_wait3A_172 = arith.constant 256 : i32
    %dma_wait3A_173 = tpu.memref_slice %arg9[%dma_wait3A_172] : memref<640xi32, #tpu.memory_space<vmem>> -> memref<128xi32, #tpu.memory_space<vmem>>
    %dma_wait3A_174 = arith.constant 0 : i32
    %dma_wait3A_175 = arith.constant 0 : i32
    %dma_wait3A_176 = tpu.memref_slice %arg5[%dma_wait3A_174, %dma_wait3A_175] : memref<100000x64xf32, #tpu.memory_space<hbm>> -> memref<100000x64xf32, #tpu.memory_space<hbm>>
    tpu.wait_indirect_dma semaphore(%arg15 : memref<!tpu.dma_semaphore, #tpu.memory_space<semaphore_mem>>) src(%dma_wait3A_176 : memref<100000x64xf32, #tpu.memory_space<hbm>>) dst(%dma_wait3A_171 : memref<128x64xf32, #tpu.memory_space<vmem>>)
    %dma_wait3A_177 = arith.constant 256 : i32
    %dma_wait3A_178 = arith.constant 0 : i32
    %dma_wait3A_179 = tpu.memref_slice %arg13[%dma_wait3A_177, %dma_wait3A_178] : memref<640x32xf32, #tpu.memory_space<vmem>> -> memref<128x32xf32, #tpu.memory_space<vmem>>
    %dma_wait3A_180 = arith.constant 256 : i32
    %dma_wait3A_181 = tpu.memref_slice %arg10[%dma_wait3A_180] : memref<640xi32, #tpu.memory_space<vmem>> -> memref<128xi32, #tpu.memory_space<vmem>>
    %dma_wait3A_182 = arith.constant 0 : i32
    %dma_wait3A_183 = arith.constant 0 : i32
    %dma_wait3A_184 = tpu.memref_slice %arg6[%dma_wait3A_182, %dma_wait3A_183] : memref<1000x32xf32, #tpu.memory_space<hbm>> -> memref<1000x32xf32, #tpu.memory_space<hbm>>
    tpu.wait_indirect_dma semaphore(%arg15 : memref<!tpu.dma_semaphore, #tpu.memory_space<semaphore_mem>>) src(%dma_wait3A_184 : memref<1000x32xf32, #tpu.memory_space<hbm>>) dst(%dma_wait3A_179 : memref<128x32xf32, #tpu.memory_space<vmem>>)
    %dma_wait3A_185 = arith.constant 256 : i32
    %dma_wait3A_186 = arith.constant 0 : i32
    %dma_wait3A_187 = tpu.memref_slice %arg14[%dma_wait3A_185, %dma_wait3A_186] : memref<640x32xf32, #tpu.memory_space<vmem>> -> memref<128x32xf32, #tpu.memory_space<vmem>>
    %dma_wait3A_188 = arith.constant 256 : i32
    %dma_wait3A_189 = tpu.memref_slice %arg11[%dma_wait3A_188] : memref<640xi32, #tpu.memory_space<vmem>> -> memref<128xi32, #tpu.memory_space<vmem>>
    %dma_wait3A_190 = arith.constant 0 : i32
    %dma_wait3A_191 = arith.constant 0 : i32
    %dma_wait3A_192 = tpu.memref_slice %arg7[%dma_wait3A_190, %dma_wait3A_191] : memref<5000x32xf32, #tpu.memory_space<hbm>> -> memref<5000x32xf32, #tpu.memory_space<hbm>>
    tpu.wait_indirect_dma semaphore(%arg15 : memref<!tpu.dma_semaphore, #tpu.memory_space<semaphore_mem>>) src(%dma_wait3A_192 : memref<5000x32xf32, #tpu.memory_space<hbm>>) dst(%dma_wait3A_187 : memref<128x32xf32, #tpu.memory_space<vmem>>)
    %dma_wait3A_193 = arith.constant 384 : i32
    %dma_wait3A_194 = arith.constant 0 : i32
    %dma_wait3A_195 = tpu.memref_slice %arg12[%dma_wait3A_193, %dma_wait3A_194] : memref<640x64xf32, #tpu.memory_space<vmem>> -> memref<128x64xf32, #tpu.memory_space<vmem>>
    %dma_wait3A_196 = arith.constant 384 : i32
    %dma_wait3A_197 = tpu.memref_slice %arg9[%dma_wait3A_196] : memref<640xi32, #tpu.memory_space<vmem>> -> memref<128xi32, #tpu.memory_space<vmem>>
    %dma_wait3A_198 = arith.constant 0 : i32
    %dma_wait3A_199 = arith.constant 0 : i32
    %dma_wait3A_200 = tpu.memref_slice %arg5[%dma_wait3A_198, %dma_wait3A_199] : memref<100000x64xf32, #tpu.memory_space<hbm>> -> memref<100000x64xf32, #tpu.memory_space<hbm>>
    tpu.wait_indirect_dma semaphore(%arg15 : memref<!tpu.dma_semaphore, #tpu.memory_space<semaphore_mem>>) src(%dma_wait3A_200 : memref<100000x64xf32, #tpu.memory_space<hbm>>) dst(%dma_wait3A_195 : memref<128x64xf32, #tpu.memory_space<vmem>>)
    %dma_wait3A_201 = arith.constant 384 : i32
    %dma_wait3A_202 = arith.constant 0 : i32
    %dma_wait3A_203 = tpu.memref_slice %arg13[%dma_wait3A_201, %dma_wait3A_202] : memref<640x32xf32, #tpu.memory_space<vmem>> -> memref<128x32xf32, #tpu.memory_space<vmem>>
    %dma_wait3A_204 = arith.constant 384 : i32
    %dma_wait3A_205 = tpu.memref_slice %arg10[%dma_wait3A_204] : memref<640xi32, #tpu.memory_space<vmem>> -> memref<128xi32, #tpu.memory_space<vmem>>
    %dma_wait3A_206 = arith.constant 0 : i32
    %dma_wait3A_207 = arith.constant 0 : i32
    %dma_wait3A_208 = tpu.memref_slice %arg6[%dma_wait3A_206, %dma_wait3A_207] : memref<1000x32xf32, #tpu.memory_space<hbm>> -> memref<1000x32xf32, #tpu.memory_space<hbm>>
    tpu.wait_indirect_dma semaphore(%arg15 : memref<!tpu.dma_semaphore, #tpu.memory_space<semaphore_mem>>) src(%dma_wait3A_208 : memref<1000x32xf32, #tpu.memory_space<hbm>>) dst(%dma_wait3A_203 : memref<128x32xf32, #tpu.memory_space<vmem>>)
    %dma_wait3A_209 = arith.constant 384 : i32
    %dma_wait3A_210 = arith.constant 0 : i32
    %dma_wait3A_211 = tpu.memref_slice %arg14[%dma_wait3A_209, %dma_wait3A_210] : memref<640x32xf32, #tpu.memory_space<vmem>> -> memref<128x32xf32, #tpu.memory_space<vmem>>
    %dma_wait3A_212 = arith.constant 384 : i32
    %dma_wait3A_213 = tpu.memref_slice %arg11[%dma_wait3A_212] : memref<640xi32, #tpu.memory_space<vmem>> -> memref<128xi32, #tpu.memory_space<vmem>>
    %dma_wait3A_214 = arith.constant 0 : i32
    %dma_wait3A_215 = arith.constant 0 : i32
    %dma_wait3A_216 = tpu.memref_slice %arg7[%dma_wait3A_214, %dma_wait3A_215] : memref<5000x32xf32, #tpu.memory_space<hbm>> -> memref<5000x32xf32, #tpu.memory_space<hbm>>
    tpu.wait_indirect_dma semaphore(%arg15 : memref<!tpu.dma_semaphore, #tpu.memory_space<semaphore_mem>>) src(%dma_wait3A_216 : memref<5000x32xf32, #tpu.memory_space<hbm>>) dst(%dma_wait3A_211 : memref<128x32xf32, #tpu.memory_space<vmem>>)
    %dma_wait3A_217 = arith.constant 512 : i32
    %dma_wait3A_218 = arith.constant 0 : i32
    %dma_wait3A_219 = tpu.memref_slice %arg12[%dma_wait3A_217, %dma_wait3A_218] : memref<640x64xf32, #tpu.memory_space<vmem>> -> memref<128x64xf32, #tpu.memory_space<vmem>>
    %dma_wait3A_220 = arith.constant 512 : i32
    %dma_wait3A_221 = tpu.memref_slice %arg9[%dma_wait3A_220] : memref<640xi32, #tpu.memory_space<vmem>> -> memref<128xi32, #tpu.memory_space<vmem>>
    %dma_wait3A_222 = arith.constant 0 : i32
    %dma_wait3A_223 = arith.constant 0 : i32
    %dma_wait3A_224 = tpu.memref_slice %arg5[%dma_wait3A_222, %dma_wait3A_223] : memref<100000x64xf32, #tpu.memory_space<hbm>> -> memref<100000x64xf32, #tpu.memory_space<hbm>>
    tpu.wait_indirect_dma semaphore(%arg15 : memref<!tpu.dma_semaphore, #tpu.memory_space<semaphore_mem>>) src(%dma_wait3A_224 : memref<100000x64xf32, #tpu.memory_space<hbm>>) dst(%dma_wait3A_219 : memref<128x64xf32, #tpu.memory_space<vmem>>)
    %dma_wait3A_225 = arith.constant 512 : i32
    %dma_wait3A_226 = arith.constant 0 : i32
    %dma_wait3A_227 = tpu.memref_slice %arg13[%dma_wait3A_225, %dma_wait3A_226] : memref<640x32xf32, #tpu.memory_space<vmem>> -> memref<128x32xf32, #tpu.memory_space<vmem>>
    %dma_wait3A_228 = arith.constant 512 : i32
    %dma_wait3A_229 = tpu.memref_slice %arg10[%dma_wait3A_228] : memref<640xi32, #tpu.memory_space<vmem>> -> memref<128xi32, #tpu.memory_space<vmem>>
    %dma_wait3A_230 = arith.constant 0 : i32
    %dma_wait3A_231 = arith.constant 0 : i32
    %dma_wait3A_232 = tpu.memref_slice %arg6[%dma_wait3A_230, %dma_wait3A_231] : memref<1000x32xf32, #tpu.memory_space<hbm>> -> memref<1000x32xf32, #tpu.memory_space<hbm>>
    tpu.wait_indirect_dma semaphore(%arg15 : memref<!tpu.dma_semaphore, #tpu.memory_space<semaphore_mem>>) src(%dma_wait3A_232 : memref<1000x32xf32, #tpu.memory_space<hbm>>) dst(%dma_wait3A_227 : memref<128x32xf32, #tpu.memory_space<vmem>>)
    %dma_wait3A_233 = arith.constant 512 : i32
    %dma_wait3A_234 = arith.constant 0 : i32
    %dma_wait3A_235 = tpu.memref_slice %arg14[%dma_wait3A_233, %dma_wait3A_234] : memref<640x32xf32, #tpu.memory_space<vmem>> -> memref<128x32xf32, #tpu.memory_space<vmem>>
    %dma_wait3A_236 = arith.constant 512 : i32
    %dma_wait3A_237 = tpu.memref_slice %arg11[%dma_wait3A_236] : memref<640xi32, #tpu.memory_space<vmem>> -> memref<128xi32, #tpu.memory_space<vmem>>
    %dma_wait3A_238 = arith.constant 0 : i32
    %dma_wait3A_239 = arith.constant 0 : i32
    %dma_wait3A_240 = tpu.memref_slice %arg7[%dma_wait3A_238, %dma_wait3A_239] : memref<5000x32xf32, #tpu.memory_space<hbm>> -> memref<5000x32xf32, #tpu.memory_space<hbm>>
    tpu.wait_indirect_dma semaphore(%arg15 : memref<!tpu.dma_semaphore, #tpu.memory_space<semaphore_mem>>) src(%dma_wait3A_240 : memref<5000x32xf32, #tpu.memory_space<hbm>>) dst(%dma_wait3A_235 : memref<128x32xf32, #tpu.memory_space<vmem>>)
    "tpu.region"() ({
      %run_scoped3A = tpu.sem_alloc : memref<!tpu.dma_semaphore, #tpu.memory_space<semaphore_mem>>
      %dma_start3A_241 = arith.constant 0 : i32
      %dma_start3A_242 = tpu.memref_slice %arg8[%mul3A_2, %dma_start3A_241] : memref<20480x128xf32, #tpu.memory_space<hbm>> -> memref<640x64xf32, #tpu.memory_space<hbm>>
      %dma_start3A_243 = arith.constant 0 : i32
      %dma_start3A_244 = tpu.memref_slice %arg8[%mul3A_2, %dma_start3A_243] : memref<20480x128xf32, #tpu.memory_space<hbm>> -> memref<640x64xf32, #tpu.memory_space<hbm>>
      tpu.enqueue_dma source(%arg12 : memref<640x64xf32, #tpu.memory_space<vmem>>) target(%dma_start3A_244 : memref<640x64xf32, #tpu.memory_space<hbm>>) target_semaphore(%run_scoped3A : memref<!tpu.dma_semaphore, #tpu.memory_space<semaphore_mem>>)
      %dma_wait3A_245 = arith.constant 0 : i32
      %dma_wait3A_246 = tpu.memref_slice %arg8[%mul3A_2, %dma_wait3A_245] : memref<20480x128xf32, #tpu.memory_space<hbm>> -> memref<640x64xf32, #tpu.memory_space<hbm>>
      %dma_wait3A_247 = arith.constant 0 : i32
      %dma_wait3A_248 = tpu.memref_slice %arg8[%mul3A_2, %dma_wait3A_247] : memref<20480x128xf32, #tpu.memory_space<hbm>> -> memref<640x64xf32, #tpu.memory_space<hbm>>
      tpu.wait_dma2 semaphore(%run_scoped3A : memref<!tpu.dma_semaphore, #tpu.memory_space<semaphore_mem>>) src(%arg12 : memref<640x64xf32, #tpu.memory_space<vmem>>) dst(%dma_wait3A_248 : memref<640x64xf32, #tpu.memory_space<hbm>>)
      tpu.yield
    }) : () -> ()
    "tpu.region"() ({
      %run_scoped3A = tpu.sem_alloc : memref<!tpu.dma_semaphore, #tpu.memory_space<semaphore_mem>>
      %dma_start3A_241 = arith.constant 64 : i32
      %dma_start3A_242 = tpu.memref_slice %arg8[%mul3A_2, %dma_start3A_241] : memref<20480x128xf32, #tpu.memory_space<hbm>> -> memref<640x32xf32, #tpu.memory_space<hbm>>
      %dma_start3A_243 = arith.constant 64 : i32
      %dma_start3A_244 = tpu.memref_slice %arg8[%mul3A_2, %dma_start3A_243] : memref<20480x128xf32, #tpu.memory_space<hbm>> -> memref<640x32xf32, #tpu.memory_space<hbm>>
      tpu.enqueue_dma source(%arg13 : memref<640x32xf32, #tpu.memory_space<vmem>>) target(%dma_start3A_244 : memref<640x32xf32, #tpu.memory_space<hbm>>) target_semaphore(%run_scoped3A : memref<!tpu.dma_semaphore, #tpu.memory_space<semaphore_mem>>)
      %dma_wait3A_245 = arith.constant 64 : i32
      %dma_wait3A_246 = tpu.memref_slice %arg8[%mul3A_2, %dma_wait3A_245] : memref<20480x128xf32, #tpu.memory_space<hbm>> -> memref<640x32xf32, #tpu.memory_space<hbm>>
      %dma_wait3A_247 = arith.constant 64 : i32
      %dma_wait3A_248 = tpu.memref_slice %arg8[%mul3A_2, %dma_wait3A_247] : memref<20480x128xf32, #tpu.memory_space<hbm>> -> memref<640x32xf32, #tpu.memory_space<hbm>>
      tpu.wait_dma2 semaphore(%run_scoped3A : memref<!tpu.dma_semaphore, #tpu.memory_space<semaphore_mem>>) src(%arg13 : memref<640x32xf32, #tpu.memory_space<vmem>>) dst(%dma_wait3A_248 : memref<640x32xf32, #tpu.memory_space<hbm>>)
      tpu.yield
    }) : () -> ()
    "tpu.region"() ({
      %run_scoped3A = tpu.sem_alloc : memref<!tpu.dma_semaphore, #tpu.memory_space<semaphore_mem>>
      %dma_start3A_241 = arith.constant 96 : i32
      %dma_start3A_242 = tpu.memref_slice %arg8[%mul3A_2, %dma_start3A_241] : memref<20480x128xf32, #tpu.memory_space<hbm>> -> memref<640x32xf32, #tpu.memory_space<hbm>>
      %dma_start3A_243 = arith.constant 96 : i32
      %dma_start3A_244 = tpu.memref_slice %arg8[%mul3A_2, %dma_start3A_243] : memref<20480x128xf32, #tpu.memory_space<hbm>> -> memref<640x32xf32, #tpu.memory_space<hbm>>
      tpu.enqueue_dma source(%arg14 : memref<640x32xf32, #tpu.memory_space<vmem>>) target(%dma_start3A_244 : memref<640x32xf32, #tpu.memory_space<hbm>>) target_semaphore(%run_scoped3A : memref<!tpu.dma_semaphore, #tpu.memory_space<semaphore_mem>>)
      %dma_wait3A_245 = arith.constant 96 : i32
      %dma_wait3A_246 = tpu.memref_slice %arg8[%mul3A_2, %dma_wait3A_245] : memref<20480x128xf32, #tpu.memory_space<hbm>> -> memref<640x32xf32, #tpu.memory_space<hbm>>
      %dma_wait3A_247 = arith.constant 96 : i32
      %dma_wait3A_248 = tpu.memref_slice %arg8[%mul3A_2, %dma_wait3A_247] : memref<20480x128xf32, #tpu.memory_space<hbm>> -> memref<640x32xf32, #tpu.memory_space<hbm>>
      tpu.wait_dma2 semaphore(%run_scoped3A : memref<!tpu.dma_semaphore, #tpu.memory_space<semaphore_mem>>) src(%arg14 : memref<640x32xf32, #tpu.memory_space<vmem>>) dst(%dma_wait3A_248 : memref<640x32xf32, #tpu.memory_space<hbm>>)
      tpu.yield
    }) : () -> ()
    return
  }
}

#map = affine_map<(d0, d1) -> (0)>
#map1 = affine_map<(d0, d1) -> (0, 0)>
module attributes {stable_mosaic.version = 14 : i64} {
  func.func @k(%arg0: i32, %arg1: i32, %arg2: memref<20480xi32, #tpu.memory_space<hbm>>, %arg3: memref<20480xi32, #tpu.memory_space<hbm>>, %arg4: memref<20480xi32, #tpu.memory_space<hbm>>, %arg5: memref<100000x64xf32, #tpu.memory_space<hbm>>, %arg6: memref<1000x32xf32, #tpu.memory_space<hbm>>, %arg7: memref<5000x32xf32, #tpu.memory_space<hbm>>, %arg8: memref<20480x128xf32, #tpu.memory_space<hbm>>, %arg9: memref<640xi32, #tpu.memory_space<vmem>>, %arg10: memref<640xi32, #tpu.memory_space<vmem>>, %arg11: memref<640xi32, #tpu.memory_space<vmem>>, %arg12: memref<640x64xf32, #tpu.memory_space<vmem>>, %arg13: memref<640x32xf32, #tpu.memory_space<vmem>>, %arg14: memref<640x32xf32, #tpu.memory_space<vmem>>, %arg15: memref<!tpu.dma_semaphore, #tpu.memory_space<semaphore_mem>>) attributes {dimension_semantics = [#tpu.dimension_semantics<core_parallel>, #tpu.dimension_semantics<subcore_parallel>], iteration_bounds = array<i64: 2, 16>, scalar_prefetch = 0 : i64, scratch_operands = 7 : i64, tpu.core_type = #tpu.core_type<sc_vector_subcore>, window_params = [{transform_indices = #map}, {transform_indices = #map}, {transform_indices = #map}, {transform_indices = #map1}, {transform_indices = #map1}, {transform_indices = #map1}, {transform_indices = #map1}]} {
    %mul3A = arith.constant 2 : i32
    %mul3A_0 = arith.muli %arg1, %mul3A : i32
    %add3A = arith.addi %mul3A_0, %arg0 : i32
    %mul3A_1 = arith.constant 640 : i32
    %mul3A_2 = arith.muli %add3A, %mul3A_1 : i32
    "tpu.region"() ({
      %run_scoped3A = tpu.sem_alloc : memref<!tpu.dma_semaphore, #tpu.memory_space<semaphore_mem>>
      %dma_start3A_241 = tpu.memref_slice %arg2[%mul3A_2] : memref<20480xi32, #tpu.memory_space<hbm>> -> memref<640xi32, #tpu.memory_space<hbm>>
      %dma_start3A_242 = tpu.memref_slice %arg2[%mul3A_2] : memref<20480xi32, #tpu.memory_space<hbm>> -> memref<640xi32, #tpu.memory_space<hbm>>
      tpu.enqueue_dma source(%dma_start3A_242 : memref<640xi32, #tpu.memory_space<hbm>>) target(%arg9 : memref<640xi32, #tpu.memory_space<vmem>>) target_semaphore(%run_scoped3A : memref<!tpu.dma_semaphore, #tpu.memory_space<semaphore_mem>>)
      %dma_wait3A_243 = tpu.memref_slice %arg2[%mul3A_2] : memref<20480xi32, #tpu.memory_space<hbm>> -> memref<640xi32, #tpu.memory_space<hbm>>
      %dma_wait3A_244 = tpu.memref_slice %arg2[%mul3A_2] : memref<20480xi32, #tpu.memory_space<hbm>> -> memref<640xi32, #tpu.memory_space<hbm>>
      tpu.wait_dma2 semaphore(%run_scoped3A : memref<!tpu.dma_semaphore, #tpu.memory_space<semaphore_mem>>) src(%dma_wait3A_244 : memref<640xi32, #tpu.memory_space<hbm>>) dst(%arg9 : memref<640xi32, #tpu.memory_space<vmem>>)
      tpu.yield
    }) : () -> ()
    "tpu.region"() ({
      %run_scoped3A = tpu.sem_alloc : memref<!tpu.dma_semaphore, #tpu.memory_space<semaphore_mem>>
      %dma_start3A_241 = tpu.memref_slice %arg3[%mul3A_2] : memref<20480xi32, #tpu.memory_space<hbm>> -> memref<640xi32, #tpu.memory_space<hbm>>
      %dma_start3A_242 = tpu.memref_slice %arg3[%mul3A_2] : memref<20480xi32, #tpu.memory_space<hbm>> -> memref<640xi32, #tpu.memory_space<hbm>>
      tpu.enqueue_dma source(%dma_start3A_242 : memref<640xi32, #tpu.memory_space<hbm>>) target(%arg10 : memref<640xi32, #tpu.memory_space<vmem>>) target_semaphore(%run_scoped3A : memref<!tpu.dma_semaphore, #tpu.memory_space<semaphore_mem>>)
      %dma_wait3A_243 = tpu.memref_slice %arg3[%mul3A_2] : memref<20480xi32, #tpu.memory_space<hbm>> -> memref<640xi32, #tpu.memory_space<hbm>>
      %dma_wait3A_244 = tpu.memref_slice %arg3[%mul3A_2] : memref<20480xi32, #tpu.memory_space<hbm>> -> memref<640xi32, #tpu.memory_space<hbm>>
      tpu.wait_dma2 semaphore(%run_scoped3A : memref<!tpu.dma_semaphore, #tpu.memory_space<semaphore_mem>>) src(%dma_wait3A_244 : memref<640xi32, #tpu.memory_space<hbm>>) dst(%arg10 : memref<640xi32, #tpu.memory_space<vmem>>)
      tpu.yield
    }) : () -> ()
    "tpu.region"() ({
      %run_scoped3A = tpu.sem_alloc : memref<!tpu.dma_semaphore, #tpu.memory_space<semaphore_mem>>
      %dma_start3A_241 = tpu.memref_slice %arg4[%mul3A_2] : memref<20480xi32, #tpu.memory_space<hbm>> -> memref<640xi32, #tpu.memory_space<hbm>>
      %dma_start3A_242 = tpu.memref_slice %arg4[%mul3A_2] : memref<20480xi32, #tpu.memory_space<hbm>> -> memref<640xi32, #tpu.memory_space<hbm>>
      tpu.enqueue_dma source(%dma_start3A_242 : memref<640xi32, #tpu.memory_space<hbm>>) target(%arg11 : memref<640xi32, #tpu.memory_space<vmem>>) target_semaphore(%run_scoped3A : memref<!tpu.dma_semaphore, #tpu.memory_space<semaphore_mem>>)
      %dma_wait3A_243 = tpu.memref_slice %arg4[%mul3A_2] : memref<20480xi32, #tpu.memory_space<hbm>> -> memref<640xi32, #tpu.memory_space<hbm>>
      %dma_wait3A_244 = tpu.memref_slice %arg4[%mul3A_2] : memref<20480xi32, #tpu.memory_space<hbm>> -> memref<640xi32, #tpu.memory_space<hbm>>
      tpu.wait_dma2 semaphore(%run_scoped3A : memref<!tpu.dma_semaphore, #tpu.memory_space<semaphore_mem>>) src(%dma_wait3A_244 : memref<640xi32, #tpu.memory_space<hbm>>) dst(%arg11 : memref<640xi32, #tpu.memory_space<vmem>>)
      tpu.yield
    }) : () -> ()
    %dma_start3A = arith.constant 0 : i32
    %dma_start3A_3 = arith.constant 0 : i32
    %dma_start3A_4 = tpu.memref_slice %arg12[%dma_start3A, %dma_start3A_3] : memref<640x64xf32, #tpu.memory_space<vmem>> -> memref<128x64xf32, #tpu.memory_space<vmem>>
    %dma_start3A_5 = arith.constant 0 : i32
    %dma_start3A_6 = tpu.memref_slice %arg9[%dma_start3A_5] : memref<640xi32, #tpu.memory_space<vmem>> -> memref<128xi32, #tpu.memory_space<vmem>>
    %dma_start3A_7 = arith.constant 0 : i32
    %dma_start3A_8 = arith.constant 0 : i32
    %dma_start3A_9 = tpu.memref_slice %arg5[%dma_start3A_7, %dma_start3A_8] : memref<100000x64xf32, #tpu.memory_space<hbm>> -> memref<100000x64xf32, #tpu.memory_space<hbm>>
    tpu.enqueue_indirect_dma source(%dma_start3A_9 : memref<100000x64xf32, #tpu.memory_space<hbm>>) target(%dma_start3A_4 : memref<128x64xf32, #tpu.memory_space<vmem>>) offsets(%dma_start3A_6 : memref<128xi32, #tpu.memory_space<vmem>>) semaphore(%arg15 : memref<!tpu.dma_semaphore, #tpu.memory_space<semaphore_mem>>)
    %dma_start3A_10 = arith.constant 0 : i32
    %dma_start3A_11 = arith.constant 0 : i32
    %dma_start3A_12 = tpu.memref_slice %arg13[%dma_start3A_10, %dma_start3A_11] : memref<640x32xf32, #tpu.memory_space<vmem>> -> memref<128x32xf32, #tpu.memory_space<vmem>>
    %dma_start3A_13 = arith.constant 0 : i32
    %dma_start3A_14 = tpu.memref_slice %arg10[%dma_start3A_13] : memref<640xi32, #tpu.memory_space<vmem>> -> memref<128xi32, #tpu.memory_space<vmem>>
    %dma_start3A_15 = arith.constant 0 : i32
    %dma_start3A_16 = arith.constant 0 : i32
    %dma_start3A_17 = tpu.memref_slice %arg6[%dma_start3A_15, %dma_start3A_16] : memref<1000x32xf32, #tpu.memory_space<hbm>> -> memref<1000x32xf32, #tpu.memory_space<hbm>>
    tpu.enqueue_indirect_dma source(%dma_start3A_17 : memref<1000x32xf32, #tpu.memory_space<hbm>>) target(%dma_start3A_12 : memref<128x32xf32, #tpu.memory_space<vmem>>) offsets(%dma_start3A_14 : memref<128xi32, #tpu.memory_space<vmem>>) semaphore(%arg15 : memref<!tpu.dma_semaphore, #tpu.memory_space<semaphore_mem>>)
    %dma_start3A_18 = arith.constant 0 : i32
    %dma_start3A_19 = arith.constant 0 : i32
    %dma_start3A_20 = tpu.memref_slice %arg14[%dma_start3A_18, %dma_start3A_19] : memref<640x32xf32, #tpu.memory_space<vmem>> -> memref<128x32xf32, #tpu.memory_space<vmem>>
    %dma_start3A_21 = arith.constant 0 : i32
    %dma_start3A_22 = tpu.memref_slice %arg11[%dma_start3A_21] : memref<640xi32, #tpu.memory_space<vmem>> -> memref<128xi32, #tpu.memory_space<vmem>>
    %dma_start3A_23 = arith.constant 0 : i32
    %dma_start3A_24 = arith.constant 0 : i32
    %dma_start3A_25 = tpu.memref_slice %arg7[%dma_start3A_23, %dma_start3A_24] : memref<5000x32xf32, #tpu.memory_space<hbm>> -> memref<5000x32xf32, #tpu.memory_space<hbm>>
    tpu.enqueue_indirect_dma source(%dma_start3A_25 : memref<5000x32xf32, #tpu.memory_space<hbm>>) target(%dma_start3A_20 : memref<128x32xf32, #tpu.memory_space<vmem>>) offsets(%dma_start3A_22 : memref<128xi32, #tpu.memory_space<vmem>>) semaphore(%arg15 : memref<!tpu.dma_semaphore, #tpu.memory_space<semaphore_mem>>)
    %dma_start3A_26 = arith.constant 128 : i32
    %dma_start3A_27 = arith.constant 0 : i32
    %dma_start3A_28 = tpu.memref_slice %arg12[%dma_start3A_26, %dma_start3A_27] : memref<640x64xf32, #tpu.memory_space<vmem>> -> memref<128x64xf32, #tpu.memory_space<vmem>>
    %dma_start3A_29 = arith.constant 128 : i32
    %dma_start3A_30 = tpu.memref_slice %arg9[%dma_start3A_29] : memref<640xi32, #tpu.memory_space<vmem>> -> memref<128xi32, #tpu.memory_space<vmem>>
    %dma_start3A_31 = arith.constant 0 : i32
    %dma_start3A_32 = arith.constant 0 : i32
    %dma_start3A_33 = tpu.memref_slice %arg5[%dma_start3A_31, %dma_start3A_32] : memref<100000x64xf32, #tpu.memory_space<hbm>> -> memref<100000x64xf32, #tpu.memory_space<hbm>>
    tpu.enqueue_indirect_dma source(%dma_start3A_33 : memref<100000x64xf32, #tpu.memory_space<hbm>>) target(%dma_start3A_28 : memref<128x64xf32, #tpu.memory_space<vmem>>) offsets(%dma_start3A_30 : memref<128xi32, #tpu.memory_space<vmem>>) semaphore(%arg15 : memref<!tpu.dma_semaphore, #tpu.memory_space<semaphore_mem>>)
    %dma_start3A_34 = arith.constant 128 : i32
    %dma_start3A_35 = arith.constant 0 : i32
    %dma_start3A_36 = tpu.memref_slice %arg13[%dma_start3A_34, %dma_start3A_35] : memref<640x32xf32, #tpu.memory_space<vmem>> -> memref<128x32xf32, #tpu.memory_space<vmem>>
    %dma_start3A_37 = arith.constant 128 : i32
    %dma_start3A_38 = tpu.memref_slice %arg10[%dma_start3A_37] : memref<640xi32, #tpu.memory_space<vmem>> -> memref<128xi32, #tpu.memory_space<vmem>>
    %dma_start3A_39 = arith.constant 0 : i32
    %dma_start3A_40 = arith.constant 0 : i32
    %dma_start3A_41 = tpu.memref_slice %arg6[%dma_start3A_39, %dma_start3A_40] : memref<1000x32xf32, #tpu.memory_space<hbm>> -> memref<1000x32xf32, #tpu.memory_space<hbm>>
    tpu.enqueue_indirect_dma source(%dma_start3A_41 : memref<1000x32xf32, #tpu.memory_space<hbm>>) target(%dma_start3A_36 : memref<128x32xf32, #tpu.memory_space<vmem>>) offsets(%dma_start3A_38 : memref<128xi32, #tpu.memory_space<vmem>>) semaphore(%arg15 : memref<!tpu.dma_semaphore, #tpu.memory_space<semaphore_mem>>)
    %dma_start3A_42 = arith.constant 128 : i32
    %dma_start3A_43 = arith.constant 0 : i32
    %dma_start3A_44 = tpu.memref_slice %arg14[%dma_start3A_42, %dma_start3A_43] : memref<640x32xf32, #tpu.memory_space<vmem>> -> memref<128x32xf32, #tpu.memory_space<vmem>>
    %dma_start3A_45 = arith.constant 128 : i32
    %dma_start3A_46 = tpu.memref_slice %arg11[%dma_start3A_45] : memref<640xi32, #tpu.memory_space<vmem>> -> memref<128xi32, #tpu.memory_space<vmem>>
    %dma_start3A_47 = arith.constant 0 : i32
    %dma_start3A_48 = arith.constant 0 : i32
    %dma_start3A_49 = tpu.memref_slice %arg7[%dma_start3A_47, %dma_start3A_48] : memref<5000x32xf32, #tpu.memory_space<hbm>> -> memref<5000x32xf32, #tpu.memory_space<hbm>>
    tpu.enqueue_indirect_dma source(%dma_start3A_49 : memref<5000x32xf32, #tpu.memory_space<hbm>>) target(%dma_start3A_44 : memref<128x32xf32, #tpu.memory_space<vmem>>) offsets(%dma_start3A_46 : memref<128xi32, #tpu.memory_space<vmem>>) semaphore(%arg15 : memref<!tpu.dma_semaphore, #tpu.memory_space<semaphore_mem>>)
    %dma_start3A_50 = arith.constant 256 : i32
    %dma_start3A_51 = arith.constant 0 : i32
    %dma_start3A_52 = tpu.memref_slice %arg12[%dma_start3A_50, %dma_start3A_51] : memref<640x64xf32, #tpu.memory_space<vmem>> -> memref<128x64xf32, #tpu.memory_space<vmem>>
    %dma_start3A_53 = arith.constant 256 : i32
    %dma_start3A_54 = tpu.memref_slice %arg9[%dma_start3A_53] : memref<640xi32, #tpu.memory_space<vmem>> -> memref<128xi32, #tpu.memory_space<vmem>>
    %dma_start3A_55 = arith.constant 0 : i32
    %dma_start3A_56 = arith.constant 0 : i32
    %dma_start3A_57 = tpu.memref_slice %arg5[%dma_start3A_55, %dma_start3A_56] : memref<100000x64xf32, #tpu.memory_space<hbm>> -> memref<100000x64xf32, #tpu.memory_space<hbm>>
    tpu.enqueue_indirect_dma source(%dma_start3A_57 : memref<100000x64xf32, #tpu.memory_space<hbm>>) target(%dma_start3A_52 : memref<128x64xf32, #tpu.memory_space<vmem>>) offsets(%dma_start3A_54 : memref<128xi32, #tpu.memory_space<vmem>>) semaphore(%arg15 : memref<!tpu.dma_semaphore, #tpu.memory_space<semaphore_mem>>)
    %dma_start3A_58 = arith.constant 256 : i32
    %dma_start3A_59 = arith.constant 0 : i32
    %dma_start3A_60 = tpu.memref_slice %arg13[%dma_start3A_58, %dma_start3A_59] : memref<640x32xf32, #tpu.memory_space<vmem>> -> memref<128x32xf32, #tpu.memory_space<vmem>>
    %dma_start3A_61 = arith.constant 256 : i32
    %dma_start3A_62 = tpu.memref_slice %arg10[%dma_start3A_61] : memref<640xi32, #tpu.memory_space<vmem>> -> memref<128xi32, #tpu.memory_space<vmem>>
    %dma_start3A_63 = arith.constant 0 : i32
    %dma_start3A_64 = arith.constant 0 : i32
    %dma_start3A_65 = tpu.memref_slice %arg6[%dma_start3A_63, %dma_start3A_64] : memref<1000x32xf32, #tpu.memory_space<hbm>> -> memref<1000x32xf32, #tpu.memory_space<hbm>>
    tpu.enqueue_indirect_dma source(%dma_start3A_65 : memref<1000x32xf32, #tpu.memory_space<hbm>>) target(%dma_start3A_60 : memref<128x32xf32, #tpu.memory_space<vmem>>) offsets(%dma_start3A_62 : memref<128xi32, #tpu.memory_space<vmem>>) semaphore(%arg15 : memref<!tpu.dma_semaphore, #tpu.memory_space<semaphore_mem>>)
    %dma_start3A_66 = arith.constant 256 : i32
    %dma_start3A_67 = arith.constant 0 : i32
    %dma_start3A_68 = tpu.memref_slice %arg14[%dma_start3A_66, %dma_start3A_67] : memref<640x32xf32, #tpu.memory_space<vmem>> -> memref<128x32xf32, #tpu.memory_space<vmem>>
    %dma_start3A_69 = arith.constant 256 : i32
    %dma_start3A_70 = tpu.memref_slice %arg11[%dma_start3A_69] : memref<640xi32, #tpu.memory_space<vmem>> -> memref<128xi32, #tpu.memory_space<vmem>>
    %dma_start3A_71 = arith.constant 0 : i32
    %dma_start3A_72 = arith.constant 0 : i32
    %dma_start3A_73 = tpu.memref_slice %arg7[%dma_start3A_71, %dma_start3A_72] : memref<5000x32xf32, #tpu.memory_space<hbm>> -> memref<5000x32xf32, #tpu.memory_space<hbm>>
    tpu.enqueue_indirect_dma source(%dma_start3A_73 : memref<5000x32xf32, #tpu.memory_space<hbm>>) target(%dma_start3A_68 : memref<128x32xf32, #tpu.memory_space<vmem>>) offsets(%dma_start3A_70 : memref<128xi32, #tpu.memory_space<vmem>>) semaphore(%arg15 : memref<!tpu.dma_semaphore, #tpu.memory_space<semaphore_mem>>)
    %dma_start3A_74 = arith.constant 384 : i32
    %dma_start3A_75 = arith.constant 0 : i32
    %dma_start3A_76 = tpu.memref_slice %arg12[%dma_start3A_74, %dma_start3A_75] : memref<640x64xf32, #tpu.memory_space<vmem>> -> memref<128x64xf32, #tpu.memory_space<vmem>>
    %dma_start3A_77 = arith.constant 384 : i32
    %dma_start3A_78 = tpu.memref_slice %arg9[%dma_start3A_77] : memref<640xi32, #tpu.memory_space<vmem>> -> memref<128xi32, #tpu.memory_space<vmem>>
    %dma_start3A_79 = arith.constant 0 : i32
    %dma_start3A_80 = arith.constant 0 : i32
    %dma_start3A_81 = tpu.memref_slice %arg5[%dma_start3A_79, %dma_start3A_80] : memref<100000x64xf32, #tpu.memory_space<hbm>> -> memref<100000x64xf32, #tpu.memory_space<hbm>>
    tpu.enqueue_indirect_dma source(%dma_start3A_81 : memref<100000x64xf32, #tpu.memory_space<hbm>>) target(%dma_start3A_76 : memref<128x64xf32, #tpu.memory_space<vmem>>) offsets(%dma_start3A_78 : memref<128xi32, #tpu.memory_space<vmem>>) semaphore(%arg15 : memref<!tpu.dma_semaphore, #tpu.memory_space<semaphore_mem>>)
    %dma_start3A_82 = arith.constant 384 : i32
    %dma_start3A_83 = arith.constant 0 : i32
    %dma_start3A_84 = tpu.memref_slice %arg13[%dma_start3A_82, %dma_start3A_83] : memref<640x32xf32, #tpu.memory_space<vmem>> -> memref<128x32xf32, #tpu.memory_space<vmem>>
    %dma_start3A_85 = arith.constant 384 : i32
    %dma_start3A_86 = tpu.memref_slice %arg10[%dma_start3A_85] : memref<640xi32, #tpu.memory_space<vmem>> -> memref<128xi32, #tpu.memory_space<vmem>>
    %dma_start3A_87 = arith.constant 0 : i32
    %dma_start3A_88 = arith.constant 0 : i32
    %dma_start3A_89 = tpu.memref_slice %arg6[%dma_start3A_87, %dma_start3A_88] : memref<1000x32xf32, #tpu.memory_space<hbm>> -> memref<1000x32xf32, #tpu.memory_space<hbm>>
    tpu.enqueue_indirect_dma source(%dma_start3A_89 : memref<1000x32xf32, #tpu.memory_space<hbm>>) target(%dma_start3A_84 : memref<128x32xf32, #tpu.memory_space<vmem>>) offsets(%dma_start3A_86 : memref<128xi32, #tpu.memory_space<vmem>>) semaphore(%arg15 : memref<!tpu.dma_semaphore, #tpu.memory_space<semaphore_mem>>)
    %dma_start3A_90 = arith.constant 384 : i32
    %dma_start3A_91 = arith.constant 0 : i32
    %dma_start3A_92 = tpu.memref_slice %arg14[%dma_start3A_90, %dma_start3A_91] : memref<640x32xf32, #tpu.memory_space<vmem>> -> memref<128x32xf32, #tpu.memory_space<vmem>>
    %dma_start3A_93 = arith.constant 384 : i32
    %dma_start3A_94 = tpu.memref_slice %arg11[%dma_start3A_93] : memref<640xi32, #tpu.memory_space<vmem>> -> memref<128xi32, #tpu.memory_space<vmem>>
    %dma_start3A_95 = arith.constant 0 : i32
    %dma_start3A_96 = arith.constant 0 : i32
    %dma_start3A_97 = tpu.memref_slice %arg7[%dma_start3A_95, %dma_start3A_96] : memref<5000x32xf32, #tpu.memory_space<hbm>> -> memref<5000x32xf32, #tpu.memory_space<hbm>>
    tpu.enqueue_indirect_dma source(%dma_start3A_97 : memref<5000x32xf32, #tpu.memory_space<hbm>>) target(%dma_start3A_92 : memref<128x32xf32, #tpu.memory_space<vmem>>) offsets(%dma_start3A_94 : memref<128xi32, #tpu.memory_space<vmem>>) semaphore(%arg15 : memref<!tpu.dma_semaphore, #tpu.memory_space<semaphore_mem>>)
    %dma_start3A_98 = arith.constant 512 : i32
    %dma_start3A_99 = arith.constant 0 : i32
    %dma_start3A_100 = tpu.memref_slice %arg12[%dma_start3A_98, %dma_start3A_99] : memref<640x64xf32, #tpu.memory_space<vmem>> -> memref<128x64xf32, #tpu.memory_space<vmem>>
    %dma_start3A_101 = arith.constant 512 : i32
    %dma_start3A_102 = tpu.memref_slice %arg9[%dma_start3A_101] : memref<640xi32, #tpu.memory_space<vmem>> -> memref<128xi32, #tpu.memory_space<vmem>>
    %dma_start3A_103 = arith.constant 0 : i32
    %dma_start3A_104 = arith.constant 0 : i32
    %dma_start3A_105 = tpu.memref_slice %arg5[%dma_start3A_103, %dma_start3A_104] : memref<100000x64xf32, #tpu.memory_space<hbm>> -> memref<100000x64xf32, #tpu.memory_space<hbm>>
    tpu.enqueue_indirect_dma source(%dma_start3A_105 : memref<100000x64xf32, #tpu.memory_space<hbm>>) target(%dma_start3A_100 : memref<128x64xf32, #tpu.memory_space<vmem>>) offsets(%dma_start3A_102 : memref<128xi32, #tpu.memory_space<vmem>>) semaphore(%arg15 : memref<!tpu.dma_semaphore, #tpu.memory_space<semaphore_mem>>)
    %dma_start3A_106 = arith.constant 512 : i32
    %dma_start3A_107 = arith.constant 0 : i32
    %dma_start3A_108 = tpu.memref_slice %arg13[%dma_start3A_106, %dma_start3A_107] : memref<640x32xf32, #tpu.memory_space<vmem>> -> memref<128x32xf32, #tpu.memory_space<vmem>>
    %dma_start3A_109 = arith.constant 512 : i32
    %dma_start3A_110 = tpu.memref_slice %arg10[%dma_start3A_109] : memref<640xi32, #tpu.memory_space<vmem>> -> memref<128xi32, #tpu.memory_space<vmem>>
    %dma_start3A_111 = arith.constant 0 : i32
    %dma_start3A_112 = arith.constant 0 : i32
    %dma_start3A_113 = tpu.memref_slice %arg6[%dma_start3A_111, %dma_start3A_112] : memref<1000x32xf32, #tpu.memory_space<hbm>> -> memref<1000x32xf32, #tpu.memory_space<hbm>>
    tpu.enqueue_indirect_dma source(%dma_start3A_113 : memref<1000x32xf32, #tpu.memory_space<hbm>>) target(%dma_start3A_108 : memref<128x32xf32, #tpu.memory_space<vmem>>) offsets(%dma_start3A_110 : memref<128xi32, #tpu.memory_space<vmem>>) semaphore(%arg15 : memref<!tpu.dma_semaphore, #tpu.memory_space<semaphore_mem>>)
    %dma_start3A_114 = arith.constant 512 : i32
    %dma_start3A_115 = arith.constant 0 : i32
    %dma_start3A_116 = tpu.memref_slice %arg14[%dma_start3A_114, %dma_start3A_115] : memref<640x32xf32, #tpu.memory_space<vmem>> -> memref<128x32xf32, #tpu.memory_space<vmem>>
    %dma_start3A_117 = arith.constant 512 : i32
    %dma_start3A_118 = tpu.memref_slice %arg11[%dma_start3A_117] : memref<640xi32, #tpu.memory_space<vmem>> -> memref<128xi32, #tpu.memory_space<vmem>>
    %dma_start3A_119 = arith.constant 0 : i32
    %dma_start3A_120 = arith.constant 0 : i32
    %dma_start3A_121 = tpu.memref_slice %arg7[%dma_start3A_119, %dma_start3A_120] : memref<5000x32xf32, #tpu.memory_space<hbm>> -> memref<5000x32xf32, #tpu.memory_space<hbm>>
    tpu.enqueue_indirect_dma source(%dma_start3A_121 : memref<5000x32xf32, #tpu.memory_space<hbm>>) target(%dma_start3A_116 : memref<128x32xf32, #tpu.memory_space<vmem>>) offsets(%dma_start3A_118 : memref<128xi32, #tpu.memory_space<vmem>>) semaphore(%arg15 : memref<!tpu.dma_semaphore, #tpu.memory_space<semaphore_mem>>)
    %dma_wait3A = arith.constant 0 : i32
    %dma_wait3A_122 = arith.constant 0 : i32
    %dma_wait3A_123 = tpu.memref_slice %arg12[%dma_wait3A, %dma_wait3A_122] : memref<640x64xf32, #tpu.memory_space<vmem>> -> memref<128x64xf32, #tpu.memory_space<vmem>>
    %dma_wait3A_124 = arith.constant 0 : i32
    %dma_wait3A_125 = tpu.memref_slice %arg9[%dma_wait3A_124] : memref<640xi32, #tpu.memory_space<vmem>> -> memref<128xi32, #tpu.memory_space<vmem>>
    %dma_wait3A_126 = arith.constant 0 : i32
    %dma_wait3A_127 = arith.constant 0 : i32
    %dma_wait3A_128 = tpu.memref_slice %arg5[%dma_wait3A_126, %dma_wait3A_127] : memref<100000x64xf32, #tpu.memory_space<hbm>> -> memref<100000x64xf32, #tpu.memory_space<hbm>>
    tpu.wait_indirect_dma semaphore(%arg15 : memref<!tpu.dma_semaphore, #tpu.memory_space<semaphore_mem>>) src(%dma_wait3A_128 : memref<100000x64xf32, #tpu.memory_space<hbm>>) dst(%dma_wait3A_123 : memref<128x64xf32, #tpu.memory_space<vmem>>)
    %dma_wait3A_129 = arith.constant 0 : i32
    %dma_wait3A_130 = arith.constant 0 : i32
    %dma_wait3A_131 = tpu.memref_slice %arg13[%dma_wait3A_129, %dma_wait3A_130] : memref<640x32xf32, #tpu.memory_space<vmem>> -> memref<128x32xf32, #tpu.memory_space<vmem>>
    %dma_wait3A_132 = arith.constant 0 : i32
    %dma_wait3A_133 = tpu.memref_slice %arg10[%dma_wait3A_132] : memref<640xi32, #tpu.memory_space<vmem>> -> memref<128xi32, #tpu.memory_space<vmem>>
    %dma_wait3A_134 = arith.constant 0 : i32
    %dma_wait3A_135 = arith.constant 0 : i32
    %dma_wait3A_136 = tpu.memref_slice %arg6[%dma_wait3A_134, %dma_wait3A_135] : memref<1000x32xf32, #tpu.memory_space<hbm>> -> memref<1000x32xf32, #tpu.memory_space<hbm>>
    tpu.wait_indirect_dma semaphore(%arg15 : memref<!tpu.dma_semaphore, #tpu.memory_space<semaphore_mem>>) src(%dma_wait3A_136 : memref<1000x32xf32, #tpu.memory_space<hbm>>) dst(%dma_wait3A_131 : memref<128x32xf32, #tpu.memory_space<vmem>>)
    %dma_wait3A_137 = arith.constant 0 : i32
    %dma_wait3A_138 = arith.constant 0 : i32
    %dma_wait3A_139 = tpu.memref_slice %arg14[%dma_wait3A_137, %dma_wait3A_138] : memref<640x32xf32, #tpu.memory_space<vmem>> -> memref<128x32xf32, #tpu.memory_space<vmem>>
    %dma_wait3A_140 = arith.constant 0 : i32
    %dma_wait3A_141 = tpu.memref_slice %arg11[%dma_wait3A_140] : memref<640xi32, #tpu.memory_space<vmem>> -> memref<128xi32, #tpu.memory_space<vmem>>
    %dma_wait3A_142 = arith.constant 0 : i32
    %dma_wait3A_143 = arith.constant 0 : i32
    %dma_wait3A_144 = tpu.memref_slice %arg7[%dma_wait3A_142, %dma_wait3A_143] : memref<5000x32xf32, #tpu.memory_space<hbm>> -> memref<5000x32xf32, #tpu.memory_space<hbm>>
    tpu.wait_indirect_dma semaphore(%arg15 : memref<!tpu.dma_semaphore, #tpu.memory_space<semaphore_mem>>) src(%dma_wait3A_144 : memref<5000x32xf32, #tpu.memory_space<hbm>>) dst(%dma_wait3A_139 : memref<128x32xf32, #tpu.memory_space<vmem>>)
    %dma_wait3A_145 = arith.constant 128 : i32
    %dma_wait3A_146 = arith.constant 0 : i32
    %dma_wait3A_147 = tpu.memref_slice %arg12[%dma_wait3A_145, %dma_wait3A_146] : memref<640x64xf32, #tpu.memory_space<vmem>> -> memref<128x64xf32, #tpu.memory_space<vmem>>
    %dma_wait3A_148 = arith.constant 128 : i32
    %dma_wait3A_149 = tpu.memref_slice %arg9[%dma_wait3A_148] : memref<640xi32, #tpu.memory_space<vmem>> -> memref<128xi32, #tpu.memory_space<vmem>>
    %dma_wait3A_150 = arith.constant 0 : i32
    %dma_wait3A_151 = arith.constant 0 : i32
    %dma_wait3A_152 = tpu.memref_slice %arg5[%dma_wait3A_150, %dma_wait3A_151] : memref<100000x64xf32, #tpu.memory_space<hbm>> -> memref<100000x64xf32, #tpu.memory_space<hbm>>
    tpu.wait_indirect_dma semaphore(%arg15 : memref<!tpu.dma_semaphore, #tpu.memory_space<semaphore_mem>>) src(%dma_wait3A_152 : memref<100000x64xf32, #tpu.memory_space<hbm>>) dst(%dma_wait3A_147 : memref<128x64xf32, #tpu.memory_space<vmem>>)
    %dma_wait3A_153 = arith.constant 128 : i32
    %dma_wait3A_154 = arith.constant 0 : i32
    %dma_wait3A_155 = tpu.memref_slice %arg13[%dma_wait3A_153, %dma_wait3A_154] : memref<640x32xf32, #tpu.memory_space<vmem>> -> memref<128x32xf32, #tpu.memory_space<vmem>>
    %dma_wait3A_156 = arith.constant 128 : i32
    %dma_wait3A_157 = tpu.memref_slice %arg10[%dma_wait3A_156] : memref<640xi32, #tpu.memory_space<vmem>> -> memref<128xi32, #tpu.memory_space<vmem>>
    %dma_wait3A_158 = arith.constant 0 : i32
    %dma_wait3A_159 = arith.constant 0 : i32
    %dma_wait3A_160 = tpu.memref_slice %arg6[%dma_wait3A_158, %dma_wait3A_159] : memref<1000x32xf32, #tpu.memory_space<hbm>> -> memref<1000x32xf32, #tpu.memory_space<hbm>>
    tpu.wait_indirect_dma semaphore(%arg15 : memref<!tpu.dma_semaphore, #tpu.memory_space<semaphore_mem>>) src(%dma_wait3A_160 : memref<1000x32xf32, #tpu.memory_space<hbm>>) dst(%dma_wait3A_155 : memref<128x32xf32, #tpu.memory_space<vmem>>)
    %dma_wait3A_161 = arith.constant 128 : i32
    %dma_wait3A_162 = arith.constant 0 : i32
    %dma_wait3A_163 = tpu.memref_slice %arg14[%dma_wait3A_161, %dma_wait3A_162] : memref<640x32xf32, #tpu.memory_space<vmem>> -> memref<128x32xf32, #tpu.memory_space<vmem>>
    %dma_wait3A_164 = arith.constant 128 : i32
    %dma_wait3A_165 = tpu.memref_slice %arg11[%dma_wait3A_164] : memref<640xi32, #tpu.memory_space<vmem>> -> memref<128xi32, #tpu.memory_space<vmem>>
    %dma_wait3A_166 = arith.constant 0 : i32
    %dma_wait3A_167 = arith.constant 0 : i32
    %dma_wait3A_168 = tpu.memref_slice %arg7[%dma_wait3A_166, %dma_wait3A_167] : memref<5000x32xf32, #tpu.memory_space<hbm>> -> memref<5000x32xf32, #tpu.memory_space<hbm>>
    tpu.wait_indirect_dma semaphore(%arg15 : memref<!tpu.dma_semaphore, #tpu.memory_space<semaphore_mem>>) src(%dma_wait3A_168 : memref<5000x32xf32, #tpu.memory_space<hbm>>) dst(%dma_wait3A_163 : memref<128x32xf32, #tpu.memory_space<vmem>>)
    %dma_wait3A_169 = arith.constant 256 : i32
    %dma_wait3A_170 = arith.constant 0 : i32
    %dma_wait3A_171 = tpu.memref_slice %arg12[%dma_wait3A_169, %dma_wait3A_170] : memref<640x64xf32, #tpu.memory_space<vmem>> -> memref<128x64xf32, #tpu.memory_space<vmem>>
    %dma_wait3A_172 = arith.constant 256 : i32
    %dma_wait3A_173 = tpu.memref_slice %arg9[%dma_wait3A_172] : memref<640xi32, #tpu.memory_space<vmem>> -> memref<128xi32, #tpu.memory_space<vmem>>
    %dma_wait3A_174 = arith.constant 0 : i32
    %dma_wait3A_175 = arith.constant 0 : i32
    %dma_wait3A_176 = tpu.memref_slice %arg5[%dma_wait3A_174, %dma_wait3A_175] : memref<100000x64xf32, #tpu.memory_space<hbm>> -> memref<100000x64xf32, #tpu.memory_space<hbm>>
    tpu.wait_indirect_dma semaphore(%arg15 : memref<!tpu.dma_semaphore, #tpu.memory_space<semaphore_mem>>) src(%dma_wait3A_176 : memref<100000x64xf32, #tpu.memory_space<hbm>>) dst(%dma_wait3A_171 : memref<128x64xf32, #tpu.memory_space<vmem>>)
    %dma_wait3A_177 = arith.constant 256 : i32
    %dma_wait3A_178 = arith.constant 0 : i32
    %dma_wait3A_179 = tpu.memref_slice %arg13[%dma_wait3A_177, %dma_wait3A_178] : memref<640x32xf32, #tpu.memory_space<vmem>> -> memref<128x32xf32, #tpu.memory_space<vmem>>
    %dma_wait3A_180 = arith.constant 256 : i32
    %dma_wait3A_181 = tpu.memref_slice %arg10[%dma_wait3A_180] : memref<640xi32, #tpu.memory_space<vmem>> -> memref<128xi32, #tpu.memory_space<vmem>>
    %dma_wait3A_182 = arith.constant 0 : i32
    %dma_wait3A_183 = arith.constant 0 : i32
    %dma_wait3A_184 = tpu.memref_slice %arg6[%dma_wait3A_182, %dma_wait3A_183] : memref<1000x32xf32, #tpu.memory_space<hbm>> -> memref<1000x32xf32, #tpu.memory_space<hbm>>
    tpu.wait_indirect_dma semaphore(%arg15 : memref<!tpu.dma_semaphore, #tpu.memory_space<semaphore_mem>>) src(%dma_wait3A_184 : memref<1000x32xf32, #tpu.memory_space<hbm>>) dst(%dma_wait3A_179 : memref<128x32xf32, #tpu.memory_space<vmem>>)
    %dma_wait3A_185 = arith.constant 256 : i32
    %dma_wait3A_186 = arith.constant 0 : i32
    %dma_wait3A_187 = tpu.memref_slice %arg14[%dma_wait3A_185, %dma_wait3A_186] : memref<640x32xf32, #tpu.memory_space<vmem>> -> memref<128x32xf32, #tpu.memory_space<vmem>>
    %dma_wait3A_188 = arith.constant 256 : i32
    %dma_wait3A_189 = tpu.memref_slice %arg11[%dma_wait3A_188] : memref<640xi32, #tpu.memory_space<vmem>> -> memref<128xi32, #tpu.memory_space<vmem>>
    %dma_wait3A_190 = arith.constant 0 : i32
    %dma_wait3A_191 = arith.constant 0 : i32
    %dma_wait3A_192 = tpu.memref_slice %arg7[%dma_wait3A_190, %dma_wait3A_191] : memref<5000x32xf32, #tpu.memory_space<hbm>> -> memref<5000x32xf32, #tpu.memory_space<hbm>>
    tpu.wait_indirect_dma semaphore(%arg15 : memref<!tpu.dma_semaphore, #tpu.memory_space<semaphore_mem>>) src(%dma_wait3A_192 : memref<5000x32xf32, #tpu.memory_space<hbm>>) dst(%dma_wait3A_187 : memref<128x32xf32, #tpu.memory_space<vmem>>)
    %dma_wait3A_193 = arith.constant 384 : i32
    %dma_wait3A_194 = arith.constant 0 : i32
    %dma_wait3A_195 = tpu.memref_slice %arg12[%dma_wait3A_193, %dma_wait3A_194] : memref<640x64xf32, #tpu.memory_space<vmem>> -> memref<128x64xf32, #tpu.memory_space<vmem>>
    %dma_wait3A_196 = arith.constant 384 : i32
    %dma_wait3A_197 = tpu.memref_slice %arg9[%dma_wait3A_196] : memref<640xi32, #tpu.memory_space<vmem>> -> memref<128xi32, #tpu.memory_space<vmem>>
    %dma_wait3A_198 = arith.constant 0 : i32
    %dma_wait3A_199 = arith.constant 0 : i32
    %dma_wait3A_200 = tpu.memref_slice %arg5[%dma_wait3A_198, %dma_wait3A_199] : memref<100000x64xf32, #tpu.memory_space<hbm>> -> memref<100000x64xf32, #tpu.memory_space<hbm>>
    tpu.wait_indirect_dma semaphore(%arg15 : memref<!tpu.dma_semaphore, #tpu.memory_space<semaphore_mem>>) src(%dma_wait3A_200 : memref<100000x64xf32, #tpu.memory_space<hbm>>) dst(%dma_wait3A_195 : memref<128x64xf32, #tpu.memory_space<vmem>>)
    %dma_wait3A_201 = arith.constant 384 : i32
    %dma_wait3A_202 = arith.constant 0 : i32
    %dma_wait3A_203 = tpu.memref_slice %arg13[%dma_wait3A_201, %dma_wait3A_202] : memref<640x32xf32, #tpu.memory_space<vmem>> -> memref<128x32xf32, #tpu.memory_space<vmem>>
    %dma_wait3A_204 = arith.constant 384 : i32
    %dma_wait3A_205 = tpu.memref_slice %arg10[%dma_wait3A_204] : memref<640xi32, #tpu.memory_space<vmem>> -> memref<128xi32, #tpu.memory_space<vmem>>
    %dma_wait3A_206 = arith.constant 0 : i32
    %dma_wait3A_207 = arith.constant 0 : i32
    %dma_wait3A_208 = tpu.memref_slice %arg6[%dma_wait3A_206, %dma_wait3A_207] : memref<1000x32xf32, #tpu.memory_space<hbm>> -> memref<1000x32xf32, #tpu.memory_space<hbm>>
    tpu.wait_indirect_dma semaphore(%arg15 : memref<!tpu.dma_semaphore, #tpu.memory_space<semaphore_mem>>) src(%dma_wait3A_208 : memref<1000x32xf32, #tpu.memory_space<hbm>>) dst(%dma_wait3A_203 : memref<128x32xf32, #tpu.memory_space<vmem>>)
    %dma_wait3A_209 = arith.constant 384 : i32
    %dma_wait3A_210 = arith.constant 0 : i32
    %dma_wait3A_211 = tpu.memref_slice %arg14[%dma_wait3A_209, %dma_wait3A_210] : memref<640x32xf32, #tpu.memory_space<vmem>> -> memref<128x32xf32, #tpu.memory_space<vmem>>
    %dma_wait3A_212 = arith.constant 384 : i32
    %dma_wait3A_213 = tpu.memref_slice %arg11[%dma_wait3A_212] : memref<640xi32, #tpu.memory_space<vmem>> -> memref<128xi32, #tpu.memory_space<vmem>>
    %dma_wait3A_214 = arith.constant 0 : i32
    %dma_wait3A_215 = arith.constant 0 : i32
    %dma_wait3A_216 = tpu.memref_slice %arg7[%dma_wait3A_214, %dma_wait3A_215] : memref<5000x32xf32, #tpu.memory_space<hbm>> -> memref<5000x32xf32, #tpu.memory_space<hbm>>
    tpu.wait_indirect_dma semaphore(%arg15 : memref<!tpu.dma_semaphore, #tpu.memory_space<semaphore_mem>>) src(%dma_wait3A_216 : memref<5000x32xf32, #tpu.memory_space<hbm>>) dst(%dma_wait3A_211 : memref<128x32xf32, #tpu.memory_space<vmem>>)
    %dma_wait3A_217 = arith.constant 512 : i32
    %dma_wait3A_218 = arith.constant 0 : i32
    %dma_wait3A_219 = tpu.memref_slice %arg12[%dma_wait3A_217, %dma_wait3A_218] : memref<640x64xf32, #tpu.memory_space<vmem>> -> memref<128x64xf32, #tpu.memory_space<vmem>>
    %dma_wait3A_220 = arith.constant 512 : i32
    %dma_wait3A_221 = tpu.memref_slice %arg9[%dma_wait3A_220] : memref<640xi32, #tpu.memory_space<vmem>> -> memref<128xi32, #tpu.memory_space<vmem>>
    %dma_wait3A_222 = arith.constant 0 : i32
    %dma_wait3A_223 = arith.constant 0 : i32
    %dma_wait3A_224 = tpu.memref_slice %arg5[%dma_wait3A_222, %dma_wait3A_223] : memref<100000x64xf32, #tpu.memory_space<hbm>> -> memref<100000x64xf32, #tpu.memory_space<hbm>>
    tpu.wait_indirect_dma semaphore(%arg15 : memref<!tpu.dma_semaphore, #tpu.memory_space<semaphore_mem>>) src(%dma_wait3A_224 : memref<100000x64xf32, #tpu.memory_space<hbm>>) dst(%dma_wait3A_219 : memref<128x64xf32, #tpu.memory_space<vmem>>)
    %dma_wait3A_225 = arith.constant 512 : i32
    %dma_wait3A_226 = arith.constant 0 : i32
    %dma_wait3A_227 = tpu.memref_slice %arg13[%dma_wait3A_225, %dma_wait3A_226] : memref<640x32xf32, #tpu.memory_space<vmem>> -> memref<128x32xf32, #tpu.memory_space<vmem>>
    %dma_wait3A_228 = arith.constant 512 : i32
    %dma_wait3A_229 = tpu.memref_slice %arg10[%dma_wait3A_228] : memref<640xi32, #tpu.memory_space<vmem>> -> memref<128xi32, #tpu.memory_space<vmem>>
    %dma_wait3A_230 = arith.constant 0 : i32
    %dma_wait3A_231 = arith.constant 0 : i32
    %dma_wait3A_232 = tpu.memref_slice %arg6[%dma_wait3A_230, %dma_wait3A_231] : memref<1000x32xf32, #tpu.memory_space<hbm>> -> memref<1000x32xf32, #tpu.memory_space<hbm>>
    tpu.wait_indirect_dma semaphore(%arg15 : memref<!tpu.dma_semaphore, #tpu.memory_space<semaphore_mem>>) src(%dma_wait3A_232 : memref<1000x32xf32, #tpu.memory_space<hbm>>) dst(%dma_wait3A_227 : memref<128x32xf32, #tpu.memory_space<vmem>>)
    %dma_wait3A_233 = arith.constant 512 : i32
    %dma_wait3A_234 = arith.constant 0 : i32
    %dma_wait3A_235 = tpu.memref_slice %arg14[%dma_wait3A_233, %dma_wait3A_234] : memref<640x32xf32, #tpu.memory_space<vmem>> -> memref<128x32xf32, #tpu.memory_space<vmem>>
    %dma_wait3A_236 = arith.constant 512 : i32
    %dma_wait3A_237 = tpu.memref_slice %arg11[%dma_wait3A_236] : memref<640xi32, #tpu.memory_space<vmem>> -> memref<128xi32, #tpu.memory_space<vmem>>
    %dma_wait3A_238 = arith.constant 0 : i32
    %dma_wait3A_239 = arith.constant 0 : i32
    %dma_wait3A_240 = tpu.memref_slice %arg7[%dma_wait3A_238, %dma_wait3A_239] : memref<5000x32xf32, #tpu.memory_space<hbm>> -> memref<5000x32xf32, #tpu.memory_space<hbm>>
    tpu.wait_indirect_dma semaphore(%arg15 : memref<!tpu.dma_semaphore, #tpu.memory_space<semaphore_mem>>) src(%dma_wait3A_240 : memref<5000x32xf32, #tpu.memory_space<hbm>>) dst(%dma_wait3A_235 : memref<128x32xf32, #tpu.memory_space<vmem>>)
    "tpu.region"() ({
      %run_scoped3A = tpu.sem_alloc : memref<!tpu.dma_semaphore, #tpu.memory_space<semaphore_mem>>
      %dma_start3A_241 = arith.constant 0 : i32
      %dma_start3A_242 = tpu.memref_slice %arg8[%mul3A_2, %dma_start3A_241] : memref<20480x128xf32, #tpu.memory_space<hbm>> -> memref<640x64xf32, #tpu.memory_space<hbm>>
      %dma_start3A_243 = arith.constant 0 : i32
      %dma_start3A_244 = tpu.memref_slice %arg8[%mul3A_2, %dma_start3A_243] : memref<20480x128xf32, #tpu.memory_space<hbm>> -> memref<640x64xf32, #tpu.memory_space<hbm>>
      tpu.enqueue_dma source(%arg12 : memref<640x64xf32, #tpu.memory_space<vmem>>) target(%dma_start3A_244 : memref<640x64xf32, #tpu.memory_space<hbm>>) target_semaphore(%run_scoped3A : memref<!tpu.dma_semaphore, #tpu.memory_space<semaphore_mem>>)
      %dma_wait3A_245 = arith.constant 0 : i32
      %dma_wait3A_246 = tpu.memref_slice %arg8[%mul3A_2, %dma_wait3A_245] : memref<20480x128xf32, #tpu.memory_space<hbm>> -> memref<640x64xf32, #tpu.memory_space<hbm>>
      %dma_wait3A_247 = arith.constant 0 : i32
      %dma_wait3A_248 = tpu.memref_slice %arg8[%mul3A_2, %dma_wait3A_247] : memref<20480x128xf32, #tpu.memory_space<hbm>> -> memref<640x64xf32, #tpu.memory_space<hbm>>
      tpu.wait_dma2 semaphore(%run_scoped3A : memref<!tpu.dma_semaphore, #tpu.memory_space<semaphore_mem>>) src(%arg12 : memref<640x64xf32, #tpu.memory_space<vmem>>) dst(%dma_wait3A_248 : memref<640x64xf32, #tpu.memory_space<hbm>>)
      tpu.yield
    }) : () -> ()
    "tpu.region"() ({
      %run_scoped3A = tpu.sem_alloc : memref<!tpu.dma_semaphore, #tpu.memory_space<semaphore_mem>>
      %dma_start3A_241 = arith.constant 64 : i32
      %dma_start3A_242 = tpu.memref_slice %arg8[%mul3A_2, %dma_start3A_241] : memref<20480x128xf32, #tpu.memory_space<hbm>> -> memref<640x32xf32, #tpu.memory_space<hbm>>
      %dma_start3A_243 = arith.constant 64 : i32
      %dma_start3A_244 = tpu.memref_slice %arg8[%mul3A_2, %dma_start3A_243] : memref<20480x128xf32, #tpu.memory_space<hbm>> -> memref<640x32xf32, #tpu.memory_space<hbm>>
      tpu.enqueue_dma source(%arg13 : memref<640x32xf32, #tpu.memory_space<vmem>>) target(%dma_start3A_244 : memref<640x32xf32, #tpu.memory_space<hbm>>) target_semaphore(%run_scoped3A : memref<!tpu.dma_semaphore, #tpu.memory_space<semaphore_mem>>)
      %dma_wait3A_245 = arith.constant 64 : i32
      %dma_wait3A_246 = tpu.memref_slice %arg8[%mul3A_2, %dma_wait3A_245] : memref<20480x128xf32, #tpu.memory_space<hbm>> -> memref<640x32xf32, #tpu.memory_space<hbm>>
      %dma_wait3A_247 = arith.constant 64 : i32
      %dma_wait3A_248 = tpu.memref_slice %arg8[%mul3A_2, %dma_wait3A_247] : memref<20480x128xf32, #tpu.memory_space<hbm>> -> memref<640x32xf32, #tpu.memory_space<hbm>>
      tpu.wait_dma2 semaphore(%run_scoped3A : memref<!tpu.dma_semaphore, #tpu.memory_space<semaphore_mem>>) src(%arg13 : memref<640x32xf32, #tpu.memory_space<vmem>>) dst(%dma_wait3A_248 : memref<640x32xf32, #tpu.memory_space<hbm>>)
      tpu.yield
    }) : () -> ()
    "tpu.region"() ({
      %run_scoped3A = tpu.sem_alloc : memref<!tpu.dma_semaphore, #tpu.memory_space<semaphore_mem>>
      %dma_start3A_241 = arith.constant 96 : i32
      %dma_start3A_242 = tpu.memref_slice %arg8[%mul3A_2, %dma_start3A_241] : memref<20480x128xf32, #tpu.memory_space<hbm>> -> memref<640x32xf32, #tpu.memory_space<hbm>>
      %dma_start3A_243 = arith.constant 96 : i32
      %dma_start3A_244 = tpu.memref_slice %arg8[%mul3A_2, %dma_start3A_243] : memref<20480x128xf32, #tpu.memory_space<hbm>> -> memref<640x32xf32, #tpu.memory_space<hbm>>
      tpu.enqueue_dma source(%arg14 : memref<640x32xf32, #tpu.memory_space<vmem>>) target(%dma_start3A_244 : memref<640x32xf32, #tpu.memory_space<hbm>>) target_semaphore(%run_scoped3A : memref<!tpu.dma_semaphore, #tpu.memory_space<semaphore_mem>>)
      %dma_wait3A_245 = arith.constant 96 : i32
      %dma_wait3A_246 = tpu.memref_slice %arg8[%mul3A_2, %dma_wait3A_245] : memref<20480x128xf32, #tpu.memory_space<hbm>> -> memref<640x32xf32, #tpu.memory_space<hbm>>
      %dma_wait3A_247 = arith.constant 96 : i32
      %dma_wait3A_248 = tpu.memref_slice %arg8[%mul3A_2, %dma_wait3A_247] : memref<20480x128xf32, #tpu.memory_space<hbm>> -> memref<640x32xf32, #tpu.memory_space<hbm>>
      tpu.wait_dma2 semaphore(%run_scoped3A : memref<!tpu.dma_semaphore, #tpu.memory_space<semaphore_mem>>) src(%arg14 : memref<640x32xf32, #tpu.memory_space<vmem>>) dst(%dma_wait3A_248 : memref<640x32xf32, #tpu.memory_space<hbm>>)
      tpu.yield
    }) : () -> ()
    return
  }
}

#map = affine_map<(d0, d1) -> (0)>
#map1 = affine_map<(d0, d1) -> (0, 0)>
module attributes {stable_mosaic.version = 14 : i64} {
  func.func @k(%arg0: i32, %arg1: i32, %arg2: memref<20480xi32, #tpu.memory_space<hbm>>, %arg3: memref<20480xi32, #tpu.memory_space<hbm>>, %arg4: memref<20480xi32, #tpu.memory_space<hbm>>, %arg5: memref<100000x64xf32, #tpu.memory_space<hbm>>, %arg6: memref<1000x32xf32, #tpu.memory_space<hbm>>, %arg7: memref<5000x32xf32, #tpu.memory_space<hbm>>, %arg8: memref<20480x128xf32, #tpu.memory_space<hbm>>, %arg9: memref<640xi32, #tpu.memory_space<vmem>>, %arg10: memref<640xi32, #tpu.memory_space<vmem>>, %arg11: memref<640xi32, #tpu.memory_space<vmem>>, %arg12: memref<640x64xf32, #tpu.memory_space<vmem>>, %arg13: memref<640x32xf32, #tpu.memory_space<vmem>>, %arg14: memref<640x32xf32, #tpu.memory_space<vmem>>, %arg15: memref<!tpu.dma_semaphore, #tpu.memory_space<semaphore_mem>>) attributes {dimension_semantics = [#tpu.dimension_semantics<core_parallel>, #tpu.dimension_semantics<subcore_parallel>], iteration_bounds = array<i64: 2, 16>, scalar_prefetch = 0 : i64, scratch_operands = 7 : i64, tpu.core_type = #tpu.core_type<sc_vector_subcore>, window_params = [{transform_indices = #map}, {transform_indices = #map}, {transform_indices = #map}, {transform_indices = #map1}, {transform_indices = #map1}, {transform_indices = #map1}, {transform_indices = #map1}]} {
    %mul3A = arith.constant 2 : i32
    %mul3A_0 = arith.muli %arg1, %mul3A : i32
    %add3A = arith.addi %mul3A_0, %arg0 : i32
    %mul3A_1 = arith.constant 640 : i32
    %mul3A_2 = arith.muli %add3A, %mul3A_1 : i32
    "tpu.region"() ({
      %run_scoped3A = tpu.sem_alloc : memref<!tpu.dma_semaphore, #tpu.memory_space<semaphore_mem>>
      %dma_start3A_241 = tpu.memref_slice %arg2[%mul3A_2] : memref<20480xi32, #tpu.memory_space<hbm>> -> memref<640xi32, #tpu.memory_space<hbm>>
      %dma_start3A_242 = tpu.memref_slice %arg2[%mul3A_2] : memref<20480xi32, #tpu.memory_space<hbm>> -> memref<640xi32, #tpu.memory_space<hbm>>
      tpu.enqueue_dma source(%dma_start3A_242 : memref<640xi32, #tpu.memory_space<hbm>>) target(%arg9 : memref<640xi32, #tpu.memory_space<vmem>>) target_semaphore(%run_scoped3A : memref<!tpu.dma_semaphore, #tpu.memory_space<semaphore_mem>>)
      %dma_wait3A_243 = tpu.memref_slice %arg2[%mul3A_2] : memref<20480xi32, #tpu.memory_space<hbm>> -> memref<640xi32, #tpu.memory_space<hbm>>
      %dma_wait3A_244 = tpu.memref_slice %arg2[%mul3A_2] : memref<20480xi32, #tpu.memory_space<hbm>> -> memref<640xi32, #tpu.memory_space<hbm>>
      tpu.wait_dma2 semaphore(%run_scoped3A : memref<!tpu.dma_semaphore, #tpu.memory_space<semaphore_mem>>) src(%dma_wait3A_244 : memref<640xi32, #tpu.memory_space<hbm>>) dst(%arg9 : memref<640xi32, #tpu.memory_space<vmem>>)
      tpu.yield
    }) : () -> ()
    "tpu.region"() ({
      %run_scoped3A = tpu.sem_alloc : memref<!tpu.dma_semaphore, #tpu.memory_space<semaphore_mem>>
      %dma_start3A_241 = tpu.memref_slice %arg3[%mul3A_2] : memref<20480xi32, #tpu.memory_space<hbm>> -> memref<640xi32, #tpu.memory_space<hbm>>
      %dma_start3A_242 = tpu.memref_slice %arg3[%mul3A_2] : memref<20480xi32, #tpu.memory_space<hbm>> -> memref<640xi32, #tpu.memory_space<hbm>>
      tpu.enqueue_dma source(%dma_start3A_242 : memref<640xi32, #tpu.memory_space<hbm>>) target(%arg10 : memref<640xi32, #tpu.memory_space<vmem>>) target_semaphore(%run_scoped3A : memref<!tpu.dma_semaphore, #tpu.memory_space<semaphore_mem>>)
      %dma_wait3A_243 = tpu.memref_slice %arg3[%mul3A_2] : memref<20480xi32, #tpu.memory_space<hbm>> -> memref<640xi32, #tpu.memory_space<hbm>>
      %dma_wait3A_244 = tpu.memref_slice %arg3[%mul3A_2] : memref<20480xi32, #tpu.memory_space<hbm>> -> memref<640xi32, #tpu.memory_space<hbm>>
      tpu.wait_dma2 semaphore(%run_scoped3A : memref<!tpu.dma_semaphore, #tpu.memory_space<semaphore_mem>>) src(%dma_wait3A_244 : memref<640xi32, #tpu.memory_space<hbm>>) dst(%arg10 : memref<640xi32, #tpu.memory_space<vmem>>)
      tpu.yield
    }) : () -> ()
    "tpu.region"() ({
      %run_scoped3A = tpu.sem_alloc : memref<!tpu.dma_semaphore, #tpu.memory_space<semaphore_mem>>
      %dma_start3A_241 = tpu.memref_slice %arg4[%mul3A_2] : memref<20480xi32, #tpu.memory_space<hbm>> -> memref<640xi32, #tpu.memory_space<hbm>>
      %dma_start3A_242 = tpu.memref_slice %arg4[%mul3A_2] : memref<20480xi32, #tpu.memory_space<hbm>> -> memref<640xi32, #tpu.memory_space<hbm>>
      tpu.enqueue_dma source(%dma_start3A_242 : memref<640xi32, #tpu.memory_space<hbm>>) target(%arg11 : memref<640xi32, #tpu.memory_space<vmem>>) target_semaphore(%run_scoped3A : memref<!tpu.dma_semaphore, #tpu.memory_space<semaphore_mem>>)
      %dma_wait3A_243 = tpu.memref_slice %arg4[%mul3A_2] : memref<20480xi32, #tpu.memory_space<hbm>> -> memref<640xi32, #tpu.memory_space<hbm>>
      %dma_wait3A_244 = tpu.memref_slice %arg4[%mul3A_2] : memref<20480xi32, #tpu.memory_space<hbm>> -> memref<640xi32, #tpu.memory_space<hbm>>
      tpu.wait_dma2 semaphore(%run_scoped3A : memref<!tpu.dma_semaphore, #tpu.memory_space<semaphore_mem>>) src(%dma_wait3A_244 : memref<640xi32, #tpu.memory_space<hbm>>) dst(%arg11 : memref<640xi32, #tpu.memory_space<vmem>>)
      tpu.yield
    }) : () -> ()
    %dma_start3A = arith.constant 0 : i32
    %dma_start3A_3 = arith.constant 0 : i32
    %dma_start3A_4 = tpu.memref_slice %arg12[%dma_start3A, %dma_start3A_3] : memref<640x64xf32, #tpu.memory_space<vmem>> -> memref<128x64xf32, #tpu.memory_space<vmem>>
    %dma_start3A_5 = arith.constant 0 : i32
    %dma_start3A_6 = tpu.memref_slice %arg9[%dma_start3A_5] : memref<640xi32, #tpu.memory_space<vmem>> -> memref<128xi32, #tpu.memory_space<vmem>>
    %dma_start3A_7 = arith.constant 0 : i32
    %dma_start3A_8 = arith.constant 0 : i32
    %dma_start3A_9 = tpu.memref_slice %arg5[%dma_start3A_7, %dma_start3A_8] : memref<100000x64xf32, #tpu.memory_space<hbm>> -> memref<100000x64xf32, #tpu.memory_space<hbm>>
    tpu.enqueue_indirect_dma source(%dma_start3A_9 : memref<100000x64xf32, #tpu.memory_space<hbm>>) target(%dma_start3A_4 : memref<128x64xf32, #tpu.memory_space<vmem>>) offsets(%dma_start3A_6 : memref<128xi32, #tpu.memory_space<vmem>>) semaphore(%arg15 : memref<!tpu.dma_semaphore, #tpu.memory_space<semaphore_mem>>)
    %dma_start3A_10 = arith.constant 0 : i32
    %dma_start3A_11 = arith.constant 0 : i32
    %dma_start3A_12 = tpu.memref_slice %arg13[%dma_start3A_10, %dma_start3A_11] : memref<640x32xf32, #tpu.memory_space<vmem>> -> memref<128x32xf32, #tpu.memory_space<vmem>>
    %dma_start3A_13 = arith.constant 0 : i32
    %dma_start3A_14 = tpu.memref_slice %arg10[%dma_start3A_13] : memref<640xi32, #tpu.memory_space<vmem>> -> memref<128xi32, #tpu.memory_space<vmem>>
    %dma_start3A_15 = arith.constant 0 : i32
    %dma_start3A_16 = arith.constant 0 : i32
    %dma_start3A_17 = tpu.memref_slice %arg6[%dma_start3A_15, %dma_start3A_16] : memref<1000x32xf32, #tpu.memory_space<hbm>> -> memref<1000x32xf32, #tpu.memory_space<hbm>>
    tpu.enqueue_indirect_dma source(%dma_start3A_17 : memref<1000x32xf32, #tpu.memory_space<hbm>>) target(%dma_start3A_12 : memref<128x32xf32, #tpu.memory_space<vmem>>) offsets(%dma_start3A_14 : memref<128xi32, #tpu.memory_space<vmem>>) semaphore(%arg15 : memref<!tpu.dma_semaphore, #tpu.memory_space<semaphore_mem>>)
    %dma_start3A_18 = arith.constant 0 : i32
    %dma_start3A_19 = arith.constant 0 : i32
    %dma_start3A_20 = tpu.memref_slice %arg14[%dma_start3A_18, %dma_start3A_19] : memref<640x32xf32, #tpu.memory_space<vmem>> -> memref<128x32xf32, #tpu.memory_space<vmem>>
    %dma_start3A_21 = arith.constant 0 : i32
    %dma_start3A_22 = tpu.memref_slice %arg11[%dma_start3A_21] : memref<640xi32, #tpu.memory_space<vmem>> -> memref<128xi32, #tpu.memory_space<vmem>>
    %dma_start3A_23 = arith.constant 0 : i32
    %dma_start3A_24 = arith.constant 0 : i32
    %dma_start3A_25 = tpu.memref_slice %arg7[%dma_start3A_23, %dma_start3A_24] : memref<5000x32xf32, #tpu.memory_space<hbm>> -> memref<5000x32xf32, #tpu.memory_space<hbm>>
    tpu.enqueue_indirect_dma source(%dma_start3A_25 : memref<5000x32xf32, #tpu.memory_space<hbm>>) target(%dma_start3A_20 : memref<128x32xf32, #tpu.memory_space<vmem>>) offsets(%dma_start3A_22 : memref<128xi32, #tpu.memory_space<vmem>>) semaphore(%arg15 : memref<!tpu.dma_semaphore, #tpu.memory_space<semaphore_mem>>)
    %dma_start3A_26 = arith.constant 128 : i32
    %dma_start3A_27 = arith.constant 0 : i32
    %dma_start3A_28 = tpu.memref_slice %arg12[%dma_start3A_26, %dma_start3A_27] : memref<640x64xf32, #tpu.memory_space<vmem>> -> memref<128x64xf32, #tpu.memory_space<vmem>>
    %dma_start3A_29 = arith.constant 128 : i32
    %dma_start3A_30 = tpu.memref_slice %arg9[%dma_start3A_29] : memref<640xi32, #tpu.memory_space<vmem>> -> memref<128xi32, #tpu.memory_space<vmem>>
    %dma_start3A_31 = arith.constant 0 : i32
    %dma_start3A_32 = arith.constant 0 : i32
    %dma_start3A_33 = tpu.memref_slice %arg5[%dma_start3A_31, %dma_start3A_32] : memref<100000x64xf32, #tpu.memory_space<hbm>> -> memref<100000x64xf32, #tpu.memory_space<hbm>>
    tpu.enqueue_indirect_dma source(%dma_start3A_33 : memref<100000x64xf32, #tpu.memory_space<hbm>>) target(%dma_start3A_28 : memref<128x64xf32, #tpu.memory_space<vmem>>) offsets(%dma_start3A_30 : memref<128xi32, #tpu.memory_space<vmem>>) semaphore(%arg15 : memref<!tpu.dma_semaphore, #tpu.memory_space<semaphore_mem>>)
    %dma_start3A_34 = arith.constant 128 : i32
    %dma_start3A_35 = arith.constant 0 : i32
    %dma_start3A_36 = tpu.memref_slice %arg13[%dma_start3A_34, %dma_start3A_35] : memref<640x32xf32, #tpu.memory_space<vmem>> -> memref<128x32xf32, #tpu.memory_space<vmem>>
    %dma_start3A_37 = arith.constant 128 : i32
    %dma_start3A_38 = tpu.memref_slice %arg10[%dma_start3A_37] : memref<640xi32, #tpu.memory_space<vmem>> -> memref<128xi32, #tpu.memory_space<vmem>>
    %dma_start3A_39 = arith.constant 0 : i32
    %dma_start3A_40 = arith.constant 0 : i32
    %dma_start3A_41 = tpu.memref_slice %arg6[%dma_start3A_39, %dma_start3A_40] : memref<1000x32xf32, #tpu.memory_space<hbm>> -> memref<1000x32xf32, #tpu.memory_space<hbm>>
    tpu.enqueue_indirect_dma source(%dma_start3A_41 : memref<1000x32xf32, #tpu.memory_space<hbm>>) target(%dma_start3A_36 : memref<128x32xf32, #tpu.memory_space<vmem>>) offsets(%dma_start3A_38 : memref<128xi32, #tpu.memory_space<vmem>>) semaphore(%arg15 : memref<!tpu.dma_semaphore, #tpu.memory_space<semaphore_mem>>)
    %dma_start3A_42 = arith.constant 128 : i32
    %dma_start3A_43 = arith.constant 0 : i32
    %dma_start3A_44 = tpu.memref_slice %arg14[%dma_start3A_42, %dma_start3A_43] : memref<640x32xf32, #tpu.memory_space<vmem>> -> memref<128x32xf32, #tpu.memory_space<vmem>>
    %dma_start3A_45 = arith.constant 128 : i32
    %dma_start3A_46 = tpu.memref_slice %arg11[%dma_start3A_45] : memref<640xi32, #tpu.memory_space<vmem>> -> memref<128xi32, #tpu.memory_space<vmem>>
    %dma_start3A_47 = arith.constant 0 : i32
    %dma_start3A_48 = arith.constant 0 : i32
    %dma_start3A_49 = tpu.memref_slice %arg7[%dma_start3A_47, %dma_start3A_48] : memref<5000x32xf32, #tpu.memory_space<hbm>> -> memref<5000x32xf32, #tpu.memory_space<hbm>>
    tpu.enqueue_indirect_dma source(%dma_start3A_49 : memref<5000x32xf32, #tpu.memory_space<hbm>>) target(%dma_start3A_44 : memref<128x32xf32, #tpu.memory_space<vmem>>) offsets(%dma_start3A_46 : memref<128xi32, #tpu.memory_space<vmem>>) semaphore(%arg15 : memref<!tpu.dma_semaphore, #tpu.memory_space<semaphore_mem>>)
    %dma_start3A_50 = arith.constant 256 : i32
    %dma_start3A_51 = arith.constant 0 : i32
    %dma_start3A_52 = tpu.memref_slice %arg12[%dma_start3A_50, %dma_start3A_51] : memref<640x64xf32, #tpu.memory_space<vmem>> -> memref<128x64xf32, #tpu.memory_space<vmem>>
    %dma_start3A_53 = arith.constant 256 : i32
    %dma_start3A_54 = tpu.memref_slice %arg9[%dma_start3A_53] : memref<640xi32, #tpu.memory_space<vmem>> -> memref<128xi32, #tpu.memory_space<vmem>>
    %dma_start3A_55 = arith.constant 0 : i32
    %dma_start3A_56 = arith.constant 0 : i32
    %dma_start3A_57 = tpu.memref_slice %arg5[%dma_start3A_55, %dma_start3A_56] : memref<100000x64xf32, #tpu.memory_space<hbm>> -> memref<100000x64xf32, #tpu.memory_space<hbm>>
    tpu.enqueue_indirect_dma source(%dma_start3A_57 : memref<100000x64xf32, #tpu.memory_space<hbm>>) target(%dma_start3A_52 : memref<128x64xf32, #tpu.memory_space<vmem>>) offsets(%dma_start3A_54 : memref<128xi32, #tpu.memory_space<vmem>>) semaphore(%arg15 : memref<!tpu.dma_semaphore, #tpu.memory_space<semaphore_mem>>)
    %dma_start3A_58 = arith.constant 256 : i32
    %dma_start3A_59 = arith.constant 0 : i32
    %dma_start3A_60 = tpu.memref_slice %arg13[%dma_start3A_58, %dma_start3A_59] : memref<640x32xf32, #tpu.memory_space<vmem>> -> memref<128x32xf32, #tpu.memory_space<vmem>>
    %dma_start3A_61 = arith.constant 256 : i32
    %dma_start3A_62 = tpu.memref_slice %arg10[%dma_start3A_61] : memref<640xi32, #tpu.memory_space<vmem>> -> memref<128xi32, #tpu.memory_space<vmem>>
    %dma_start3A_63 = arith.constant 0 : i32
    %dma_start3A_64 = arith.constant 0 : i32
    %dma_start3A_65 = tpu.memref_slice %arg6[%dma_start3A_63, %dma_start3A_64] : memref<1000x32xf32, #tpu.memory_space<hbm>> -> memref<1000x32xf32, #tpu.memory_space<hbm>>
    tpu.enqueue_indirect_dma source(%dma_start3A_65 : memref<1000x32xf32, #tpu.memory_space<hbm>>) target(%dma_start3A_60 : memref<128x32xf32, #tpu.memory_space<vmem>>) offsets(%dma_start3A_62 : memref<128xi32, #tpu.memory_space<vmem>>) semaphore(%arg15 : memref<!tpu.dma_semaphore, #tpu.memory_space<semaphore_mem>>)
    %dma_start3A_66 = arith.constant 256 : i32
    %dma_start3A_67 = arith.constant 0 : i32
    %dma_start3A_68 = tpu.memref_slice %arg14[%dma_start3A_66, %dma_start3A_67] : memref<640x32xf32, #tpu.memory_space<vmem>> -> memref<128x32xf32, #tpu.memory_space<vmem>>
    %dma_start3A_69 = arith.constant 256 : i32
    %dma_start3A_70 = tpu.memref_slice %arg11[%dma_start3A_69] : memref<640xi32, #tpu.memory_space<vmem>> -> memref<128xi32, #tpu.memory_space<vmem>>
    %dma_start3A_71 = arith.constant 0 : i32
    %dma_start3A_72 = arith.constant 0 : i32
    %dma_start3A_73 = tpu.memref_slice %arg7[%dma_start3A_71, %dma_start3A_72] : memref<5000x32xf32, #tpu.memory_space<hbm>> -> memref<5000x32xf32, #tpu.memory_space<hbm>>
    tpu.enqueue_indirect_dma source(%dma_start3A_73 : memref<5000x32xf32, #tpu.memory_space<hbm>>) target(%dma_start3A_68 : memref<128x32xf32, #tpu.memory_space<vmem>>) offsets(%dma_start3A_70 : memref<128xi32, #tpu.memory_space<vmem>>) semaphore(%arg15 : memref<!tpu.dma_semaphore, #tpu.memory_space<semaphore_mem>>)
    %dma_start3A_74 = arith.constant 384 : i32
    %dma_start3A_75 = arith.constant 0 : i32
    %dma_start3A_76 = tpu.memref_slice %arg12[%dma_start3A_74, %dma_start3A_75] : memref<640x64xf32, #tpu.memory_space<vmem>> -> memref<128x64xf32, #tpu.memory_space<vmem>>
    %dma_start3A_77 = arith.constant 384 : i32
    %dma_start3A_78 = tpu.memref_slice %arg9[%dma_start3A_77] : memref<640xi32, #tpu.memory_space<vmem>> -> memref<128xi32, #tpu.memory_space<vmem>>
    %dma_start3A_79 = arith.constant 0 : i32
    %dma_start3A_80 = arith.constant 0 : i32
    %dma_start3A_81 = tpu.memref_slice %arg5[%dma_start3A_79, %dma_start3A_80] : memref<100000x64xf32, #tpu.memory_space<hbm>> -> memref<100000x64xf32, #tpu.memory_space<hbm>>
    tpu.enqueue_indirect_dma source(%dma_start3A_81 : memref<100000x64xf32, #tpu.memory_space<hbm>>) target(%dma_start3A_76 : memref<128x64xf32, #tpu.memory_space<vmem>>) offsets(%dma_start3A_78 : memref<128xi32, #tpu.memory_space<vmem>>) semaphore(%arg15 : memref<!tpu.dma_semaphore, #tpu.memory_space<semaphore_mem>>)
    %dma_start3A_82 = arith.constant 384 : i32
    %dma_start3A_83 = arith.constant 0 : i32
    %dma_start3A_84 = tpu.memref_slice %arg13[%dma_start3A_82, %dma_start3A_83] : memref<640x32xf32, #tpu.memory_space<vmem>> -> memref<128x32xf32, #tpu.memory_space<vmem>>
    %dma_start3A_85 = arith.constant 384 : i32
    %dma_start3A_86 = tpu.memref_slice %arg10[%dma_start3A_85] : memref<640xi32, #tpu.memory_space<vmem>> -> memref<128xi32, #tpu.memory_space<vmem>>
    %dma_start3A_87 = arith.constant 0 : i32
    %dma_start3A_88 = arith.constant 0 : i32
    %dma_start3A_89 = tpu.memref_slice %arg6[%dma_start3A_87, %dma_start3A_88] : memref<1000x32xf32, #tpu.memory_space<hbm>> -> memref<1000x32xf32, #tpu.memory_space<hbm>>
    tpu.enqueue_indirect_dma source(%dma_start3A_89 : memref<1000x32xf32, #tpu.memory_space<hbm>>) target(%dma_start3A_84 : memref<128x32xf32, #tpu.memory_space<vmem>>) offsets(%dma_start3A_86 : memref<128xi32, #tpu.memory_space<vmem>>) semaphore(%arg15 : memref<!tpu.dma_semaphore, #tpu.memory_space<semaphore_mem>>)
    %dma_start3A_90 = arith.constant 384 : i32
    %dma_start3A_91 = arith.constant 0 : i32
    %dma_start3A_92 = tpu.memref_slice %arg14[%dma_start3A_90, %dma_start3A_91] : memref<640x32xf32, #tpu.memory_space<vmem>> -> memref<128x32xf32, #tpu.memory_space<vmem>>
    %dma_start3A_93 = arith.constant 384 : i32
    %dma_start3A_94 = tpu.memref_slice %arg11[%dma_start3A_93] : memref<640xi32, #tpu.memory_space<vmem>> -> memref<128xi32, #tpu.memory_space<vmem>>
    %dma_start3A_95 = arith.constant 0 : i32
    %dma_start3A_96 = arith.constant 0 : i32
    %dma_start3A_97 = tpu.memref_slice %arg7[%dma_start3A_95, %dma_start3A_96] : memref<5000x32xf32, #tpu.memory_space<hbm>> -> memref<5000x32xf32, #tpu.memory_space<hbm>>
    tpu.enqueue_indirect_dma source(%dma_start3A_97 : memref<5000x32xf32, #tpu.memory_space<hbm>>) target(%dma_start3A_92 : memref<128x32xf32, #tpu.memory_space<vmem>>) offsets(%dma_start3A_94 : memref<128xi32, #tpu.memory_space<vmem>>) semaphore(%arg15 : memref<!tpu.dma_semaphore, #tpu.memory_space<semaphore_mem>>)
    %dma_start3A_98 = arith.constant 512 : i32
    %dma_start3A_99 = arith.constant 0 : i32
    %dma_start3A_100 = tpu.memref_slice %arg12[%dma_start3A_98, %dma_start3A_99] : memref<640x64xf32, #tpu.memory_space<vmem>> -> memref<128x64xf32, #tpu.memory_space<vmem>>
    %dma_start3A_101 = arith.constant 512 : i32
    %dma_start3A_102 = tpu.memref_slice %arg9[%dma_start3A_101] : memref<640xi32, #tpu.memory_space<vmem>> -> memref<128xi32, #tpu.memory_space<vmem>>
    %dma_start3A_103 = arith.constant 0 : i32
    %dma_start3A_104 = arith.constant 0 : i32
    %dma_start3A_105 = tpu.memref_slice %arg5[%dma_start3A_103, %dma_start3A_104] : memref<100000x64xf32, #tpu.memory_space<hbm>> -> memref<100000x64xf32, #tpu.memory_space<hbm>>
    tpu.enqueue_indirect_dma source(%dma_start3A_105 : memref<100000x64xf32, #tpu.memory_space<hbm>>) target(%dma_start3A_100 : memref<128x64xf32, #tpu.memory_space<vmem>>) offsets(%dma_start3A_102 : memref<128xi32, #tpu.memory_space<vmem>>) semaphore(%arg15 : memref<!tpu.dma_semaphore, #tpu.memory_space<semaphore_mem>>)
    %dma_start3A_106 = arith.constant 512 : i32
    %dma_start3A_107 = arith.constant 0 : i32
    %dma_start3A_108 = tpu.memref_slice %arg13[%dma_start3A_106, %dma_start3A_107] : memref<640x32xf32, #tpu.memory_space<vmem>> -> memref<128x32xf32, #tpu.memory_space<vmem>>
    %dma_start3A_109 = arith.constant 512 : i32
    %dma_start3A_110 = tpu.memref_slice %arg10[%dma_start3A_109] : memref<640xi32, #tpu.memory_space<vmem>> -> memref<128xi32, #tpu.memory_space<vmem>>
    %dma_start3A_111 = arith.constant 0 : i32
    %dma_start3A_112 = arith.constant 0 : i32
    %dma_start3A_113 = tpu.memref_slice %arg6[%dma_start3A_111, %dma_start3A_112] : memref<1000x32xf32, #tpu.memory_space<hbm>> -> memref<1000x32xf32, #tpu.memory_space<hbm>>
    tpu.enqueue_indirect_dma source(%dma_start3A_113 : memref<1000x32xf32, #tpu.memory_space<hbm>>) target(%dma_start3A_108 : memref<128x32xf32, #tpu.memory_space<vmem>>) offsets(%dma_start3A_110 : memref<128xi32, #tpu.memory_space<vmem>>) semaphore(%arg15 : memref<!tpu.dma_semaphore, #tpu.memory_space<semaphore_mem>>)
    %dma_start3A_114 = arith.constant 512 : i32
    %dma_start3A_115 = arith.constant 0 : i32
    %dma_start3A_116 = tpu.memref_slice %arg14[%dma_start3A_114, %dma_start3A_115] : memref<640x32xf32, #tpu.memory_space<vmem>> -> memref<128x32xf32, #tpu.memory_space<vmem>>
    %dma_start3A_117 = arith.constant 512 : i32
    %dma_start3A_118 = tpu.memref_slice %arg11[%dma_start3A_117] : memref<640xi32, #tpu.memory_space<vmem>> -> memref<128xi32, #tpu.memory_space<vmem>>
    %dma_start3A_119 = arith.constant 0 : i32
    %dma_start3A_120 = arith.constant 0 : i32
    %dma_start3A_121 = tpu.memref_slice %arg7[%dma_start3A_119, %dma_start3A_120] : memref<5000x32xf32, #tpu.memory_space<hbm>> -> memref<5000x32xf32, #tpu.memory_space<hbm>>
    tpu.enqueue_indirect_dma source(%dma_start3A_121 : memref<5000x32xf32, #tpu.memory_space<hbm>>) target(%dma_start3A_116 : memref<128x32xf32, #tpu.memory_space<vmem>>) offsets(%dma_start3A_118 : memref<128xi32, #tpu.memory_space<vmem>>) semaphore(%arg15 : memref<!tpu.dma_semaphore, #tpu.memory_space<semaphore_mem>>)
    %dma_wait3A = arith.constant 0 : i32
    %dma_wait3A_122 = arith.constant 0 : i32
    %dma_wait3A_123 = tpu.memref_slice %arg12[%dma_wait3A, %dma_wait3A_122] : memref<640x64xf32, #tpu.memory_space<vmem>> -> memref<128x64xf32, #tpu.memory_space<vmem>>
    %dma_wait3A_124 = arith.constant 0 : i32
    %dma_wait3A_125 = tpu.memref_slice %arg9[%dma_wait3A_124] : memref<640xi32, #tpu.memory_space<vmem>> -> memref<128xi32, #tpu.memory_space<vmem>>
    %dma_wait3A_126 = arith.constant 0 : i32
    %dma_wait3A_127 = arith.constant 0 : i32
    %dma_wait3A_128 = tpu.memref_slice %arg5[%dma_wait3A_126, %dma_wait3A_127] : memref<100000x64xf32, #tpu.memory_space<hbm>> -> memref<100000x64xf32, #tpu.memory_space<hbm>>
    tpu.wait_indirect_dma semaphore(%arg15 : memref<!tpu.dma_semaphore, #tpu.memory_space<semaphore_mem>>) src(%dma_wait3A_128 : memref<100000x64xf32, #tpu.memory_space<hbm>>) dst(%dma_wait3A_123 : memref<128x64xf32, #tpu.memory_space<vmem>>)
    %dma_wait3A_129 = arith.constant 0 : i32
    %dma_wait3A_130 = arith.constant 0 : i32
    %dma_wait3A_131 = tpu.memref_slice %arg13[%dma_wait3A_129, %dma_wait3A_130] : memref<640x32xf32, #tpu.memory_space<vmem>> -> memref<128x32xf32, #tpu.memory_space<vmem>>
    %dma_wait3A_132 = arith.constant 0 : i32
    %dma_wait3A_133 = tpu.memref_slice %arg10[%dma_wait3A_132] : memref<640xi32, #tpu.memory_space<vmem>> -> memref<128xi32, #tpu.memory_space<vmem>>
    %dma_wait3A_134 = arith.constant 0 : i32
    %dma_wait3A_135 = arith.constant 0 : i32
    %dma_wait3A_136 = tpu.memref_slice %arg6[%dma_wait3A_134, %dma_wait3A_135] : memref<1000x32xf32, #tpu.memory_space<hbm>> -> memref<1000x32xf32, #tpu.memory_space<hbm>>
    tpu.wait_indirect_dma semaphore(%arg15 : memref<!tpu.dma_semaphore, #tpu.memory_space<semaphore_mem>>) src(%dma_wait3A_136 : memref<1000x32xf32, #tpu.memory_space<hbm>>) dst(%dma_wait3A_131 : memref<128x32xf32, #tpu.memory_space<vmem>>)
    %dma_wait3A_137 = arith.constant 0 : i32
    %dma_wait3A_138 = arith.constant 0 : i32
    %dma_wait3A_139 = tpu.memref_slice %arg14[%dma_wait3A_137, %dma_wait3A_138] : memref<640x32xf32, #tpu.memory_space<vmem>> -> memref<128x32xf32, #tpu.memory_space<vmem>>
    %dma_wait3A_140 = arith.constant 0 : i32
    %dma_wait3A_141 = tpu.memref_slice %arg11[%dma_wait3A_140] : memref<640xi32, #tpu.memory_space<vmem>> -> memref<128xi32, #tpu.memory_space<vmem>>
    %dma_wait3A_142 = arith.constant 0 : i32
    %dma_wait3A_143 = arith.constant 0 : i32
    %dma_wait3A_144 = tpu.memref_slice %arg7[%dma_wait3A_142, %dma_wait3A_143] : memref<5000x32xf32, #tpu.memory_space<hbm>> -> memref<5000x32xf32, #tpu.memory_space<hbm>>
    tpu.wait_indirect_dma semaphore(%arg15 : memref<!tpu.dma_semaphore, #tpu.memory_space<semaphore_mem>>) src(%dma_wait3A_144 : memref<5000x32xf32, #tpu.memory_space<hbm>>) dst(%dma_wait3A_139 : memref<128x32xf32, #tpu.memory_space<vmem>>)
    %dma_wait3A_145 = arith.constant 128 : i32
    %dma_wait3A_146 = arith.constant 0 : i32
    %dma_wait3A_147 = tpu.memref_slice %arg12[%dma_wait3A_145, %dma_wait3A_146] : memref<640x64xf32, #tpu.memory_space<vmem>> -> memref<128x64xf32, #tpu.memory_space<vmem>>
    %dma_wait3A_148 = arith.constant 128 : i32
    %dma_wait3A_149 = tpu.memref_slice %arg9[%dma_wait3A_148] : memref<640xi32, #tpu.memory_space<vmem>> -> memref<128xi32, #tpu.memory_space<vmem>>
    %dma_wait3A_150 = arith.constant 0 : i32
    %dma_wait3A_151 = arith.constant 0 : i32
    %dma_wait3A_152 = tpu.memref_slice %arg5[%dma_wait3A_150, %dma_wait3A_151] : memref<100000x64xf32, #tpu.memory_space<hbm>> -> memref<100000x64xf32, #tpu.memory_space<hbm>>
    tpu.wait_indirect_dma semaphore(%arg15 : memref<!tpu.dma_semaphore, #tpu.memory_space<semaphore_mem>>) src(%dma_wait3A_152 : memref<100000x64xf32, #tpu.memory_space<hbm>>) dst(%dma_wait3A_147 : memref<128x64xf32, #tpu.memory_space<vmem>>)
    %dma_wait3A_153 = arith.constant 128 : i32
    %dma_wait3A_154 = arith.constant 0 : i32
    %dma_wait3A_155 = tpu.memref_slice %arg13[%dma_wait3A_153, %dma_wait3A_154] : memref<640x32xf32, #tpu.memory_space<vmem>> -> memref<128x32xf32, #tpu.memory_space<vmem>>
    %dma_wait3A_156 = arith.constant 128 : i32
    %dma_wait3A_157 = tpu.memref_slice %arg10[%dma_wait3A_156] : memref<640xi32, #tpu.memory_space<vmem>> -> memref<128xi32, #tpu.memory_space<vmem>>
    %dma_wait3A_158 = arith.constant 0 : i32
    %dma_wait3A_159 = arith.constant 0 : i32
    %dma_wait3A_160 = tpu.memref_slice %arg6[%dma_wait3A_158, %dma_wait3A_159] : memref<1000x32xf32, #tpu.memory_space<hbm>> -> memref<1000x32xf32, #tpu.memory_space<hbm>>
    tpu.wait_indirect_dma semaphore(%arg15 : memref<!tpu.dma_semaphore, #tpu.memory_space<semaphore_mem>>) src(%dma_wait3A_160 : memref<1000x32xf32, #tpu.memory_space<hbm>>) dst(%dma_wait3A_155 : memref<128x32xf32, #tpu.memory_space<vmem>>)
    %dma_wait3A_161 = arith.constant 128 : i32
    %dma_wait3A_162 = arith.constant 0 : i32
    %dma_wait3A_163 = tpu.memref_slice %arg14[%dma_wait3A_161, %dma_wait3A_162] : memref<640x32xf32, #tpu.memory_space<vmem>> -> memref<128x32xf32, #tpu.memory_space<vmem>>
    %dma_wait3A_164 = arith.constant 128 : i32
    %dma_wait3A_165 = tpu.memref_slice %arg11[%dma_wait3A_164] : memref<640xi32, #tpu.memory_space<vmem>> -> memref<128xi32, #tpu.memory_space<vmem>>
    %dma_wait3A_166 = arith.constant 0 : i32
    %dma_wait3A_167 = arith.constant 0 : i32
    %dma_wait3A_168 = tpu.memref_slice %arg7[%dma_wait3A_166, %dma_wait3A_167] : memref<5000x32xf32, #tpu.memory_space<hbm>> -> memref<5000x32xf32, #tpu.memory_space<hbm>>
    tpu.wait_indirect_dma semaphore(%arg15 : memref<!tpu.dma_semaphore, #tpu.memory_space<semaphore_mem>>) src(%dma_wait3A_168 : memref<5000x32xf32, #tpu.memory_space<hbm>>) dst(%dma_wait3A_163 : memref<128x32xf32, #tpu.memory_space<vmem>>)
    %dma_wait3A_169 = arith.constant 256 : i32
    %dma_wait3A_170 = arith.constant 0 : i32
    %dma_wait3A_171 = tpu.memref_slice %arg12[%dma_wait3A_169, %dma_wait3A_170] : memref<640x64xf32, #tpu.memory_space<vmem>> -> memref<128x64xf32, #tpu.memory_space<vmem>>
    %dma_wait3A_172 = arith.constant 256 : i32
    %dma_wait3A_173 = tpu.memref_slice %arg9[%dma_wait3A_172] : memref<640xi32, #tpu.memory_space<vmem>> -> memref<128xi32, #tpu.memory_space<vmem>>
    %dma_wait3A_174 = arith.constant 0 : i32
    %dma_wait3A_175 = arith.constant 0 : i32
    %dma_wait3A_176 = tpu.memref_slice %arg5[%dma_wait3A_174, %dma_wait3A_175] : memref<100000x64xf32, #tpu.memory_space<hbm>> -> memref<100000x64xf32, #tpu.memory_space<hbm>>
    tpu.wait_indirect_dma semaphore(%arg15 : memref<!tpu.dma_semaphore, #tpu.memory_space<semaphore_mem>>) src(%dma_wait3A_176 : memref<100000x64xf32, #tpu.memory_space<hbm>>) dst(%dma_wait3A_171 : memref<128x64xf32, #tpu.memory_space<vmem>>)
    %dma_wait3A_177 = arith.constant 256 : i32
    %dma_wait3A_178 = arith.constant 0 : i32
    %dma_wait3A_179 = tpu.memref_slice %arg13[%dma_wait3A_177, %dma_wait3A_178] : memref<640x32xf32, #tpu.memory_space<vmem>> -> memref<128x32xf32, #tpu.memory_space<vmem>>
    %dma_wait3A_180 = arith.constant 256 : i32
    %dma_wait3A_181 = tpu.memref_slice %arg10[%dma_wait3A_180] : memref<640xi32, #tpu.memory_space<vmem>> -> memref<128xi32, #tpu.memory_space<vmem>>
    %dma_wait3A_182 = arith.constant 0 : i32
    %dma_wait3A_183 = arith.constant 0 : i32
    %dma_wait3A_184 = tpu.memref_slice %arg6[%dma_wait3A_182, %dma_wait3A_183] : memref<1000x32xf32, #tpu.memory_space<hbm>> -> memref<1000x32xf32, #tpu.memory_space<hbm>>
    tpu.wait_indirect_dma semaphore(%arg15 : memref<!tpu.dma_semaphore, #tpu.memory_space<semaphore_mem>>) src(%dma_wait3A_184 : memref<1000x32xf32, #tpu.memory_space<hbm>>) dst(%dma_wait3A_179 : memref<128x32xf32, #tpu.memory_space<vmem>>)
    %dma_wait3A_185 = arith.constant 256 : i32
    %dma_wait3A_186 = arith.constant 0 : i32
    %dma_wait3A_187 = tpu.memref_slice %arg14[%dma_wait3A_185, %dma_wait3A_186] : memref<640x32xf32, #tpu.memory_space<vmem>> -> memref<128x32xf32, #tpu.memory_space<vmem>>
    %dma_wait3A_188 = arith.constant 256 : i32
    %dma_wait3A_189 = tpu.memref_slice %arg11[%dma_wait3A_188] : memref<640xi32, #tpu.memory_space<vmem>> -> memref<128xi32, #tpu.memory_space<vmem>>
    %dma_wait3A_190 = arith.constant 0 : i32
    %dma_wait3A_191 = arith.constant 0 : i32
    %dma_wait3A_192 = tpu.memref_slice %arg7[%dma_wait3A_190, %dma_wait3A_191] : memref<5000x32xf32, #tpu.memory_space<hbm>> -> memref<5000x32xf32, #tpu.memory_space<hbm>>
    tpu.wait_indirect_dma semaphore(%arg15 : memref<!tpu.dma_semaphore, #tpu.memory_space<semaphore_mem>>) src(%dma_wait3A_192 : memref<5000x32xf32, #tpu.memory_space<hbm>>) dst(%dma_wait3A_187 : memref<128x32xf32, #tpu.memory_space<vmem>>)
    %dma_wait3A_193 = arith.constant 384 : i32
    %dma_wait3A_194 = arith.constant 0 : i32
    %dma_wait3A_195 = tpu.memref_slice %arg12[%dma_wait3A_193, %dma_wait3A_194] : memref<640x64xf32, #tpu.memory_space<vmem>> -> memref<128x64xf32, #tpu.memory_space<vmem>>
    %dma_wait3A_196 = arith.constant 384 : i32
    %dma_wait3A_197 = tpu.memref_slice %arg9[%dma_wait3A_196] : memref<640xi32, #tpu.memory_space<vmem>> -> memref<128xi32, #tpu.memory_space<vmem>>
    %dma_wait3A_198 = arith.constant 0 : i32
    %dma_wait3A_199 = arith.constant 0 : i32
    %dma_wait3A_200 = tpu.memref_slice %arg5[%dma_wait3A_198, %dma_wait3A_199] : memref<100000x64xf32, #tpu.memory_space<hbm>> -> memref<100000x64xf32, #tpu.memory_space<hbm>>
    tpu.wait_indirect_dma semaphore(%arg15 : memref<!tpu.dma_semaphore, #tpu.memory_space<semaphore_mem>>) src(%dma_wait3A_200 : memref<100000x64xf32, #tpu.memory_space<hbm>>) dst(%dma_wait3A_195 : memref<128x64xf32, #tpu.memory_space<vmem>>)
    %dma_wait3A_201 = arith.constant 384 : i32
    %dma_wait3A_202 = arith.constant 0 : i32
    %dma_wait3A_203 = tpu.memref_slice %arg13[%dma_wait3A_201, %dma_wait3A_202] : memref<640x32xf32, #tpu.memory_space<vmem>> -> memref<128x32xf32, #tpu.memory_space<vmem>>
    %dma_wait3A_204 = arith.constant 384 : i32
    %dma_wait3A_205 = tpu.memref_slice %arg10[%dma_wait3A_204] : memref<640xi32, #tpu.memory_space<vmem>> -> memref<128xi32, #tpu.memory_space<vmem>>
    %dma_wait3A_206 = arith.constant 0 : i32
    %dma_wait3A_207 = arith.constant 0 : i32
    %dma_wait3A_208 = tpu.memref_slice %arg6[%dma_wait3A_206, %dma_wait3A_207] : memref<1000x32xf32, #tpu.memory_space<hbm>> -> memref<1000x32xf32, #tpu.memory_space<hbm>>
    tpu.wait_indirect_dma semaphore(%arg15 : memref<!tpu.dma_semaphore, #tpu.memory_space<semaphore_mem>>) src(%dma_wait3A_208 : memref<1000x32xf32, #tpu.memory_space<hbm>>) dst(%dma_wait3A_203 : memref<128x32xf32, #tpu.memory_space<vmem>>)
    %dma_wait3A_209 = arith.constant 384 : i32
    %dma_wait3A_210 = arith.constant 0 : i32
    %dma_wait3A_211 = tpu.memref_slice %arg14[%dma_wait3A_209, %dma_wait3A_210] : memref<640x32xf32, #tpu.memory_space<vmem>> -> memref<128x32xf32, #tpu.memory_space<vmem>>
    %dma_wait3A_212 = arith.constant 384 : i32
    %dma_wait3A_213 = tpu.memref_slice %arg11[%dma_wait3A_212] : memref<640xi32, #tpu.memory_space<vmem>> -> memref<128xi32, #tpu.memory_space<vmem>>
    %dma_wait3A_214 = arith.constant 0 : i32
    %dma_wait3A_215 = arith.constant 0 : i32
    %dma_wait3A_216 = tpu.memref_slice %arg7[%dma_wait3A_214, %dma_wait3A_215] : memref<5000x32xf32, #tpu.memory_space<hbm>> -> memref<5000x32xf32, #tpu.memory_space<hbm>>
    tpu.wait_indirect_dma semaphore(%arg15 : memref<!tpu.dma_semaphore, #tpu.memory_space<semaphore_mem>>) src(%dma_wait3A_216 : memref<5000x32xf32, #tpu.memory_space<hbm>>) dst(%dma_wait3A_211 : memref<128x32xf32, #tpu.memory_space<vmem>>)
    %dma_wait3A_217 = arith.constant 512 : i32
    %dma_wait3A_218 = arith.constant 0 : i32
    %dma_wait3A_219 = tpu.memref_slice %arg12[%dma_wait3A_217, %dma_wait3A_218] : memref<640x64xf32, #tpu.memory_space<vmem>> -> memref<128x64xf32, #tpu.memory_space<vmem>>
    %dma_wait3A_220 = arith.constant 512 : i32
    %dma_wait3A_221 = tpu.memref_slice %arg9[%dma_wait3A_220] : memref<640xi32, #tpu.memory_space<vmem>> -> memref<128xi32, #tpu.memory_space<vmem>>
    %dma_wait3A_222 = arith.constant 0 : i32
    %dma_wait3A_223 = arith.constant 0 : i32
    %dma_wait3A_224 = tpu.memref_slice %arg5[%dma_wait3A_222, %dma_wait3A_223] : memref<100000x64xf32, #tpu.memory_space<hbm>> -> memref<100000x64xf32, #tpu.memory_space<hbm>>
    tpu.wait_indirect_dma semaphore(%arg15 : memref<!tpu.dma_semaphore, #tpu.memory_space<semaphore_mem>>) src(%dma_wait3A_224 : memref<100000x64xf32, #tpu.memory_space<hbm>>) dst(%dma_wait3A_219 : memref<128x64xf32, #tpu.memory_space<vmem>>)
    %dma_wait3A_225 = arith.constant 512 : i32
    %dma_wait3A_226 = arith.constant 0 : i32
    %dma_wait3A_227 = tpu.memref_slice %arg13[%dma_wait3A_225, %dma_wait3A_226] : memref<640x32xf32, #tpu.memory_space<vmem>> -> memref<128x32xf32, #tpu.memory_space<vmem>>
    %dma_wait3A_228 = arith.constant 512 : i32
    %dma_wait3A_229 = tpu.memref_slice %arg10[%dma_wait3A_228] : memref<640xi32, #tpu.memory_space<vmem>> -> memref<128xi32, #tpu.memory_space<vmem>>
    %dma_wait3A_230 = arith.constant 0 : i32
    %dma_wait3A_231 = arith.constant 0 : i32
    %dma_wait3A_232 = tpu.memref_slice %arg6[%dma_wait3A_230, %dma_wait3A_231] : memref<1000x32xf32, #tpu.memory_space<hbm>> -> memref<1000x32xf32, #tpu.memory_space<hbm>>
    tpu.wait_indirect_dma semaphore(%arg15 : memref<!tpu.dma_semaphore, #tpu.memory_space<semaphore_mem>>) src(%dma_wait3A_232 : memref<1000x32xf32, #tpu.memory_space<hbm>>) dst(%dma_wait3A_227 : memref<128x32xf32, #tpu.memory_space<vmem>>)
    %dma_wait3A_233 = arith.constant 512 : i32
    %dma_wait3A_234 = arith.constant 0 : i32
    %dma_wait3A_235 = tpu.memref_slice %arg14[%dma_wait3A_233, %dma_wait3A_234] : memref<640x32xf32, #tpu.memory_space<vmem>> -> memref<128x32xf32, #tpu.memory_space<vmem>>
    %dma_wait3A_236 = arith.constant 512 : i32
    %dma_wait3A_237 = tpu.memref_slice %arg11[%dma_wait3A_236] : memref<640xi32, #tpu.memory_space<vmem>> -> memref<128xi32, #tpu.memory_space<vmem>>
    %dma_wait3A_238 = arith.constant 0 : i32
    %dma_wait3A_239 = arith.constant 0 : i32
    %dma_wait3A_240 = tpu.memref_slice %arg7[%dma_wait3A_238, %dma_wait3A_239] : memref<5000x32xf32, #tpu.memory_space<hbm>> -> memref<5000x32xf32, #tpu.memory_space<hbm>>
    tpu.wait_indirect_dma semaphore(%arg15 : memref<!tpu.dma_semaphore, #tpu.memory_space<semaphore_mem>>) src(%dma_wait3A_240 : memref<5000x32xf32, #tpu.memory_space<hbm>>) dst(%dma_wait3A_235 : memref<128x32xf32, #tpu.memory_space<vmem>>)
    "tpu.region"() ({
      %run_scoped3A = tpu.sem_alloc : memref<!tpu.dma_semaphore, #tpu.memory_space<semaphore_mem>>
      %dma_start3A_241 = arith.constant 0 : i32
      %dma_start3A_242 = tpu.memref_slice %arg8[%mul3A_2, %dma_start3A_241] : memref<20480x128xf32, #tpu.memory_space<hbm>> -> memref<640x64xf32, #tpu.memory_space<hbm>>
      %dma_start3A_243 = arith.constant 0 : i32
      %dma_start3A_244 = tpu.memref_slice %arg8[%mul3A_2, %dma_start3A_243] : memref<20480x128xf32, #tpu.memory_space<hbm>> -> memref<640x64xf32, #tpu.memory_space<hbm>>
      tpu.enqueue_dma source(%arg12 : memref<640x64xf32, #tpu.memory_space<vmem>>) target(%dma_start3A_244 : memref<640x64xf32, #tpu.memory_space<hbm>>) target_semaphore(%run_scoped3A : memref<!tpu.dma_semaphore, #tpu.memory_space<semaphore_mem>>)
      %dma_wait3A_245 = arith.constant 0 : i32
      %dma_wait3A_246 = tpu.memref_slice %arg8[%mul3A_2, %dma_wait3A_245] : memref<20480x128xf32, #tpu.memory_space<hbm>> -> memref<640x64xf32, #tpu.memory_space<hbm>>
      %dma_wait3A_247 = arith.constant 0 : i32
      %dma_wait3A_248 = tpu.memref_slice %arg8[%mul3A_2, %dma_wait3A_247] : memref<20480x128xf32, #tpu.memory_space<hbm>> -> memref<640x64xf32, #tpu.memory_space<hbm>>
      tpu.wait_dma2 semaphore(%run_scoped3A : memref<!tpu.dma_semaphore, #tpu.memory_space<semaphore_mem>>) src(%arg12 : memref<640x64xf32, #tpu.memory_space<vmem>>) dst(%dma_wait3A_248 : memref<640x64xf32, #tpu.memory_space<hbm>>)
      tpu.yield
    }) : () -> ()
    "tpu.region"() ({
      %run_scoped3A = tpu.sem_alloc : memref<!tpu.dma_semaphore, #tpu.memory_space<semaphore_mem>>
      %dma_start3A_241 = arith.constant 64 : i32
      %dma_start3A_242 = tpu.memref_slice %arg8[%mul3A_2, %dma_start3A_241] : memref<20480x128xf32, #tpu.memory_space<hbm>> -> memref<640x32xf32, #tpu.memory_space<hbm>>
      %dma_start3A_243 = arith.constant 64 : i32
      %dma_start3A_244 = tpu.memref_slice %arg8[%mul3A_2, %dma_start3A_243] : memref<20480x128xf32, #tpu.memory_space<hbm>> -> memref<640x32xf32, #tpu.memory_space<hbm>>
      tpu.enqueue_dma source(%arg13 : memref<640x32xf32, #tpu.memory_space<vmem>>) target(%dma_start3A_244 : memref<640x32xf32, #tpu.memory_space<hbm>>) target_semaphore(%run_scoped3A : memref<!tpu.dma_semaphore, #tpu.memory_space<semaphore_mem>>)
      %dma_wait3A_245 = arith.constant 64 : i32
      %dma_wait3A_246 = tpu.memref_slice %arg8[%mul3A_2, %dma_wait3A_245] : memref<20480x128xf32, #tpu.memory_space<hbm>> -> memref<640x32xf32, #tpu.memory_space<hbm>>
      %dma_wait3A_247 = arith.constant 64 : i32
      %dma_wait3A_248 = tpu.memref_slice %arg8[%mul3A_2, %dma_wait3A_247] : memref<20480x128xf32, #tpu.memory_space<hbm>> -> memref<640x32xf32, #tpu.memory_space<hbm>>
      tpu.wait_dma2 semaphore(%run_scoped3A : memref<!tpu.dma_semaphore, #tpu.memory_space<semaphore_mem>>) src(%arg13 : memref<640x32xf32, #tpu.memory_space<vmem>>) dst(%dma_wait3A_248 : memref<640x32xf32, #tpu.memory_space<hbm>>)
      tpu.yield
    }) : () -> ()
    "tpu.region"() ({
      %run_scoped3A = tpu.sem_alloc : memref<!tpu.dma_semaphore, #tpu.memory_space<semaphore_mem>>
      %dma_start3A_241 = arith.constant 96 : i32
      %dma_start3A_242 = tpu.memref_slice %arg8[%mul3A_2, %dma_start3A_241] : memref<20480x128xf32, #tpu.memory_space<hbm>> -> memref<640x32xf32, #tpu.memory_space<hbm>>
      %dma_start3A_243 = arith.constant 96 : i32
      %dma_start3A_244 = tpu.memref_slice %arg8[%mul3A_2, %dma_start3A_243] : memref<20480x128xf32, #tpu.memory_space<hbm>> -> memref<640x32xf32, #tpu.memory_space<hbm>>
      tpu.enqueue_dma source(%arg14 : memref<640x32xf32, #tpu.memory_space<vmem>>) target(%dma_start3A_244 : memref<640x32xf32, #tpu.memory_space<hbm>>) target_semaphore(%run_scoped3A : memref<!tpu.dma_semaphore, #tpu.memory_space<semaphore_mem>>)
      %dma_wait3A_245 = arith.constant 96 : i32
      %dma_wait3A_246 = tpu.memref_slice %arg8[%mul3A_2, %dma_wait3A_245] : memref<20480x128xf32, #tpu.memory_space<hbm>> -> memref<640x32xf32, #tpu.memory_space<hbm>>
      %dma_wait3A_247 = arith.constant 96 : i32
      %dma_wait3A_248 = tpu.memref_slice %arg8[%mul3A_2, %dma_wait3A_247] : memref<20480x128xf32, #tpu.memory_space<hbm>> -> memref<640x32xf32, #tpu.memory_space<hbm>>
      tpu.wait_dma2 semaphore(%run_scoped3A : memref<!tpu.dma_semaphore, #tpu.memory_space<semaphore_mem>>) src(%arg14 : memref<640x32xf32, #tpu.memory_space<vmem>>) dst(%dma_wait3A_248 : memref<640x32xf32, #tpu.memory_space<hbm>>)
      tpu.yield
    }) : () -> ()
    return
  }
}

#map = affine_map<(d0, d1) -> (0)>
#map1 = affine_map<(d0, d1) -> (0, 0)>
module attributes {stable_mosaic.version = 14 : i64} {
  func.func @k(%arg0: i32, %arg1: i32, %arg2: memref<20480xi32, #tpu.memory_space<hbm>>, %arg3: memref<20480xi32, #tpu.memory_space<hbm>>, %arg4: memref<20480xi32, #tpu.memory_space<hbm>>, %arg5: memref<100000x64xf32, #tpu.memory_space<hbm>>, %arg6: memref<1000x32xf32, #tpu.memory_space<hbm>>, %arg7: memref<5000x32xf32, #tpu.memory_space<hbm>>, %arg8: memref<20480x128xf32, #tpu.memory_space<hbm>>, %arg9: memref<640xi32, #tpu.memory_space<vmem>>, %arg10: memref<640xi32, #tpu.memory_space<vmem>>, %arg11: memref<640xi32, #tpu.memory_space<vmem>>, %arg12: memref<640x64xf32, #tpu.memory_space<vmem>>, %arg13: memref<640x32xf32, #tpu.memory_space<vmem>>, %arg14: memref<640x32xf32, #tpu.memory_space<vmem>>, %arg15: memref<!tpu.dma_semaphore, #tpu.memory_space<semaphore_mem>>) attributes {dimension_semantics = [#tpu.dimension_semantics<core_parallel>, #tpu.dimension_semantics<subcore_parallel>], iteration_bounds = array<i64: 2, 16>, scalar_prefetch = 0 : i64, scratch_operands = 7 : i64, tpu.core_type = #tpu.core_type<sc_vector_subcore>, window_params = [{transform_indices = #map}, {transform_indices = #map}, {transform_indices = #map}, {transform_indices = #map1}, {transform_indices = #map1}, {transform_indices = #map1}, {transform_indices = #map1}]} {
    %mul3A = arith.constant 2 : i32
    %mul3A_0 = arith.muli %arg1, %mul3A : i32
    %add3A = arith.addi %mul3A_0, %arg0 : i32
    %mul3A_1 = arith.constant 640 : i32
    %mul3A_2 = arith.muli %add3A, %mul3A_1 : i32
    "tpu.region"() ({
      %run_scoped3A = tpu.sem_alloc : memref<!tpu.dma_semaphore, #tpu.memory_space<semaphore_mem>>
      %dma_start3A_241 = tpu.memref_slice %arg2[%mul3A_2] : memref<20480xi32, #tpu.memory_space<hbm>> -> memref<640xi32, #tpu.memory_space<hbm>>
      %dma_start3A_242 = tpu.memref_slice %arg2[%mul3A_2] : memref<20480xi32, #tpu.memory_space<hbm>> -> memref<640xi32, #tpu.memory_space<hbm>>
      tpu.enqueue_dma source(%dma_start3A_242 : memref<640xi32, #tpu.memory_space<hbm>>) target(%arg9 : memref<640xi32, #tpu.memory_space<vmem>>) target_semaphore(%run_scoped3A : memref<!tpu.dma_semaphore, #tpu.memory_space<semaphore_mem>>)
      %dma_wait3A_243 = tpu.memref_slice %arg2[%mul3A_2] : memref<20480xi32, #tpu.memory_space<hbm>> -> memref<640xi32, #tpu.memory_space<hbm>>
      %dma_wait3A_244 = tpu.memref_slice %arg2[%mul3A_2] : memref<20480xi32, #tpu.memory_space<hbm>> -> memref<640xi32, #tpu.memory_space<hbm>>
      tpu.wait_dma2 semaphore(%run_scoped3A : memref<!tpu.dma_semaphore, #tpu.memory_space<semaphore_mem>>) src(%dma_wait3A_244 : memref<640xi32, #tpu.memory_space<hbm>>) dst(%arg9 : memref<640xi32, #tpu.memory_space<vmem>>)
      tpu.yield
    }) : () -> ()
    "tpu.region"() ({
      %run_scoped3A = tpu.sem_alloc : memref<!tpu.dma_semaphore, #tpu.memory_space<semaphore_mem>>
      %dma_start3A_241 = tpu.memref_slice %arg3[%mul3A_2] : memref<20480xi32, #tpu.memory_space<hbm>> -> memref<640xi32, #tpu.memory_space<hbm>>
      %dma_start3A_242 = tpu.memref_slice %arg3[%mul3A_2] : memref<20480xi32, #tpu.memory_space<hbm>> -> memref<640xi32, #tpu.memory_space<hbm>>
      tpu.enqueue_dma source(%dma_start3A_242 : memref<640xi32, #tpu.memory_space<hbm>>) target(%arg10 : memref<640xi32, #tpu.memory_space<vmem>>) target_semaphore(%run_scoped3A : memref<!tpu.dma_semaphore, #tpu.memory_space<semaphore_mem>>)
      %dma_wait3A_243 = tpu.memref_slice %arg3[%mul3A_2] : memref<20480xi32, #tpu.memory_space<hbm>> -> memref<640xi32, #tpu.memory_space<hbm>>
      %dma_wait3A_244 = tpu.memref_slice %arg3[%mul3A_2] : memref<20480xi32, #tpu.memory_space<hbm>> -> memref<640xi32, #tpu.memory_space<hbm>>
      tpu.wait_dma2 semaphore(%run_scoped3A : memref<!tpu.dma_semaphore, #tpu.memory_space<semaphore_mem>>) src(%dma_wait3A_244 : memref<640xi32, #tpu.memory_space<hbm>>) dst(%arg10 : memref<640xi32, #tpu.memory_space<vmem>>)
      tpu.yield
    }) : () -> ()
    "tpu.region"() ({
      %run_scoped3A = tpu.sem_alloc : memref<!tpu.dma_semaphore, #tpu.memory_space<semaphore_mem>>
      %dma_start3A_241 = tpu.memref_slice %arg4[%mul3A_2] : memref<20480xi32, #tpu.memory_space<hbm>> -> memref<640xi32, #tpu.memory_space<hbm>>
      %dma_start3A_242 = tpu.memref_slice %arg4[%mul3A_2] : memref<20480xi32, #tpu.memory_space<hbm>> -> memref<640xi32, #tpu.memory_space<hbm>>
      tpu.enqueue_dma source(%dma_start3A_242 : memref<640xi32, #tpu.memory_space<hbm>>) target(%arg11 : memref<640xi32, #tpu.memory_space<vmem>>) target_semaphore(%run_scoped3A : memref<!tpu.dma_semaphore, #tpu.memory_space<semaphore_mem>>)
      %dma_wait3A_243 = tpu.memref_slice %arg4[%mul3A_2] : memref<20480xi32, #tpu.memory_space<hbm>> -> memref<640xi32, #tpu.memory_space<hbm>>
      %dma_wait3A_244 = tpu.memref_slice %arg4[%mul3A_2] : memref<20480xi32, #tpu.memory_space<hbm>> -> memref<640xi32, #tpu.memory_space<hbm>>
      tpu.wait_dma2 semaphore(%run_scoped3A : memref<!tpu.dma_semaphore, #tpu.memory_space<semaphore_mem>>) src(%dma_wait3A_244 : memref<640xi32, #tpu.memory_space<hbm>>) dst(%arg11 : memref<640xi32, #tpu.memory_space<vmem>>)
      tpu.yield
    }) : () -> ()
    %dma_start3A = arith.constant 0 : i32
    %dma_start3A_3 = arith.constant 0 : i32
    %dma_start3A_4 = tpu.memref_slice %arg12[%dma_start3A, %dma_start3A_3] : memref<640x64xf32, #tpu.memory_space<vmem>> -> memref<128x64xf32, #tpu.memory_space<vmem>>
    %dma_start3A_5 = arith.constant 0 : i32
    %dma_start3A_6 = tpu.memref_slice %arg9[%dma_start3A_5] : memref<640xi32, #tpu.memory_space<vmem>> -> memref<128xi32, #tpu.memory_space<vmem>>
    %dma_start3A_7 = arith.constant 0 : i32
    %dma_start3A_8 = arith.constant 0 : i32
    %dma_start3A_9 = tpu.memref_slice %arg5[%dma_start3A_7, %dma_start3A_8] : memref<100000x64xf32, #tpu.memory_space<hbm>> -> memref<100000x64xf32, #tpu.memory_space<hbm>>
    tpu.enqueue_indirect_dma source(%dma_start3A_9 : memref<100000x64xf32, #tpu.memory_space<hbm>>) target(%dma_start3A_4 : memref<128x64xf32, #tpu.memory_space<vmem>>) offsets(%dma_start3A_6 : memref<128xi32, #tpu.memory_space<vmem>>) semaphore(%arg15 : memref<!tpu.dma_semaphore, #tpu.memory_space<semaphore_mem>>)
    %dma_start3A_10 = arith.constant 0 : i32
    %dma_start3A_11 = arith.constant 0 : i32
    %dma_start3A_12 = tpu.memref_slice %arg13[%dma_start3A_10, %dma_start3A_11] : memref<640x32xf32, #tpu.memory_space<vmem>> -> memref<128x32xf32, #tpu.memory_space<vmem>>
    %dma_start3A_13 = arith.constant 0 : i32
    %dma_start3A_14 = tpu.memref_slice %arg10[%dma_start3A_13] : memref<640xi32, #tpu.memory_space<vmem>> -> memref<128xi32, #tpu.memory_space<vmem>>
    %dma_start3A_15 = arith.constant 0 : i32
    %dma_start3A_16 = arith.constant 0 : i32
    %dma_start3A_17 = tpu.memref_slice %arg6[%dma_start3A_15, %dma_start3A_16] : memref<1000x32xf32, #tpu.memory_space<hbm>> -> memref<1000x32xf32, #tpu.memory_space<hbm>>
    tpu.enqueue_indirect_dma source(%dma_start3A_17 : memref<1000x32xf32, #tpu.memory_space<hbm>>) target(%dma_start3A_12 : memref<128x32xf32, #tpu.memory_space<vmem>>) offsets(%dma_start3A_14 : memref<128xi32, #tpu.memory_space<vmem>>) semaphore(%arg15 : memref<!tpu.dma_semaphore, #tpu.memory_space<semaphore_mem>>)
    %dma_start3A_18 = arith.constant 0 : i32
    %dma_start3A_19 = arith.constant 0 : i32
    %dma_start3A_20 = tpu.memref_slice %arg14[%dma_start3A_18, %dma_start3A_19] : memref<640x32xf32, #tpu.memory_space<vmem>> -> memref<128x32xf32, #tpu.memory_space<vmem>>
    %dma_start3A_21 = arith.constant 0 : i32
    %dma_start3A_22 = tpu.memref_slice %arg11[%dma_start3A_21] : memref<640xi32, #tpu.memory_space<vmem>> -> memref<128xi32, #tpu.memory_space<vmem>>
    %dma_start3A_23 = arith.constant 0 : i32
    %dma_start3A_24 = arith.constant 0 : i32
    %dma_start3A_25 = tpu.memref_slice %arg7[%dma_start3A_23, %dma_start3A_24] : memref<5000x32xf32, #tpu.memory_space<hbm>> -> memref<5000x32xf32, #tpu.memory_space<hbm>>
    tpu.enqueue_indirect_dma source(%dma_start3A_25 : memref<5000x32xf32, #tpu.memory_space<hbm>>) target(%dma_start3A_20 : memref<128x32xf32, #tpu.memory_space<vmem>>) offsets(%dma_start3A_22 : memref<128xi32, #tpu.memory_space<vmem>>) semaphore(%arg15 : memref<!tpu.dma_semaphore, #tpu.memory_space<semaphore_mem>>)
    %dma_start3A_26 = arith.constant 128 : i32
    %dma_start3A_27 = arith.constant 0 : i32
    %dma_start3A_28 = tpu.memref_slice %arg12[%dma_start3A_26, %dma_start3A_27] : memref<640x64xf32, #tpu.memory_space<vmem>> -> memref<128x64xf32, #tpu.memory_space<vmem>>
    %dma_start3A_29 = arith.constant 128 : i32
    %dma_start3A_30 = tpu.memref_slice %arg9[%dma_start3A_29] : memref<640xi32, #tpu.memory_space<vmem>> -> memref<128xi32, #tpu.memory_space<vmem>>
    %dma_start3A_31 = arith.constant 0 : i32
    %dma_start3A_32 = arith.constant 0 : i32
    %dma_start3A_33 = tpu.memref_slice %arg5[%dma_start3A_31, %dma_start3A_32] : memref<100000x64xf32, #tpu.memory_space<hbm>> -> memref<100000x64xf32, #tpu.memory_space<hbm>>
    tpu.enqueue_indirect_dma source(%dma_start3A_33 : memref<100000x64xf32, #tpu.memory_space<hbm>>) target(%dma_start3A_28 : memref<128x64xf32, #tpu.memory_space<vmem>>) offsets(%dma_start3A_30 : memref<128xi32, #tpu.memory_space<vmem>>) semaphore(%arg15 : memref<!tpu.dma_semaphore, #tpu.memory_space<semaphore_mem>>)
    %dma_start3A_34 = arith.constant 128 : i32
    %dma_start3A_35 = arith.constant 0 : i32
    %dma_start3A_36 = tpu.memref_slice %arg13[%dma_start3A_34, %dma_start3A_35] : memref<640x32xf32, #tpu.memory_space<vmem>> -> memref<128x32xf32, #tpu.memory_space<vmem>>
    %dma_start3A_37 = arith.constant 128 : i32
    %dma_start3A_38 = tpu.memref_slice %arg10[%dma_start3A_37] : memref<640xi32, #tpu.memory_space<vmem>> -> memref<128xi32, #tpu.memory_space<vmem>>
    %dma_start3A_39 = arith.constant 0 : i32
    %dma_start3A_40 = arith.constant 0 : i32
    %dma_start3A_41 = tpu.memref_slice %arg6[%dma_start3A_39, %dma_start3A_40] : memref<1000x32xf32, #tpu.memory_space<hbm>> -> memref<1000x32xf32, #tpu.memory_space<hbm>>
    tpu.enqueue_indirect_dma source(%dma_start3A_41 : memref<1000x32xf32, #tpu.memory_space<hbm>>) target(%dma_start3A_36 : memref<128x32xf32, #tpu.memory_space<vmem>>) offsets(%dma_start3A_38 : memref<128xi32, #tpu.memory_space<vmem>>) semaphore(%arg15 : memref<!tpu.dma_semaphore, #tpu.memory_space<semaphore_mem>>)
    %dma_start3A_42 = arith.constant 128 : i32
    %dma_start3A_43 = arith.constant 0 : i32
    %dma_start3A_44 = tpu.memref_slice %arg14[%dma_start3A_42, %dma_start3A_43] : memref<640x32xf32, #tpu.memory_space<vmem>> -> memref<128x32xf32, #tpu.memory_space<vmem>>
    %dma_start3A_45 = arith.constant 128 : i32
    %dma_start3A_46 = tpu.memref_slice %arg11[%dma_start3A_45] : memref<640xi32, #tpu.memory_space<vmem>> -> memref<128xi32, #tpu.memory_space<vmem>>
    %dma_start3A_47 = arith.constant 0 : i32
    %dma_start3A_48 = arith.constant 0 : i32
    %dma_start3A_49 = tpu.memref_slice %arg7[%dma_start3A_47, %dma_start3A_48] : memref<5000x32xf32, #tpu.memory_space<hbm>> -> memref<5000x32xf32, #tpu.memory_space<hbm>>
    tpu.enqueue_indirect_dma source(%dma_start3A_49 : memref<5000x32xf32, #tpu.memory_space<hbm>>) target(%dma_start3A_44 : memref<128x32xf32, #tpu.memory_space<vmem>>) offsets(%dma_start3A_46 : memref<128xi32, #tpu.memory_space<vmem>>) semaphore(%arg15 : memref<!tpu.dma_semaphore, #tpu.memory_space<semaphore_mem>>)
    %dma_start3A_50 = arith.constant 256 : i32
    %dma_start3A_51 = arith.constant 0 : i32
    %dma_start3A_52 = tpu.memref_slice %arg12[%dma_start3A_50, %dma_start3A_51] : memref<640x64xf32, #tpu.memory_space<vmem>> -> memref<128x64xf32, #tpu.memory_space<vmem>>
    %dma_start3A_53 = arith.constant 256 : i32
    %dma_start3A_54 = tpu.memref_slice %arg9[%dma_start3A_53] : memref<640xi32, #tpu.memory_space<vmem>> -> memref<128xi32, #tpu.memory_space<vmem>>
    %dma_start3A_55 = arith.constant 0 : i32
    %dma_start3A_56 = arith.constant 0 : i32
    %dma_start3A_57 = tpu.memref_slice %arg5[%dma_start3A_55, %dma_start3A_56] : memref<100000x64xf32, #tpu.memory_space<hbm>> -> memref<100000x64xf32, #tpu.memory_space<hbm>>
    tpu.enqueue_indirect_dma source(%dma_start3A_57 : memref<100000x64xf32, #tpu.memory_space<hbm>>) target(%dma_start3A_52 : memref<128x64xf32, #tpu.memory_space<vmem>>) offsets(%dma_start3A_54 : memref<128xi32, #tpu.memory_space<vmem>>) semaphore(%arg15 : memref<!tpu.dma_semaphore, #tpu.memory_space<semaphore_mem>>)
    %dma_start3A_58 = arith.constant 256 : i32
    %dma_start3A_59 = arith.constant 0 : i32
    %dma_start3A_60 = tpu.memref_slice %arg13[%dma_start3A_58, %dma_start3A_59] : memref<640x32xf32, #tpu.memory_space<vmem>> -> memref<128x32xf32, #tpu.memory_space<vmem>>
    %dma_start3A_61 = arith.constant 256 : i32
    %dma_start3A_62 = tpu.memref_slice %arg10[%dma_start3A_61] : memref<640xi32, #tpu.memory_space<vmem>> -> memref<128xi32, #tpu.memory_space<vmem>>
    %dma_start3A_63 = arith.constant 0 : i32
    %dma_start3A_64 = arith.constant 0 : i32
    %dma_start3A_65 = tpu.memref_slice %arg6[%dma_start3A_63, %dma_start3A_64] : memref<1000x32xf32, #tpu.memory_space<hbm>> -> memref<1000x32xf32, #tpu.memory_space<hbm>>
    tpu.enqueue_indirect_dma source(%dma_start3A_65 : memref<1000x32xf32, #tpu.memory_space<hbm>>) target(%dma_start3A_60 : memref<128x32xf32, #tpu.memory_space<vmem>>) offsets(%dma_start3A_62 : memref<128xi32, #tpu.memory_space<vmem>>) semaphore(%arg15 : memref<!tpu.dma_semaphore, #tpu.memory_space<semaphore_mem>>)
    %dma_start3A_66 = arith.constant 256 : i32
    %dma_start3A_67 = arith.constant 0 : i32
    %dma_start3A_68 = tpu.memref_slice %arg14[%dma_start3A_66, %dma_start3A_67] : memref<640x32xf32, #tpu.memory_space<vmem>> -> memref<128x32xf32, #tpu.memory_space<vmem>>
    %dma_start3A_69 = arith.constant 256 : i32
    %dma_start3A_70 = tpu.memref_slice %arg11[%dma_start3A_69] : memref<640xi32, #tpu.memory_space<vmem>> -> memref<128xi32, #tpu.memory_space<vmem>>
    %dma_start3A_71 = arith.constant 0 : i32
    %dma_start3A_72 = arith.constant 0 : i32
    %dma_start3A_73 = tpu.memref_slice %arg7[%dma_start3A_71, %dma_start3A_72] : memref<5000x32xf32, #tpu.memory_space<hbm>> -> memref<5000x32xf32, #tpu.memory_space<hbm>>
    tpu.enqueue_indirect_dma source(%dma_start3A_73 : memref<5000x32xf32, #tpu.memory_space<hbm>>) target(%dma_start3A_68 : memref<128x32xf32, #tpu.memory_space<vmem>>) offsets(%dma_start3A_70 : memref<128xi32, #tpu.memory_space<vmem>>) semaphore(%arg15 : memref<!tpu.dma_semaphore, #tpu.memory_space<semaphore_mem>>)
    %dma_start3A_74 = arith.constant 384 : i32
    %dma_start3A_75 = arith.constant 0 : i32
    %dma_start3A_76 = tpu.memref_slice %arg12[%dma_start3A_74, %dma_start3A_75] : memref<640x64xf32, #tpu.memory_space<vmem>> -> memref<128x64xf32, #tpu.memory_space<vmem>>
    %dma_start3A_77 = arith.constant 384 : i32
    %dma_start3A_78 = tpu.memref_slice %arg9[%dma_start3A_77] : memref<640xi32, #tpu.memory_space<vmem>> -> memref<128xi32, #tpu.memory_space<vmem>>
    %dma_start3A_79 = arith.constant 0 : i32
    %dma_start3A_80 = arith.constant 0 : i32
    %dma_start3A_81 = tpu.memref_slice %arg5[%dma_start3A_79, %dma_start3A_80] : memref<100000x64xf32, #tpu.memory_space<hbm>> -> memref<100000x64xf32, #tpu.memory_space<hbm>>
    tpu.enqueue_indirect_dma source(%dma_start3A_81 : memref<100000x64xf32, #tpu.memory_space<hbm>>) target(%dma_start3A_76 : memref<128x64xf32, #tpu.memory_space<vmem>>) offsets(%dma_start3A_78 : memref<128xi32, #tpu.memory_space<vmem>>) semaphore(%arg15 : memref<!tpu.dma_semaphore, #tpu.memory_space<semaphore_mem>>)
    %dma_start3A_82 = arith.constant 384 : i32
    %dma_start3A_83 = arith.constant 0 : i32
    %dma_start3A_84 = tpu.memref_slice %arg13[%dma_start3A_82, %dma_start3A_83] : memref<640x32xf32, #tpu.memory_space<vmem>> -> memref<128x32xf32, #tpu.memory_space<vmem>>
    %dma_start3A_85 = arith.constant 384 : i32
    %dma_start3A_86 = tpu.memref_slice %arg10[%dma_start3A_85] : memref<640xi32, #tpu.memory_space<vmem>> -> memref<128xi32, #tpu.memory_space<vmem>>
    %dma_start3A_87 = arith.constant 0 : i32
    %dma_start3A_88 = arith.constant 0 : i32
    %dma_start3A_89 = tpu.memref_slice %arg6[%dma_start3A_87, %dma_start3A_88] : memref<1000x32xf32, #tpu.memory_space<hbm>> -> memref<1000x32xf32, #tpu.memory_space<hbm>>
    tpu.enqueue_indirect_dma source(%dma_start3A_89 : memref<1000x32xf32, #tpu.memory_space<hbm>>) target(%dma_start3A_84 : memref<128x32xf32, #tpu.memory_space<vmem>>) offsets(%dma_start3A_86 : memref<128xi32, #tpu.memory_space<vmem>>) semaphore(%arg15 : memref<!tpu.dma_semaphore, #tpu.memory_space<semaphore_mem>>)
    %dma_start3A_90 = arith.constant 384 : i32
    %dma_start3A_91 = arith.constant 0 : i32
    %dma_start3A_92 = tpu.memref_slice %arg14[%dma_start3A_90, %dma_start3A_91] : memref<640x32xf32, #tpu.memory_space<vmem>> -> memref<128x32xf32, #tpu.memory_space<vmem>>
    %dma_start3A_93 = arith.constant 384 : i32
    %dma_start3A_94 = tpu.memref_slice %arg11[%dma_start3A_93] : memref<640xi32, #tpu.memory_space<vmem>> -> memref<128xi32, #tpu.memory_space<vmem>>
    %dma_start3A_95 = arith.constant 0 : i32
    %dma_start3A_96 = arith.constant 0 : i32
    %dma_start3A_97 = tpu.memref_slice %arg7[%dma_start3A_95, %dma_start3A_96] : memref<5000x32xf32, #tpu.memory_space<hbm>> -> memref<5000x32xf32, #tpu.memory_space<hbm>>
    tpu.enqueue_indirect_dma source(%dma_start3A_97 : memref<5000x32xf32, #tpu.memory_space<hbm>>) target(%dma_start3A_92 : memref<128x32xf32, #tpu.memory_space<vmem>>) offsets(%dma_start3A_94 : memref<128xi32, #tpu.memory_space<vmem>>) semaphore(%arg15 : memref<!tpu.dma_semaphore, #tpu.memory_space<semaphore_mem>>)
    %dma_start3A_98 = arith.constant 512 : i32
    %dma_start3A_99 = arith.constant 0 : i32
    %dma_start3A_100 = tpu.memref_slice %arg12[%dma_start3A_98, %dma_start3A_99] : memref<640x64xf32, #tpu.memory_space<vmem>> -> memref<128x64xf32, #tpu.memory_space<vmem>>
    %dma_start3A_101 = arith.constant 512 : i32
    %dma_start3A_102 = tpu.memref_slice %arg9[%dma_start3A_101] : memref<640xi32, #tpu.memory_space<vmem>> -> memref<128xi32, #tpu.memory_space<vmem>>
    %dma_start3A_103 = arith.constant 0 : i32
    %dma_start3A_104 = arith.constant 0 : i32
    %dma_start3A_105 = tpu.memref_slice %arg5[%dma_start3A_103, %dma_start3A_104] : memref<100000x64xf32, #tpu.memory_space<hbm>> -> memref<100000x64xf32, #tpu.memory_space<hbm>>
    tpu.enqueue_indirect_dma source(%dma_start3A_105 : memref<100000x64xf32, #tpu.memory_space<hbm>>) target(%dma_start3A_100 : memref<128x64xf32, #tpu.memory_space<vmem>>) offsets(%dma_start3A_102 : memref<128xi32, #tpu.memory_space<vmem>>) semaphore(%arg15 : memref<!tpu.dma_semaphore, #tpu.memory_space<semaphore_mem>>)
    %dma_start3A_106 = arith.constant 512 : i32
    %dma_start3A_107 = arith.constant 0 : i32
    %dma_start3A_108 = tpu.memref_slice %arg13[%dma_start3A_106, %dma_start3A_107] : memref<640x32xf32, #tpu.memory_space<vmem>> -> memref<128x32xf32, #tpu.memory_space<vmem>>
    %dma_start3A_109 = arith.constant 512 : i32
    %dma_start3A_110 = tpu.memref_slice %arg10[%dma_start3A_109] : memref<640xi32, #tpu.memory_space<vmem>> -> memref<128xi32, #tpu.memory_space<vmem>>
    %dma_start3A_111 = arith.constant 0 : i32
    %dma_start3A_112 = arith.constant 0 : i32
    %dma_start3A_113 = tpu.memref_slice %arg6[%dma_start3A_111, %dma_start3A_112] : memref<1000x32xf32, #tpu.memory_space<hbm>> -> memref<1000x32xf32, #tpu.memory_space<hbm>>
    tpu.enqueue_indirect_dma source(%dma_start3A_113 : memref<1000x32xf32, #tpu.memory_space<hbm>>) target(%dma_start3A_108 : memref<128x32xf32, #tpu.memory_space<vmem>>) offsets(%dma_start3A_110 : memref<128xi32, #tpu.memory_space<vmem>>) semaphore(%arg15 : memref<!tpu.dma_semaphore, #tpu.memory_space<semaphore_mem>>)
    %dma_start3A_114 = arith.constant 512 : i32
    %dma_start3A_115 = arith.constant 0 : i32
    %dma_start3A_116 = tpu.memref_slice %arg14[%dma_start3A_114, %dma_start3A_115] : memref<640x32xf32, #tpu.memory_space<vmem>> -> memref<128x32xf32, #tpu.memory_space<vmem>>
    %dma_start3A_117 = arith.constant 512 : i32
    %dma_start3A_118 = tpu.memref_slice %arg11[%dma_start3A_117] : memref<640xi32, #tpu.memory_space<vmem>> -> memref<128xi32, #tpu.memory_space<vmem>>
    %dma_start3A_119 = arith.constant 0 : i32
    %dma_start3A_120 = arith.constant 0 : i32
    %dma_start3A_121 = tpu.memref_slice %arg7[%dma_start3A_119, %dma_start3A_120] : memref<5000x32xf32, #tpu.memory_space<hbm>> -> memref<5000x32xf32, #tpu.memory_space<hbm>>
    tpu.enqueue_indirect_dma source(%dma_start3A_121 : memref<5000x32xf32, #tpu.memory_space<hbm>>) target(%dma_start3A_116 : memref<128x32xf32, #tpu.memory_space<vmem>>) offsets(%dma_start3A_118 : memref<128xi32, #tpu.memory_space<vmem>>) semaphore(%arg15 : memref<!tpu.dma_semaphore, #tpu.memory_space<semaphore_mem>>)
    %dma_wait3A = arith.constant 0 : i32
    %dma_wait3A_122 = arith.constant 0 : i32
    %dma_wait3A_123 = tpu.memref_slice %arg12[%dma_wait3A, %dma_wait3A_122] : memref<640x64xf32, #tpu.memory_space<vmem>> -> memref<128x64xf32, #tpu.memory_space<vmem>>
    %dma_wait3A_124 = arith.constant 0 : i32
    %dma_wait3A_125 = tpu.memref_slice %arg9[%dma_wait3A_124] : memref<640xi32, #tpu.memory_space<vmem>> -> memref<128xi32, #tpu.memory_space<vmem>>
    %dma_wait3A_126 = arith.constant 0 : i32
    %dma_wait3A_127 = arith.constant 0 : i32
    %dma_wait3A_128 = tpu.memref_slice %arg5[%dma_wait3A_126, %dma_wait3A_127] : memref<100000x64xf32, #tpu.memory_space<hbm>> -> memref<100000x64xf32, #tpu.memory_space<hbm>>
    tpu.wait_indirect_dma semaphore(%arg15 : memref<!tpu.dma_semaphore, #tpu.memory_space<semaphore_mem>>) src(%dma_wait3A_128 : memref<100000x64xf32, #tpu.memory_space<hbm>>) dst(%dma_wait3A_123 : memref<128x64xf32, #tpu.memory_space<vmem>>)
    %dma_wait3A_129 = arith.constant 0 : i32
    %dma_wait3A_130 = arith.constant 0 : i32
    %dma_wait3A_131 = tpu.memref_slice %arg13[%dma_wait3A_129, %dma_wait3A_130] : memref<640x32xf32, #tpu.memory_space<vmem>> -> memref<128x32xf32, #tpu.memory_space<vmem>>
    %dma_wait3A_132 = arith.constant 0 : i32
    %dma_wait3A_133 = tpu.memref_slice %arg10[%dma_wait3A_132] : memref<640xi32, #tpu.memory_space<vmem>> -> memref<128xi32, #tpu.memory_space<vmem>>
    %dma_wait3A_134 = arith.constant 0 : i32
    %dma_wait3A_135 = arith.constant 0 : i32
    %dma_wait3A_136 = tpu.memref_slice %arg6[%dma_wait3A_134, %dma_wait3A_135] : memref<1000x32xf32, #tpu.memory_space<hbm>> -> memref<1000x32xf32, #tpu.memory_space<hbm>>
    tpu.wait_indirect_dma semaphore(%arg15 : memref<!tpu.dma_semaphore, #tpu.memory_space<semaphore_mem>>) src(%dma_wait3A_136 : memref<1000x32xf32, #tpu.memory_space<hbm>>) dst(%dma_wait3A_131 : memref<128x32xf32, #tpu.memory_space<vmem>>)
    %dma_wait3A_137 = arith.constant 0 : i32
    %dma_wait3A_138 = arith.constant 0 : i32
    %dma_wait3A_139 = tpu.memref_slice %arg14[%dma_wait3A_137, %dma_wait3A_138] : memref<640x32xf32, #tpu.memory_space<vmem>> -> memref<128x32xf32, #tpu.memory_space<vmem>>
    %dma_wait3A_140 = arith.constant 0 : i32
    %dma_wait3A_141 = tpu.memref_slice %arg11[%dma_wait3A_140] : memref<640xi32, #tpu.memory_space<vmem>> -> memref<128xi32, #tpu.memory_space<vmem>>
    %dma_wait3A_142 = arith.constant 0 : i32
    %dma_wait3A_143 = arith.constant 0 : i32
    %dma_wait3A_144 = tpu.memref_slice %arg7[%dma_wait3A_142, %dma_wait3A_143] : memref<5000x32xf32, #tpu.memory_space<hbm>> -> memref<5000x32xf32, #tpu.memory_space<hbm>>
    tpu.wait_indirect_dma semaphore(%arg15 : memref<!tpu.dma_semaphore, #tpu.memory_space<semaphore_mem>>) src(%dma_wait3A_144 : memref<5000x32xf32, #tpu.memory_space<hbm>>) dst(%dma_wait3A_139 : memref<128x32xf32, #tpu.memory_space<vmem>>)
    %dma_wait3A_145 = arith.constant 128 : i32
    %dma_wait3A_146 = arith.constant 0 : i32
    %dma_wait3A_147 = tpu.memref_slice %arg12[%dma_wait3A_145, %dma_wait3A_146] : memref<640x64xf32, #tpu.memory_space<vmem>> -> memref<128x64xf32, #tpu.memory_space<vmem>>
    %dma_wait3A_148 = arith.constant 128 : i32
    %dma_wait3A_149 = tpu.memref_slice %arg9[%dma_wait3A_148] : memref<640xi32, #tpu.memory_space<vmem>> -> memref<128xi32, #tpu.memory_space<vmem>>
    %dma_wait3A_150 = arith.constant 0 : i32
    %dma_wait3A_151 = arith.constant 0 : i32
    %dma_wait3A_152 = tpu.memref_slice %arg5[%dma_wait3A_150, %dma_wait3A_151] : memref<100000x64xf32, #tpu.memory_space<hbm>> -> memref<100000x64xf32, #tpu.memory_space<hbm>>
    tpu.wait_indirect_dma semaphore(%arg15 : memref<!tpu.dma_semaphore, #tpu.memory_space<semaphore_mem>>) src(%dma_wait3A_152 : memref<100000x64xf32, #tpu.memory_space<hbm>>) dst(%dma_wait3A_147 : memref<128x64xf32, #tpu.memory_space<vmem>>)
    %dma_wait3A_153 = arith.constant 128 : i32
    %dma_wait3A_154 = arith.constant 0 : i32
    %dma_wait3A_155 = tpu.memref_slice %arg13[%dma_wait3A_153, %dma_wait3A_154] : memref<640x32xf32, #tpu.memory_space<vmem>> -> memref<128x32xf32, #tpu.memory_space<vmem>>
    %dma_wait3A_156 = arith.constant 128 : i32
    %dma_wait3A_157 = tpu.memref_slice %arg10[%dma_wait3A_156] : memref<640xi32, #tpu.memory_space<vmem>> -> memref<128xi32, #tpu.memory_space<vmem>>
    %dma_wait3A_158 = arith.constant 0 : i32
    %dma_wait3A_159 = arith.constant 0 : i32
    %dma_wait3A_160 = tpu.memref_slice %arg6[%dma_wait3A_158, %dma_wait3A_159] : memref<1000x32xf32, #tpu.memory_space<hbm>> -> memref<1000x32xf32, #tpu.memory_space<hbm>>
    tpu.wait_indirect_dma semaphore(%arg15 : memref<!tpu.dma_semaphore, #tpu.memory_space<semaphore_mem>>) src(%dma_wait3A_160 : memref<1000x32xf32, #tpu.memory_space<hbm>>) dst(%dma_wait3A_155 : memref<128x32xf32, #tpu.memory_space<vmem>>)
    %dma_wait3A_161 = arith.constant 128 : i32
    %dma_wait3A_162 = arith.constant 0 : i32
    %dma_wait3A_163 = tpu.memref_slice %arg14[%dma_wait3A_161, %dma_wait3A_162] : memref<640x32xf32, #tpu.memory_space<vmem>> -> memref<128x32xf32, #tpu.memory_space<vmem>>
    %dma_wait3A_164 = arith.constant 128 : i32
    %dma_wait3A_165 = tpu.memref_slice %arg11[%dma_wait3A_164] : memref<640xi32, #tpu.memory_space<vmem>> -> memref<128xi32, #tpu.memory_space<vmem>>
    %dma_wait3A_166 = arith.constant 0 : i32
    %dma_wait3A_167 = arith.constant 0 : i32
    %dma_wait3A_168 = tpu.memref_slice %arg7[%dma_wait3A_166, %dma_wait3A_167] : memref<5000x32xf32, #tpu.memory_space<hbm>> -> memref<5000x32xf32, #tpu.memory_space<hbm>>
    tpu.wait_indirect_dma semaphore(%arg15 : memref<!tpu.dma_semaphore, #tpu.memory_space<semaphore_mem>>) src(%dma_wait3A_168 : memref<5000x32xf32, #tpu.memory_space<hbm>>) dst(%dma_wait3A_163 : memref<128x32xf32, #tpu.memory_space<vmem>>)
    %dma_wait3A_169 = arith.constant 256 : i32
    %dma_wait3A_170 = arith.constant 0 : i32
    %dma_wait3A_171 = tpu.memref_slice %arg12[%dma_wait3A_169, %dma_wait3A_170] : memref<640x64xf32, #tpu.memory_space<vmem>> -> memref<128x64xf32, #tpu.memory_space<vmem>>
    %dma_wait3A_172 = arith.constant 256 : i32
    %dma_wait3A_173 = tpu.memref_slice %arg9[%dma_wait3A_172] : memref<640xi32, #tpu.memory_space<vmem>> -> memref<128xi32, #tpu.memory_space<vmem>>
    %dma_wait3A_174 = arith.constant 0 : i32
    %dma_wait3A_175 = arith.constant 0 : i32
    %dma_wait3A_176 = tpu.memref_slice %arg5[%dma_wait3A_174, %dma_wait3A_175] : memref<100000x64xf32, #tpu.memory_space<hbm>> -> memref<100000x64xf32, #tpu.memory_space<hbm>>
    tpu.wait_indirect_dma semaphore(%arg15 : memref<!tpu.dma_semaphore, #tpu.memory_space<semaphore_mem>>) src(%dma_wait3A_176 : memref<100000x64xf32, #tpu.memory_space<hbm>>) dst(%dma_wait3A_171 : memref<128x64xf32, #tpu.memory_space<vmem>>)
    %dma_wait3A_177 = arith.constant 256 : i32
    %dma_wait3A_178 = arith.constant 0 : i32
    %dma_wait3A_179 = tpu.memref_slice %arg13[%dma_wait3A_177, %dma_wait3A_178] : memref<640x32xf32, #tpu.memory_space<vmem>> -> memref<128x32xf32, #tpu.memory_space<vmem>>
    %dma_wait3A_180 = arith.constant 256 : i32
    %dma_wait3A_181 = tpu.memref_slice %arg10[%dma_wait3A_180] : memref<640xi32, #tpu.memory_space<vmem>> -> memref<128xi32, #tpu.memory_space<vmem>>
    %dma_wait3A_182 = arith.constant 0 : i32
    %dma_wait3A_183 = arith.constant 0 : i32
    %dma_wait3A_184 = tpu.memref_slice %arg6[%dma_wait3A_182, %dma_wait3A_183] : memref<1000x32xf32, #tpu.memory_space<hbm>> -> memref<1000x32xf32, #tpu.memory_space<hbm>>
    tpu.wait_indirect_dma semaphore(%arg15 : memref<!tpu.dma_semaphore, #tpu.memory_space<semaphore_mem>>) src(%dma_wait3A_184 : memref<1000x32xf32, #tpu.memory_space<hbm>>) dst(%dma_wait3A_179 : memref<128x32xf32, #tpu.memory_space<vmem>>)
    %dma_wait3A_185 = arith.constant 256 : i32
    %dma_wait3A_186 = arith.constant 0 : i32
    %dma_wait3A_187 = tpu.memref_slice %arg14[%dma_wait3A_185, %dma_wait3A_186] : memref<640x32xf32, #tpu.memory_space<vmem>> -> memref<128x32xf32, #tpu.memory_space<vmem>>
    %dma_wait3A_188 = arith.constant 256 : i32
    %dma_wait3A_189 = tpu.memref_slice %arg11[%dma_wait3A_188] : memref<640xi32, #tpu.memory_space<vmem>> -> memref<128xi32, #tpu.memory_space<vmem>>
    %dma_wait3A_190 = arith.constant 0 : i32
    %dma_wait3A_191 = arith.constant 0 : i32
    %dma_wait3A_192 = tpu.memref_slice %arg7[%dma_wait3A_190, %dma_wait3A_191] : memref<5000x32xf32, #tpu.memory_space<hbm>> -> memref<5000x32xf32, #tpu.memory_space<hbm>>
    tpu.wait_indirect_dma semaphore(%arg15 : memref<!tpu.dma_semaphore, #tpu.memory_space<semaphore_mem>>) src(%dma_wait3A_192 : memref<5000x32xf32, #tpu.memory_space<hbm>>) dst(%dma_wait3A_187 : memref<128x32xf32, #tpu.memory_space<vmem>>)
    %dma_wait3A_193 = arith.constant 384 : i32
    %dma_wait3A_194 = arith.constant 0 : i32
    %dma_wait3A_195 = tpu.memref_slice %arg12[%dma_wait3A_193, %dma_wait3A_194] : memref<640x64xf32, #tpu.memory_space<vmem>> -> memref<128x64xf32, #tpu.memory_space<vmem>>
    %dma_wait3A_196 = arith.constant 384 : i32
    %dma_wait3A_197 = tpu.memref_slice %arg9[%dma_wait3A_196] : memref<640xi32, #tpu.memory_space<vmem>> -> memref<128xi32, #tpu.memory_space<vmem>>
    %dma_wait3A_198 = arith.constant 0 : i32
    %dma_wait3A_199 = arith.constant 0 : i32
    %dma_wait3A_200 = tpu.memref_slice %arg5[%dma_wait3A_198, %dma_wait3A_199] : memref<100000x64xf32, #tpu.memory_space<hbm>> -> memref<100000x64xf32, #tpu.memory_space<hbm>>
    tpu.wait_indirect_dma semaphore(%arg15 : memref<!tpu.dma_semaphore, #tpu.memory_space<semaphore_mem>>) src(%dma_wait3A_200 : memref<100000x64xf32, #tpu.memory_space<hbm>>) dst(%dma_wait3A_195 : memref<128x64xf32, #tpu.memory_space<vmem>>)
    %dma_wait3A_201 = arith.constant 384 : i32
    %dma_wait3A_202 = arith.constant 0 : i32
    %dma_wait3A_203 = tpu.memref_slice %arg13[%dma_wait3A_201, %dma_wait3A_202] : memref<640x32xf32, #tpu.memory_space<vmem>> -> memref<128x32xf32, #tpu.memory_space<vmem>>
    %dma_wait3A_204 = arith.constant 384 : i32
    %dma_wait3A_205 = tpu.memref_slice %arg10[%dma_wait3A_204] : memref<640xi32, #tpu.memory_space<vmem>> -> memref<128xi32, #tpu.memory_space<vmem>>
    %dma_wait3A_206 = arith.constant 0 : i32
    %dma_wait3A_207 = arith.constant 0 : i32
    %dma_wait3A_208 = tpu.memref_slice %arg6[%dma_wait3A_206, %dma_wait3A_207] : memref<1000x32xf32, #tpu.memory_space<hbm>> -> memref<1000x32xf32, #tpu.memory_space<hbm>>
    tpu.wait_indirect_dma semaphore(%arg15 : memref<!tpu.dma_semaphore, #tpu.memory_space<semaphore_mem>>) src(%dma_wait3A_208 : memref<1000x32xf32, #tpu.memory_space<hbm>>) dst(%dma_wait3A_203 : memref<128x32xf32, #tpu.memory_space<vmem>>)
    %dma_wait3A_209 = arith.constant 384 : i32
    %dma_wait3A_210 = arith.constant 0 : i32
    %dma_wait3A_211 = tpu.memref_slice %arg14[%dma_wait3A_209, %dma_wait3A_210] : memref<640x32xf32, #tpu.memory_space<vmem>> -> memref<128x32xf32, #tpu.memory_space<vmem>>
    %dma_wait3A_212 = arith.constant 384 : i32
    %dma_wait3A_213 = tpu.memref_slice %arg11[%dma_wait3A_212] : memref<640xi32, #tpu.memory_space<vmem>> -> memref<128xi32, #tpu.memory_space<vmem>>
    %dma_wait3A_214 = arith.constant 0 : i32
    %dma_wait3A_215 = arith.constant 0 : i32
    %dma_wait3A_216 = tpu.memref_slice %arg7[%dma_wait3A_214, %dma_wait3A_215] : memref<5000x32xf32, #tpu.memory_space<hbm>> -> memref<5000x32xf32, #tpu.memory_space<hbm>>
    tpu.wait_indirect_dma semaphore(%arg15 : memref<!tpu.dma_semaphore, #tpu.memory_space<semaphore_mem>>) src(%dma_wait3A_216 : memref<5000x32xf32, #tpu.memory_space<hbm>>) dst(%dma_wait3A_211 : memref<128x32xf32, #tpu.memory_space<vmem>>)
    %dma_wait3A_217 = arith.constant 512 : i32
    %dma_wait3A_218 = arith.constant 0 : i32
    %dma_wait3A_219 = tpu.memref_slice %arg12[%dma_wait3A_217, %dma_wait3A_218] : memref<640x64xf32, #tpu.memory_space<vmem>> -> memref<128x64xf32, #tpu.memory_space<vmem>>
    %dma_wait3A_220 = arith.constant 512 : i32
    %dma_wait3A_221 = tpu.memref_slice %arg9[%dma_wait3A_220] : memref<640xi32, #tpu.memory_space<vmem>> -> memref<128xi32, #tpu.memory_space<vmem>>
    %dma_wait3A_222 = arith.constant 0 : i32
    %dma_wait3A_223 = arith.constant 0 : i32
    %dma_wait3A_224 = tpu.memref_slice %arg5[%dma_wait3A_222, %dma_wait3A_223] : memref<100000x64xf32, #tpu.memory_space<hbm>> -> memref<100000x64xf32, #tpu.memory_space<hbm>>
    tpu.wait_indirect_dma semaphore(%arg15 : memref<!tpu.dma_semaphore, #tpu.memory_space<semaphore_mem>>) src(%dma_wait3A_224 : memref<100000x64xf32, #tpu.memory_space<hbm>>) dst(%dma_wait3A_219 : memref<128x64xf32, #tpu.memory_space<vmem>>)
    %dma_wait3A_225 = arith.constant 512 : i32
    %dma_wait3A_226 = arith.constant 0 : i32
    %dma_wait3A_227 = tpu.memref_slice %arg13[%dma_wait3A_225, %dma_wait3A_226] : memref<640x32xf32, #tpu.memory_space<vmem>> -> memref<128x32xf32, #tpu.memory_space<vmem>>
    %dma_wait3A_228 = arith.constant 512 : i32
    %dma_wait3A_229 = tpu.memref_slice %arg10[%dma_wait3A_228] : memref<640xi32, #tpu.memory_space<vmem>> -> memref<128xi32, #tpu.memory_space<vmem>>
    %dma_wait3A_230 = arith.constant 0 : i32
    %dma_wait3A_231 = arith.constant 0 : i32
    %dma_wait3A_232 = tpu.memref_slice %arg6[%dma_wait3A_230, %dma_wait3A_231] : memref<1000x32xf32, #tpu.memory_space<hbm>> -> memref<1000x32xf32, #tpu.memory_space<hbm>>
    tpu.wait_indirect_dma semaphore(%arg15 : memref<!tpu.dma_semaphore, #tpu.memory_space<semaphore_mem>>) src(%dma_wait3A_232 : memref<1000x32xf32, #tpu.memory_space<hbm>>) dst(%dma_wait3A_227 : memref<128x32xf32, #tpu.memory_space<vmem>>)
    %dma_wait3A_233 = arith.constant 512 : i32
    %dma_wait3A_234 = arith.constant 0 : i32
    %dma_wait3A_235 = tpu.memref_slice %arg14[%dma_wait3A_233, %dma_wait3A_234] : memref<640x32xf32, #tpu.memory_space<vmem>> -> memref<128x32xf32, #tpu.memory_space<vmem>>
    %dma_wait3A_236 = arith.constant 512 : i32
    %dma_wait3A_237 = tpu.memref_slice %arg11[%dma_wait3A_236] : memref<640xi32, #tpu.memory_space<vmem>> -> memref<128xi32, #tpu.memory_space<vmem>>
    %dma_wait3A_238 = arith.constant 0 : i32
    %dma_wait3A_239 = arith.constant 0 : i32
    %dma_wait3A_240 = tpu.memref_slice %arg7[%dma_wait3A_238, %dma_wait3A_239] : memref<5000x32xf32, #tpu.memory_space<hbm>> -> memref<5000x32xf32, #tpu.memory_space<hbm>>
    tpu.wait_indirect_dma semaphore(%arg15 : memref<!tpu.dma_semaphore, #tpu.memory_space<semaphore_mem>>) src(%dma_wait3A_240 : memref<5000x32xf32, #tpu.memory_space<hbm>>) dst(%dma_wait3A_235 : memref<128x32xf32, #tpu.memory_space<vmem>>)
    "tpu.region"() ({
      %run_scoped3A = tpu.sem_alloc : memref<!tpu.dma_semaphore, #tpu.memory_space<semaphore_mem>>
      %dma_start3A_241 = arith.constant 0 : i32
      %dma_start3A_242 = tpu.memref_slice %arg8[%mul3A_2, %dma_start3A_241] : memref<20480x128xf32, #tpu.memory_space<hbm>> -> memref<640x64xf32, #tpu.memory_space<hbm>>
      %dma_start3A_243 = arith.constant 0 : i32
      %dma_start3A_244 = tpu.memref_slice %arg8[%mul3A_2, %dma_start3A_243] : memref<20480x128xf32, #tpu.memory_space<hbm>> -> memref<640x64xf32, #tpu.memory_space<hbm>>
      tpu.enqueue_dma source(%arg12 : memref<640x64xf32, #tpu.memory_space<vmem>>) target(%dma_start3A_244 : memref<640x64xf32, #tpu.memory_space<hbm>>) target_semaphore(%run_scoped3A : memref<!tpu.dma_semaphore, #tpu.memory_space<semaphore_mem>>)
      %dma_wait3A_245 = arith.constant 0 : i32
      %dma_wait3A_246 = tpu.memref_slice %arg8[%mul3A_2, %dma_wait3A_245] : memref<20480x128xf32, #tpu.memory_space<hbm>> -> memref<640x64xf32, #tpu.memory_space<hbm>>
      %dma_wait3A_247 = arith.constant 0 : i32
      %dma_wait3A_248 = tpu.memref_slice %arg8[%mul3A_2, %dma_wait3A_247] : memref<20480x128xf32, #tpu.memory_space<hbm>> -> memref<640x64xf32, #tpu.memory_space<hbm>>
      tpu.wait_dma2 semaphore(%run_scoped3A : memref<!tpu.dma_semaphore, #tpu.memory_space<semaphore_mem>>) src(%arg12 : memref<640x64xf32, #tpu.memory_space<vmem>>) dst(%dma_wait3A_248 : memref<640x64xf32, #tpu.memory_space<hbm>>)
      tpu.yield
    }) : () -> ()
    "tpu.region"() ({
      %run_scoped3A = tpu.sem_alloc : memref<!tpu.dma_semaphore, #tpu.memory_space<semaphore_mem>>
      %dma_start3A_241 = arith.constant 64 : i32
      %dma_start3A_242 = tpu.memref_slice %arg8[%mul3A_2, %dma_start3A_241] : memref<20480x128xf32, #tpu.memory_space<hbm>> -> memref<640x32xf32, #tpu.memory_space<hbm>>
      %dma_start3A_243 = arith.constant 64 : i32
      %dma_start3A_244 = tpu.memref_slice %arg8[%mul3A_2, %dma_start3A_243] : memref<20480x128xf32, #tpu.memory_space<hbm>> -> memref<640x32xf32, #tpu.memory_space<hbm>>
      tpu.enqueue_dma source(%arg13 : memref<640x32xf32, #tpu.memory_space<vmem>>) target(%dma_start3A_244 : memref<640x32xf32, #tpu.memory_space<hbm>>) target_semaphore(%run_scoped3A : memref<!tpu.dma_semaphore, #tpu.memory_space<semaphore_mem>>)
      %dma_wait3A_245 = arith.constant 64 : i32
      %dma_wait3A_246 = tpu.memref_slice %arg8[%mul3A_2, %dma_wait3A_245] : memref<20480x128xf32, #tpu.memory_space<hbm>> -> memref<640x32xf32, #tpu.memory_space<hbm>>
      %dma_wait3A_247 = arith.constant 64 : i32
      %dma_wait3A_248 = tpu.memref_slice %arg8[%mul3A_2, %dma_wait3A_247] : memref<20480x128xf32, #tpu.memory_space<hbm>> -> memref<640x32xf32, #tpu.memory_space<hbm>>
      tpu.wait_dma2 semaphore(%run_scoped3A : memref<!tpu.dma_semaphore, #tpu.memory_space<semaphore_mem>>) src(%arg13 : memref<640x32xf32, #tpu.memory_space<vmem>>) dst(%dma_wait3A_248 : memref<640x32xf32, #tpu.memory_space<hbm>>)
      tpu.yield
    }) : () -> ()
    "tpu.region"() ({
      %run_scoped3A = tpu.sem_alloc : memref<!tpu.dma_semaphore, #tpu.memory_space<semaphore_mem>>
      %dma_start3A_241 = arith.constant 96 : i32
      %dma_start3A_242 = tpu.memref_slice %arg8[%mul3A_2, %dma_start3A_241] : memref<20480x128xf32, #tpu.memory_space<hbm>> -> memref<640x32xf32, #tpu.memory_space<hbm>>
      %dma_start3A_243 = arith.constant 96 : i32
      %dma_start3A_244 = tpu.memref_slice %arg8[%mul3A_2, %dma_start3A_243] : memref<20480x128xf32, #tpu.memory_space<hbm>> -> memref<640x32xf32, #tpu.memory_space<hbm>>
      tpu.enqueue_dma source(%arg14 : memref<640x32xf32, #tpu.memory_space<vmem>>) target(%dma_start3A_244 : memref<640x32xf32, #tpu.memory_space<hbm>>) target_semaphore(%run_scoped3A : memref<!tpu.dma_semaphore, #tpu.memory_space<semaphore_mem>>)
      %dma_wait3A_245 = arith.constant 96 : i32
      %dma_wait3A_246 = tpu.memref_slice %arg8[%mul3A_2, %dma_wait3A_245] : memref<20480x128xf32, #tpu.memory_space<hbm>> -> memref<640x32xf32, #tpu.memory_space<hbm>>
      %dma_wait3A_247 = arith.constant 96 : i32
      %dma_wait3A_248 = tpu.memref_slice %arg8[%mul3A_2, %dma_wait3A_247] : memref<20480x128xf32, #tpu.memory_space<hbm>> -> memref<640x32xf32, #tpu.memory_space<hbm>>
      tpu.wait_dma2 semaphore(%run_scoped3A : memref<!tpu.dma_semaphore, #tpu.memory_space<semaphore_mem>>) src(%arg14 : memref<640x32xf32, #tpu.memory_space<vmem>>) dst(%dma_wait3A_248 : memref<640x32xf32, #tpu.memory_space<hbm>>)
      tpu.yield
    }) : () -> ()
    return
  }
}

#map = affine_map<(d0, d1) -> (0)>
#map1 = affine_map<(d0, d1) -> (0, 0)>
module attributes {stable_mosaic.version = 14 : i64} {
  func.func @k(%arg0: i32, %arg1: i32, %arg2: memref<20480xi32, #tpu.memory_space<hbm>>, %arg3: memref<20480xi32, #tpu.memory_space<hbm>>, %arg4: memref<20480xi32, #tpu.memory_space<hbm>>, %arg5: memref<100000x64xf32, #tpu.memory_space<hbm>>, %arg6: memref<1000x32xf32, #tpu.memory_space<hbm>>, %arg7: memref<5000x32xf32, #tpu.memory_space<hbm>>, %arg8: memref<20480x128xf32, #tpu.memory_space<hbm>>, %arg9: memref<640xi32, #tpu.memory_space<vmem>>, %arg10: memref<640xi32, #tpu.memory_space<vmem>>, %arg11: memref<640xi32, #tpu.memory_space<vmem>>, %arg12: memref<640x64xf32, #tpu.memory_space<vmem>>, %arg13: memref<640x32xf32, #tpu.memory_space<vmem>>, %arg14: memref<640x32xf32, #tpu.memory_space<vmem>>, %arg15: memref<!tpu.dma_semaphore, #tpu.memory_space<semaphore_mem>>) attributes {dimension_semantics = [#tpu.dimension_semantics<core_parallel>, #tpu.dimension_semantics<subcore_parallel>], iteration_bounds = array<i64: 2, 16>, scalar_prefetch = 0 : i64, scratch_operands = 7 : i64, tpu.core_type = #tpu.core_type<sc_vector_subcore>, window_params = [{transform_indices = #map}, {transform_indices = #map}, {transform_indices = #map}, {transform_indices = #map1}, {transform_indices = #map1}, {transform_indices = #map1}, {transform_indices = #map1}]} {
    %mul3A = arith.constant 2 : i32
    %mul3A_0 = arith.muli %arg1, %mul3A : i32
    %add3A = arith.addi %mul3A_0, %arg0 : i32
    %mul3A_1 = arith.constant 640 : i32
    %mul3A_2 = arith.muli %add3A, %mul3A_1 : i32
    "tpu.region"() ({
      %run_scoped3A = tpu.sem_alloc : memref<!tpu.dma_semaphore, #tpu.memory_space<semaphore_mem>>
      %dma_start3A_241 = tpu.memref_slice %arg2[%mul3A_2] : memref<20480xi32, #tpu.memory_space<hbm>> -> memref<640xi32, #tpu.memory_space<hbm>>
      %dma_start3A_242 = tpu.memref_slice %arg2[%mul3A_2] : memref<20480xi32, #tpu.memory_space<hbm>> -> memref<640xi32, #tpu.memory_space<hbm>>
      tpu.enqueue_dma source(%dma_start3A_242 : memref<640xi32, #tpu.memory_space<hbm>>) target(%arg9 : memref<640xi32, #tpu.memory_space<vmem>>) target_semaphore(%run_scoped3A : memref<!tpu.dma_semaphore, #tpu.memory_space<semaphore_mem>>)
      %dma_wait3A_243 = tpu.memref_slice %arg2[%mul3A_2] : memref<20480xi32, #tpu.memory_space<hbm>> -> memref<640xi32, #tpu.memory_space<hbm>>
      %dma_wait3A_244 = tpu.memref_slice %arg2[%mul3A_2] : memref<20480xi32, #tpu.memory_space<hbm>> -> memref<640xi32, #tpu.memory_space<hbm>>
      tpu.wait_dma2 semaphore(%run_scoped3A : memref<!tpu.dma_semaphore, #tpu.memory_space<semaphore_mem>>) src(%dma_wait3A_244 : memref<640xi32, #tpu.memory_space<hbm>>) dst(%arg9 : memref<640xi32, #tpu.memory_space<vmem>>)
      tpu.yield
    }) : () -> ()
    "tpu.region"() ({
      %run_scoped3A = tpu.sem_alloc : memref<!tpu.dma_semaphore, #tpu.memory_space<semaphore_mem>>
      %dma_start3A_241 = tpu.memref_slice %arg3[%mul3A_2] : memref<20480xi32, #tpu.memory_space<hbm>> -> memref<640xi32, #tpu.memory_space<hbm>>
      %dma_start3A_242 = tpu.memref_slice %arg3[%mul3A_2] : memref<20480xi32, #tpu.memory_space<hbm>> -> memref<640xi32, #tpu.memory_space<hbm>>
      tpu.enqueue_dma source(%dma_start3A_242 : memref<640xi32, #tpu.memory_space<hbm>>) target(%arg10 : memref<640xi32, #tpu.memory_space<vmem>>) target_semaphore(%run_scoped3A : memref<!tpu.dma_semaphore, #tpu.memory_space<semaphore_mem>>)
      %dma_wait3A_243 = tpu.memref_slice %arg3[%mul3A_2] : memref<20480xi32, #tpu.memory_space<hbm>> -> memref<640xi32, #tpu.memory_space<hbm>>
      %dma_wait3A_244 = tpu.memref_slice %arg3[%mul3A_2] : memref<20480xi32, #tpu.memory_space<hbm>> -> memref<640xi32, #tpu.memory_space<hbm>>
      tpu.wait_dma2 semaphore(%run_scoped3A : memref<!tpu.dma_semaphore, #tpu.memory_space<semaphore_mem>>) src(%dma_wait3A_244 : memref<640xi32, #tpu.memory_space<hbm>>) dst(%arg10 : memref<640xi32, #tpu.memory_space<vmem>>)
      tpu.yield
    }) : () -> ()
    "tpu.region"() ({
      %run_scoped3A = tpu.sem_alloc : memref<!tpu.dma_semaphore, #tpu.memory_space<semaphore_mem>>
      %dma_start3A_241 = tpu.memref_slice %arg4[%mul3A_2] : memref<20480xi32, #tpu.memory_space<hbm>> -> memref<640xi32, #tpu.memory_space<hbm>>
      %dma_start3A_242 = tpu.memref_slice %arg4[%mul3A_2] : memref<20480xi32, #tpu.memory_space<hbm>> -> memref<640xi32, #tpu.memory_space<hbm>>
      tpu.enqueue_dma source(%dma_start3A_242 : memref<640xi32, #tpu.memory_space<hbm>>) target(%arg11 : memref<640xi32, #tpu.memory_space<vmem>>) target_semaphore(%run_scoped3A : memref<!tpu.dma_semaphore, #tpu.memory_space<semaphore_mem>>)
      %dma_wait3A_243 = tpu.memref_slice %arg4[%mul3A_2] : memref<20480xi32, #tpu.memory_space<hbm>> -> memref<640xi32, #tpu.memory_space<hbm>>
      %dma_wait3A_244 = tpu.memref_slice %arg4[%mul3A_2] : memref<20480xi32, #tpu.memory_space<hbm>> -> memref<640xi32, #tpu.memory_space<hbm>>
      tpu.wait_dma2 semaphore(%run_scoped3A : memref<!tpu.dma_semaphore, #tpu.memory_space<semaphore_mem>>) src(%dma_wait3A_244 : memref<640xi32, #tpu.memory_space<hbm>>) dst(%arg11 : memref<640xi32, #tpu.memory_space<vmem>>)
      tpu.yield
    }) : () -> ()
    %dma_start3A = arith.constant 0 : i32
    %dma_start3A_3 = arith.constant 0 : i32
    %dma_start3A_4 = tpu.memref_slice %arg12[%dma_start3A, %dma_start3A_3] : memref<640x64xf32, #tpu.memory_space<vmem>> -> memref<128x64xf32, #tpu.memory_space<vmem>>
    %dma_start3A_5 = arith.constant 0 : i32
    %dma_start3A_6 = tpu.memref_slice %arg9[%dma_start3A_5] : memref<640xi32, #tpu.memory_space<vmem>> -> memref<128xi32, #tpu.memory_space<vmem>>
    %dma_start3A_7 = arith.constant 0 : i32
    %dma_start3A_8 = arith.constant 0 : i32
    %dma_start3A_9 = tpu.memref_slice %arg5[%dma_start3A_7, %dma_start3A_8] : memref<100000x64xf32, #tpu.memory_space<hbm>> -> memref<100000x64xf32, #tpu.memory_space<hbm>>
    tpu.enqueue_indirect_dma source(%dma_start3A_9 : memref<100000x64xf32, #tpu.memory_space<hbm>>) target(%dma_start3A_4 : memref<128x64xf32, #tpu.memory_space<vmem>>) offsets(%dma_start3A_6 : memref<128xi32, #tpu.memory_space<vmem>>) semaphore(%arg15 : memref<!tpu.dma_semaphore, #tpu.memory_space<semaphore_mem>>)
    %dma_start3A_10 = arith.constant 0 : i32
    %dma_start3A_11 = arith.constant 0 : i32
    %dma_start3A_12 = tpu.memref_slice %arg13[%dma_start3A_10, %dma_start3A_11] : memref<640x32xf32, #tpu.memory_space<vmem>> -> memref<128x32xf32, #tpu.memory_space<vmem>>
    %dma_start3A_13 = arith.constant 0 : i32
    %dma_start3A_14 = tpu.memref_slice %arg10[%dma_start3A_13] : memref<640xi32, #tpu.memory_space<vmem>> -> memref<128xi32, #tpu.memory_space<vmem>>
    %dma_start3A_15 = arith.constant 0 : i32
    %dma_start3A_16 = arith.constant 0 : i32
    %dma_start3A_17 = tpu.memref_slice %arg6[%dma_start3A_15, %dma_start3A_16] : memref<1000x32xf32, #tpu.memory_space<hbm>> -> memref<1000x32xf32, #tpu.memory_space<hbm>>
    tpu.enqueue_indirect_dma source(%dma_start3A_17 : memref<1000x32xf32, #tpu.memory_space<hbm>>) target(%dma_start3A_12 : memref<128x32xf32, #tpu.memory_space<vmem>>) offsets(%dma_start3A_14 : memref<128xi32, #tpu.memory_space<vmem>>) semaphore(%arg15 : memref<!tpu.dma_semaphore, #tpu.memory_space<semaphore_mem>>)
    %dma_start3A_18 = arith.constant 0 : i32
    %dma_start3A_19 = arith.constant 0 : i32
    %dma_start3A_20 = tpu.memref_slice %arg14[%dma_start3A_18, %dma_start3A_19] : memref<640x32xf32, #tpu.memory_space<vmem>> -> memref<128x32xf32, #tpu.memory_space<vmem>>
    %dma_start3A_21 = arith.constant 0 : i32
    %dma_start3A_22 = tpu.memref_slice %arg11[%dma_start3A_21] : memref<640xi32, #tpu.memory_space<vmem>> -> memref<128xi32, #tpu.memory_space<vmem>>
    %dma_start3A_23 = arith.constant 0 : i32
    %dma_start3A_24 = arith.constant 0 : i32
    %dma_start3A_25 = tpu.memref_slice %arg7[%dma_start3A_23, %dma_start3A_24] : memref<5000x32xf32, #tpu.memory_space<hbm>> -> memref<5000x32xf32, #tpu.memory_space<hbm>>
    tpu.enqueue_indirect_dma source(%dma_start3A_25 : memref<5000x32xf32, #tpu.memory_space<hbm>>) target(%dma_start3A_20 : memref<128x32xf32, #tpu.memory_space<vmem>>) offsets(%dma_start3A_22 : memref<128xi32, #tpu.memory_space<vmem>>) semaphore(%arg15 : memref<!tpu.dma_semaphore, #tpu.memory_space<semaphore_mem>>)
    %dma_start3A_26 = arith.constant 128 : i32
    %dma_start3A_27 = arith.constant 0 : i32
    %dma_start3A_28 = tpu.memref_slice %arg12[%dma_start3A_26, %dma_start3A_27] : memref<640x64xf32, #tpu.memory_space<vmem>> -> memref<128x64xf32, #tpu.memory_space<vmem>>
    %dma_start3A_29 = arith.constant 128 : i32
    %dma_start3A_30 = tpu.memref_slice %arg9[%dma_start3A_29] : memref<640xi32, #tpu.memory_space<vmem>> -> memref<128xi32, #tpu.memory_space<vmem>>
    %dma_start3A_31 = arith.constant 0 : i32
    %dma_start3A_32 = arith.constant 0 : i32
    %dma_start3A_33 = tpu.memref_slice %arg5[%dma_start3A_31, %dma_start3A_32] : memref<100000x64xf32, #tpu.memory_space<hbm>> -> memref<100000x64xf32, #tpu.memory_space<hbm>>
    tpu.enqueue_indirect_dma source(%dma_start3A_33 : memref<100000x64xf32, #tpu.memory_space<hbm>>) target(%dma_start3A_28 : memref<128x64xf32, #tpu.memory_space<vmem>>) offsets(%dma_start3A_30 : memref<128xi32, #tpu.memory_space<vmem>>) semaphore(%arg15 : memref<!tpu.dma_semaphore, #tpu.memory_space<semaphore_mem>>)
    %dma_start3A_34 = arith.constant 128 : i32
    %dma_start3A_35 = arith.constant 0 : i32
    %dma_start3A_36 = tpu.memref_slice %arg13[%dma_start3A_34, %dma_start3A_35] : memref<640x32xf32, #tpu.memory_space<vmem>> -> memref<128x32xf32, #tpu.memory_space<vmem>>
    %dma_start3A_37 = arith.constant 128 : i32
    %dma_start3A_38 = tpu.memref_slice %arg10[%dma_start3A_37] : memref<640xi32, #tpu.memory_space<vmem>> -> memref<128xi32, #tpu.memory_space<vmem>>
    %dma_start3A_39 = arith.constant 0 : i32
    %dma_start3A_40 = arith.constant 0 : i32
    %dma_start3A_41 = tpu.memref_slice %arg6[%dma_start3A_39, %dma_start3A_40] : memref<1000x32xf32, #tpu.memory_space<hbm>> -> memref<1000x32xf32, #tpu.memory_space<hbm>>
    tpu.enqueue_indirect_dma source(%dma_start3A_41 : memref<1000x32xf32, #tpu.memory_space<hbm>>) target(%dma_start3A_36 : memref<128x32xf32, #tpu.memory_space<vmem>>) offsets(%dma_start3A_38 : memref<128xi32, #tpu.memory_space<vmem>>) semaphore(%arg15 : memref<!tpu.dma_semaphore, #tpu.memory_space<semaphore_mem>>)
    %dma_start3A_42 = arith.constant 128 : i32
    %dma_start3A_43 = arith.constant 0 : i32
    %dma_start3A_44 = tpu.memref_slice %arg14[%dma_start3A_42, %dma_start3A_43] : memref<640x32xf32, #tpu.memory_space<vmem>> -> memref<128x32xf32, #tpu.memory_space<vmem>>
    %dma_start3A_45 = arith.constant 128 : i32
    %dma_start3A_46 = tpu.memref_slice %arg11[%dma_start3A_45] : memref<640xi32, #tpu.memory_space<vmem>> -> memref<128xi32, #tpu.memory_space<vmem>>
    %dma_start3A_47 = arith.constant 0 : i32
    %dma_start3A_48 = arith.constant 0 : i32
    %dma_start3A_49 = tpu.memref_slice %arg7[%dma_start3A_47, %dma_start3A_48] : memref<5000x32xf32, #tpu.memory_space<hbm>> -> memref<5000x32xf32, #tpu.memory_space<hbm>>
    tpu.enqueue_indirect_dma source(%dma_start3A_49 : memref<5000x32xf32, #tpu.memory_space<hbm>>) target(%dma_start3A_44 : memref<128x32xf32, #tpu.memory_space<vmem>>) offsets(%dma_start3A_46 : memref<128xi32, #tpu.memory_space<vmem>>) semaphore(%arg15 : memref<!tpu.dma_semaphore, #tpu.memory_space<semaphore_mem>>)
    %dma_start3A_50 = arith.constant 256 : i32
    %dma_start3A_51 = arith.constant 0 : i32
    %dma_start3A_52 = tpu.memref_slice %arg12[%dma_start3A_50, %dma_start3A_51] : memref<640x64xf32, #tpu.memory_space<vmem>> -> memref<128x64xf32, #tpu.memory_space<vmem>>
    %dma_start3A_53 = arith.constant 256 : i32
    %dma_start3A_54 = tpu.memref_slice %arg9[%dma_start3A_53] : memref<640xi32, #tpu.memory_space<vmem>> -> memref<128xi32, #tpu.memory_space<vmem>>
    %dma_start3A_55 = arith.constant 0 : i32
    %dma_start3A_56 = arith.constant 0 : i32
    %dma_start3A_57 = tpu.memref_slice %arg5[%dma_start3A_55, %dma_start3A_56] : memref<100000x64xf32, #tpu.memory_space<hbm>> -> memref<100000x64xf32, #tpu.memory_space<hbm>>
    tpu.enqueue_indirect_dma source(%dma_start3A_57 : memref<100000x64xf32, #tpu.memory_space<hbm>>) target(%dma_start3A_52 : memref<128x64xf32, #tpu.memory_space<vmem>>) offsets(%dma_start3A_54 : memref<128xi32, #tpu.memory_space<vmem>>) semaphore(%arg15 : memref<!tpu.dma_semaphore, #tpu.memory_space<semaphore_mem>>)
    %dma_start3A_58 = arith.constant 256 : i32
    %dma_start3A_59 = arith.constant 0 : i32
    %dma_start3A_60 = tpu.memref_slice %arg13[%dma_start3A_58, %dma_start3A_59] : memref<640x32xf32, #tpu.memory_space<vmem>> -> memref<128x32xf32, #tpu.memory_space<vmem>>
    %dma_start3A_61 = arith.constant 256 : i32
    %dma_start3A_62 = tpu.memref_slice %arg10[%dma_start3A_61] : memref<640xi32, #tpu.memory_space<vmem>> -> memref<128xi32, #tpu.memory_space<vmem>>
    %dma_start3A_63 = arith.constant 0 : i32
    %dma_start3A_64 = arith.constant 0 : i32
    %dma_start3A_65 = tpu.memref_slice %arg6[%dma_start3A_63, %dma_start3A_64] : memref<1000x32xf32, #tpu.memory_space<hbm>> -> memref<1000x32xf32, #tpu.memory_space<hbm>>
    tpu.enqueue_indirect_dma source(%dma_start3A_65 : memref<1000x32xf32, #tpu.memory_space<hbm>>) target(%dma_start3A_60 : memref<128x32xf32, #tpu.memory_space<vmem>>) offsets(%dma_start3A_62 : memref<128xi32, #tpu.memory_space<vmem>>) semaphore(%arg15 : memref<!tpu.dma_semaphore, #tpu.memory_space<semaphore_mem>>)
    %dma_start3A_66 = arith.constant 256 : i32
    %dma_start3A_67 = arith.constant 0 : i32
    %dma_start3A_68 = tpu.memref_slice %arg14[%dma_start3A_66, %dma_start3A_67] : memref<640x32xf32, #tpu.memory_space<vmem>> -> memref<128x32xf32, #tpu.memory_space<vmem>>
    %dma_start3A_69 = arith.constant 256 : i32
    %dma_start3A_70 = tpu.memref_slice %arg11[%dma_start3A_69] : memref<640xi32, #tpu.memory_space<vmem>> -> memref<128xi32, #tpu.memory_space<vmem>>
    %dma_start3A_71 = arith.constant 0 : i32
    %dma_start3A_72 = arith.constant 0 : i32
    %dma_start3A_73 = tpu.memref_slice %arg7[%dma_start3A_71, %dma_start3A_72] : memref<5000x32xf32, #tpu.memory_space<hbm>> -> memref<5000x32xf32, #tpu.memory_space<hbm>>
    tpu.enqueue_indirect_dma source(%dma_start3A_73 : memref<5000x32xf32, #tpu.memory_space<hbm>>) target(%dma_start3A_68 : memref<128x32xf32, #tpu.memory_space<vmem>>) offsets(%dma_start3A_70 : memref<128xi32, #tpu.memory_space<vmem>>) semaphore(%arg15 : memref<!tpu.dma_semaphore, #tpu.memory_space<semaphore_mem>>)
    %dma_start3A_74 = arith.constant 384 : i32
    %dma_start3A_75 = arith.constant 0 : i32
    %dma_start3A_76 = tpu.memref_slice %arg12[%dma_start3A_74, %dma_start3A_75] : memref<640x64xf32, #tpu.memory_space<vmem>> -> memref<128x64xf32, #tpu.memory_space<vmem>>
    %dma_start3A_77 = arith.constant 384 : i32
    %dma_start3A_78 = tpu.memref_slice %arg9[%dma_start3A_77] : memref<640xi32, #tpu.memory_space<vmem>> -> memref<128xi32, #tpu.memory_space<vmem>>
    %dma_start3A_79 = arith.constant 0 : i32
    %dma_start3A_80 = arith.constant 0 : i32
    %dma_start3A_81 = tpu.memref_slice %arg5[%dma_start3A_79, %dma_start3A_80] : memref<100000x64xf32, #tpu.memory_space<hbm>> -> memref<100000x64xf32, #tpu.memory_space<hbm>>
    tpu.enqueue_indirect_dma source(%dma_start3A_81 : memref<100000x64xf32, #tpu.memory_space<hbm>>) target(%dma_start3A_76 : memref<128x64xf32, #tpu.memory_space<vmem>>) offsets(%dma_start3A_78 : memref<128xi32, #tpu.memory_space<vmem>>) semaphore(%arg15 : memref<!tpu.dma_semaphore, #tpu.memory_space<semaphore_mem>>)
    %dma_start3A_82 = arith.constant 384 : i32
    %dma_start3A_83 = arith.constant 0 : i32
    %dma_start3A_84 = tpu.memref_slice %arg13[%dma_start3A_82, %dma_start3A_83] : memref<640x32xf32, #tpu.memory_space<vmem>> -> memref<128x32xf32, #tpu.memory_space<vmem>>
    %dma_start3A_85 = arith.constant 384 : i32
    %dma_start3A_86 = tpu.memref_slice %arg10[%dma_start3A_85] : memref<640xi32, #tpu.memory_space<vmem>> -> memref<128xi32, #tpu.memory_space<vmem>>
    %dma_start3A_87 = arith.constant 0 : i32
    %dma_start3A_88 = arith.constant 0 : i32
    %dma_start3A_89 = tpu.memref_slice %arg6[%dma_start3A_87, %dma_start3A_88] : memref<1000x32xf32, #tpu.memory_space<hbm>> -> memref<1000x32xf32, #tpu.memory_space<hbm>>
    tpu.enqueue_indirect_dma source(%dma_start3A_89 : memref<1000x32xf32, #tpu.memory_space<hbm>>) target(%dma_start3A_84 : memref<128x32xf32, #tpu.memory_space<vmem>>) offsets(%dma_start3A_86 : memref<128xi32, #tpu.memory_space<vmem>>) semaphore(%arg15 : memref<!tpu.dma_semaphore, #tpu.memory_space<semaphore_mem>>)
    %dma_start3A_90 = arith.constant 384 : i32
    %dma_start3A_91 = arith.constant 0 : i32
    %dma_start3A_92 = tpu.memref_slice %arg14[%dma_start3A_90, %dma_start3A_91] : memref<640x32xf32, #tpu.memory_space<vmem>> -> memref<128x32xf32, #tpu.memory_space<vmem>>
    %dma_start3A_93 = arith.constant 384 : i32
    %dma_start3A_94 = tpu.memref_slice %arg11[%dma_start3A_93] : memref<640xi32, #tpu.memory_space<vmem>> -> memref<128xi32, #tpu.memory_space<vmem>>
    %dma_start3A_95 = arith.constant 0 : i32
    %dma_start3A_96 = arith.constant 0 : i32
    %dma_start3A_97 = tpu.memref_slice %arg7[%dma_start3A_95, %dma_start3A_96] : memref<5000x32xf32, #tpu.memory_space<hbm>> -> memref<5000x32xf32, #tpu.memory_space<hbm>>
    tpu.enqueue_indirect_dma source(%dma_start3A_97 : memref<5000x32xf32, #tpu.memory_space<hbm>>) target(%dma_start3A_92 : memref<128x32xf32, #tpu.memory_space<vmem>>) offsets(%dma_start3A_94 : memref<128xi32, #tpu.memory_space<vmem>>) semaphore(%arg15 : memref<!tpu.dma_semaphore, #tpu.memory_space<semaphore_mem>>)
    %dma_start3A_98 = arith.constant 512 : i32
    %dma_start3A_99 = arith.constant 0 : i32
    %dma_start3A_100 = tpu.memref_slice %arg12[%dma_start3A_98, %dma_start3A_99] : memref<640x64xf32, #tpu.memory_space<vmem>> -> memref<128x64xf32, #tpu.memory_space<vmem>>
    %dma_start3A_101 = arith.constant 512 : i32
    %dma_start3A_102 = tpu.memref_slice %arg9[%dma_start3A_101] : memref<640xi32, #tpu.memory_space<vmem>> -> memref<128xi32, #tpu.memory_space<vmem>>
    %dma_start3A_103 = arith.constant 0 : i32
    %dma_start3A_104 = arith.constant 0 : i32
    %dma_start3A_105 = tpu.memref_slice %arg5[%dma_start3A_103, %dma_start3A_104] : memref<100000x64xf32, #tpu.memory_space<hbm>> -> memref<100000x64xf32, #tpu.memory_space<hbm>>
    tpu.enqueue_indirect_dma source(%dma_start3A_105 : memref<100000x64xf32, #tpu.memory_space<hbm>>) target(%dma_start3A_100 : memref<128x64xf32, #tpu.memory_space<vmem>>) offsets(%dma_start3A_102 : memref<128xi32, #tpu.memory_space<vmem>>) semaphore(%arg15 : memref<!tpu.dma_semaphore, #tpu.memory_space<semaphore_mem>>)
    %dma_start3A_106 = arith.constant 512 : i32
    %dma_start3A_107 = arith.constant 0 : i32
    %dma_start3A_108 = tpu.memref_slice %arg13[%dma_start3A_106, %dma_start3A_107] : memref<640x32xf32, #tpu.memory_space<vmem>> -> memref<128x32xf32, #tpu.memory_space<vmem>>
    %dma_start3A_109 = arith.constant 512 : i32
    %dma_start3A_110 = tpu.memref_slice %arg10[%dma_start3A_109] : memref<640xi32, #tpu.memory_space<vmem>> -> memref<128xi32, #tpu.memory_space<vmem>>
    %dma_start3A_111 = arith.constant 0 : i32
    %dma_start3A_112 = arith.constant 0 : i32
    %dma_start3A_113 = tpu.memref_slice %arg6[%dma_start3A_111, %dma_start3A_112] : memref<1000x32xf32, #tpu.memory_space<hbm>> -> memref<1000x32xf32, #tpu.memory_space<hbm>>
    tpu.enqueue_indirect_dma source(%dma_start3A_113 : memref<1000x32xf32, #tpu.memory_space<hbm>>) target(%dma_start3A_108 : memref<128x32xf32, #tpu.memory_space<vmem>>) offsets(%dma_start3A_110 : memref<128xi32, #tpu.memory_space<vmem>>) semaphore(%arg15 : memref<!tpu.dma_semaphore, #tpu.memory_space<semaphore_mem>>)
    %dma_start3A_114 = arith.constant 512 : i32
    %dma_start3A_115 = arith.constant 0 : i32
    %dma_start3A_116 = tpu.memref_slice %arg14[%dma_start3A_114, %dma_start3A_115] : memref<640x32xf32, #tpu.memory_space<vmem>> -> memref<128x32xf32, #tpu.memory_space<vmem>>
    %dma_start3A_117 = arith.constant 512 : i32
    %dma_start3A_118 = tpu.memref_slice %arg11[%dma_start3A_117] : memref<640xi32, #tpu.memory_space<vmem>> -> memref<128xi32, #tpu.memory_space<vmem>>
    %dma_start3A_119 = arith.constant 0 : i32
    %dma_start3A_120 = arith.constant 0 : i32
    %dma_start3A_121 = tpu.memref_slice %arg7[%dma_start3A_119, %dma_start3A_120] : memref<5000x32xf32, #tpu.memory_space<hbm>> -> memref<5000x32xf32, #tpu.memory_space<hbm>>
    tpu.enqueue_indirect_dma source(%dma_start3A_121 : memref<5000x32xf32, #tpu.memory_space<hbm>>) target(%dma_start3A_116 : memref<128x32xf32, #tpu.memory_space<vmem>>) offsets(%dma_start3A_118 : memref<128xi32, #tpu.memory_space<vmem>>) semaphore(%arg15 : memref<!tpu.dma_semaphore, #tpu.memory_space<semaphore_mem>>)
    %dma_wait3A = arith.constant 0 : i32
    %dma_wait3A_122 = arith.constant 0 : i32
    %dma_wait3A_123 = tpu.memref_slice %arg12[%dma_wait3A, %dma_wait3A_122] : memref<640x64xf32, #tpu.memory_space<vmem>> -> memref<128x64xf32, #tpu.memory_space<vmem>>
    %dma_wait3A_124 = arith.constant 0 : i32
    %dma_wait3A_125 = tpu.memref_slice %arg9[%dma_wait3A_124] : memref<640xi32, #tpu.memory_space<vmem>> -> memref<128xi32, #tpu.memory_space<vmem>>
    %dma_wait3A_126 = arith.constant 0 : i32
    %dma_wait3A_127 = arith.constant 0 : i32
    %dma_wait3A_128 = tpu.memref_slice %arg5[%dma_wait3A_126, %dma_wait3A_127] : memref<100000x64xf32, #tpu.memory_space<hbm>> -> memref<100000x64xf32, #tpu.memory_space<hbm>>
    tpu.wait_indirect_dma semaphore(%arg15 : memref<!tpu.dma_semaphore, #tpu.memory_space<semaphore_mem>>) src(%dma_wait3A_128 : memref<100000x64xf32, #tpu.memory_space<hbm>>) dst(%dma_wait3A_123 : memref<128x64xf32, #tpu.memory_space<vmem>>)
    %dma_wait3A_129 = arith.constant 0 : i32
    %dma_wait3A_130 = arith.constant 0 : i32
    %dma_wait3A_131 = tpu.memref_slice %arg13[%dma_wait3A_129, %dma_wait3A_130] : memref<640x32xf32, #tpu.memory_space<vmem>> -> memref<128x32xf32, #tpu.memory_space<vmem>>
    %dma_wait3A_132 = arith.constant 0 : i32
    %dma_wait3A_133 = tpu.memref_slice %arg10[%dma_wait3A_132] : memref<640xi32, #tpu.memory_space<vmem>> -> memref<128xi32, #tpu.memory_space<vmem>>
    %dma_wait3A_134 = arith.constant 0 : i32
    %dma_wait3A_135 = arith.constant 0 : i32
    %dma_wait3A_136 = tpu.memref_slice %arg6[%dma_wait3A_134, %dma_wait3A_135] : memref<1000x32xf32, #tpu.memory_space<hbm>> -> memref<1000x32xf32, #tpu.memory_space<hbm>>
    tpu.wait_indirect_dma semaphore(%arg15 : memref<!tpu.dma_semaphore, #tpu.memory_space<semaphore_mem>>) src(%dma_wait3A_136 : memref<1000x32xf32, #tpu.memory_space<hbm>>) dst(%dma_wait3A_131 : memref<128x32xf32, #tpu.memory_space<vmem>>)
    %dma_wait3A_137 = arith.constant 0 : i32
    %dma_wait3A_138 = arith.constant 0 : i32
    %dma_wait3A_139 = tpu.memref_slice %arg14[%dma_wait3A_137, %dma_wait3A_138] : memref<640x32xf32, #tpu.memory_space<vmem>> -> memref<128x32xf32, #tpu.memory_space<vmem>>
    %dma_wait3A_140 = arith.constant 0 : i32
    %dma_wait3A_141 = tpu.memref_slice %arg11[%dma_wait3A_140] : memref<640xi32, #tpu.memory_space<vmem>> -> memref<128xi32, #tpu.memory_space<vmem>>
    %dma_wait3A_142 = arith.constant 0 : i32
    %dma_wait3A_143 = arith.constant 0 : i32
    %dma_wait3A_144 = tpu.memref_slice %arg7[%dma_wait3A_142, %dma_wait3A_143] : memref<5000x32xf32, #tpu.memory_space<hbm>> -> memref<5000x32xf32, #tpu.memory_space<hbm>>
    tpu.wait_indirect_dma semaphore(%arg15 : memref<!tpu.dma_semaphore, #tpu.memory_space<semaphore_mem>>) src(%dma_wait3A_144 : memref<5000x32xf32, #tpu.memory_space<hbm>>) dst(%dma_wait3A_139 : memref<128x32xf32, #tpu.memory_space<vmem>>)
    %dma_wait3A_145 = arith.constant 128 : i32
    %dma_wait3A_146 = arith.constant 0 : i32
    %dma_wait3A_147 = tpu.memref_slice %arg12[%dma_wait3A_145, %dma_wait3A_146] : memref<640x64xf32, #tpu.memory_space<vmem>> -> memref<128x64xf32, #tpu.memory_space<vmem>>
    %dma_wait3A_148 = arith.constant 128 : i32
    %dma_wait3A_149 = tpu.memref_slice %arg9[%dma_wait3A_148] : memref<640xi32, #tpu.memory_space<vmem>> -> memref<128xi32, #tpu.memory_space<vmem>>
    %dma_wait3A_150 = arith.constant 0 : i32
    %dma_wait3A_151 = arith.constant 0 : i32
    %dma_wait3A_152 = tpu.memref_slice %arg5[%dma_wait3A_150, %dma_wait3A_151] : memref<100000x64xf32, #tpu.memory_space<hbm>> -> memref<100000x64xf32, #tpu.memory_space<hbm>>
    tpu.wait_indirect_dma semaphore(%arg15 : memref<!tpu.dma_semaphore, #tpu.memory_space<semaphore_mem>>) src(%dma_wait3A_152 : memref<100000x64xf32, #tpu.memory_space<hbm>>) dst(%dma_wait3A_147 : memref<128x64xf32, #tpu.memory_space<vmem>>)
    %dma_wait3A_153 = arith.constant 128 : i32
    %dma_wait3A_154 = arith.constant 0 : i32
    %dma_wait3A_155 = tpu.memref_slice %arg13[%dma_wait3A_153, %dma_wait3A_154] : memref<640x32xf32, #tpu.memory_space<vmem>> -> memref<128x32xf32, #tpu.memory_space<vmem>>
    %dma_wait3A_156 = arith.constant 128 : i32
    %dma_wait3A_157 = tpu.memref_slice %arg10[%dma_wait3A_156] : memref<640xi32, #tpu.memory_space<vmem>> -> memref<128xi32, #tpu.memory_space<vmem>>
    %dma_wait3A_158 = arith.constant 0 : i32
    %dma_wait3A_159 = arith.constant 0 : i32
    %dma_wait3A_160 = tpu.memref_slice %arg6[%dma_wait3A_158, %dma_wait3A_159] : memref<1000x32xf32, #tpu.memory_space<hbm>> -> memref<1000x32xf32, #tpu.memory_space<hbm>>
    tpu.wait_indirect_dma semaphore(%arg15 : memref<!tpu.dma_semaphore, #tpu.memory_space<semaphore_mem>>) src(%dma_wait3A_160 : memref<1000x32xf32, #tpu.memory_space<hbm>>) dst(%dma_wait3A_155 : memref<128x32xf32, #tpu.memory_space<vmem>>)
    %dma_wait3A_161 = arith.constant 128 : i32
    %dma_wait3A_162 = arith.constant 0 : i32
    %dma_wait3A_163 = tpu.memref_slice %arg14[%dma_wait3A_161, %dma_wait3A_162] : memref<640x32xf32, #tpu.memory_space<vmem>> -> memref<128x32xf32, #tpu.memory_space<vmem>>
    %dma_wait3A_164 = arith.constant 128 : i32
    %dma_wait3A_165 = tpu.memref_slice %arg11[%dma_wait3A_164] : memref<640xi32, #tpu.memory_space<vmem>> -> memref<128xi32, #tpu.memory_space<vmem>>
    %dma_wait3A_166 = arith.constant 0 : i32
    %dma_wait3A_167 = arith.constant 0 : i32
    %dma_wait3A_168 = tpu.memref_slice %arg7[%dma_wait3A_166, %dma_wait3A_167] : memref<5000x32xf32, #tpu.memory_space<hbm>> -> memref<5000x32xf32, #tpu.memory_space<hbm>>
    tpu.wait_indirect_dma semaphore(%arg15 : memref<!tpu.dma_semaphore, #tpu.memory_space<semaphore_mem>>) src(%dma_wait3A_168 : memref<5000x32xf32, #tpu.memory_space<hbm>>) dst(%dma_wait3A_163 : memref<128x32xf32, #tpu.memory_space<vmem>>)
    %dma_wait3A_169 = arith.constant 256 : i32
    %dma_wait3A_170 = arith.constant 0 : i32
    %dma_wait3A_171 = tpu.memref_slice %arg12[%dma_wait3A_169, %dma_wait3A_170] : memref<640x64xf32, #tpu.memory_space<vmem>> -> memref<128x64xf32, #tpu.memory_space<vmem>>
    %dma_wait3A_172 = arith.constant 256 : i32
    %dma_wait3A_173 = tpu.memref_slice %arg9[%dma_wait3A_172] : memref<640xi32, #tpu.memory_space<vmem>> -> memref<128xi32, #tpu.memory_space<vmem>>
    %dma_wait3A_174 = arith.constant 0 : i32
    %dma_wait3A_175 = arith.constant 0 : i32
    %dma_wait3A_176 = tpu.memref_slice %arg5[%dma_wait3A_174, %dma_wait3A_175] : memref<100000x64xf32, #tpu.memory_space<hbm>> -> memref<100000x64xf32, #tpu.memory_space<hbm>>
    tpu.wait_indirect_dma semaphore(%arg15 : memref<!tpu.dma_semaphore, #tpu.memory_space<semaphore_mem>>) src(%dma_wait3A_176 : memref<100000x64xf32, #tpu.memory_space<hbm>>) dst(%dma_wait3A_171 : memref<128x64xf32, #tpu.memory_space<vmem>>)
    %dma_wait3A_177 = arith.constant 256 : i32
    %dma_wait3A_178 = arith.constant 0 : i32
    %dma_wait3A_179 = tpu.memref_slice %arg13[%dma_wait3A_177, %dma_wait3A_178] : memref<640x32xf32, #tpu.memory_space<vmem>> -> memref<128x32xf32, #tpu.memory_space<vmem>>
    %dma_wait3A_180 = arith.constant 256 : i32
    %dma_wait3A_181 = tpu.memref_slice %arg10[%dma_wait3A_180] : memref<640xi32, #tpu.memory_space<vmem>> -> memref<128xi32, #tpu.memory_space<vmem>>
    %dma_wait3A_182 = arith.constant 0 : i32
    %dma_wait3A_183 = arith.constant 0 : i32
    %dma_wait3A_184 = tpu.memref_slice %arg6[%dma_wait3A_182, %dma_wait3A_183] : memref<1000x32xf32, #tpu.memory_space<hbm>> -> memref<1000x32xf32, #tpu.memory_space<hbm>>
    tpu.wait_indirect_dma semaphore(%arg15 : memref<!tpu.dma_semaphore, #tpu.memory_space<semaphore_mem>>) src(%dma_wait3A_184 : memref<1000x32xf32, #tpu.memory_space<hbm>>) dst(%dma_wait3A_179 : memref<128x32xf32, #tpu.memory_space<vmem>>)
    %dma_wait3A_185 = arith.constant 256 : i32
    %dma_wait3A_186 = arith.constant 0 : i32
    %dma_wait3A_187 = tpu.memref_slice %arg14[%dma_wait3A_185, %dma_wait3A_186] : memref<640x32xf32, #tpu.memory_space<vmem>> -> memref<128x32xf32, #tpu.memory_space<vmem>>
    %dma_wait3A_188 = arith.constant 256 : i32
    %dma_wait3A_189 = tpu.memref_slice %arg11[%dma_wait3A_188] : memref<640xi32, #tpu.memory_space<vmem>> -> memref<128xi32, #tpu.memory_space<vmem>>
    %dma_wait3A_190 = arith.constant 0 : i32
    %dma_wait3A_191 = arith.constant 0 : i32
    %dma_wait3A_192 = tpu.memref_slice %arg7[%dma_wait3A_190, %dma_wait3A_191] : memref<5000x32xf32, #tpu.memory_space<hbm>> -> memref<5000x32xf32, #tpu.memory_space<hbm>>
    tpu.wait_indirect_dma semaphore(%arg15 : memref<!tpu.dma_semaphore, #tpu.memory_space<semaphore_mem>>) src(%dma_wait3A_192 : memref<5000x32xf32, #tpu.memory_space<hbm>>) dst(%dma_wait3A_187 : memref<128x32xf32, #tpu.memory_space<vmem>>)
    %dma_wait3A_193 = arith.constant 384 : i32
    %dma_wait3A_194 = arith.constant 0 : i32
    %dma_wait3A_195 = tpu.memref_slice %arg12[%dma_wait3A_193, %dma_wait3A_194] : memref<640x64xf32, #tpu.memory_space<vmem>> -> memref<128x64xf32, #tpu.memory_space<vmem>>
    %dma_wait3A_196 = arith.constant 384 : i32
    %dma_wait3A_197 = tpu.memref_slice %arg9[%dma_wait3A_196] : memref<640xi32, #tpu.memory_space<vmem>> -> memref<128xi32, #tpu.memory_space<vmem>>
    %dma_wait3A_198 = arith.constant 0 : i32
    %dma_wait3A_199 = arith.constant 0 : i32
    %dma_wait3A_200 = tpu.memref_slice %arg5[%dma_wait3A_198, %dma_wait3A_199] : memref<100000x64xf32, #tpu.memory_space<hbm>> -> memref<100000x64xf32, #tpu.memory_space<hbm>>
    tpu.wait_indirect_dma semaphore(%arg15 : memref<!tpu.dma_semaphore, #tpu.memory_space<semaphore_mem>>) src(%dma_wait3A_200 : memref<100000x64xf32, #tpu.memory_space<hbm>>) dst(%dma_wait3A_195 : memref<128x64xf32, #tpu.memory_space<vmem>>)
    %dma_wait3A_201 = arith.constant 384 : i32
    %dma_wait3A_202 = arith.constant 0 : i32
    %dma_wait3A_203 = tpu.memref_slice %arg13[%dma_wait3A_201, %dma_wait3A_202] : memref<640x32xf32, #tpu.memory_space<vmem>> -> memref<128x32xf32, #tpu.memory_space<vmem>>
    %dma_wait3A_204 = arith.constant 384 : i32
    %dma_wait3A_205 = tpu.memref_slice %arg10[%dma_wait3A_204] : memref<640xi32, #tpu.memory_space<vmem>> -> memref<128xi32, #tpu.memory_space<vmem>>
    %dma_wait3A_206 = arith.constant 0 : i32
    %dma_wait3A_207 = arith.constant 0 : i32
    %dma_wait3A_208 = tpu.memref_slice %arg6[%dma_wait3A_206, %dma_wait3A_207] : memref<1000x32xf32, #tpu.memory_space<hbm>> -> memref<1000x32xf32, #tpu.memory_space<hbm>>
    tpu.wait_indirect_dma semaphore(%arg15 : memref<!tpu.dma_semaphore, #tpu.memory_space<semaphore_mem>>) src(%dma_wait3A_208 : memref<1000x32xf32, #tpu.memory_space<hbm>>) dst(%dma_wait3A_203 : memref<128x32xf32, #tpu.memory_space<vmem>>)
    %dma_wait3A_209 = arith.constant 384 : i32
    %dma_wait3A_210 = arith.constant 0 : i32
    %dma_wait3A_211 = tpu.memref_slice %arg14[%dma_wait3A_209, %dma_wait3A_210] : memref<640x32xf32, #tpu.memory_space<vmem>> -> memref<128x32xf32, #tpu.memory_space<vmem>>
    %dma_wait3A_212 = arith.constant 384 : i32
    %dma_wait3A_213 = tpu.memref_slice %arg11[%dma_wait3A_212] : memref<640xi32, #tpu.memory_space<vmem>> -> memref<128xi32, #tpu.memory_space<vmem>>
    %dma_wait3A_214 = arith.constant 0 : i32
    %dma_wait3A_215 = arith.constant 0 : i32
    %dma_wait3A_216 = tpu.memref_slice %arg7[%dma_wait3A_214, %dma_wait3A_215] : memref<5000x32xf32, #tpu.memory_space<hbm>> -> memref<5000x32xf32, #tpu.memory_space<hbm>>
    tpu.wait_indirect_dma semaphore(%arg15 : memref<!tpu.dma_semaphore, #tpu.memory_space<semaphore_mem>>) src(%dma_wait3A_216 : memref<5000x32xf32, #tpu.memory_space<hbm>>) dst(%dma_wait3A_211 : memref<128x32xf32, #tpu.memory_space<vmem>>)
    %dma_wait3A_217 = arith.constant 512 : i32
    %dma_wait3A_218 = arith.constant 0 : i32
    %dma_wait3A_219 = tpu.memref_slice %arg12[%dma_wait3A_217, %dma_wait3A_218] : memref<640x64xf32, #tpu.memory_space<vmem>> -> memref<128x64xf32, #tpu.memory_space<vmem>>
    %dma_wait3A_220 = arith.constant 512 : i32
    %dma_wait3A_221 = tpu.memref_slice %arg9[%dma_wait3A_220] : memref<640xi32, #tpu.memory_space<vmem>> -> memref<128xi32, #tpu.memory_space<vmem>>
    %dma_wait3A_222 = arith.constant 0 : i32
    %dma_wait3A_223 = arith.constant 0 : i32
    %dma_wait3A_224 = tpu.memref_slice %arg5[%dma_wait3A_222, %dma_wait3A_223] : memref<100000x64xf32, #tpu.memory_space<hbm>> -> memref<100000x64xf32, #tpu.memory_space<hbm>>
    tpu.wait_indirect_dma semaphore(%arg15 : memref<!tpu.dma_semaphore, #tpu.memory_space<semaphore_mem>>) src(%dma_wait3A_224 : memref<100000x64xf32, #tpu.memory_space<hbm>>) dst(%dma_wait3A_219 : memref<128x64xf32, #tpu.memory_space<vmem>>)
    %dma_wait3A_225 = arith.constant 512 : i32
    %dma_wait3A_226 = arith.constant 0 : i32
    %dma_wait3A_227 = tpu.memref_slice %arg13[%dma_wait3A_225, %dma_wait3A_226] : memref<640x32xf32, #tpu.memory_space<vmem>> -> memref<128x32xf32, #tpu.memory_space<vmem>>
    %dma_wait3A_228 = arith.constant 512 : i32
    %dma_wait3A_229 = tpu.memref_slice %arg10[%dma_wait3A_228] : memref<640xi32, #tpu.memory_space<vmem>> -> memref<128xi32, #tpu.memory_space<vmem>>
    %dma_wait3A_230 = arith.constant 0 : i32
    %dma_wait3A_231 = arith.constant 0 : i32
    %dma_wait3A_232 = tpu.memref_slice %arg6[%dma_wait3A_230, %dma_wait3A_231] : memref<1000x32xf32, #tpu.memory_space<hbm>> -> memref<1000x32xf32, #tpu.memory_space<hbm>>
    tpu.wait_indirect_dma semaphore(%arg15 : memref<!tpu.dma_semaphore, #tpu.memory_space<semaphore_mem>>) src(%dma_wait3A_232 : memref<1000x32xf32, #tpu.memory_space<hbm>>) dst(%dma_wait3A_227 : memref<128x32xf32, #tpu.memory_space<vmem>>)
    %dma_wait3A_233 = arith.constant 512 : i32
    %dma_wait3A_234 = arith.constant 0 : i32
    %dma_wait3A_235 = tpu.memref_slice %arg14[%dma_wait3A_233, %dma_wait3A_234] : memref<640x32xf32, #tpu.memory_space<vmem>> -> memref<128x32xf32, #tpu.memory_space<vmem>>
    %dma_wait3A_236 = arith.constant 512 : i32
    %dma_wait3A_237 = tpu.memref_slice %arg11[%dma_wait3A_236] : memref<640xi32, #tpu.memory_space<vmem>> -> memref<128xi32, #tpu.memory_space<vmem>>
    %dma_wait3A_238 = arith.constant 0 : i32
    %dma_wait3A_239 = arith.constant 0 : i32
    %dma_wait3A_240 = tpu.memref_slice %arg7[%dma_wait3A_238, %dma_wait3A_239] : memref<5000x32xf32, #tpu.memory_space<hbm>> -> memref<5000x32xf32, #tpu.memory_space<hbm>>
    tpu.wait_indirect_dma semaphore(%arg15 : memref<!tpu.dma_semaphore, #tpu.memory_space<semaphore_mem>>) src(%dma_wait3A_240 : memref<5000x32xf32, #tpu.memory_space<hbm>>) dst(%dma_wait3A_235 : memref<128x32xf32, #tpu.memory_space<vmem>>)
    "tpu.region"() ({
      %run_scoped3A = tpu.sem_alloc : memref<!tpu.dma_semaphore, #tpu.memory_space<semaphore_mem>>
      %dma_start3A_241 = arith.constant 0 : i32
      %dma_start3A_242 = tpu.memref_slice %arg8[%mul3A_2, %dma_start3A_241] : memref<20480x128xf32, #tpu.memory_space<hbm>> -> memref<640x64xf32, #tpu.memory_space<hbm>>
      %dma_start3A_243 = arith.constant 0 : i32
      %dma_start3A_244 = tpu.memref_slice %arg8[%mul3A_2, %dma_start3A_243] : memref<20480x128xf32, #tpu.memory_space<hbm>> -> memref<640x64xf32, #tpu.memory_space<hbm>>
      tpu.enqueue_dma source(%arg12 : memref<640x64xf32, #tpu.memory_space<vmem>>) target(%dma_start3A_244 : memref<640x64xf32, #tpu.memory_space<hbm>>) target_semaphore(%run_scoped3A : memref<!tpu.dma_semaphore, #tpu.memory_space<semaphore_mem>>)
      %dma_wait3A_245 = arith.constant 0 : i32
      %dma_wait3A_246 = tpu.memref_slice %arg8[%mul3A_2, %dma_wait3A_245] : memref<20480x128xf32, #tpu.memory_space<hbm>> -> memref<640x64xf32, #tpu.memory_space<hbm>>
      %dma_wait3A_247 = arith.constant 0 : i32
      %dma_wait3A_248 = tpu.memref_slice %arg8[%mul3A_2, %dma_wait3A_247] : memref<20480x128xf32, #tpu.memory_space<hbm>> -> memref<640x64xf32, #tpu.memory_space<hbm>>
      tpu.wait_dma2 semaphore(%run_scoped3A : memref<!tpu.dma_semaphore, #tpu.memory_space<semaphore_mem>>) src(%arg12 : memref<640x64xf32, #tpu.memory_space<vmem>>) dst(%dma_wait3A_248 : memref<640x64xf32, #tpu.memory_space<hbm>>)
      tpu.yield
    }) : () -> ()
    "tpu.region"() ({
      %run_scoped3A = tpu.sem_alloc : memref<!tpu.dma_semaphore, #tpu.memory_space<semaphore_mem>>
      %dma_start3A_241 = arith.constant 64 : i32
      %dma_start3A_242 = tpu.memref_slice %arg8[%mul3A_2, %dma_start3A_241] : memref<20480x128xf32, #tpu.memory_space<hbm>> -> memref<640x32xf32, #tpu.memory_space<hbm>>
      %dma_start3A_243 = arith.constant 64 : i32
      %dma_start3A_244 = tpu.memref_slice %arg8[%mul3A_2, %dma_start3A_243] : memref<20480x128xf32, #tpu.memory_space<hbm>> -> memref<640x32xf32, #tpu.memory_space<hbm>>
      tpu.enqueue_dma source(%arg13 : memref<640x32xf32, #tpu.memory_space<vmem>>) target(%dma_start3A_244 : memref<640x32xf32, #tpu.memory_space<hbm>>) target_semaphore(%run_scoped3A : memref<!tpu.dma_semaphore, #tpu.memory_space<semaphore_mem>>)
      %dma_wait3A_245 = arith.constant 64 : i32
      %dma_wait3A_246 = tpu.memref_slice %arg8[%mul3A_2, %dma_wait3A_245] : memref<20480x128xf32, #tpu.memory_space<hbm>> -> memref<640x32xf32, #tpu.memory_space<hbm>>
      %dma_wait3A_247 = arith.constant 64 : i32
      %dma_wait3A_248 = tpu.memref_slice %arg8[%mul3A_2, %dma_wait3A_247] : memref<20480x128xf32, #tpu.memory_space<hbm>> -> memref<640x32xf32, #tpu.memory_space<hbm>>
      tpu.wait_dma2 semaphore(%run_scoped3A : memref<!tpu.dma_semaphore, #tpu.memory_space<semaphore_mem>>) src(%arg13 : memref<640x32xf32, #tpu.memory_space<vmem>>) dst(%dma_wait3A_248 : memref<640x32xf32, #tpu.memory_space<hbm>>)
      tpu.yield
    }) : () -> ()
    "tpu.region"() ({
      %run_scoped3A = tpu.sem_alloc : memref<!tpu.dma_semaphore, #tpu.memory_space<semaphore_mem>>
      %dma_start3A_241 = arith.constant 96 : i32
      %dma_start3A_242 = tpu.memref_slice %arg8[%mul3A_2, %dma_start3A_241] : memref<20480x128xf32, #tpu.memory_space<hbm>> -> memref<640x32xf32, #tpu.memory_space<hbm>>
      %dma_start3A_243 = arith.constant 96 : i32
      %dma_start3A_244 = tpu.memref_slice %arg8[%mul3A_2, %dma_start3A_243] : memref<20480x128xf32, #tpu.memory_space<hbm>> -> memref<640x32xf32, #tpu.memory_space<hbm>>
      tpu.enqueue_dma source(%arg14 : memref<640x32xf32, #tpu.memory_space<vmem>>) target(%dma_start3A_244 : memref<640x32xf32, #tpu.memory_space<hbm>>) target_semaphore(%run_scoped3A : memref<!tpu.dma_semaphore, #tpu.memory_space<semaphore_mem>>)
      %dma_wait3A_245 = arith.constant 96 : i32
      %dma_wait3A_246 = tpu.memref_slice %arg8[%mul3A_2, %dma_wait3A_245] : memref<20480x128xf32, #tpu.memory_space<hbm>> -> memref<640x32xf32, #tpu.memory_space<hbm>>
      %dma_wait3A_247 = arith.constant 96 : i32
      %dma_wait3A_248 = tpu.memref_slice %arg8[%mul3A_2, %dma_wait3A_247] : memref<20480x128xf32, #tpu.memory_space<hbm>> -> memref<640x32xf32, #tpu.memory_space<hbm>>
      tpu.wait_dma2 semaphore(%run_scoped3A : memref<!tpu.dma_semaphore, #tpu.memory_space<semaphore_mem>>) src(%arg14 : memref<640x32xf32, #tpu.memory_space<vmem>>) dst(%dma_wait3A_248 : memref<640x32xf32, #tpu.memory_space<hbm>>)
      tpu.yield
    }) : () -> ()
    return
  }
}

module attributes {stable_mosaic.version = 14 : i64} {
  func.func @body(%arg0: i32, %arg1: memref<1024x128xf32, #tpu.memory_space<vmem>>, %arg2: memref<2x1024xf32, #tpu.memory_space<vmem>>, %arg3: memref<128x256xbf16, #tpu.memory_space<vmem>>, %arg4: memref<2x256xf32, #tpu.memory_space<vmem>>, %arg5: memref<1x256xf32, #tpu.memory_space<vmem>>, %arg6: memref<256x128xbf16, #tpu.memory_space<vmem>>, %arg7: memref<1x128xf32, #tpu.memory_space<vmem>>, %arg8: memref<102400x128xf32, #tpu.memory_space<any>>, %arg9: memref<1024x128xf32, #tpu.memory_space<vmem>>) attributes {dimension_semantics = [#tpu.dimension_semantics<arbitrary>], iteration_bounds = array<i64: 20>, scalar_prefetch = 0 : i64, scratch_operands = 0 : i64, tpu.core_type = #tpu.core_type<tc>, window_params = [{transform_indices = @transform_0, window_bounds = array<i64: 1024, 128>}, {transform_indices = @transform_1, window_bounds = array<i64: 2, 1024>}, {pipeline_mode = #tpu.pipeline_mode<synchronous>, transform_indices = @transform_2, window_bounds = array<i64: 128, 256>}, {pipeline_mode = #tpu.pipeline_mode<synchronous>, transform_indices = @transform_3, window_bounds = array<i64: 2, 256>}, {pipeline_mode = #tpu.pipeline_mode<synchronous>, transform_indices = @transform_4, window_bounds = array<i64: 1, 256>}, {pipeline_mode = #tpu.pipeline_mode<synchronous>, transform_indices = @transform_5, window_bounds = array<i64: 256, 128>}, {pipeline_mode = #tpu.pipeline_mode<synchronous>, transform_indices = @transform_6, window_bounds = array<i64: 1, 128>}, {}, {transform_indices = @transform_8, window_bounds = array<i64: 1024, 128>}]} {
    %get3A = arith.constant 0 : index
    %get3A_0 = arith.constant 0 : index
    %get3A_1 = vector.load %arg1[%get3A, %get3A_0] : memref<1024x128xf32, #tpu.memory_space<vmem>>, vector<1024x128xf32>
    %convert_element_type3A = arith.truncf %get3A_1 : vector<1024x128xf32> to vector<1024x128xbf16>
    %get3A_2 = arith.constant 0 : index
    %get3A_3 = arith.constant 0 : index
    %get3A_4 = vector.load %arg3[%get3A_2, %get3A_3] : memref<128x256xbf16, #tpu.memory_space<vmem>>, vector<128x256xbf16>
    %dot_general3A = arith.constant dense<0.000000e+00> : vector<1024x256xf32>
    %dot_general3A_5 = tpu.matmul %convert_element_type3A, %get3A_4, %dot_general3A {dimension_numbers = #tpu.dot_dimension_numbers<[1], [0], [0], [1], [0, 0, 1, 1], [], []>, transpose_lhs_hint = false} : vector<1024x128xbf16>, vector<128x256xbf16>, vector<1024x256xf32> -> vector<1024x256xf32>
    %get3A_6 = arith.constant 0 : index
    %get3A_7 = arith.constant 0 : index
    %get3A_8 = vector.load %arg2[%get3A_6, %get3A_7] : memref<2x1024xf32, #tpu.memory_space<vmem>>, vector<2x1024xf32>
    %slice3A = vector.extract_strided_slice %get3A_8 {offsets = [0, 0], sizes = [1, 1024], strides = [1, 1]} : vector<2x1024xf32> to vector<1x1024xf32>
    %slice3A_9 = vector.extract_strided_slice %get3A_8 {offsets = [1, 0], sizes = [1, 1024], strides = [1, 1]} : vector<2x1024xf32> to vector<1x1024xf32>
    %log3A = math.log %slice3A_9 : vector<1x1024xf32>
    %concatenate3A = tpu.concatenate %slice3A, %log3A in 0 : vector<1x1024xf32>, vector<1x1024xf32> -> vector<2x1024xf32>
    %transpose3A = tpu.transpose %concatenate3A, [1, 0] : vector<2x1024xf32> -> vector<1024x2xf32>
    %get3A_10 = arith.constant 0 : index
    %get3A_11 = arith.constant 0 : index
    %get3A_12 = vector.load %arg4[%get3A_10, %get3A_11] : memref<2x256xf32, #tpu.memory_space<vmem>>, vector<2x256xf32>
    %dot_general3A_13 = arith.constant dense<0.000000e+00> : vector<1024x256xf32>
    %dot_general3A_14 = tpu.matmul %transpose3A, %get3A_12, %dot_general3A_13 {dimension_numbers = #tpu.dot_dimension_numbers<[1], [0], [0], [1], [0, 0, 1, 1], [], []>, transpose_lhs_hint = false} : vector<1024x2xf32>, vector<2x256xf32>, vector<1024x256xf32> -> vector<1024x256xf32>
    %add3A = arith.addf %dot_general3A_5, %dot_general3A_14 : vector<1024x256xf32>
    %get3A_15 = arith.constant 0 : index
    %get3A_16 = arith.constant 0 : index
    %get3A_17 = vector.load %arg5[%get3A_15, %get3A_16] : memref<1x256xf32, #tpu.memory_space<vmem>>, vector<1x256xf32>
    %add3A_18 = vector.broadcast %get3A_17 : vector<1x256xf32> to vector<1024x256xf32>
    %add3A_19 = arith.addf %add3A, %add3A_18 : vector<1024x256xf32>
    %max3A = arith.constant 0.000000e+00 : f32
    %max3A_20 = vector.broadcast %max3A : f32 to vector<1024x256xf32>
    %max3A_21 = arith.maximumf %add3A_19, %max3A_20 : vector<1024x256xf32>
    %convert_element_type3A_22 = arith.truncf %max3A_21 : vector<1024x256xf32> to vector<1024x256xbf16>
    %get3A_23 = arith.constant 0 : index
    %get3A_24 = arith.constant 0 : index
    %get3A_25 = vector.load %arg6[%get3A_23, %get3A_24] : memref<256x128xbf16, #tpu.memory_space<vmem>>, vector<256x128xbf16>
    %dot_general3A_26 = arith.constant dense<0.000000e+00> : vector<1024x128xf32>
    %dot_general3A_27 = tpu.matmul %convert_element_type3A_22, %get3A_25, %dot_general3A_26 {dimension_numbers = #tpu.dot_dimension_numbers<[1], [0], [0], [1], [0, 0, 1, 1], [], []>, transpose_lhs_hint = false} : vector<1024x256xbf16>, vector<256x128xbf16>, vector<1024x128xf32> -> vector<1024x128xf32>
    %get3A_28 = arith.constant 0 : index
    %get3A_29 = arith.constant 0 : index
    %get3A_30 = vector.load %arg7[%get3A_28, %get3A_29] : memref<1x128xf32, #tpu.memory_space<vmem>>, vector<1x128xf32>
    %add3A_31 = vector.broadcast %get3A_30 : vector<1x128xf32> to vector<1024x128xf32>
    %add3A_32 = arith.addf %dot_general3A_27, %add3A_31 : vector<1024x128xf32>
    %swap3A = arith.constant 0 : index
    %swap3A_33 = arith.constant 0 : index
    %swap3A_34 = vector.load %arg9[%swap3A, %swap3A_33] : memref<1024x128xf32, #tpu.memory_space<vmem>>, vector<1024x128xf32>
    tpu.vector_store %arg9[%swap3A, %swap3A_33], %add3A_32 {strides = array<i32>} : memref<1024x128xf32, #tpu.memory_space<vmem>>, vector<1024x128xf32>,
    return
  }
  func.func @transform_0(%arg0: i32) -> (i32, i32) {
    %c0_i32 = arith.constant 0 : i32
    %c0_i32_0 = arith.constant 0 : i32
    return %arg0, %c0_i32 : i32, i32
  }
  func.func @transform_1(%arg0: i32) -> (i32, i32) {
    %add3A = arith.constant 20 : i32
    %add3A_0 = arith.addi %arg0, %add3A : i32
    %c0_i32 = arith.constant 0 : i32
    %c0_i32_1 = arith.constant 0 : i32
    return %c0_i32, %add3A_0 : i32, i32
  }
  func.func @transform_2(%arg0: i32) -> (i32, i32) {
    %c0_i32 = arith.constant 0 : i32
    %c0_i32_0 = arith.constant 0 : i32
    %c0_i32_1 = arith.constant 0 : i32
    return %c0_i32, %c0_i32_0 : i32, i32
  }
  func.func @transform_3(%arg0: i32) -> (i32, i32) {
    %c0_i32 = arith.constant 0 : i32
    %c0_i32_0 = arith.constant 0 : i32
    %c0_i32_1 = arith.constant 0 : i32
    return %c0_i32, %c0_i32_0 : i32, i32
  }
  func.func @transform_4(%arg0: i32) -> (i32, i32) {
    %c0_i32 = arith.constant 0 : i32
    %c0_i32_0 = arith.constant 0 : i32
    %c0_i32_1 = arith.constant 0 : i32
    return %c0_i32, %c0_i32_0 : i32, i32
  }
  func.func @transform_5(%arg0: i32) -> (i32, i32) {
    %c0_i32 = arith.constant 0 : i32
    %c0_i32_0 = arith.constant 0 : i32
    %c0_i32_1 = arith.constant 0 : i32
    return %c0_i32, %c0_i32_0 : i32, i32
  }
  func.func @transform_6(%arg0: i32) -> (i32, i32) {
    %c0_i32 = arith.constant 0 : i32
    %c0_i32_0 = arith.constant 0 : i32
    %c0_i32_1 = arith.constant 0 : i32
    return %c0_i32, %c0_i32_0 : i32, i32
  }
  func.func @transform_8(%arg0: i32) -> (i32, i32) {
    %add3A = arith.constant 20 : i32
    %add3A_0 = arith.addi %arg0, %add3A : i32
    %c0_i32 = arith.constant 0 : i32
    %c0_i32_1 = arith.constant 0 : i32
    return %add3A_0, %c0_i32 : i32, i32
  }
}

module attributes {stable_mosaic.version = 14 : i64} {
  func.func @body(%arg0: i32, %arg1: memref<1024x128xf32, #tpu.memory_space<vmem>>, %arg2: memref<2x1024xf32, #tpu.memory_space<vmem>>, %arg3: memref<128x256xbf16, #tpu.memory_space<vmem>>, %arg4: memref<2x256xf32, #tpu.memory_space<vmem>>, %arg5: memref<1x256xf32, #tpu.memory_space<vmem>>, %arg6: memref<256x128xbf16, #tpu.memory_space<vmem>>, %arg7: memref<1x128xf32, #tpu.memory_space<vmem>>, %arg8: memref<102400x128xf32, #tpu.memory_space<any>>, %arg9: memref<1024x128xf32, #tpu.memory_space<vmem>>) attributes {dimension_semantics = [#tpu.dimension_semantics<arbitrary>], iteration_bounds = array<i64: 20>, scalar_prefetch = 0 : i64, scratch_operands = 0 : i64, tpu.core_type = #tpu.core_type<tc>, window_params = [{transform_indices = @transform_0, window_bounds = array<i64: 1024, 128>}, {transform_indices = @transform_1, window_bounds = array<i64: 2, 1024>}, {pipeline_mode = #tpu.pipeline_mode<synchronous>, transform_indices = @transform_2, window_bounds = array<i64: 128, 256>}, {pipeline_mode = #tpu.pipeline_mode<synchronous>, transform_indices = @transform_3, window_bounds = array<i64: 2, 256>}, {pipeline_mode = #tpu.pipeline_mode<synchronous>, transform_indices = @transform_4, window_bounds = array<i64: 1, 256>}, {pipeline_mode = #tpu.pipeline_mode<synchronous>, transform_indices = @transform_5, window_bounds = array<i64: 256, 128>}, {pipeline_mode = #tpu.pipeline_mode<synchronous>, transform_indices = @transform_6, window_bounds = array<i64: 1, 128>}, {}, {transform_indices = @transform_8, window_bounds = array<i64: 1024, 128>}]} {
    %get3A = arith.constant 0 : index
    %get3A_0 = arith.constant 0 : index
    %get3A_1 = vector.load %arg1[%get3A, %get3A_0] : memref<1024x128xf32, #tpu.memory_space<vmem>>, vector<1024x128xf32>
    %convert_element_type3A = arith.truncf %get3A_1 : vector<1024x128xf32> to vector<1024x128xbf16>
    %get3A_2 = arith.constant 0 : index
    %get3A_3 = arith.constant 0 : index
    %get3A_4 = vector.load %arg3[%get3A_2, %get3A_3] : memref<128x256xbf16, #tpu.memory_space<vmem>>, vector<128x256xbf16>
    %dot_general3A = arith.constant dense<0.000000e+00> : vector<1024x256xf32>
    %dot_general3A_5 = tpu.matmul %convert_element_type3A, %get3A_4, %dot_general3A {dimension_numbers = #tpu.dot_dimension_numbers<[1], [0], [0], [1], [0, 0, 1, 1], [], []>, transpose_lhs_hint = false} : vector<1024x128xbf16>, vector<128x256xbf16>, vector<1024x256xf32> -> vector<1024x256xf32>
    %get3A_6 = arith.constant 0 : index
    %get3A_7 = arith.constant 0 : index
    %get3A_8 = vector.load %arg2[%get3A_6, %get3A_7] : memref<2x1024xf32, #tpu.memory_space<vmem>>, vector<2x1024xf32>
    %slice3A = vector.extract_strided_slice %get3A_8 {offsets = [0, 0], sizes = [1, 1024], strides = [1, 1]} : vector<2x1024xf32> to vector<1x1024xf32>
    %slice3A_9 = vector.extract_strided_slice %get3A_8 {offsets = [1, 0], sizes = [1, 1024], strides = [1, 1]} : vector<2x1024xf32> to vector<1x1024xf32>
    %log3A = math.log %slice3A_9 : vector<1x1024xf32>
    %concatenate3A = tpu.concatenate %slice3A, %log3A in 0 : vector<1x1024xf32>, vector<1x1024xf32> -> vector<2x1024xf32>
    %transpose3A = tpu.transpose %concatenate3A, [1, 0] : vector<2x1024xf32> -> vector<1024x2xf32>
    %get3A_10 = arith.constant 0 : index
    %get3A_11 = arith.constant 0 : index
    %get3A_12 = vector.load %arg4[%get3A_10, %get3A_11] : memref<2x256xf32, #tpu.memory_space<vmem>>, vector<2x256xf32>
    %dot_general3A_13 = arith.constant dense<0.000000e+00> : vector<1024x256xf32>
    %dot_general3A_14 = tpu.matmul %transpose3A, %get3A_12, %dot_general3A_13 {dimension_numbers = #tpu.dot_dimension_numbers<[1], [0], [0], [1], [0, 0, 1, 1], [], []>, transpose_lhs_hint = false} : vector<1024x2xf32>, vector<2x256xf32>, vector<1024x256xf32> -> vector<1024x256xf32>
    %add3A = arith.addf %dot_general3A_5, %dot_general3A_14 : vector<1024x256xf32>
    %get3A_15 = arith.constant 0 : index
    %get3A_16 = arith.constant 0 : index
    %get3A_17 = vector.load %arg5[%get3A_15, %get3A_16] : memref<1x256xf32, #tpu.memory_space<vmem>>, vector<1x256xf32>
    %add3A_18 = vector.broadcast %get3A_17 : vector<1x256xf32> to vector<1024x256xf32>
    %add3A_19 = arith.addf %add3A, %add3A_18 : vector<1024x256xf32>
    %max3A = arith.constant 0.000000e+00 : f32
    %max3A_20 = vector.broadcast %max3A : f32 to vector<1024x256xf32>
    %max3A_21 = arith.maximumf %add3A_19, %max3A_20 : vector<1024x256xf32>
    %convert_element_type3A_22 = arith.truncf %max3A_21 : vector<1024x256xf32> to vector<1024x256xbf16>
    %get3A_23 = arith.constant 0 : index
    %get3A_24 = arith.constant 0 : index
    %get3A_25 = vector.load %arg6[%get3A_23, %get3A_24] : memref<256x128xbf16, #tpu.memory_space<vmem>>, vector<256x128xbf16>
    %dot_general3A_26 = arith.constant dense<0.000000e+00> : vector<1024x128xf32>
    %dot_general3A_27 = tpu.matmul %convert_element_type3A_22, %get3A_25, %dot_general3A_26 {dimension_numbers = #tpu.dot_dimension_numbers<[1], [0], [0], [1], [0, 0, 1, 1], [], []>, transpose_lhs_hint = false} : vector<1024x256xbf16>, vector<256x128xbf16>, vector<1024x128xf32> -> vector<1024x128xf32>
    %get3A_28 = arith.constant 0 : index
    %get3A_29 = arith.constant 0 : index
    %get3A_30 = vector.load %arg7[%get3A_28, %get3A_29] : memref<1x128xf32, #tpu.memory_space<vmem>>, vector<1x128xf32>
    %add3A_31 = vector.broadcast %get3A_30 : vector<1x128xf32> to vector<1024x128xf32>
    %add3A_32 = arith.addf %dot_general3A_27, %add3A_31 : vector<1024x128xf32>
    %swap3A = arith.constant 0 : index
    %swap3A_33 = arith.constant 0 : index
    %swap3A_34 = vector.load %arg9[%swap3A, %swap3A_33] : memref<1024x128xf32, #tpu.memory_space<vmem>>, vector<1024x128xf32>
    tpu.vector_store %arg9[%swap3A, %swap3A_33], %add3A_32 {strides = array<i32>} : memref<1024x128xf32, #tpu.memory_space<vmem>>, vector<1024x128xf32>,
    return
  }
  func.func @transform_0(%arg0: i32) -> (i32, i32) {
    %c0_i32 = arith.constant 0 : i32
    %c0_i32_0 = arith.constant 0 : i32
    return %arg0, %c0_i32 : i32, i32
  }
  func.func @transform_1(%arg0: i32) -> (i32, i32) {
    %add3A = arith.constant 40 : i32
    %add3A_0 = arith.addi %arg0, %add3A : i32
    %c0_i32 = arith.constant 0 : i32
    %c0_i32_1 = arith.constant 0 : i32
    return %c0_i32, %add3A_0 : i32, i32
  }
  func.func @transform_2(%arg0: i32) -> (i32, i32) {
    %c0_i32 = arith.constant 0 : i32
    %c0_i32_0 = arith.constant 0 : i32
    %c0_i32_1 = arith.constant 0 : i32
    return %c0_i32, %c0_i32_0 : i32, i32
  }
  func.func @transform_3(%arg0: i32) -> (i32, i32) {
    %c0_i32 = arith.constant 0 : i32
    %c0_i32_0 = arith.constant 0 : i32
    %c0_i32_1 = arith.constant 0 : i32
    return %c0_i32, %c0_i32_0 : i32, i32
  }
  func.func @transform_4(%arg0: i32) -> (i32, i32) {
    %c0_i32 = arith.constant 0 : i32
    %c0_i32_0 = arith.constant 0 : i32
    %c0_i32_1 = arith.constant 0 : i32
    return %c0_i32, %c0_i32_0 : i32, i32
  }
  func.func @transform_5(%arg0: i32) -> (i32, i32) {
    %c0_i32 = arith.constant 0 : i32
    %c0_i32_0 = arith.constant 0 : i32
    %c0_i32_1 = arith.constant 0 : i32
    return %c0_i32, %c0_i32_0 : i32, i32
  }
  func.func @transform_6(%arg0: i32) -> (i32, i32) {
    %c0_i32 = arith.constant 0 : i32
    %c0_i32_0 = arith.constant 0 : i32
    %c0_i32_1 = arith.constant 0 : i32
    return %c0_i32, %c0_i32_0 : i32, i32
  }
  func.func @transform_8(%arg0: i32) -> (i32, i32) {
    %add3A = arith.constant 40 : i32
    %add3A_0 = arith.addi %arg0, %add3A : i32
    %c0_i32 = arith.constant 0 : i32
    %c0_i32_1 = arith.constant 0 : i32
    return %add3A_0, %c0_i32 : i32, i32
  }
}

module attributes {stable_mosaic.version = 14 : i64} {
  func.func @body(%arg0: i32, %arg1: memref<1024x128xf32, #tpu.memory_space<vmem>>, %arg2: memref<2x1024xf32, #tpu.memory_space<vmem>>, %arg3: memref<128x256xbf16, #tpu.memory_space<vmem>>, %arg4: memref<2x256xf32, #tpu.memory_space<vmem>>, %arg5: memref<1x256xf32, #tpu.memory_space<vmem>>, %arg6: memref<256x128xbf16, #tpu.memory_space<vmem>>, %arg7: memref<1x128xf32, #tpu.memory_space<vmem>>, %arg8: memref<1024x128xf32, #tpu.memory_space<vmem>>) attributes {dimension_semantics = [#tpu.dimension_semantics<arbitrary>], iteration_bounds = array<i64: 20>, scalar_prefetch = 0 : i64, scratch_operands = 0 : i64, tpu.core_type = #tpu.core_type<tc>, window_params = [{transform_indices = @transform_0, window_bounds = array<i64: 1024, 128>}, {transform_indices = @transform_1, window_bounds = array<i64: 2, 1024>}, {pipeline_mode = #tpu.pipeline_mode<synchronous>, transform_indices = @transform_2, window_bounds = array<i64: 128, 256>}, {pipeline_mode = #tpu.pipeline_mode<synchronous>, transform_indices = @transform_3, window_bounds = array<i64: 2, 256>}, {pipeline_mode = #tpu.pipeline_mode<synchronous>, transform_indices = @transform_4, window_bounds = array<i64: 1, 256>}, {pipeline_mode = #tpu.pipeline_mode<synchronous>, transform_indices = @transform_5, window_bounds = array<i64: 256, 128>}, {pipeline_mode = #tpu.pipeline_mode<synchronous>, transform_indices = @transform_6, window_bounds = array<i64: 1, 128>}, {transform_indices = @transform_7, window_bounds = array<i64: 1024, 128>}]} {
    %get3A = arith.constant 0 : index
    %get3A_0 = arith.constant 0 : index
    %get3A_1 = vector.load %arg1[%get3A, %get3A_0] : memref<1024x128xf32, #tpu.memory_space<vmem>>, vector<1024x128xf32>
    %convert_element_type3A = arith.truncf %get3A_1 : vector<1024x128xf32> to vector<1024x128xbf16>
    %get3A_2 = arith.constant 0 : index
    %get3A_3 = arith.constant 0 : index
    %get3A_4 = vector.load %arg3[%get3A_2, %get3A_3] : memref<128x256xbf16, #tpu.memory_space<vmem>>, vector<128x256xbf16>
    %dot_general3A = arith.constant dense<0.000000e+00> : vector<1024x256xf32>
    %dot_general3A_5 = tpu.matmul %convert_element_type3A, %get3A_4, %dot_general3A {dimension_numbers = #tpu.dot_dimension_numbers<[1], [0], [0], [1], [0, 0, 1, 1], [], []>, transpose_lhs_hint = false} : vector<1024x128xbf16>, vector<128x256xbf16>, vector<1024x256xf32> -> vector<1024x256xf32>
    %get3A_6 = arith.constant 0 : index
    %get3A_7 = arith.constant 0 : index
    %get3A_8 = vector.load %arg2[%get3A_6, %get3A_7] : memref<2x1024xf32, #tpu.memory_space<vmem>>, vector<2x1024xf32>
    %slice3A = vector.extract_strided_slice %get3A_8 {offsets = [0, 0], sizes = [1, 1024], strides = [1, 1]} : vector<2x1024xf32> to vector<1x1024xf32>
    %slice3A_9 = vector.extract_strided_slice %get3A_8 {offsets = [1, 0], sizes = [1, 1024], strides = [1, 1]} : vector<2x1024xf32> to vector<1x1024xf32>
    %log3A = math.log %slice3A_9 : vector<1x1024xf32>
    %concatenate3A = tpu.concatenate %slice3A, %log3A in 0 : vector<1x1024xf32>, vector<1x1024xf32> -> vector<2x1024xf32>
    %transpose3A = tpu.transpose %concatenate3A, [1, 0] : vector<2x1024xf32> -> vector<1024x2xf32>
    %get3A_10 = arith.constant 0 : index
    %get3A_11 = arith.constant 0 : index
    %get3A_12 = vector.load %arg4[%get3A_10, %get3A_11] : memref<2x256xf32, #tpu.memory_space<vmem>>, vector<2x256xf32>
    %dot_general3A_13 = arith.constant dense<0.000000e+00> : vector<1024x256xf32>
    %dot_general3A_14 = tpu.matmul %transpose3A, %get3A_12, %dot_general3A_13 {dimension_numbers = #tpu.dot_dimension_numbers<[1], [0], [0], [1], [0, 0, 1, 1], [], []>, transpose_lhs_hint = false} : vector<1024x2xf32>, vector<2x256xf32>, vector<1024x256xf32> -> vector<1024x256xf32>
    %add3A = arith.addf %dot_general3A_5, %dot_general3A_14 : vector<1024x256xf32>
    %get3A_15 = arith.constant 0 : index
    %get3A_16 = arith.constant 0 : index
    %get3A_17 = vector.load %arg5[%get3A_15, %get3A_16] : memref<1x256xf32, #tpu.memory_space<vmem>>, vector<1x256xf32>
    %add3A_18 = vector.broadcast %get3A_17 : vector<1x256xf32> to vector<1024x256xf32>
    %add3A_19 = arith.addf %add3A, %add3A_18 : vector<1024x256xf32>
    %max3A = arith.constant 0.000000e+00 : f32
    %max3A_20 = vector.broadcast %max3A : f32 to vector<1024x256xf32>
    %max3A_21 = arith.maximumf %add3A_19, %max3A_20 : vector<1024x256xf32>
    %convert_element_type3A_22 = arith.truncf %max3A_21 : vector<1024x256xf32> to vector<1024x256xbf16>
    %get3A_23 = arith.constant 0 : index
    %get3A_24 = arith.constant 0 : index
    %get3A_25 = vector.load %arg6[%get3A_23, %get3A_24] : memref<256x128xbf16, #tpu.memory_space<vmem>>, vector<256x128xbf16>
    %dot_general3A_26 = arith.constant dense<0.000000e+00> : vector<1024x128xf32>
    %dot_general3A_27 = tpu.matmul %convert_element_type3A_22, %get3A_25, %dot_general3A_26 {dimension_numbers = #tpu.dot_dimension_numbers<[1], [0], [0], [1], [0, 0, 1, 1], [], []>, transpose_lhs_hint = false} : vector<1024x256xbf16>, vector<256x128xbf16>, vector<1024x128xf32> -> vector<1024x128xf32>
    %get3A_28 = arith.constant 0 : index
    %get3A_29 = arith.constant 0 : index
    %get3A_30 = vector.load %arg7[%get3A_28, %get3A_29] : memref<1x128xf32, #tpu.memory_space<vmem>>, vector<1x128xf32>
    %add3A_31 = vector.broadcast %get3A_30 : vector<1x128xf32> to vector<1024x128xf32>
    %add3A_32 = arith.addf %dot_general3A_27, %add3A_31 : vector<1024x128xf32>
    %swap3A = arith.constant 0 : index
    %swap3A_33 = arith.constant 0 : index
    %swap3A_34 = vector.load %arg8[%swap3A, %swap3A_33] : memref<1024x128xf32, #tpu.memory_space<vmem>>, vector<1024x128xf32>
    tpu.vector_store %arg8[%swap3A, %swap3A_33], %add3A_32 {strides = array<i32>} : memref<1024x128xf32, #tpu.memory_space<vmem>>, vector<1024x128xf32>,
    return
  }
  func.func @transform_0(%arg0: i32) -> (i32, i32) {
    %c0_i32 = arith.constant 0 : i32
    %c0_i32_0 = arith.constant 0 : i32
    return %arg0, %c0_i32 : i32, i32
  }
  func.func @transform_1(%arg0: i32) -> (i32, i32) {
    %add3A = arith.constant 0 : i32
    %add3A_0 = arith.addi %arg0, %add3A : i32
    %c0_i32 = arith.constant 0 : i32
    %c0_i32_1 = arith.constant 0 : i32
    return %c0_i32, %add3A_0 : i32, i32
  }
  func.func @transform_2(%arg0: i32) -> (i32, i32) {
    %c0_i32 = arith.constant 0 : i32
    %c0_i32_0 = arith.constant 0 : i32
    %c0_i32_1 = arith.constant 0 : i32
    return %c0_i32, %c0_i32_0 : i32, i32
  }
  func.func @transform_3(%arg0: i32) -> (i32, i32) {
    %c0_i32 = arith.constant 0 : i32
    %c0_i32_0 = arith.constant 0 : i32
    %c0_i32_1 = arith.constant 0 : i32
    return %c0_i32, %c0_i32_0 : i32, i32
  }
  func.func @transform_4(%arg0: i32) -> (i32, i32) {
    %c0_i32 = arith.constant 0 : i32
    %c0_i32_0 = arith.constant 0 : i32
    %c0_i32_1 = arith.constant 0 : i32
    return %c0_i32, %c0_i32_0 : i32, i32
  }
  func.func @transform_5(%arg0: i32) -> (i32, i32) {
    %c0_i32 = arith.constant 0 : i32
    %c0_i32_0 = arith.constant 0 : i32
    %c0_i32_1 = arith.constant 0 : i32
    return %c0_i32, %c0_i32_0 : i32, i32
  }
  func.func @transform_6(%arg0: i32) -> (i32, i32) {
    %c0_i32 = arith.constant 0 : i32
    %c0_i32_0 = arith.constant 0 : i32
    %c0_i32_1 = arith.constant 0 : i32
    return %c0_i32, %c0_i32_0 : i32, i32
  }
  func.func @transform_7(%arg0: i32) -> (i32, i32) {
    %add3A = arith.constant 0 : i32
    %add3A_0 = arith.addi %arg0, %add3A : i32
    %c0_i32 = arith.constant 0 : i32
    %c0_i32_1 = arith.constant 0 : i32
    return %add3A_0, %c0_i32 : i32, i32
  }
}

module attributes {stable_mosaic.version = 14 : i64} {
  func.func @body(%arg0: i32, %arg1: memref<1024x128xf32, #tpu.memory_space<vmem>>, %arg2: memref<2x1024xf32, #tpu.memory_space<vmem>>, %arg3: memref<128x256xbf16, #tpu.memory_space<vmem>>, %arg4: memref<2x256xf32, #tpu.memory_space<vmem>>, %arg5: memref<1x256xf32, #tpu.memory_space<vmem>>, %arg6: memref<256x128xbf16, #tpu.memory_space<vmem>>, %arg7: memref<1x128xf32, #tpu.memory_space<vmem>>, %arg8: memref<102400x128xf32, #tpu.memory_space<any>>, %arg9: memref<1024x128xf32, #tpu.memory_space<vmem>>) attributes {dimension_semantics = [#tpu.dimension_semantics<arbitrary>], iteration_bounds = array<i64: 20>, scalar_prefetch = 0 : i64, scratch_operands = 0 : i64, tpu.core_type = #tpu.core_type<tc>, window_params = [{transform_indices = @transform_0, window_bounds = array<i64: 1024, 128>}, {transform_indices = @transform_1, window_bounds = array<i64: 2, 1024>}, {pipeline_mode = #tpu.pipeline_mode<synchronous>, transform_indices = @transform_2, window_bounds = array<i64: 128, 256>}, {pipeline_mode = #tpu.pipeline_mode<synchronous>, transform_indices = @transform_3, window_bounds = array<i64: 2, 256>}, {pipeline_mode = #tpu.pipeline_mode<synchronous>, transform_indices = @transform_4, window_bounds = array<i64: 1, 256>}, {pipeline_mode = #tpu.pipeline_mode<synchronous>, transform_indices = @transform_5, window_bounds = array<i64: 256, 128>}, {pipeline_mode = #tpu.pipeline_mode<synchronous>, transform_indices = @transform_6, window_bounds = array<i64: 1, 128>}, {}, {transform_indices = @transform_8, window_bounds = array<i64: 1024, 128>}]} {
    %get3A = arith.constant 0 : index
    %get3A_0 = arith.constant 0 : index
    %get3A_1 = vector.load %arg1[%get3A, %get3A_0] : memref<1024x128xf32, #tpu.memory_space<vmem>>, vector<1024x128xf32>
    %convert_element_type3A = arith.truncf %get3A_1 : vector<1024x128xf32> to vector<1024x128xbf16>
    %get3A_2 = arith.constant 0 : index
    %get3A_3 = arith.constant 0 : index
    %get3A_4 = vector.load %arg3[%get3A_2, %get3A_3] : memref<128x256xbf16, #tpu.memory_space<vmem>>, vector<128x256xbf16>
    %dot_general3A = arith.constant dense<0.000000e+00> : vector<1024x256xf32>
    %dot_general3A_5 = tpu.matmul %convert_element_type3A, %get3A_4, %dot_general3A {dimension_numbers = #tpu.dot_dimension_numbers<[1], [0], [0], [1], [0, 0, 1, 1], [], []>, transpose_lhs_hint = false} : vector<1024x128xbf16>, vector<128x256xbf16>, vector<1024x256xf32> -> vector<1024x256xf32>
    %get3A_6 = arith.constant 0 : index
    %get3A_7 = arith.constant 0 : index
    %get3A_8 = vector.load %arg2[%get3A_6, %get3A_7] : memref<2x1024xf32, #tpu.memory_space<vmem>>, vector<2x1024xf32>
    %slice3A = vector.extract_strided_slice %get3A_8 {offsets = [0, 0], sizes = [1, 1024], strides = [1, 1]} : vector<2x1024xf32> to vector<1x1024xf32>
    %slice3A_9 = vector.extract_strided_slice %get3A_8 {offsets = [1, 0], sizes = [1, 1024], strides = [1, 1]} : vector<2x1024xf32> to vector<1x1024xf32>
    %log3A = math.log %slice3A_9 : vector<1x1024xf32>
    %concatenate3A = tpu.concatenate %slice3A, %log3A in 0 : vector<1x1024xf32>, vector<1x1024xf32> -> vector<2x1024xf32>
    %transpose3A = tpu.transpose %concatenate3A, [1, 0] : vector<2x1024xf32> -> vector<1024x2xf32>
    %get3A_10 = arith.constant 0 : index
    %get3A_11 = arith.constant 0 : index
    %get3A_12 = vector.load %arg4[%get3A_10, %get3A_11] : memref<2x256xf32, #tpu.memory_space<vmem>>, vector<2x256xf32>
    %dot_general3A_13 = arith.constant dense<0.000000e+00> : vector<1024x256xf32>
    %dot_general3A_14 = tpu.matmul %transpose3A, %get3A_12, %dot_general3A_13 {dimension_numbers = #tpu.dot_dimension_numbers<[1], [0], [0], [1], [0, 0, 1, 1], [], []>, transpose_lhs_hint = false} : vector<1024x2xf32>, vector<2x256xf32>, vector<1024x256xf32> -> vector<1024x256xf32>
    %add3A = arith.addf %dot_general3A_5, %dot_general3A_14 : vector<1024x256xf32>
    %get3A_15 = arith.constant 0 : index
    %get3A_16 = arith.constant 0 : index
    %get3A_17 = vector.load %arg5[%get3A_15, %get3A_16] : memref<1x256xf32, #tpu.memory_space<vmem>>, vector<1x256xf32>
    %add3A_18 = vector.broadcast %get3A_17 : vector<1x256xf32> to vector<1024x256xf32>
    %add3A_19 = arith.addf %add3A, %add3A_18 : vector<1024x256xf32>
    %max3A = arith.constant 0.000000e+00 : f32
    %max3A_20 = vector.broadcast %max3A : f32 to vector<1024x256xf32>
    %max3A_21 = arith.maximumf %add3A_19, %max3A_20 : vector<1024x256xf32>
    %convert_element_type3A_22 = arith.truncf %max3A_21 : vector<1024x256xf32> to vector<1024x256xbf16>
    %get3A_23 = arith.constant 0 : index
    %get3A_24 = arith.constant 0 : index
    %get3A_25 = vector.load %arg6[%get3A_23, %get3A_24] : memref<256x128xbf16, #tpu.memory_space<vmem>>, vector<256x128xbf16>
    %dot_general3A_26 = arith.constant dense<0.000000e+00> : vector<1024x128xf32>
    %dot_general3A_27 = tpu.matmul %convert_element_type3A_22, %get3A_25, %dot_general3A_26 {dimension_numbers = #tpu.dot_dimension_numbers<[1], [0], [0], [1], [0, 0, 1, 1], [], []>, transpose_lhs_hint = false} : vector<1024x256xbf16>, vector<256x128xbf16>, vector<1024x128xf32> -> vector<1024x128xf32>
    %get3A_28 = arith.constant 0 : index
    %get3A_29 = arith.constant 0 : index
    %get3A_30 = vector.load %arg7[%get3A_28, %get3A_29] : memref<1x128xf32, #tpu.memory_space<vmem>>, vector<1x128xf32>
    %add3A_31 = vector.broadcast %get3A_30 : vector<1x128xf32> to vector<1024x128xf32>
    %add3A_32 = arith.addf %dot_general3A_27, %add3A_31 : vector<1024x128xf32>
    %swap3A = arith.constant 0 : index
    %swap3A_33 = arith.constant 0 : index
    %swap3A_34 = vector.load %arg9[%swap3A, %swap3A_33] : memref<1024x128xf32, #tpu.memory_space<vmem>>, vector<1024x128xf32>
    tpu.vector_store %arg9[%swap3A, %swap3A_33], %add3A_32 {strides = array<i32>} : memref<1024x128xf32, #tpu.memory_space<vmem>>, vector<1024x128xf32>,
    return
  }
  func.func @transform_0(%arg0: i32) -> (i32, i32) {
    %c0_i32 = arith.constant 0 : i32
    %c0_i32_0 = arith.constant 0 : i32
    return %arg0, %c0_i32 : i32, i32
  }
  func.func @transform_1(%arg0: i32) -> (i32, i32) {
    %add3A = arith.constant 60 : i32
    %add3A_0 = arith.addi %arg0, %add3A : i32
    %c0_i32 = arith.constant 0 : i32
    %c0_i32_1 = arith.constant 0 : i32
    return %c0_i32, %add3A_0 : i32, i32
  }
  func.func @transform_2(%arg0: i32) -> (i32, i32) {
    %c0_i32 = arith.constant 0 : i32
    %c0_i32_0 = arith.constant 0 : i32
    %c0_i32_1 = arith.constant 0 : i32
    return %c0_i32, %c0_i32_0 : i32, i32
  }
  func.func @transform_3(%arg0: i32) -> (i32, i32) {
    %c0_i32 = arith.constant 0 : i32
    %c0_i32_0 = arith.constant 0 : i32
    %c0_i32_1 = arith.constant 0 : i32
    return %c0_i32, %c0_i32_0 : i32, i32
  }
  func.func @transform_4(%arg0: i32) -> (i32, i32) {
    %c0_i32 = arith.constant 0 : i32
    %c0_i32_0 = arith.constant 0 : i32
    %c0_i32_1 = arith.constant 0 : i32
    return %c0_i32, %c0_i32_0 : i32, i32
  }
  func.func @transform_5(%arg0: i32) -> (i32, i32) {
    %c0_i32 = arith.constant 0 : i32
    %c0_i32_0 = arith.constant 0 : i32
    %c0_i32_1 = arith.constant 0 : i32
    return %c0_i32, %c0_i32_0 : i32, i32
  }
  func.func @transform_6(%arg0: i32) -> (i32, i32) {
    %c0_i32 = arith.constant 0 : i32
    %c0_i32_0 = arith.constant 0 : i32
    %c0_i32_1 = arith.constant 0 : i32
    return %c0_i32, %c0_i32_0 : i32, i32
  }
  func.func @transform_8(%arg0: i32) -> (i32, i32) {
    %add3A = arith.constant 60 : i32
    %add3A_0 = arith.addi %arg0, %add3A : i32
    %c0_i32 = arith.constant 0 : i32
    %c0_i32_1 = arith.constant 0 : i32
    return %add3A_0, %c0_i32 : i32, i32
  }
}

module attributes {stable_mosaic.version = 14 : i64} {
  func.func @body(%arg0: i32, %arg1: memref<1024x128xf32, #tpu.memory_space<vmem>>, %arg2: memref<2x1024xf32, #tpu.memory_space<vmem>>, %arg3: memref<128x256xbf16, #tpu.memory_space<vmem>>, %arg4: memref<2x256xf32, #tpu.memory_space<vmem>>, %arg5: memref<1x256xf32, #tpu.memory_space<vmem>>, %arg6: memref<256x128xbf16, #tpu.memory_space<vmem>>, %arg7: memref<1x128xf32, #tpu.memory_space<vmem>>, %arg8: memref<102400x128xf32, #tpu.memory_space<any>>, %arg9: memref<1024x128xf32, #tpu.memory_space<vmem>>) attributes {dimension_semantics = [#tpu.dimension_semantics<arbitrary>], iteration_bounds = array<i64: 20>, scalar_prefetch = 0 : i64, scratch_operands = 0 : i64, tpu.core_type = #tpu.core_type<tc>, window_params = [{transform_indices = @transform_0, window_bounds = array<i64: 1024, 128>}, {transform_indices = @transform_1, window_bounds = array<i64: 2, 1024>}, {pipeline_mode = #tpu.pipeline_mode<synchronous>, transform_indices = @transform_2, window_bounds = array<i64: 128, 256>}, {pipeline_mode = #tpu.pipeline_mode<synchronous>, transform_indices = @transform_3, window_bounds = array<i64: 2, 256>}, {pipeline_mode = #tpu.pipeline_mode<synchronous>, transform_indices = @transform_4, window_bounds = array<i64: 1, 256>}, {pipeline_mode = #tpu.pipeline_mode<synchronous>, transform_indices = @transform_5, window_bounds = array<i64: 256, 128>}, {pipeline_mode = #tpu.pipeline_mode<synchronous>, transform_indices = @transform_6, window_bounds = array<i64: 1, 128>}, {}, {transform_indices = @transform_8, window_bounds = array<i64: 1024, 128>}]} {
    %get3A = arith.constant 0 : index
    %get3A_0 = arith.constant 0 : index
    %get3A_1 = vector.load %arg1[%get3A, %get3A_0] : memref<1024x128xf32, #tpu.memory_space<vmem>>, vector<1024x128xf32>
    %convert_element_type3A = arith.truncf %get3A_1 : vector<1024x128xf32> to vector<1024x128xbf16>
    %get3A_2 = arith.constant 0 : index
    %get3A_3 = arith.constant 0 : index
    %get3A_4 = vector.load %arg3[%get3A_2, %get3A_3] : memref<128x256xbf16, #tpu.memory_space<vmem>>, vector<128x256xbf16>
    %dot_general3A = arith.constant dense<0.000000e+00> : vector<1024x256xf32>
    %dot_general3A_5 = tpu.matmul %convert_element_type3A, %get3A_4, %dot_general3A {dimension_numbers = #tpu.dot_dimension_numbers<[1], [0], [0], [1], [0, 0, 1, 1], [], []>, transpose_lhs_hint = false} : vector<1024x128xbf16>, vector<128x256xbf16>, vector<1024x256xf32> -> vector<1024x256xf32>
    %get3A_6 = arith.constant 0 : index
    %get3A_7 = arith.constant 0 : index
    %get3A_8 = vector.load %arg2[%get3A_6, %get3A_7] : memref<2x1024xf32, #tpu.memory_space<vmem>>, vector<2x1024xf32>
    %slice3A = vector.extract_strided_slice %get3A_8 {offsets = [0, 0], sizes = [1, 1024], strides = [1, 1]} : vector<2x1024xf32> to vector<1x1024xf32>
    %slice3A_9 = vector.extract_strided_slice %get3A_8 {offsets = [1, 0], sizes = [1, 1024], strides = [1, 1]} : vector<2x1024xf32> to vector<1x1024xf32>
    %log3A = math.log %slice3A_9 : vector<1x1024xf32>
    %concatenate3A = tpu.concatenate %slice3A, %log3A in 0 : vector<1x1024xf32>, vector<1x1024xf32> -> vector<2x1024xf32>
    %transpose3A = tpu.transpose %concatenate3A, [1, 0] : vector<2x1024xf32> -> vector<1024x2xf32>
    %get3A_10 = arith.constant 0 : index
    %get3A_11 = arith.constant 0 : index
    %get3A_12 = vector.load %arg4[%get3A_10, %get3A_11] : memref<2x256xf32, #tpu.memory_space<vmem>>, vector<2x256xf32>
    %dot_general3A_13 = arith.constant dense<0.000000e+00> : vector<1024x256xf32>
    %dot_general3A_14 = tpu.matmul %transpose3A, %get3A_12, %dot_general3A_13 {dimension_numbers = #tpu.dot_dimension_numbers<[1], [0], [0], [1], [0, 0, 1, 1], [], []>, transpose_lhs_hint = false} : vector<1024x2xf32>, vector<2x256xf32>, vector<1024x256xf32> -> vector<1024x256xf32>
    %add3A = arith.addf %dot_general3A_5, %dot_general3A_14 : vector<1024x256xf32>
    %get3A_15 = arith.constant 0 : index
    %get3A_16 = arith.constant 0 : index
    %get3A_17 = vector.load %arg5[%get3A_15, %get3A_16] : memref<1x256xf32, #tpu.memory_space<vmem>>, vector<1x256xf32>
    %add3A_18 = vector.broadcast %get3A_17 : vector<1x256xf32> to vector<1024x256xf32>
    %add3A_19 = arith.addf %add3A, %add3A_18 : vector<1024x256xf32>
    %max3A = arith.constant 0.000000e+00 : f32
    %max3A_20 = vector.broadcast %max3A : f32 to vector<1024x256xf32>
    %max3A_21 = arith.maximumf %add3A_19, %max3A_20 : vector<1024x256xf32>
    %convert_element_type3A_22 = arith.truncf %max3A_21 : vector<1024x256xf32> to vector<1024x256xbf16>
    %get3A_23 = arith.constant 0 : index
    %get3A_24 = arith.constant 0 : index
    %get3A_25 = vector.load %arg6[%get3A_23, %get3A_24] : memref<256x128xbf16, #tpu.memory_space<vmem>>, vector<256x128xbf16>
    %dot_general3A_26 = arith.constant dense<0.000000e+00> : vector<1024x128xf32>
    %dot_general3A_27 = tpu.matmul %convert_element_type3A_22, %get3A_25, %dot_general3A_26 {dimension_numbers = #tpu.dot_dimension_numbers<[1], [0], [0], [1], [0, 0, 1, 1], [], []>, transpose_lhs_hint = false} : vector<1024x256xbf16>, vector<256x128xbf16>, vector<1024x128xf32> -> vector<1024x128xf32>
    %get3A_28 = arith.constant 0 : index
    %get3A_29 = arith.constant 0 : index
    %get3A_30 = vector.load %arg7[%get3A_28, %get3A_29] : memref<1x128xf32, #tpu.memory_space<vmem>>, vector<1x128xf32>
    %add3A_31 = vector.broadcast %get3A_30 : vector<1x128xf32> to vector<1024x128xf32>
    %add3A_32 = arith.addf %dot_general3A_27, %add3A_31 : vector<1024x128xf32>
    %swap3A = arith.constant 0 : index
    %swap3A_33 = arith.constant 0 : index
    %swap3A_34 = vector.load %arg9[%swap3A, %swap3A_33] : memref<1024x128xf32, #tpu.memory_space<vmem>>, vector<1024x128xf32>
    tpu.vector_store %arg9[%swap3A, %swap3A_33], %add3A_32 {strides = array<i32>} : memref<1024x128xf32, #tpu.memory_space<vmem>>, vector<1024x128xf32>,
    return
  }
  func.func @transform_0(%arg0: i32) -> (i32, i32) {
    %c0_i32 = arith.constant 0 : i32
    %c0_i32_0 = arith.constant 0 : i32
    return %arg0, %c0_i32 : i32, i32
  }
  func.func @transform_1(%arg0: i32) -> (i32, i32) {
    %add3A = arith.constant 80 : i32
    %add3A_0 = arith.addi %arg0, %add3A : i32
    %c0_i32 = arith.constant 0 : i32
    %c0_i32_1 = arith.constant 0 : i32
    return %c0_i32, %add3A_0 : i32, i32
  }
  func.func @transform_2(%arg0: i32) -> (i32, i32) {
    %c0_i32 = arith.constant 0 : i32
    %c0_i32_0 = arith.constant 0 : i32
    %c0_i32_1 = arith.constant 0 : i32
    return %c0_i32, %c0_i32_0 : i32, i32
  }
  func.func @transform_3(%arg0: i32) -> (i32, i32) {
    %c0_i32 = arith.constant 0 : i32
    %c0_i32_0 = arith.constant 0 : i32
    %c0_i32_1 = arith.constant 0 : i32
    return %c0_i32, %c0_i32_0 : i32, i32
  }
  func.func @transform_4(%arg0: i32) -> (i32, i32) {
    %c0_i32 = arith.constant 0 : i32
    %c0_i32_0 = arith.constant 0 : i32
    %c0_i32_1 = arith.constant 0 : i32
    return %c0_i32, %c0_i32_0 : i32, i32
  }
  func.func @transform_5(%arg0: i32) -> (i32, i32) {
    %c0_i32 = arith.constant 0 : i32
    %c0_i32_0 = arith.constant 0 : i32
    %c0_i32_1 = arith.constant 0 : i32
    return %c0_i32, %c0_i32_0 : i32, i32
  }
  func.func @transform_6(%arg0: i32) -> (i32, i32) {
    %c0_i32 = arith.constant 0 : i32
    %c0_i32_0 = arith.constant 0 : i32
    %c0_i32_1 = arith.constant 0 : i32
    return %c0_i32, %c0_i32_0 : i32, i32
  }
  func.func @transform_8(%arg0: i32) -> (i32, i32) {
    %add3A = arith.constant 80 : i32
    %add3A_0 = arith.addi %arg0, %add3A : i32
    %c0_i32 = arith.constant 0 : i32
    %c0_i32_1 = arith.constant 0 : i32
    return %add3A_0, %c0_i32 : i32, i32
  }
}

</mosaic_0001>

<sc_bundles>
// kernel: kernel.12.cloned.1.call-start
scs
__scs_entry_jumppad:
0x0: {  	(pc) =	sbr.rel $0x88, $3  }
0x1: {  	(tag) =	ssettag $0x0;
	lr =	simm.s32 $0x1  }
0x2: {  	[smem:$0x3F95] =	sst lr;
	_ =	strace $0xD0000000  }
0x3: {  	_ = 	snop  }
0x4: {  	_ = 	snop  }
0x5: {  	_ = 	snop  }
0x6: {  	_ = 	snop  }
0x7: {  	_ = 	snop  }
__scs_overlays_trampoline_lowered:
0x8: {  	[smem:$0x3FA4] =	sst s0  }
0x9: {  	[smem:$0x3FA5] =	sst s1  }
0xa: {  	[smem:$0x3FA6] =	sst s2  }
0xb: {  	[smem:$0x3FA7] =	sst s3  }
0xc: {  	[smem:$0x3FA8] =	sst s4  }
0xd: {  	[smem:$0x3FA9] =	sst s5  }
0xe: {  	[smem:$0x3FAA] =	sst s6  }
0xf: {  	[smem:$0x3FAB] =	sst s7  }
0x10: {  	[smem:$0x3FAC] =	sst s8  }
0x11: {  	[smem:$0x3FAD] =	sst s9;
	s0 =	simm.s32 @!p0 $0x0  }
0x12: {  	s1 =	sld [smem:$0x3F93];
	s0 =	simm.s32 @p0 $0x1  }
0x13: {  	[smem:$0x3FAE] =	sst s0;
	s0 =	simm.s32 @!p1 $0x0  }
0x14: {  	s2 =	sld [smem:$0x3F92];
	s0 =	simm.s32 @p1 $0x1  }
0x15: {  	[smem:$0x3FAF] =	sst s0;
	s0 =	simm.s32 @!p2 $0x0  }
0x16: {  	s3 =	sld [smem:$0x3FDB];
	s0 =	simm.s32 @p2 $0x1  }
0x17: {  	s4 =	simm.s32 $0x1BF5;
	[smem:$0x3FB1] =	sst s0  }
0x18: {  	s0 =	sld [smem:$0x3F94];
	_ =	swait.ge [sflag:s4], $0x0  }
0x19: {  	s7 =	sld [smem:$0x3F95]  }
0x1a: {  	s8 =	sadd.s32 $0xFFFFE003, lr  }
0x1b: {  	s9 =	sadd.s32 $0xFFFFFEF7, lr;
	s5 =	simm.s32 $0xFFFFFFFF;
	p2 =	slt.u32 s8, $0xFFFFF086  }
0x1c: {  	p1 =	slt.u32 s9, $0xF7A;
	s5 =	simm.s32 @!p2 $0x0  }
0x1d: {  	s5 =	simm.s32 @p1 $0x1;
	p0 =	seq.s32 s7, s2  }
0x1e: {  	s7 =	smul.u32 @!p0 $0xF7A, s2;
	p2 =	seq.s32 @!p0 s5, $0x0  }
0x1f: {  	s9 =	smul.u32 $0xF7A, s1;
	s8 =	simm.s32 @!p0 $0x1BF5;
	p2 =	por !p2, p0  }
0x20: {  	[sflag:s8] =	ssyncset.s32 @!p0 $0xFFFFF086;
	s6 =	sadd.s32 @!p0 s3, s7;
	s7 =	simm.s32 @!p0 $0x108  }
0x21: {  	s3 =	sadd.s32 s3, s9;
	s6 =	sadd.s32 @!p0 $0x88, s6;
	s7 =	simm.s32 @p2 $0x1082  }
0x22: {  	[simem:s7], [sflag:s8] =	dma.local @!p0 [hbm:s6], $0xF7A  }
0x23: {  	s9 =	sor.u32 $0xD0000000, s2;
	s6 =	simm.s32 $0x108;
	_ =	swait.ge @!p0 [sflag:s8], $0x0  }
0x24: {  	s3 =	sadd.s32 $0x88, s3;
	s6 =	simm.s32 @!p1 $0x1082;
	[sflag:s4] =	ssyncset.s32 $0xFFFFF086  }
0x25: {  	[simem:s6], [sflag:s4] =	dma.local [hbm:s3], $0xF7A  }
0x26: {  	[smem:$0x3F95] =	sst s1;
	(tag) =	ssettag s2;
	_ =	strace s9  }
0x27: {  	s1 =	sld [smem:$0x3FA5]  }
0x28: {  	s2 =	sld [smem:$0x3FA6]  }
0x29: {  	s4 =	sld [smem:$0x3FA8]  }
0x2a: {  	p0 =	seq.s32 s5, $0x0;
	s5 =	sld [smem:$0x3FA9]  }
0x2b: {  	s6 =	sld [smem:$0x3FAA]  }
0x2c: {  	s7 =	sld [smem:$0x3FAB]  }
0x2d: {  	s3 =	simm.s32 $0x108;
	s8 =	sld [smem:$0x3FAC]  }
0x2e: {  	s3 =	simm.s32 @!p0 $0x1082;
	s9 =	sld [smem:$0x3FAD]  }
0x2f: {  	lr =	sadd.s32 s0, s3;
	s0 =	sld [smem:$0x3FA4]  }
0x30: {  	s3 =	sld [smem:$0x3FA7]  }
0x31: {  	[smem:$0x3FB0] =	sst s10  }
0x32: {  	s10 =	sld [smem:$0x3FAE];
	_ =	sdelay $0x3  }
0x33: {  	p0 =	seq.s32 s10, $0x1;
	s10 =	sld [smem:$0x3FB0];
	_ =	sdelay $0x3  }
0x34: {  	[smem:$0x3FB0] =	sst s10  }
0x35: {  	s10 =	sld [smem:$0x3FAF];
	_ =	sdelay $0x3  }
0x36: {  	p1 =	seq.s32 s10, $0x1;
	s10 =	sld [smem:$0x3FB0];
	_ =	sdelay $0x3  }
0x37: {  	[smem:$0x3FB0] =	sst s10  }
0x38: {  	s10 =	sld [smem:$0x3FB1]  }
0x39: {  	_ = 	snop;
	(pc) =	sbr.ind lr, $3  }
0x3a: {  	_ = 	snop  }
0x3b: {  	_ = 	snop  }
0x3c: {  	p2 =	seq.s32 s10, $0x1;
	s10 =	sld [smem:$0x3FB0]  }
0x3d: {  	_ =	shalt  }
0x3e: {  	_ =	shalt  }
0x3f: {  	_ =	shalt  }
0x40: {  	_ =	shalt  }
0x41: {  	_ =	shalt  }
0x42: {  	_ =	shalt  }
0x43: {  	_ =	shalt  }
0x44: {  	_ =	shalt  }
0x45: {  	_ =	shalt  }
0x46: {  	_ =	shalt  }
0x47: {  	_ =	shalt  }
0x48: {  	_ =	shalt  }
0x49: {  	_ =	shalt  }
0x4a: {  	_ =	shalt  }
0x4b: {  	_ =	shalt  }
0x4c: {  	_ =	shalt  }
0x4d: {  	_ =	shalt  }
0x4e: {  	_ =	shalt  }
0x4f: {  	_ =	shalt  }
0x50: {  	_ =	shalt  }
0x51: {  	_ =	shalt  }
0x52: {  	_ =	shalt  }
0x53: {  	_ =	shalt  }
0x54: {  	_ =	shalt  }
0x55: {  	_ =	shalt  }
0x56: {  	_ =	shalt  }
0x57: {  	_ =	shalt  }
0x58: {  	_ =	shalt  }
0x59: {  	_ =	shalt  }
0x5a: {  	_ =	shalt  }
0x5b: {  	_ =	shalt  }
0x5c: {  	_ =	shalt  }
0x5d: {  	_ =	shalt  }
0x5e: {  	_ =	shalt  }
0x5f: {  	_ =	shalt  }
0x60: {  	_ =	shalt  }
0x61: {  	_ =	shalt  }
0x62: {  	_ =	shalt  }
0x63: {  	_ =	shalt  }
0x64: {  	_ =	shalt  }
0x65: {  	_ =	shalt  }
0x66: {  	_ =	shalt  }
0x67: {  	_ =	shalt  }
0x68: {  	_ =	shalt  }
0x69: {  	_ =	shalt  }
0x6a: {  	_ =	shalt  }
0x6b: {  	_ =	shalt  }
0x6c: {  	_ =	shalt  }
0x6d: {  	_ =	shalt  }
0x6e: {  	_ =	shalt  }
0x6f: {  	_ =	shalt  }
0x70: {  	_ =	shalt  }
0x71: {  	_ =	shalt  }
0x72: {  	_ =	shalt  }
0x73: {  	_ =	shalt  }
0x74: {  	_ =	shalt  }
0x75: {  	_ =	shalt  }
0x76: {  	_ =	shalt  }
0x77: {  	_ =	shalt  }
0x78: {  	_ =	shalt  }
0x79: {  	_ =	shalt  }
0x7a: {  	_ =	shalt  }
0x7b: {  	_ =	shalt  }
0x7c: {  	_ =	shalt  }
0x7d: {  	_ =	shalt  }
0x7e: {  	_ =	shalt  }
0x7f: {  	_ =	shalt  }
0x80: {  	_ =	shalt  }
0x81: {  	_ =	shalt  }
0x82: {  	_ =	shalt  }
0x83: {  	_ =	shalt  }
0x84: {  	_ =	shalt  }
0x85: {  	_ =	shalt  }
0x86: {  	_ =	shalt  }
0x87: {  	_ =	shalt  }
.Lfunc_end0:
.L_simem_size_0:
called_computation_lowered:
.L_overlay_start_0:
0x88: {  	s2 =	sld [smem:$0x3FD9]  }
0x89: {  	s3 =	sld [smem:$0x3FFE];
	_ =	sdelay $0x1  }
0x8a: {  	s1 =	srdreg.scid  }
0x8b: {  	s0 =	sand.u32 $0x1, s1  }
0x8c: {  	s16 =	sshll.u32 s0, $0xA;
	s2 =	sadd.s32 s3, s2  }
0x8d: {  	s2 =	sadd.s32 s2, s16  }
0x8e: {  	[smem:$0x3FBC] =	sst s2  }
0x8f: {  	_ = 	snop  }
0x90: {  	(tm) =	ssettm $0x1  }
0x91: {  	s17 =	sld [smem:$0x3FFB];
	_ =	sdelay $0x3  }
0x92: {  	_ =	strace s17  }
0x93: {  	s2 =	sld [smem:$0x3FFC];
	_ =	sdelay $0x3  }
0x94: {  	_ =	strace s2  }
0x95: {  	s2 =	sld [smem:$0x3FFD];
	_ =	sdelay $0x3  }
0x96: {  	_ =	strace s2  }
0x97: {  	_ =	strace $0x8FFFFFFF  }
0x98: {  	s18 =	sld [smem:$0x3FDB];
	_ =	sdelay $0x1  }
0x99: {  	s19 =	simm.s32 $_scs_section_size  }
0x9a: {  	s4 =	simm.s32 $_size__tile_overlayer_lowered;
	s5 =	simm.s32 $_tile_overlayer_lowered  }
0x9b: {  	s22 =	simm.s32 $0x1BFF;
	s21 =	sshll.u32 s5, $0x1;
	s2 =	sadd.s32 s19, s18  }
0x9c: {  	s6 =	simm.s32 $0x0;
	s20 =	sshll.u32 s4, $0x1;
	s4 =	sadd.s32 s21, s2  }
0x9d: {  	[timem:s6], [sflag:s22] =	dma.local [hbm:s4], s20  }
0x9e: {  	_ =	swait.ge [sflag:s22], s20  }
0x9f: {  	s3 =	ssub.s32 $0x0, s20;
	[sflag:s22] =	ssyncset.done $0x0  }
0xa0: {  	[sflag:s22] =	ssyncadd.s32 s3;
	_ =	sdelay $0x1  }
0xa1: {  	s23 =	simm.s32 $0x1B8B  }
0xa2: {  	_ =	swait.ge [sflag:s23], $0x1  }
0xa3: {  	[sflag:s23] =	ssyncset.done $0x0  }
0xa4: {  	s25 =	simm.s32 $0x1B8E;
	s24 =	sld [smem:$0x3FFE];
	[sflag:s23] =	ssyncadd.s32 $0xFFFFFFFF  }
0xa5: {  	s26 =	simm.s32 $execute0_lowered;
	[smem:$0x3FD2] =	sst s25  }
0xa6: {  	s4 =	sshll.u32 s26, $0x1;
	_ =	strace $0x80000046;
	[dreg:$0x1] =	wrdreg $0xFFFFFFFF  }
0xa7: {  	s28 =	simm.s32 $_size_execute0_lowered;
	s2 =	sadd.s32 s2, s4;
	[dreg:$0x0] =	wrdreg $0x0  }
0xa8: {  	s4 =	sshll.u32 s28, $0x1;
	[dreg:$0x2] =	wrdreg s2  }
0xa9: {  	[dreg:$0x3] =	wrdreg s4  }
0xaa: {  	[dreg:$0x4] =	wrdreg $0xC0  }
0xab: {  	_ =	task [dreg:s6], $0x5FFFF  }
0xac: {  	[dreg:$0x1] =	wrdreg $0xFFFFFFFF  }
0xad: {  	[dreg:$0x0] =	wrdreg $0x60  }
0xae: {  	[dreg:$0x2] =	wrdreg s24  }
0xaf: {  	[dreg:$0x3] =	wrdreg $0x9  }
0xb0: {  	_ =	task.clear_ibuf [dreg:s6], $0x4FFFF;
	_ =	strace $0x90000046  }
0xb1: {  	s29 =	simm.s32 $0x9;
	_ =	strace $0x80000048  }
0xb2: {  	_ =	swait.ge [sflag:s29], $0x1  }
0xb3: {  	[sflag:s29] =	ssyncadd.s32 $0xFFFFFFFF  }
0xb4: {  	_ =	strace $0x90000048  }
0xb5: {  	_ =	sfence  }
0xb6: {  	s30 =	sld [smem:$0x0];
	_ =	sdelay $0x2  }
0xb7: {  	s31 =	sshll.u32 s1, $0xD;
	s1 =	sshrl.u32 s1, $0x2  }
0xb8: {  	s3 =	sand.u32 $0x4000, s31;
	s1 =	sadd.s32 s1, s30  }
0xb9: {  	s0 =	sor.u32 s3, s0;
	s1 =	sshll.u32 s1, $0x11  }
0xba: {  	s0 =	sor.u32 s1, s0  }
0xbb: {  	s0 =	sadd.s32 $0x8F2B, s0  }
0xbc: {  	[sflag:s0] =	ssyncadd.remote.s32 $0x1  }
0xbd: {  	_ =	sfence.sel $0xFFFF  }
0xbe: {  	[dreg:$0x0] =	wrdreg $0xFFFFFFFF;
	(pc) =	sbr.abs _section_cstart, $3  }
0xbf: {  	[dreg:$0x1] =	wrdreg $0xFFFFFFFF  }
0xc0: {  	_ =	task.clear_ibuf [dreg:s6], $0x2FFFF;
	_ =	strace $0x9FFFFFFF  }
0xc1: {  	(tm) =	ssettm $0x7FFFFFFF  }
tec
execute0_lowered:
.L_overlay_start_1:
0x0: {  	(tag) =	ssettag $0x1  }
0x1: {  	s0 =	srdreg.scid;
	s2 =	rddreg [dreg:$0x0]  }
0x2: {  	s1 =	stileid.u32;
	s17 =	rddreg [dreg:$0x1];
	s13 =	simm.s32 $0x0  }
0x3: {  	s23 =	simm.s32 $0x2780;
	s24 =	simm.s32 $0x300;
	s25 =	simm.s32 $0xB780  }
0x4: {  	s14 =	simm.s32 $0x280;
	s26 =	simm.s32 $0x580;
	s15 =	simm.s32 $0x500  }
0x5: {  	s28 =	simm.s32 $0x10780;
	s29 =	simm.s32 $0x100;
	s6 =	simm.s32 $0x780  }
0x6: {  	s30 =	simm.s32 $0x4780;
	s5 =	simm.s32 $0xA780;
	[smem:$0x7FF] =	sst s13  }
0x7: {  	s31 =	simm.s32 $0x380;
	_ =	strace $0x80000047;
	[dreg:$0x8] =	wrdreg s23  }
0x8: {  	p0 =	por $0x0, $0x0;
	s11 =	simm.s32 $0x1;
	[dreg:$0x9] =	wrdreg s24  }
0x9: {  	s18 =	simm.s32 $0x40;
	s9 =	simm.s32 $0x20;
	[dreg:$0xa] =	wrdreg s25  }
0xa: {  	s0 =	sand.u32 $0x1, s0;
	s1 =	sshll.u32 s1, $0x1;
	[dreg:$0xb] =	wrdreg s26  }
0xb: {  	s7 =	sadd.s32 $0x3800, s2;
	s1 =	sor.u32 s0, s1;
	[dreg:$0xc] =	wrdreg s28  }
0xc: {  	s8 =	sadd.s32 $0xCBE00, s2;
	[dreg:$0xd] =	wrdreg s29;
	s3 =	smul.u32 $0x50, s1  }
0xd: {  	s0 =	ssub.s32 $0x2, s0;
	[dreg:$0xe] =	wrdreg s30;
	s1 =	smul.u32 $0x2800, s1  }
0xe: {  	[dreg:$0xf] =	wrdreg s31;
	s22 =	sshrl.u32 s0, $0x1;
	s3 =	sadd.s32 s3, s2  }
0xf: {  	s0 =	ssub.s32 s0, s22;
	s1 =	sadd.s32 s1, s2;
	s4 =	sadd.s32 $0xD3200, s3  }
0x10: {  	s0 =	smax.u32 s0, $0x1;
	s19 =	sadd.s32 $0xD0000, s3;
	[dreg:$0x2] =	wrdreg s4  }
0x11: {  	s3 =	sadd.s32 $0xCCE00, s3;
	p1 =	sne.s32 s0, $0x1;
	[dreg:$0x3] =	wrdreg s19  }
.Ltmp0:
0x12: {  	s20 =	sadd.s32 $0xD6400, s1;
	[dreg:$0x4] =	wrdreg s3;
	(pc) =	sbr.rel @!p1 .LBB2_1-.Ltmp0, $4  }
0x13: {  	s10 =	sadd.s32 $0xC6E00, s2;
	s21 =	sadd.s32 $0xD6408, s1;
	[dreg:$0x5] =	wrdreg s20  }
0x14: {  	s2 =	simm.s32 $0x2;
	s1 =	sadd.s32 $0xD640C, s1;
	[dreg:$0x6] =	wrdreg s21  }
0x15: {  	[dreg:$0x7] =	wrdreg s1;
	s3 =	simm.s32 $0x80;
	s4 =	simm.s32 $0xF780  }
0x16: {  	s19 =	simm.s32 $0x600;
	s1 =	sadd.s32 $0xFFFFFFFF, s0;
	s0 =	rddreg [dreg:$0x2]  }
0x17: {  	[tilespmem:s13], [sflag:$0x2] =	stream.linear.gather [hbm4b:s0+s13], $0x280, $0x38;
	[tilespmem:$0x14780] =	vst v63  }
0x18: {  	_ =	swait.ge [sflag:s2], $0x280  }
0x19: {  	[sflag:s2] =	ssyncset.done $0x0  }
0x1a: {  	s23 =	rddreg [dreg:$0x3];
	[sflag:s2] =	ssyncadd.s32 $0xFFFFFD80  }
0x1b: {  	[tilespmem:s14], [sflag:$0x2] =	stream.linear.gather [hbm4b:s23+s13], $0x280, $0x38;
	[tilespmem:$0x14780] =	vst v63  }
0x1c: {  	_ =	swait.ge [sflag:s2], $0x280  }
0x1d: {  	[sflag:s2] =	ssyncset.done $0x0  }
0x1e: {  	s24 =	rddreg [dreg:$0x4];
	[sflag:s2] =	ssyncadd.s32 $0xFFFFFD80  }
0x1f: {  	[tilespmem:s15], [sflag:$0x2] =	stream.linear.gather [hbm4b:s24+s13], $0x280, $0x38;
	[tilespmem:$0x14780] =	vst v63  }
0x20: {  	_ =	swait.ge [sflag:s2], $0x280;
	[dreg:$0x13] =	wrdreg s1  }
0x21: {  	s25 =	rddreg [dreg:$0xc]  }
0x22: {  	s26 =	rddreg [dreg:$0xa]  }
0x23: {  	s12 =	rddreg [dreg:$0x8]  }
0x24: {  	s16 =	rddreg [dreg:$0x9]  }
0x25: {  	s20 =	rddreg [dreg:$0xe]  }
0x26: {  	[sflag:s2] =	ssyncset.done $0x0;
	s1 =	rddreg [dreg:$0xd]  }
0x27: {  	[sflag:s2] =	ssyncadd.s32 $0xFFFFFD80;
	[dreg:$0x10] =	wrdreg s25  }
0x28: {  	[tilespmem:s6], [sflag:$0x1] =	stream.indirect.gather [hbm4b:s7+s3], $0x40, s13, s3, $0xb8;
	[tilespmem:$0x14780] =	vst v63  }
0x29: {  	[dreg:$0x11] =	wrdreg s26  }
0x2a: {  	[tilespmem:s5], [sflag:$0x1] =	stream.indirect.gather [hbm4b:s8+s3], $0x20, s14, s3, $0xb8;
	[tilespmem:$0x14780] =	vst v63  }
0x2b: {  	[dreg:$0x12] =	wrdreg s20  }
0x2c: {  	[tilespmem:s4], [sflag:$0x1] =	stream.indirect.gather [hbm4b:s10+s3], $0x20, s15, s3, $0xb8;
	[tilespmem:$0x14780] =	vst v63  }
0x2d: {  	s17 =	rddreg [dreg:$0x11]  }
0x2e: {  	[tilespmem:s12], [sflag:$0x1] =	stream.indirect.gather [hbm4b:s7+s3], $0x40, s3, s3, $0xb8;
	[tilespmem:$0x14780] =	vst v63  }
0x2f: {  	s21 =	rddreg [dreg:$0x10]  }
0x30: {  	[tilespmem:s17], [sflag:$0x1] =	stream.indirect.gather [hbm4b:s8+s3], $0x20, s16, s3, $0xb8;
	[tilespmem:$0x14780] =	vst v63  }
0x31: {  	s12 =	rddreg [dreg:$0xb]  }
0x32: {  	[tilespmem:s21], [sflag:$0x1] =	stream.indirect.gather [hbm4b:s10+s3], $0x20, s12, s3, $0xb8;
	[tilespmem:$0x14780] =	vst v63  }
0x33: {  	s12 =	rddreg [dreg:$0x12]  }
0x34: {  	[tilespmem:s12], [sflag:$0x1] =	stream.indirect.gather [hbm4b:s7+s3], $0x40, s1, s3, $0xb8;
	[tilespmem:$0x14780] =	vst v63  }
0x35: {  	s0 =	rddreg [dreg:$0xf];
	s16 =	simm.s32 $0xC780  }
0x36: {  	[tilespmem:s16], [sflag:$0x1] =	stream.indirect.gather [hbm4b:s8+s3], $0x20, s0, s3, $0xb8;
	[tilespmem:$0x14780] =	vst v63  }
0x37: {  	s20 =	simm.s32 $0x11780  }
0x38: {  	[tilespmem:s20], [sflag:$0x1] =	stream.indirect.gather [hbm4b:s10+s3], $0x20, s19, s3, $0xb8;
	[tilespmem:$0x14780] =	vst v63  }
0x39: {  	s22 =	simm.s32 $0x6780;
	s21 =	simm.s32 $0x180  }
0x3a: {  	[tilespmem:s22], [sflag:$0x1] =	stream.indirect.gather [hbm4b:s7+s3], $0x40, s21, s3, $0xb8;
	[tilespmem:$0x14780] =	vst v63  }
0x3b: {  	s23 =	simm.s32 $0x400;
	s24 =	simm.s32 $0xD780  }
0x3c: {  	[tilespmem:s24], [sflag:$0x1] =	stream.indirect.gather [hbm4b:s8+s3], $0x20, s23, s3, $0xb8;
	[tilespmem:$0x14780] =	vst v63  }
0x3d: {  	s25 =	simm.s32 $0x680;
	s26 =	simm.s32 $0x12780  }
0x3e: {  	[tilespmem:s26], [sflag:$0x1] =	stream.indirect.gather [hbm4b:s10+s3], $0x20, s25, s3, $0xb8;
	[tilespmem:$0x14780] =	vst v63  }
0x3f: {  	s28 =	simm.s32 $0x200;
	s29 =	simm.s32 $0x8780  }
0x40: {  	[tilespmem:s29], [sflag:$0x1] =	stream.indirect.gather [hbm4b:s7+s3], $0x40, s28, s3, $0xb8;
	[tilespmem:$0x14780] =	vst v63  }
0x41: {  	s30 =	simm.s32 $0x480;
	s31 =	simm.s32 $0xE780  }
0x42: {  	[tilespmem:s31], [sflag:$0x1] =	stream.indirect.gather [hbm4b:s8+s3], $0x20, s30, s3, $0xb8;
	[tilespmem:$0x14780] =	vst v63  }
0x43: {  	s17 =	simm.s32 $0x700;
	s22 =	simm.s32 $0x13780  }
0x44: {  	[tilespmem:s22], [sflag:$0x1] =	stream.indirect.gather [hbm4b:s10+s3], $0x20, s17, s3, $0xb8;
	[tilespmem:$0x14780] =	vst v63  }
0x45: {  	_ =	swait.ge [sflag:s11], $0x2000  }
0x46: {  	[sflag:s11] =	ssyncset.done $0x0  }
0x47: {  	[sflag:s11] =	ssyncadd.s32 $0xFFFFE000  }
0x48: {  	_ =	swait.ge [sflag:s11], $0x1000  }
0x49: {  	[sflag:s11] =	ssyncset.done $0x0  }
0x4a: {  	[sflag:s11] =	ssyncadd.s32 $0xFFFFF000  }
0x4b: {  	_ =	swait.ge [sflag:s11], $0x1000  }
0x4c: {  	[sflag:s11] =	ssyncset.done $0x0  }
0x4d: {  	[sflag:s11] =	ssyncadd.s32 $0xFFFFF000  }
0x4e: {  	_ =	swait.ge [sflag:s11], $0x2000  }
0x4f: {  	[sflag:s11] =	ssyncset.done $0x0  }
0x50: {  	[sflag:s11] =	ssyncadd.s32 $0xFFFFE000  }
0x51: {  	_ =	swait.ge [sflag:s11], $0x1000  }
0x52: {  	[sflag:s11] =	ssyncset.done $0x0  }
0x53: {  	[sflag:s11] =	ssyncadd.s32 $0xFFFFF000  }
0x54: {  	_ =	swait.ge [sflag:s11], $0x1000  }
0x55: {  	[sflag:s11] =	ssyncset.done $0x0  }
0x56: {  	[sflag:s11] =	ssyncadd.s32 $0xFFFFF000  }
0x57: {  	_ =	swait.ge [sflag:s11], $0x2000  }
0x58: {  	[sflag:s11] =	ssyncset.done $0x0  }
0x59: {  	[sflag:s11] =	ssyncadd.s32 $0xFFFFE000  }
0x5a: {  	_ =	swait.ge [sflag:s11], $0x1000  }
0x5b: {  	[sflag:s11] =	ssyncset.done $0x0  }
0x5c: {  	[sflag:s11] =	ssyncadd.s32 $0xFFFFF000  }
0x5d: {  	_ =	swait.ge [sflag:s11], $0x1000  }
0x5e: {  	[sflag:s11] =	ssyncset.done $0x0  }
0x5f: {  	[sflag:s11] =	ssyncadd.s32 $0xFFFFF000  }
0x60: {  	_ =	swait.ge [sflag:s11], $0x2000  }
0x61: {  	[sflag:s11] =	ssyncset.done $0x0  }
0x62: {  	[sflag:s11] =	ssyncadd.s32 $0xFFFFE000  }
0x63: {  	_ =	swait.ge [sflag:s11], $0x1000  }
0x64: {  	[sflag:s11] =	ssyncset.done $0x0  }
0x65: {  	[sflag:s11] =	ssyncadd.s32 $0xFFFFF000  }
0x66: {  	_ =	swait.ge [sflag:s11], $0x1000  }
0x67: {  	[sflag:s11] =	ssyncset.done $0x0  }
0x68: {  	[sflag:s11] =	ssyncadd.s32 $0xFFFFF000  }
0x69: {  	_ =	swait.ge [sflag:s11], $0x2000  }
0x6a: {  	[sflag:s11] =	ssyncset.done $0x0  }
0x6b: {  	[sflag:s11] =	ssyncadd.s32 $0xFFFFE000  }
0x6c: {  	_ =	swait.ge [sflag:s11], $0x1000  }
0x6d: {  	[sflag:s11] =	ssyncset.done $0x0  }
0x6e: {  	[sflag:s11] =	ssyncadd.s32 $0xFFFFF000  }
0x6f: {  	_ =	swait.ge [sflag:s11], $0x1000  }
0x70: {  	[sflag:s11] =	ssyncset.done $0x0  }
0x71: {  	s23 =	rddreg [dreg:$0x5];
	[sflag:s11] =	ssyncadd.s32 $0xFFFFF000  }
0x72: {  	[hbm4b:s23+s18] =	stream.strided.scatter [tilespmem:s6], [sflag:$0x2], $0xA000, s3, s18, $0x38;
	[tilespmem:$0x14780] =	vst v63  }
0x73: {  	_ =	swait.ge [sflag:s2], $0xA000  }
0x74: {  	p0 =	por $0x1, $0x1;
	[sflag:s2] =	ssyncset.done $0x0  }
0x75: {  	s20 =	simm.s32 $0x11780;
	s24 =	rddreg [dreg:$0x6];
	[sflag:s2] =	ssyncadd.s32 $0xFFFF6000  }
0x76: {  	[hbm4b:s24+s9] =	stream.strided.scatter [tilespmem:s5], [sflag:$0x2], $0x5000, s3, s9, $0x38;
	[tilespmem:$0x14780] =	vst v63  }
0x77: {  	s21 =	simm.s32 $0x700;
	s29 =	simm.s32 $0x8780;
	_ =	swait.ge [sflag:s2], $0x5000  }
0x78: {  	s28 =	simm.s32 $0x200;
	s31 =	simm.s32 $0xE780;
	s26 =	rddreg [dreg:$0x13]  }
0x79: {  	s30 =	simm.s32 $0x480;
	s22 =	simm.s32 $0x6780;
	p1 =	sne.s32 s26, $0x1  }
.Ltmp1:
0x7a: {  	s23 =	simm.s32 $0x400;
	[sflag:s2] =	ssyncset.done $0x0;
	(pc) =	sbr.rel @!p1 .LBB2_3-.Ltmp1, $4  }
0x7b: {  	s24 =	simm.s32 $0xD780;
	s25 =	rddreg [dreg:$0x7];
	[sflag:s2] =	ssyncadd.s32 $0xFFFFB000  }
0x7c: {  	[hbm4b:s25+s9] =	stream.strided.scatter [tilespmem:s4], [sflag:$0x2], $0x5000, s3, s9, $0x38;
	[tilespmem:$0x14780] =	vst v63  }
0x7d: {  	s1 =	sadd.s32 $0xFFFFFFFF, s26;
	s26 =	simm.s32 $0x12780;
	_ =	swait.ge [sflag:s2], $0x5000  }
0x7e: {  	s25 =	simm.s32 $0x680;
	s0 =	rddreg [dreg:$0x2];
	[sflag:s2] =	ssyncset.done $0x0  }
.LBB2_4:
0x7f: {  	[sflag:s2] =	ssyncadd.s32 $0xFFFFB000  }
0x80: {  	[tilespmem:s13], [sflag:$0x2] =	stream.linear.gather [hbm4b:s0+s13], $0x280, $0x38;
	[tilespmem:$0x14780] =	vst v63  }
0x81: {  	_ =	swait.ge [sflag:s2], $0x280  }
0x82: {  	[sflag:s2] =	ssyncset.done $0x0  }
0x83: {  	s12 =	rddreg [dreg:$0x3];
	[sflag:s2] =	ssyncadd.s32 $0xFFFFFD80  }
0x84: {  	[tilespmem:s14], [sflag:$0x2] =	stream.linear.gather [hbm4b:s12+s13], $0x280, $0x38;
	[tilespmem:$0x14780] =	vst v63  }
0x85: {  	_ =	swait.ge [sflag:s2], $0x280  }
0x86: {  	[sflag:s2] =	ssyncset.done $0x0  }
0x87: {  	s16 =	rddreg [dreg:$0x4];
	[sflag:s2] =	ssyncadd.s32 $0xFFFFFD80  }
0x88: {  	[tilespmem:s15], [sflag:$0x2] =	stream.linear.gather [hbm4b:s16+s13], $0x280, $0x38;
	[tilespmem:$0x14780] =	vst v63  }
0x89: {  	_ =	swait.ge [sflag:s2], $0x280  }
0x8a: {  	[sflag:s2] =	ssyncset.done $0x0  }
0x8b: {  	s0 =	rddreg [dreg:$0xe];
	[sflag:s2] =	ssyncadd.s32 $0xFFFFFD80  }
0x8c: {  	[tilespmem:s6], [sflag:$0x1] =	stream.indirect.gather [hbm4b:s7+s3], $0x40, s13, s3, $0xb8;
	[tilespmem:$0x14780] =	vst v63  }
0x8d: {  	s12 =	rddreg [dreg:$0xc]  }
0x8e: {  	[tilespmem:s5], [sflag:$0x1] =	stream.indirect.gather [hbm4b:s8+s3], $0x20, s14, s3, $0xb8;
	[tilespmem:$0x14780] =	vst v63  }
0x8f: {  	s16 =	rddreg [dreg:$0xa]  }
0x90: {  	[tilespmem:s4], [sflag:$0x1] =	stream.indirect.gather [hbm4b:s10+s3], $0x20, s15, s3, $0xb8;
	[tilespmem:$0x14780] =	vst v63  }
0x91: {  	s17 =	rddreg [dreg:$0x8]  }
0x92: {  	[tilespmem:s17], [sflag:$0x1] =	stream.indirect.gather [hbm4b:s7+s3], $0x40, s3, s3, $0xb8;
	[tilespmem:$0x14780] =	vst v63  }
0x93: {  	s18 =	rddreg [dreg:$0x9]  }
0x94: {  	[tilespmem:s16], [sflag:$0x1] =	stream.indirect.gather [hbm4b:s8+s3], $0x20, s18, s3, $0xb8;
	[tilespmem:$0x14780] =	vst v63  }
0x95: {  	s17 =	rddreg [dreg:$0xb]  }
0x96: {  	[tilespmem:s12], [sflag:$0x1] =	stream.indirect.gather [hbm4b:s10+s3], $0x20, s17, s3, $0xb8;
	[tilespmem:$0x14780] =	vst v63  }
0x97: {  	s16 =	rddreg [dreg:$0xd]  }
0x98: {  	[tilespmem:s0], [sflag:$0x1] =	stream.indirect.gather [hbm4b:s7+s3], $0x40, s16, s3, $0xb8;
	[tilespmem:$0x14780] =	vst v63  }
0x99: {  	s19 =	simm.s32 $0xC780;
	s17 =	rddreg [dreg:$0xf]  }
0x9a: {  	[tilespmem:s19], [sflag:$0x1] =	stream.indirect.gather [hbm4b:s8+s3], $0x20, s17, s3, $0xb8;
	[tilespmem:$0x14780] =	vst v63  }
0x9b: {  	s19 =	simm.s32 $0x600  }
0x9c: {  	[tilespmem:s20], [sflag:$0x1] =	stream.indirect.gather [hbm4b:s10+s3], $0x20, s19, s3, $0xb8;
	[tilespmem:$0x14780] =	vst v63  }
0x9d: {  	s16 =	simm.s32 $0x180  }
0x9e: {  	[tilespmem:s22], [sflag:$0x1] =	stream.indirect.gather [hbm4b:s7+s3], $0x40, s16, s3, $0xb8;
	[tilespmem:$0x14780] =	vst v63  }
0x9f: {  	_ = 	snop  }
0xa0: {  	[tilespmem:s24], [sflag:$0x1] =	stream.indirect.gather [hbm4b:s8+s3], $0x20, s23, s3, $0xb8;
	[tilespmem:$0x14780] =	vst v63  }
0xa1: {  	_ = 	snop  }
0xa2: {  	[tilespmem:s26], [sflag:$0x1] =	stream.indirect.gather [hbm4b:s10+s3], $0x20, s25, s3, $0xb8;
	[tilespmem:$0x14780] =	vst v63  }
0xa3: {  	_ = 	snop  }
0xa4: {  	[tilespmem:s29], [sflag:$0x1] =	stream.indirect.gather [hbm4b:s7+s3], $0x40, s28, s3, $0xb8;
	[tilespmem:$0x14780] =	vst v63  }
0xa5: {  	_ = 	snop  }
0xa6: {  	[tilespmem:s31], [sflag:$0x1] =	stream.indirect.gather [hbm4b:s8+s3], $0x20, s30, s3, $0xb8;
	[tilespmem:$0x14780] =	vst v63  }
0xa7: {  	s17 =	simm.s32 $0x13780  }
0xa8: {  	[tilespmem:s17], [sflag:$0x1] =	stream.indirect.gather [hbm4b:s10+s3], $0x20, s21, s3, $0xb8;
	[tilespmem:$0x14780] =	vst v63  }
0xa9: {  	_ =	swait.ge [sflag:s11], $0x2000  }
0xaa: {  	[sflag:s11] =	ssyncset.done $0x0  }
0xab: {  	[sflag:s11] =	ssyncadd.s32 $0xFFFFE000  }
0xac: {  	_ =	swait.ge [sflag:s11], $0x1000  }
0xad: {  	[sflag:s11] =	ssyncset.done $0x0  }
0xae: {  	[sflag:s11] =	ssyncadd.s32 $0xFFFFF000  }
0xaf: {  	_ =	swait.ge [sflag:s11], $0x1000  }
0xb0: {  	[sflag:s11] =	ssyncset.done $0x0  }
0xb1: {  	[sflag:s11] =	ssyncadd.s32 $0xFFFFF000  }
0xb2: {  	_ =	swait.ge [sflag:s11], $0x2000  }
0xb3: {  	[sflag:s11] =	ssyncset.done $0x0  }
0xb4: {  	[sflag:s11] =	ssyncadd.s32 $0xFFFFE000  }
0xb5: {  	_ =	swait.ge [sflag:s11], $0x1000  }
0xb6: {  	[sflag:s11] =	ssyncset.done $0x0  }
0xb7: {  	[sflag:s11] =	ssyncadd.s32 $0xFFFFF000  }
0xb8: {  	_ =	swait.ge [sflag:s11], $0x1000  }
0xb9: {  	[sflag:s11] =	ssyncset.done $0x0  }
0xba: {  	[sflag:s11] =	ssyncadd.s32 $0xFFFFF000  }
0xbb: {  	_ =	swait.ge [sflag:s11], $0x2000  }
0xbc: {  	[sflag:s11] =	ssyncset.done $0x0  }
0xbd: {  	[sflag:s11] =	ssyncadd.s32 $0xFFFFE000  }
0xbe: {  	_ =	swait.ge [sflag:s11], $0x1000  }
0xbf: {  	[sflag:s11] =	ssyncset.done $0x0  }
0xc0: {  	[sflag:s11] =	ssyncadd.s32 $0xFFFFF000  }
0xc1: {  	_ =	swait.ge [sflag:s11], $0x1000  }
0xc2: {  	[sflag:s11] =	ssyncset.done $0x0  }
0xc3: {  	[sflag:s11] =	ssyncadd.s32 $0xFFFFF000  }
0xc4: {  	_ =	swait.ge [sflag:s11], $0x2000  }
0xc5: {  	[sflag:s11] =	ssyncset.done $0x0  }
0xc6: {  	[sflag:s11] =	ssyncadd.s32 $0xFFFFE000  }
0xc7: {  	_ =	swait.ge [sflag:s11], $0x1000  }
0xc8: {  	[sflag:s11] =	ssyncset.done $0x0  }
0xc9: {  	[sflag:s11] =	ssyncadd.s32 $0xFFFFF000  }
0xca: {  	_ =	swait.ge [sflag:s11], $0x1000  }
0xcb: {  	[sflag:s11] =	ssyncset.done $0x0  }
0xcc: {  	[sflag:s11] =	ssyncadd.s32 $0xFFFFF000  }
0xcd: {  	_ =	swait.ge [sflag:s11], $0x2000  }
0xce: {  	[sflag:s11] =	ssyncset.done $0x0  }
0xcf: {  	[sflag:s11] =	ssyncadd.s32 $0xFFFFE000  }
0xd0: {  	_ =	swait.ge [sflag:s11], $0x1000  }
0xd1: {  	[sflag:s11] =	ssyncset.done $0x0  }
0xd2: {  	[sflag:s11] =	ssyncadd.s32 $0xFFFFF000  }
0xd3: {  	_ =	swait.ge [sflag:s11], $0x1000  }
0xd4: {  	[sflag:s11] =	ssyncset.done $0x0  }
0xd5: {  	s18 =	simm.s32 $0x40;
	s12 =	rddreg [dreg:$0x5];
	[sflag:s11] =	ssyncadd.s32 $0xFFFFF000  }
0xd6: {  	[hbm4b:s12+s18] =	stream.strided.scatter [tilespmem:s6], [sflag:$0x2], $0xA000, s3, s18, $0x38;
	[tilespmem:$0x14780] =	vst v63  }
0xd7: {  	_ =	swait.ge [sflag:s2], $0xA000  }
0xd8: {  	[sflag:s2] =	ssyncset.done $0x0  }
0xd9: {  	s16 =	rddreg [dreg:$0x6];
	[sflag:s2] =	ssyncadd.s32 $0xFFFF6000  }
0xda: {  	[hbm4b:s16+s9] =	stream.strided.scatter [tilespmem:s5], [sflag:$0x2], $0x5000, s3, s9, $0x38;
	[tilespmem:$0x14780] =	vst v63  }
0xdb: {  	p1 =	sne.s32 s1, $0x1;
	_ =	swait.ge [sflag:s2], $0x5000  }
.Ltmp2:
0xdc: {  	[sflag:s2] =	ssyncset.done $0x0;
	(pc) =	sbr.rel @p1 .LBB2_4-.Ltmp2, $4  }
0xdd: {  	s17 =	rddreg [dreg:$0x7];
	[sflag:s2] =	ssyncadd.s32 $0xFFFFB000  }
0xde: {  	[hbm4b:s17+s9] =	stream.strided.scatter [tilespmem:s4], [sflag:$0x2], $0x5000, s3, s9, $0x38;
	[tilespmem:$0x14780] =	vst v63  }
0xdf: {  	_ =	swait.ge [sflag:s2], $0x5000  }
0xe0: {  	s1 =	sadd.s32 $0xFFFFFFFF, s1;
	s0 =	rddreg [dreg:$0x2];
	[sflag:s2] =	ssyncset.done $0x0  }
0xe1: {  	s31 =	simm.s32 $0xE780  }
0xe2: {  	s30 =	simm.s32 $0x480;
	s29 =	simm.s32 $0x8780;
	s28 =	simm.s32 $0x200  }
0xe3: {  	s26 =	simm.s32 $0x12780;
	s25 =	simm.s32 $0x680;
	s24 =	simm.s32 $0xD780  }
0xe4: {  	s23 =	simm.s32 $0x400;
	s22 =	simm.s32 $0x6780;
	s21 =	simm.s32 $0x180  }
0xe5: {  	s20 =	simm.s32 $0x11780;
	s16 =	simm.s32 $0xC780;
	s17 =	rddreg [dreg:$0x1]  }
.LBB2_6:
0xe6: {  	[sflag:s2] =	ssyncadd.s32 @p0 $0xFFFFB000  }
0xe7: {  	[tilespmem:s13], [sflag:$0x2] =	stream.linear.gather [hbm4b:s0+s13], $0x280, $0x38;
	[tilespmem:$0x14780] =	vst v63  }
0xe8: {  	_ =	swait.ge [sflag:s2], $0x280  }
0xe9: {  	[sflag:s2] =	ssyncset.done $0x0  }
0xea: {  	s1 =	rddreg [dreg:$0x3];
	[sflag:s2] =	ssyncadd.s32 $0xFFFFFD80  }
0xeb: {  	[tilespmem:s14], [sflag:$0x2] =	stream.linear.gather [hbm4b:s1+s13], $0x280, $0x38;
	[tilespmem:$0x14780] =	vst v63  }
0xec: {  	_ =	swait.ge [sflag:s2], $0x280  }
0xed: {  	[sflag:s2] =	ssyncset.done $0x0  }
0xee: {  	s12 =	rddreg [dreg:$0x4];
	[sflag:s2] =	ssyncadd.s32 $0xFFFFFD80  }
0xef: {  	[tilespmem:s15], [sflag:$0x2] =	stream.linear.gather [hbm4b:s12+s13], $0x280, $0x38;
	[tilespmem:$0x14780] =	vst v63  }
0xf0: {  	_ =	swait.ge [sflag:s2], $0x280  }
0xf1: {  	[sflag:s2] =	ssyncset.done $0x0  }
0xf2: {  	[sflag:s2] =	ssyncadd.s32 $0xFFFFFD80  }
0xf3: {  	[tilespmem:s6], [sflag:$0x1] =	stream.indirect.gather [hbm4b:s7+s3], $0x40, s13, s3, $0xb8;
	[tilespmem:$0x14780] =	vst v63  }
0xf4: {  	s1 =	rddreg [dreg:$0xa]  }
0xf5: {  	[tilespmem:s5], [sflag:$0x1] =	stream.indirect.gather [hbm4b:s8+s3], $0x20, s14, s3, $0xb8;
	[tilespmem:$0x14780] =	vst v63  }
0xf6: {  	s12 =	rddreg [dreg:$0x9]  }
0xf7: {  	[tilespmem:s4], [sflag:$0x1] =	stream.indirect.gather [hbm4b:s10+s3], $0x20, s15, s3, $0xb8;
	[tilespmem:$0x14780] =	vst v63  }
0xf8: {  	s15 =	rddreg [dreg:$0x8]  }
0xf9: {  	[tilespmem:s15], [sflag:$0x1] =	stream.indirect.gather [hbm4b:s7+s3], $0x40, s3, s3, $0xb8;
	[tilespmem:$0x14780] =	vst v63  }
0xfa: {  	s13 =	rddreg [dreg:$0xe]  }
0xfb: {  	[tilespmem:s1], [sflag:$0x1] =	stream.indirect.gather [hbm4b:s8+s3], $0x20, s12, s3, $0xb8;
	[tilespmem:$0x14780] =	vst v63  }
0xfc: {  	s1 =	rddreg [dreg:$0xc]  }
0xfd: {  	s12 =	rddreg [dreg:$0xb]  }
0xfe: {  	[tilespmem:s1], [sflag:$0x1] =	stream.indirect.gather [hbm4b:s10+s3], $0x20, s12, s3, $0xb8;
	[tilespmem:$0x14780] =	vst v63  }
0xff: {  	s14 =	rddreg [dreg:$0xd]  }
0x100: {  	[tilespmem:s13], [sflag:$0x1] =	stream.indirect.gather [hbm4b:s7+s3], $0x40, s14, s3, $0xb8;
	[tilespmem:$0x14780] =	vst v63  }
0x101: {  	s15 =	rddreg [dreg:$0xf]  }
0x102: {  	[tilespmem:s16], [sflag:$0x1] =	stream.indirect.gather [hbm4b:s8+s3], $0x20, s15, s3, $0xb8;
	[tilespmem:$0x14780] =	vst v63  }
0x103: {  	_ = 	snop  }
0x104: {  	[tilespmem:s20], [sflag:$0x1] =	stream.indirect.gather [hbm4b:s10+s3], $0x20, s19, s3, $0xb8;
	[tilespmem:$0x14780] =	vst v63  }
0x105: {  	_ = 	snop  }
0x106: {  	[tilespmem:s22], [sflag:$0x1] =	stream.indirect.gather [hbm4b:s7+s3], $0x40, s21, s3, $0xb8;
	[tilespmem:$0x14780] =	vst v63  }
0x107: {  	_ = 	snop  }
0x108: {  	[tilespmem:s24], [sflag:$0x1] =	stream.indirect.gather [hbm4b:s8+s3], $0x20, s23, s3, $0xb8;
	[tilespmem:$0x14780] =	vst v63  }
0x109: {  	_ = 	snop  }
0x10a: {  	[tilespmem:s26], [sflag:$0x1] =	stream.indirect.gather [hbm4b:s10+s3], $0x20, s25, s3, $0xb8;
	[tilespmem:$0x14780] =	vst v63  }
0x10b: {  	_ = 	snop  }
0x10c: {  	[tilespmem:s29], [sflag:$0x1] =	stream.indirect.gather [hbm4b:s7+s3], $0x40, s28, s3, $0xb8;
	[tilespmem:$0x14780] =	vst v63  }
0x10d: {  	_ = 	snop  }
0x10e: {  	[tilespmem:s31], [sflag:$0x1] =	stream.indirect.gather [hbm4b:s8+s3], $0x20, s30, s3, $0xb8;
	[tilespmem:$0x14780] =	vst v63  }
0x10f: {  	s25 =	simm.s32 $0x700;
	s26 =	simm.s32 $0x13780  }
0x110: {  	[tilespmem:s26], [sflag:$0x1] =	stream.indirect.gather [hbm4b:s10+s3], $0x20, s25, s3, $0xb8;
	[tilespmem:$0x14780] =	vst v63  }
0x111: {  	_ =	swait.ge [sflag:s11], $0x2000  }
0x112: {  	[sflag:s11] =	ssyncset.done $0x0  }
0x113: {  	[sflag:s11] =	ssyncadd.s32 $0xFFFFE000  }
0x114: {  	_ =	swait.ge [sflag:s11], $0x1000  }
0x115: {  	[sflag:s11] =	ssyncset.done $0x0  }
0x116: {  	[sflag:s11] =	ssyncadd.s32 $0xFFFFF000  }
0x117: {  	_ =	swait.ge [sflag:s11], $0x1000  }
0x118: {  	[sflag:s11] =	ssyncset.done $0x0  }
0x119: {  	[sflag:s11] =	ssyncadd.s32 $0xFFFFF000  }
0x11a: {  	_ =	swait.ge [sflag:s11], $0x2000  }
0x11b: {  	[sflag:s11] =	ssyncset.done $0x0  }
0x11c: {  	[sflag:s11] =	ssyncadd.s32 $0xFFFFE000  }
0x11d: {  	_ =	swait.ge [sflag:s11], $0x1000  }
0x11e: {  	[sflag:s11] =	ssyncset.done $0x0  }
0x11f: {  	[sflag:s11] =	ssyncadd.s32 $0xFFFFF000  }
0x120: {  	_ =	swait.ge [sflag:s11], $0x1000  }
0x121: {  	[sflag:s11] =	ssyncset.done $0x0  }
0x122: {  	[sflag:s11] =	ssyncadd.s32 $0xFFFFF000  }
0x123: {  	_ =	swait.ge [sflag:s11], $0x2000  }
0x124: {  	[sflag:s11] =	ssyncset.done $0x0  }
0x125: {  	[sflag:s11] =	ssyncadd.s32 $0xFFFFE000  }
0x126: {  	_ =	swait.ge [sflag:s11], $0x1000  }
0x127: {  	[sflag:s11] =	ssyncset.done $0x0  }
0x128: {  	[sflag:s11] =	ssyncadd.s32 $0xFFFFF000  }
0x129: {  	_ =	swait.ge [sflag:s11], $0x1000  }
0x12a: {  	[sflag:s11] =	ssyncset.done $0x0  }
0x12b: {  	[sflag:s11] =	ssyncadd.s32 $0xFFFFF000  }
0x12c: {  	_ =	swait.ge [sflag:s11], $0x2000  }
0x12d: {  	[sflag:s11] =	ssyncset.done $0x0  }
0x12e: {  	[sflag:s11] =	ssyncadd.s32 $0xFFFFE000  }
0x12f: {  	_ =	swait.ge [sflag:s11], $0x1000  }
0x130: {  	[sflag:s11] =	ssyncset.done $0x0  }
0x131: {  	[sflag:s11] =	ssyncadd.s32 $0xFFFFF000  }
0x132: {  	_ =	swait.ge [sflag:s11], $0x1000  }
0x133: {  	[sflag:s11] =	ssyncset.done $0x0  }
0x134: {  	[sflag:s11] =	ssyncadd.s32 $0xFFFFF000  }
0x135: {  	_ =	swait.ge [sflag:s11], $0x2000  }
0x136: {  	[sflag:s11] =	ssyncset.done $0x0  }
0x137: {  	[sflag:s11] =	ssyncadd.s32 $0xFFFFE000  }
0x138: {  	_ =	swait.ge [sflag:s11], $0x1000  }
0x139: {  	[sflag:s11] =	ssyncset.done $0x0  }
0x13a: {  	[sflag:s11] =	ssyncadd.s32 $0xFFFFF000  }
0x13b: {  	_ =	swait.ge [sflag:s11], $0x1000  }
0x13c: {  	[sflag:s11] =	ssyncset.done $0x0  }
0x13d: {  	s28 =	rddreg [dreg:$0x5];
	[sflag:s11] =	ssyncadd.s32 $0xFFFFF000  }
0x13e: {  	[hbm4b:s28+s18] =	stream.strided.scatter [tilespmem:s6], [sflag:$0x2], $0xA000, s3, s18, $0x38;
	[tilespmem:$0x14780] =	vst v63  }
0x13f: {  	_ =	swait.ge [sflag:s2], $0xA000  }
0x140: {  	[sflag:s2] =	ssyncset.done $0x0  }
0x141: {  	s29 =	rddreg [dreg:$0x6];
	[sflag:s2] =	ssyncadd.s32 $0xFFFF6000  }
0x142: {  	[hbm4b:s29+s9] =	stream.strided.scatter [tilespmem:s5], [sflag:$0x2], $0x5000, s3, s9, $0x38;
	[tilespmem:$0x14780] =	vst v63  }
0x143: {  	_ =	swait.ge [sflag:s2], $0x5000  }
0x144: {  	[sflag:s2] =	ssyncset.done $0x0  }
0x145: {  	s30 =	rddreg [dreg:$0x7];
	[sflag:s2] =	ssyncadd.s32 $0xFFFFB000  }
0x146: {  	[hbm4b:s30+s9] =	stream.strided.scatter [tilespmem:s4], [sflag:$0x2], $0x5000, s3, s9, $0x38;
	[tilespmem:$0x14780] =	vst v63  }
0x147: {  	_ =	swait.ge [sflag:s2], $0x5000  }
0x148: {  	[sflag:s2] =	ssyncset.done $0x0  }
0x149: {  	[sflag:s2] =	ssyncadd.s32 $0xFFFFB000  }
0x14a: {  	_ =	sfence.sel $0x180000  }
0x14b: {  	s31 =	stileid.u32;
	[bflag:$0x0] =	sbarrier.arrive $0xFFFF  }
0x14c: {  	p0 =	sne.s32 s31, $0x0;
	_ =	strace $0x90000047  }
0x14d: {  	s0 =	sadd.s32 @!p0 $0x100000, s17;
	[bflag:$0x2] =	sbarrier.arrive $0xFFFF  }
0x14e: {  	[sflag:s0] =	ssyncadd.tile.s32 @!p0 $0x1;
	_ =	shalt  }
.LBB2_1:
.Ltmp3:
0x14f: {  	(pc) =	sbr.rel .LBB2_6-.Ltmp3, $4  }
0x150: {  	s31 =	simm.s32 $0xE780;
	s30 =	simm.s32 $0x480;
	s29 =	simm.s32 $0x8780  }
0x151: {  	s28 =	simm.s32 $0x200;
	s26 =	simm.s32 $0x12780;
	s25 =	simm.s32 $0x680  }
0x152: {  	s24 =	simm.s32 $0xD780;
	s23 =	simm.s32 $0x400;
	s22 =	simm.s32 $0x6780  }
0x153: {  	s21 =	simm.s32 $0x180;
	s20 =	simm.s32 $0x11780;
	s16 =	simm.s32 $0xC780  }
.LBB2_3:
.Ltmp4:
0x154: {  	s31 =	simm.s32 $0xE780;
	(pc) =	sbr.rel .LBB2_6-.Ltmp4, $4  }
0x155: {  	s30 =	simm.s32 $0x480;
	s29 =	simm.s32 $0x8780;
	s28 =	simm.s32 $0x200  }
0x156: {  	s26 =	simm.s32 $0x12780;
	s25 =	simm.s32 $0x680;
	s24 =	simm.s32 $0xD780  }
0x157: {  	s23 =	simm.s32 $0x400;
	s22 =	simm.s32 $0x6780;
	s21 =	simm.s32 $0x180  }
0x158: {  	s20 =	simm.s32 $0x11780;
	s16 =	simm.s32 $0xC780;
	s17 =	rddreg [dreg:$0x1]  }
.Lfunc_end2:
_tile_overlayer_lowered:
.L_overlay_start_2:
0x159: {  	(tag) =	ssettag $0x2  }
0x15a: {  	s0 =	rddreg [dreg:$0x0];
	s2 =	stileid.u32  }
0x15b: {  	s1 =	rddreg [dreg:$0x1];
	p0 =	sne.s32 s2, $0x0  }
0x15c: {  	s3 =	rddreg [dreg:$0x2];
	[bflag:$0x3] =	sbarrier.arrive $0xFFFF;
	s2 =	simm.s32 @!p0 $0x1C02  }
0x15d: {  	[timem:s3], [sflag:s2] =	dma.local @!p0 [hbm:s0], s1  }
0x15e: {  	s0 =	simm.s32 @!p0 $0x2  }
0x15f: {  	_ =	swait.ge @!p0 [sflag:s0], s1  }
0x160: {  	s1 =	ssub.s32 @!p0 $0x0, s1;
	[sflag:s0] =	ssyncset.done @!p0 $0x0  }
0x161: {  	[sflag:s0] =	ssyncadd.s32 @!p0 s1  }
0x162: {  	[bflag:$0x3] =	sbarrier.arrive $0xFFFF  }
0x163: {  	_ =	shalt  }

// kernel: kernel.15.cloned.1.call-start
scs
__scs_entry_jumppad:
0x0: {  	(pc) =	sbr.rel $0x88, $3  }
0x1: {  	(tag) =	ssettag $0x0;
	lr =	simm.s32 $0x1  }
0x2: {  	[smem:$0x3F95] =	sst lr;
	_ =	strace $0xD0000000  }
0x3: {  	_ = 	snop  }
0x4: {  	_ = 	snop  }
0x5: {  	_ = 	snop  }
0x6: {  	_ = 	snop  }
0x7: {  	_ = 	snop  }
__scs_overlays_trampoline_lowered:
0x8: {  	[smem:$0x3FA4] =	sst s0  }
0x9: {  	[smem:$0x3FA5] =	sst s1  }
0xa: {  	[smem:$0x3FA6] =	sst s2  }
0xb: {  	[smem:$0x3FA7] =	sst s3  }
0xc: {  	[smem:$0x3FA8] =	sst s4  }
0xd: {  	[smem:$0x3FA9] =	sst s5  }
0xe: {  	[smem:$0x3FAA] =	sst s6  }
0xf: {  	[smem:$0x3FAB] =	sst s7  }
0x10: {  	[smem:$0x3FAC] =	sst s8  }
0x11: {  	[smem:$0x3FAD] =	sst s9;
	s0 =	simm.s32 @!p0 $0x0  }
0x12: {  	s1 =	sld [smem:$0x3F93];
	s0 =	simm.s32 @p0 $0x1  }
0x13: {  	[smem:$0x3FAE] =	sst s0;
	s0 =	simm.s32 @!p1 $0x0  }
0x14: {  	s2 =	sld [smem:$0x3F92];
	s0 =	simm.s32 @p1 $0x1  }
0x15: {  	[smem:$0x3FAF] =	sst s0;
	s0 =	simm.s32 @!p2 $0x0  }
0x16: {  	s3 =	sld [smem:$0x3FDB];
	s0 =	simm.s32 @p2 $0x1  }
0x17: {  	s4 =	simm.s32 $0x1BF5;
	[smem:$0x3FB1] =	sst s0  }
0x18: {  	s0 =	sld [smem:$0x3F94];
	_ =	swait.ge [sflag:s4], $0x0  }
0x19: {  	s7 =	sld [smem:$0x3F95]  }
0x1a: {  	s8 =	sadd.s32 $0xFFFFE003, lr  }
0x1b: {  	s9 =	sadd.s32 $0xFFFFFEF7, lr;
	s5 =	simm.s32 $0xFFFFFFFF;
	p2 =	slt.u32 s8, $0xFFFFF086  }
0x1c: {  	p1 =	slt.u32 s9, $0xF7A;
	s5 =	simm.s32 @!p2 $0x0  }
0x1d: {  	s5 =	simm.s32 @p1 $0x1;
	p0 =	seq.s32 s7, s2  }
0x1e: {  	s7 =	smul.u32 @!p0 $0xF7A, s2;
	p2 =	seq.s32 @!p0 s5, $0x0  }
0x1f: {  	s9 =	smul.u32 $0xF7A, s1;
	s8 =	simm.s32 @!p0 $0x1BF5;
	p2 =	por !p2, p0  }
0x20: {  	[sflag:s8] =	ssyncset.s32 @!p0 $0xFFFFF086;
	s6 =	sadd.s32 @!p0 s3, s7;
	s7 =	simm.s32 @!p0 $0x108  }
0x21: {  	s3 =	sadd.s32 s3, s9;
	s6 =	sadd.s32 @!p0 $0x88, s6;
	s7 =	simm.s32 @p2 $0x1082  }
0x22: {  	[simem:s7], [sflag:s8] =	dma.local @!p0 [hbm:s6], $0xF7A  }
0x23: {  	s9 =	sor.u32 $0xD0000000, s2;
	s6 =	simm.s32 $0x108;
	_ =	swait.ge @!p0 [sflag:s8], $0x0  }
0x24: {  	s3 =	sadd.s32 $0x88, s3;
	s6 =	simm.s32 @!p1 $0x1082;
	[sflag:s4] =	ssyncset.s32 $0xFFFFF086  }
0x25: {  	[simem:s6], [sflag:s4] =	dma.local [hbm:s3], $0xF7A  }
0x26: {  	[smem:$0x3F95] =	sst s1;
	(tag) =	ssettag s2;
	_ =	strace s9  }
0x27: {  	s1 =	sld [smem:$0x3FA5]  }
0x28: {  	s2 =	sld [smem:$0x3FA6]  }
0x29: {  	s4 =	sld [smem:$0x3FA8]  }
0x2a: {  	p0 =	seq.s32 s5, $0x0;
	s5 =	sld [smem:$0x3FA9]  }
0x2b: {  	s6 =	sld [smem:$0x3FAA]  }
0x2c: {  	s7 =	sld [smem:$0x3FAB]  }
0x2d: {  	s3 =	simm.s32 $0x108;
	s8 =	sld [smem:$0x3FAC]  }
0x2e: {  	s3 =	simm.s32 @!p0 $0x1082;
	s9 =	sld [smem:$0x3FAD]  }
0x2f: {  	lr =	sadd.s32 s0, s3;
	s0 =	sld [smem:$0x3FA4]  }
0x30: {  	s3 =	sld [smem:$0x3FA7]  }
0x31: {  	[smem:$0x3FB0] =	sst s10  }
0x32: {  	s10 =	sld [smem:$0x3FAE];
	_ =	sdelay $0x3  }
0x33: {  	p0 =	seq.s32 s10, $0x1;
	s10 =	sld [smem:$0x3FB0];
	_ =	sdelay $0x3  }
0x34: {  	[smem:$0x3FB0] =	sst s10  }
0x35: {  	s10 =	sld [smem:$0x3FAF];
	_ =	sdelay $0x3  }
0x36: {  	p1 =	seq.s32 s10, $0x1;
	s10 =	sld [smem:$0x3FB0];
	_ =	sdelay $0x3  }
0x37: {  	[smem:$0x3FB0] =	sst s10  }
0x38: {  	s10 =	sld [smem:$0x3FB1]  }
0x39: {  	_ = 	snop;
	(pc) =	sbr.ind lr, $3  }
0x3a: {  	_ = 	snop  }
0x3b: {  	_ = 	snop  }
0x3c: {  	p2 =	seq.s32 s10, $0x1;
	s10 =	sld [smem:$0x3FB0]  }
0x3d: {  	_ =	shalt  }
0x3e: {  	_ =	shalt  }
0x3f: {  	_ =	shalt  }
0x40: {  	_ =	shalt  }
0x41: {  	_ =	shalt  }
0x42: {  	_ =	shalt  }
0x43: {  	_ =	shalt  }
0x44: {  	_ =	shalt  }
0x45: {  	_ =	shalt  }
0x46: {  	_ =	shalt  }
0x47: {  	_ =	shalt  }
0x48: {  	_ =	shalt  }
0x49: {  	_ =	shalt  }
0x4a: {  	_ =	shalt  }
0x4b: {  	_ =	shalt  }
0x4c: {  	_ =	shalt  }
0x4d: {  	_ =	shalt  }
0x4e: {  	_ =	shalt  }
0x4f: {  	_ =	shalt  }
0x50: {  	_ =	shalt  }
0x51: {  	_ =	shalt  }
0x52: {  	_ =	shalt  }
0x53: {  	_ =	shalt  }
0x54: {  	_ =	shalt  }
0x55: {  	_ =	shalt  }
0x56: {  	_ =	shalt  }
0x57: {  	_ =	shalt  }
0x58: {  	_ =	shalt  }
0x59: {  	_ =	shalt  }
0x5a: {  	_ =	shalt  }
0x5b: {  	_ =	shalt  }
0x5c: {  	_ =	shalt  }
0x5d: {  	_ =	shalt  }
0x5e: {  	_ =	shalt  }
0x5f: {  	_ =	shalt  }
0x60: {  	_ =	shalt  }
0x61: {  	_ =	shalt  }
0x62: {  	_ =	shalt  }
0x63: {  	_ =	shalt  }
0x64: {  	_ =	shalt  }
0x65: {  	_ =	shalt  }
0x66: {  	_ =	shalt  }
0x67: {  	_ =	shalt  }
0x68: {  	_ =	shalt  }
0x69: {  	_ =	shalt  }
0x6a: {  	_ =	shalt  }
0x6b: {  	_ =	shalt  }
0x6c: {  	_ =	shalt  }
0x6d: {  	_ =	shalt  }
0x6e: {  	_ =	shalt  }
0x6f: {  	_ =	shalt  }
0x70: {  	_ =	shalt  }
0x71: {  	_ =	shalt  }
0x72: {  	_ =	shalt  }
0x73: {  	_ =	shalt  }
0x74: {  	_ =	shalt  }
0x75: {  	_ =	shalt  }
0x76: {  	_ =	shalt  }
0x77: {  	_ =	shalt  }
0x78: {  	_ =	shalt  }
0x79: {  	_ =	shalt  }
0x7a: {  	_ =	shalt  }
0x7b: {  	_ =	shalt  }
0x7c: {  	_ =	shalt  }
0x7d: {  	_ =	shalt  }
0x7e: {  	_ =	shalt  }
0x7f: {  	_ =	shalt  }
0x80: {  	_ =	shalt  }
0x81: {  	_ =	shalt  }
0x82: {  	_ =	shalt  }
0x83: {  	_ =	shalt  }
0x84: {  	_ =	shalt  }
0x85: {  	_ =	shalt  }
0x86: {  	_ =	shalt  }
0x87: {  	_ =	shalt  }
.Lfunc_end0:
.L_simem_size_0:
called_computation.1_lowered:
.L_overlay_start_0:
0x88: {  	s2 =	sld [smem:$0x3FD9]  }
0x89: {  	s3 =	sld [smem:$0x3FFE];
	_ =	sdelay $0x1  }
0x8a: {  	s1 =	srdreg.scid  }
0x8b: {  	s0 =	sand.u32 $0x1, s1  }
0x8c: {  	s17 =	sshll.u32 s0, $0xA;
	s2 =	sadd.s32 s3, s2  }
0x8d: {  	s2 =	sadd.s32 s2, s17  }
0x8e: {  	[smem:$0x3FBC] =	sst s2  }
0x8f: {  	_ = 	snop  }
0x90: {  	(tm) =	ssettm $0x1  }
0x91: {  	s18 =	sld [smem:$0x3FFB];
	_ =	sdelay $0x3  }
0x92: {  	_ =	strace s18  }
0x93: {  	s2 =	sld [smem:$0x3FFC];
	_ =	sdelay $0x3  }
0x94: {  	_ =	strace s2  }
0x95: {  	s2 =	sld [smem:$0x3FFD];
	_ =	sdelay $0x3  }
0x96: {  	_ =	strace s2  }
0x97: {  	_ =	strace $0x8FFFFFFF  }
0x98: {  	s19 =	sld [smem:$0x3FDB];
	_ =	sdelay $0x1  }
0x99: {  	s20 =	simm.s32 $_scs_section_size  }
0x9a: {  	s4 =	simm.s32 $_size__tile_overlayer_lowered;
	s5 =	simm.s32 $_tile_overlayer_lowered  }
0x9b: {  	s6 =	simm.s32 $0x1BFF;
	s21 =	sshll.u32 s5, $0x1;
	s3 =	sadd.s32 s20, s19  }
0x9c: {  	s22 =	simm.s32 $0x0;
	s4 =	sshll.u32 s4, $0x1;
	s5 =	sadd.s32 s21, s3  }
0x9d: {  	[timem:s22], [sflag:s6] =	dma.local [hbm:s5], s4  }
0x9e: {  	_ =	swait.ge [sflag:s6], s4  }
0x9f: {  	s4 =	ssub.s32 $0x0, s4;
	[sflag:s6] =	ssyncset.done $0x0  }
0xa0: {  	[sflag:s6] =	ssyncadd.s32 s4;
	_ =	sdelay $0x1  }
0xa1: {  	s23 =	simm.s32 $0x1B8B  }
0xa2: {  	_ =	swait.ge [sflag:s23], $0x1  }
0xa3: {  	[sflag:s23] =	ssyncset.done $0x0  }
0xa4: {  	[sflag:s23] =	ssyncadd.s32 $0xFFFFFFFF  }
0xa5: {  	s4 =	sld [smem:$0x0]  }
0xa6: {  	s5 =	sand.u32 $0xFFFFFFFE, s1  }
0xa7: {  	p0 =	sne.s32 s1, s5  }
0xa8: {  	s5 =	sshll.u32 @p0 s5, $0xE  }
0xa9: {  	s5 =	sadd.s32 @p0 $0x11B8D, s5;
	s6 =	sshll.u32 @p0 s4, $0x11  }
0xaa: {  	s5 =	sor.u32 @p0 s6, s5  }
0xab: {  	[sflag:s5] =	ssyncadd.remote.s32 @p0 $0x1;
	_ =	sdelay $0x1  }
0xac: {  	s5 =	simm.s32 @p0 $0x1B8D  }
0xad: {  	_ =	swait.eq @p0 [sflag:s5], $0x1  }
0xae: {  	[sflag:s5] =	ssyncadd.s32 @p0 $0xFFFFFFFF  }
0xaf: {  	s6 =	sshll.u32 @!p0 s1, $0xE  }
0xb0: {  	s6 =	sor.u32 @!p0 $0x4000, s6;
	s5 =	simm.s32 @!p0 $0x1B8D  }
0xb1: {  	s4 =	sshll.u32 @!p0 s4, $0x11;
	s6 =	sadd.s32 @!p0 $0x11B8D, s6;
	_ =	swait.eq @!p0 [sflag:s5], $0x1  }
0xb2: {  	s4 =	sor.u32 @!p0 s4, s6;
	[sflag:s5] =	ssyncadd.s32 @!p0 $0xFFFFFFFF  }
0xb3: {  	s25 =	simm.s32 $0x1B8E;
	s24 =	sld [smem:$0x3FFE];
	[sflag:s4] =	ssyncadd.remote.s32 @!p0 $0x1  }
0xb4: {  	s26 =	simm.s32 $execute0_lowered;
	[smem:$0x3FD2] =	sst s25  }
0xb5: {  	s5 =	sshll.u32 s26, $0x1;
	_ =	strace $0x80000049;
	[dreg:$0x1] =	wrdreg $0xFFFFFFFF  }
0xb6: {  	s28 =	simm.s32 $_size_execute0_lowered;
	s3 =	sadd.s32 s3, s5;
	[dreg:$0x0] =	wrdreg $0x0  }
0xb7: {  	s5 =	sshll.u32 s28, $0x1;
	[dreg:$0x2] =	wrdreg s3  }
0xb8: {  	[dreg:$0x3] =	wrdreg s5  }
0xb9: {  	[dreg:$0x4] =	wrdreg $0xC0  }
0xba: {  	_ =	task [dreg:s22], $0x5FFFF  }
0xbb: {  	[dreg:$0x1] =	wrdreg $0xFFFFFFFF  }
0xbc: {  	[dreg:$0x0] =	wrdreg $0x60  }
0xbd: {  	[dreg:$0x2] =	wrdreg s24  }
0xbe: {  	[dreg:$0x3] =	wrdreg $0xA  }
0xbf: {  	_ =	task.clear_ibuf [dreg:s22], $0x4FFFF;
	_ =	strace $0x90000049  }
0xc0: {  	s29 =	simm.s32 $0xA;
	_ =	strace $0x8000004B  }
0xc1: {  	_ =	swait.ge [sflag:s29], $0x1  }
0xc2: {  	[sflag:s29] =	ssyncadd.s32 $0xFFFFFFFF  }
0xc3: {  	_ =	strace $0x9000004B  }
0xc4: {  	_ =	sfence  }
0xc5: {  	s30 =	sld [smem:$0x0];
	_ =	sdelay $0x2  }
0xc6: {  	s31 =	sshll.u32 s1, $0xD;
	s1 =	sshrl.u32 s1, $0x2  }
0xc7: {  	s4 =	sand.u32 $0x4000, s31;
	s1 =	sadd.s32 s1, s30  }
0xc8: {  	s0 =	sor.u32 s4, s0;
	s1 =	sshll.u32 s1, $0x11  }
0xc9: {  	s0 =	sor.u32 s1, s0  }
0xca: {  	s0 =	sadd.s32 $0x8F2B, s0  }
0xcb: {  	[sflag:s0] =	ssyncadd.remote.s32 $0x1  }
0xcc: {  	_ =	sfence.sel $0xFFFF  }
0xcd: {  	[dreg:$0x0] =	wrdreg $0xFFFFFFFF;
	(pc) =	sbr.abs _section_cstart, $3  }
0xce: {  	[dreg:$0x1] =	wrdreg $0xFFFFFFFF  }
0xcf: {  	_ =	task.clear_ibuf [dreg:s22], $0x2FFFF;
	_ =	strace $0x9FFFFFFF  }
0xd0: {  	(tm) =	ssettm $0x7FFFFFFF  }
0xd1: {  	_ =	shalt  }
tec
execute0_lowered:
.L_overlay_start_1:
0x0: {  	(tag) =	ssettag $0x1  }
0x1: {  	s0 =	srdreg.scid;
	s2 =	rddreg [dreg:$0x0]  }
0x2: {  	s1 =	stileid.u32;
	s17 =	rddreg [dreg:$0x1];
	s13 =	simm.s32 $0x0  }
0x3: {  	s23 =	simm.s32 $0x2780;
	s24 =	simm.s32 $0x300;
	s25 =	simm.s32 $0xB780  }
0x4: {  	s14 =	simm.s32 $0x280;
	s26 =	simm.s32 $0x580;
	s15 =	simm.s32 $0x500  }
0x5: {  	s28 =	simm.s32 $0x10780;
	s29 =	simm.s32 $0x100;
	s6 =	simm.s32 $0x780  }
0x6: {  	s30 =	simm.s32 $0x4780;
	s5 =	simm.s32 $0xA780;
	[smem:$0x7FF] =	sst s13  }
0x7: {  	s31 =	simm.s32 $0x380;
	_ =	strace $0x8000004A;
	[dreg:$0x8] =	wrdreg s23  }
0x8: {  	p0 =	por $0x0, $0x0;
	s11 =	simm.s32 $0x1;
	[dreg:$0x9] =	wrdreg s24  }
0x9: {  	s18 =	simm.s32 $0x40;
	s9 =	simm.s32 $0x20;
	[dreg:$0xa] =	wrdreg s25  }
0xa: {  	s0 =	sand.u32 $0x1, s0;
	s1 =	sshll.u32 s1, $0x1;
	[dreg:$0xb] =	wrdreg s26  }
0xb: {  	s7 =	sadd.s32 $0x3800, s2;
	s1 =	sor.u32 s0, s1;
	[dreg:$0xc] =	wrdreg s28  }
0xc: {  	s8 =	sadd.s32 $0xCBE00, s2;
	[dreg:$0xd] =	wrdreg s29;
	s3 =	smul.u32 $0x50, s1  }
0xd: {  	s0 =	ssub.s32 $0x2, s0;
	[dreg:$0xe] =	wrdreg s30;
	s1 =	smul.u32 $0x2800, s1  }
0xe: {  	[dreg:$0xf] =	wrdreg s31;
	s22 =	sshrl.u32 s0, $0x1;
	s3 =	sadd.s32 s3, s2  }
0xf: {  	s0 =	ssub.s32 s0, s22;
	s1 =	sadd.s32 s1, s2;
	s4 =	sadd.s32 $0xD3C00, s3  }
0x10: {  	s0 =	smax.u32 s0, $0x1;
	s19 =	sadd.s32 $0xD0A00, s3;
	[dreg:$0x2] =	wrdreg s4  }
0x11: {  	s3 =	sadd.s32 $0xCD800, s3;
	p1 =	sne.s32 s0, $0x1;
	[dreg:$0x3] =	wrdreg s19  }
.Ltmp0:
0x12: {  	s20 =	sadd.s32 $0x126400, s1;
	[dreg:$0x4] =	wrdreg s3;
	(pc) =	sbr.rel @!p1 .LBB2_1-.Ltmp0, $4  }
0x13: {  	s10 =	sadd.s32 $0xC6E00, s2;
	s21 =	sadd.s32 $0x126408, s1;
	[dreg:$0x5] =	wrdreg s20  }
0x14: {  	s2 =	simm.s32 $0x2;
	s1 =	sadd.s32 $0x12640C, s1;
	[dreg:$0x6] =	wrdreg s21  }
0x15: {  	[dreg:$0x7] =	wrdreg s1;
	s3 =	simm.s32 $0x80;
	s4 =	simm.s32 $0xF780  }
0x16: {  	s19 =	simm.s32 $0x600;
	s1 =	sadd.s32 $0xFFFFFFFF, s0;
	s0 =	rddreg [dreg:$0x2]  }
0x17: {  	[tilespmem:s13], [sflag:$0x2] =	stream.linear.gather [hbm4b:s0+s13], $0x280, $0x38;
	[tilespmem:$0x14780] =	vst v63  }
0x18: {  	_ =	swait.ge [sflag:s2], $0x280  }
0x19: {  	[sflag:s2] =	ssyncset.done $0x0  }
0x1a: {  	s23 =	rddreg [dreg:$0x3];
	[sflag:s2] =	ssyncadd.s32 $0xFFFFFD80  }
0x1b: {  	[tilespmem:s14], [sflag:$0x2] =	stream.linear.gather [hbm4b:s23+s13], $0x280, $0x38;
	[tilespmem:$0x14780] =	vst v63  }
0x1c: {  	_ =	swait.ge [sflag:s2], $0x280  }
0x1d: {  	[sflag:s2] =	ssyncset.done $0x0  }
0x1e: {  	s24 =	rddreg [dreg:$0x4];
	[sflag:s2] =	ssyncadd.s32 $0xFFFFFD80  }
0x1f: {  	[tilespmem:s15], [sflag:$0x2] =	stream.linear.gather [hbm4b:s24+s13], $0x280, $0x38;
	[tilespmem:$0x14780] =	vst v63  }
0x20: {  	_ =	swait.ge [sflag:s2], $0x280;
	[dreg:$0x13] =	wrdreg s1  }
0x21: {  	s25 =	rddreg [dreg:$0xc]  }
0x22: {  	s26 =	rddreg [dreg:$0xa]  }
0x23: {  	s12 =	rddreg [dreg:$0x8]  }
0x24: {  	s16 =	rddreg [dreg:$0x9]  }
0x25: {  	s20 =	rddreg [dreg:$0xe]  }
0x26: {  	[sflag:s2] =	ssyncset.done $0x0;
	s1 =	rddreg [dreg:$0xd]  }
0x27: {  	[sflag:s2] =	ssyncadd.s32 $0xFFFFFD80;
	[dreg:$0x10] =	wrdreg s25  }
0x28: {  	[tilespmem:s6], [sflag:$0x1] =	stream.indirect.gather [hbm4b:s7+s3], $0x40, s13, s3, $0xb8;
	[tilespmem:$0x14780] =	vst v63  }
0x29: {  	[dreg:$0x11] =	wrdreg s26  }
0x2a: {  	[tilespmem:s5], [sflag:$0x1] =	stream.indirect.gather [hbm4b:s8+s3], $0x20, s14, s3, $0xb8;
	[tilespmem:$0x14780] =	vst v63  }
0x2b: {  	[dreg:$0x12] =	wrdreg s20  }
0x2c: {  	[tilespmem:s4], [sflag:$0x1] =	stream.indirect.gather [hbm4b:s10+s3], $0x20, s15, s3, $0xb8;
	[tilespmem:$0x14780] =	vst v63  }
0x2d: {  	s17 =	rddreg [dreg:$0x11]  }
0x2e: {  	[tilespmem:s12], [sflag:$0x1] =	stream.indirect.gather [hbm4b:s7+s3], $0x40, s3, s3, $0xb8;
	[tilespmem:$0x14780] =	vst v63  }
0x2f: {  	s21 =	rddreg [dreg:$0x10]  }
0x30: {  	[tilespmem:s17], [sflag:$0x1] =	stream.indirect.gather [hbm4b:s8+s3], $0x20, s16, s3, $0xb8;
	[tilespmem:$0x14780] =	vst v63  }
0x31: {  	s12 =	rddreg [dreg:$0xb]  }
0x32: {  	[tilespmem:s21], [sflag:$0x1] =	stream.indirect.gather [hbm4b:s10+s3], $0x20, s12, s3, $0xb8;
	[tilespmem:$0x14780] =	vst v63  }
0x33: {  	s12 =	rddreg [dreg:$0x12]  }
0x34: {  	[tilespmem:s12], [sflag:$0x1] =	stream.indirect.gather [hbm4b:s7+s3], $0x40, s1, s3, $0xb8;
	[tilespmem:$0x14780] =	vst v63  }
0x35: {  	s0 =	rddreg [dreg:$0xf];
	s16 =	simm.s32 $0xC780  }
0x36: {  	[tilespmem:s16], [sflag:$0x1] =	stream.indirect.gather [hbm4b:s8+s3], $0x20, s0, s3, $0xb8;
	[tilespmem:$0x14780] =	vst v63  }
0x37: {  	s20 =	simm.s32 $0x11780  }
0x38: {  	[tilespmem:s20], [sflag:$0x1] =	stream.indirect.gather [hbm4b:s10+s3], $0x20, s19, s3, $0xb8;
	[tilespmem:$0x14780] =	vst v63  }
0x39: {  	s22 =	simm.s32 $0x6780;
	s21 =	simm.s32 $0x180  }
0x3a: {  	[tilespmem:s22], [sflag:$0x1] =	stream.indirect.gather [hbm4b:s7+s3], $0x40, s21, s3, $0xb8;
	[tilespmem:$0x14780] =	vst v63  }
0x3b: {  	s23 =	simm.s32 $0x400;
	s24 =	simm.s32 $0xD780  }
0x3c: {  	[tilespmem:s24], [sflag:$0x1] =	stream.indirect.gather [hbm4b:s8+s3], $0x20, s23, s3, $0xb8;
	[tilespmem:$0x14780] =	vst v63  }
0x3d: {  	s25 =	simm.s32 $0x680;
	s26 =	simm.s32 $0x12780  }
0x3e: {  	[tilespmem:s26], [sflag:$0x1] =	stream.indirect.gather [hbm4b:s10+s3], $0x20, s25, s3, $0xb8;
	[tilespmem:$0x14780] =	vst v63  }
0x3f: {  	s28 =	simm.s32 $0x200;
	s29 =	simm.s32 $0x8780  }
0x40: {  	[tilespmem:s29], [sflag:$0x1] =	stream.indirect.gather [hbm4b:s7+s3], $0x40, s28, s3, $0xb8;
	[tilespmem:$0x14780] =	vst v63  }
0x41: {  	s30 =	simm.s32 $0x480;
	s31 =	simm.s32 $0xE780  }
0x42: {  	[tilespmem:s31], [sflag:$0x1] =	stream.indirect.gather [hbm4b:s8+s3], $0x20, s30, s3, $0xb8;
	[tilespmem:$0x14780] =	vst v63  }
0x43: {  	s17 =	simm.s32 $0x700;
	s22 =	simm.s32 $0x13780  }
0x44: {  	[tilespmem:s22], [sflag:$0x1] =	stream.indirect.gather [hbm4b:s10+s3], $0x20, s17, s3, $0xb8;
	[tilespmem:$0x14780] =	vst v63  }
0x45: {  	_ =	swait.ge [sflag:s11], $0x2000  }
0x46: {  	[sflag:s11] =	ssyncset.done $0x0  }
0x47: {  	[sflag:s11] =	ssyncadd.s32 $0xFFFFE000  }
0x48: {  	_ =	swait.ge [sflag:s11], $0x1000  }
0x49: {  	[sflag:s11] =	ssyncset.done $0x0  }
0x4a: {  	[sflag:s11] =	ssyncadd.s32 $0xFFFFF000  }
0x4b: {  	_ =	swait.ge [sflag:s11], $0x1000  }
0x4c: {  	[sflag:s11] =	ssyncset.done $0x0  }
0x4d: {  	[sflag:s11] =	ssyncadd.s32 $0xFFFFF000  }
0x4e: {  	_ =	swait.ge [sflag:s11], $0x2000  }
0x4f: {  	[sflag:s11] =	ssyncset.done $0x0  }
0x50: {  	[sflag:s11] =	ssyncadd.s32 $0xFFFFE000  }
0x51: {  	_ =	swait.ge [sflag:s11], $0x1000  }
0x52: {  	[sflag:s11] =	ssyncset.done $0x0  }
0x53: {  	[sflag:s11] =	ssyncadd.s32 $0xFFFFF000  }
0x54: {  	_ =	swait.ge [sflag:s11], $0x1000  }
0x55: {  	[sflag:s11] =	ssyncset.done $0x0  }
0x56: {  	[sflag:s11] =	ssyncadd.s32 $0xFFFFF000  }
0x57: {  	_ =	swait.ge [sflag:s11], $0x2000  }
0x58: {  	[sflag:s11] =	ssyncset.done $0x0  }
0x59: {  	[sflag:s11] =	ssyncadd.s32 $0xFFFFE000  }
0x5a: {  	_ =	swait.ge [sflag:s11], $0x1000  }
0x5b: {  	[sflag:s11] =	ssyncset.done $0x0  }
0x5c: {  	[sflag:s11] =	ssyncadd.s32 $0xFFFFF000  }
0x5d: {  	_ =	swait.ge [sflag:s11], $0x1000  }
0x5e: {  	[sflag:s11] =	ssyncset.done $0x0  }
0x5f: {  	[sflag:s11] =	ssyncadd.s32 $0xFFFFF000  }
0x60: {  	_ =	swait.ge [sflag:s11], $0x2000  }
0x61: {  	[sflag:s11] =	ssyncset.done $0x0  }
0x62: {  	[sflag:s11] =	ssyncadd.s32 $0xFFFFE000  }
0x63: {  	_ =	swait.ge [sflag:s11], $0x1000  }
0x64: {  	[sflag:s11] =	ssyncset.done $0x0  }
0x65: {  	[sflag:s11] =	ssyncadd.s32 $0xFFFFF000  }
0x66: {  	_ =	swait.ge [sflag:s11], $0x1000  }
0x67: {  	[sflag:s11] =	ssyncset.done $0x0  }
0x68: {  	[sflag:s11] =	ssyncadd.s32 $0xFFFFF000  }
0x69: {  	_ =	swait.ge [sflag:s11], $0x2000  }
0x6a: {  	[sflag:s11] =	ssyncset.done $0x0  }
0x6b: {  	[sflag:s11] =	ssyncadd.s32 $0xFFFFE000  }
0x6c: {  	_ =	swait.ge [sflag:s11], $0x1000  }
0x6d: {  	[sflag:s11] =	ssyncset.done $0x0  }
0x6e: {  	[sflag:s11] =	ssyncadd.s32 $0xFFFFF000  }
0x6f: {  	_ =	swait.ge [sflag:s11], $0x1000  }
0x70: {  	[sflag:s11] =	ssyncset.done $0x0  }
0x71: {  	s23 =	rddreg [dreg:$0x5];
	[sflag:s11] =	ssyncadd.s32 $0xFFFFF000  }
0x72: {  	[hbm4b:s23+s18] =	stream.strided.scatter [tilespmem:s6], [sflag:$0x2], $0xA000, s3, s18, $0x38;
	[tilespmem:$0x14780] =	vst v63  }
0x73: {  	_ =	swait.ge [sflag:s2], $0xA000  }
0x74: {  	p0 =	por $0x1, $0x1;
	[sflag:s2] =	ssyncset.done $0x0  }
0x75: {  	s20 =	simm.s32 $0x11780;
	s24 =	rddreg [dreg:$0x6];
	[sflag:s2] =	ssyncadd.s32 $0xFFFF6000  }
0x76: {  	[hbm4b:s24+s9] =	stream.strided.scatter [tilespmem:s5], [sflag:$0x2], $0x5000, s3, s9, $0x38;
	[tilespmem:$0x14780] =	vst v63  }
0x77: {  	s21 =	simm.s32 $0x700;
	s29 =	simm.s32 $0x8780;
	_ =	swait.ge [sflag:s2], $0x5000  }
0x78: {  	s28 =	simm.s32 $0x200;
	s31 =	simm.s32 $0xE780;
	s26 =	rddreg [dreg:$0x13]  }
0x79: {  	s30 =	simm.s32 $0x480;
	s22 =	simm.s32 $0x6780;
	p1 =	sne.s32 s26, $0x1  }
.Ltmp1:
0x7a: {  	s23 =	simm.s32 $0x400;
	[sflag:s2] =	ssyncset.done $0x0;
	(pc) =	sbr.rel @!p1 .LBB2_3-.Ltmp1, $4  }
0x7b: {  	s24 =	simm.s32 $0xD780;
	s25 =	rddreg [dreg:$0x7];
	[sflag:s2] =	ssyncadd.s32 $0xFFFFB000  }
0x7c: {  	[hbm4b:s25+s9] =	stream.strided.scatter [tilespmem:s4], [sflag:$0x2], $0x5000, s3, s9, $0x38;
	[tilespmem:$0x14780] =	vst v63  }
0x7d: {  	s1 =	sadd.s32 $0xFFFFFFFF, s26;
	s26 =	simm.s32 $0x12780;
	_ =	swait.ge [sflag:s2], $0x5000  }
0x7e: {  	s25 =	simm.s32 $0x680;
	s0 =	rddreg [dreg:$0x2];
	[sflag:s2] =	ssyncset.done $0x0  }
.LBB2_4:
0x7f: {  	[sflag:s2] =	ssyncadd.s32 $0xFFFFB000  }
0x80: {  	[tilespmem:s13], [sflag:$0x2] =	stream.linear.gather [hbm4b:s0+s13], $0x280, $0x38;
	[tilespmem:$0x14780] =	vst v63  }
0x81: {  	_ =	swait.ge [sflag:s2], $0x280  }
0x82: {  	[sflag:s2] =	ssyncset.done $0x0  }
0x83: {  	s12 =	rddreg [dreg:$0x3];
	[sflag:s2] =	ssyncadd.s32 $0xFFFFFD80  }
0x84: {  	[tilespmem:s14], [sflag:$0x2] =	stream.linear.gather [hbm4b:s12+s13], $0x280, $0x38;
	[tilespmem:$0x14780] =	vst v63  }
0x85: {  	_ =	swait.ge [sflag:s2], $0x280  }
0x86: {  	[sflag:s2] =	ssyncset.done $0x0  }
0x87: {  	s16 =	rddreg [dreg:$0x4];
	[sflag:s2] =	ssyncadd.s32 $0xFFFFFD80  }
0x88: {  	[tilespmem:s15], [sflag:$0x2] =	stream.linear.gather [hbm4b:s16+s13], $0x280, $0x38;
	[tilespmem:$0x14780] =	vst v63  }
0x89: {  	_ =	swait.ge [sflag:s2], $0x280  }
0x8a: {  	[sflag:s2] =	ssyncset.done $0x0  }
0x8b: {  	s0 =	rddreg [dreg:$0xe];
	[sflag:s2] =	ssyncadd.s32 $0xFFFFFD80  }
0x8c: {  	[tilespmem:s6], [sflag:$0x1] =	stream.indirect.gather [hbm4b:s7+s3], $0x40, s13, s3, $0xb8;
	[tilespmem:$0x14780] =	vst v63  }
0x8d: {  	s12 =	rddreg [dreg:$0xc]  }
0x8e: {  	[tilespmem:s5], [sflag:$0x1] =	stream.indirect.gather [hbm4b:s8+s3], $0x20, s14, s3, $0xb8;
	[tilespmem:$0x14780] =	vst v63  }
0x8f: {  	s16 =	rddreg [dreg:$0xa]  }
0x90: {  	[tilespmem:s4], [sflag:$0x1] =	stream.indirect.gather [hbm4b:s10+s3], $0x20, s15, s3, $0xb8;
	[tilespmem:$0x14780] =	vst v63  }
0x91: {  	s17 =	rddreg [dreg:$0x8]  }
0x92: {  	[tilespmem:s17], [sflag:$0x1] =	stream.indirect.gather [hbm4b:s7+s3], $0x40, s3, s3, $0xb8;
	[tilespmem:$0x14780] =	vst v63  }
0x93: {  	s18 =	rddreg [dreg:$0x9]  }
0x94: {  	[tilespmem:s16], [sflag:$0x1] =	stream.indirect.gather [hbm4b:s8+s3], $0x20, s18, s3, $0xb8;
	[tilespmem:$0x14780] =	vst v63  }
0x95: {  	s17 =	rddreg [dreg:$0xb]  }
0x96: {  	[tilespmem:s12], [sflag:$0x1] =	stream.indirect.gather [hbm4b:s10+s3], $0x20, s17, s3, $0xb8;
	[tilespmem:$0x14780] =	vst v63  }
0x97: {  	s16 =	rddreg [dreg:$0xd]  }
0x98: {  	[tilespmem:s0], [sflag:$0x1] =	stream.indirect.gather [hbm4b:s7+s3], $0x40, s16, s3, $0xb8;
	[tilespmem:$0x14780] =	vst v63  }
0x99: {  	s19 =	simm.s32 $0xC780;
	s17 =	rddreg [dreg:$0xf]  }
0x9a: {  	[tilespmem:s19], [sflag:$0x1] =	stream.indirect.gather [hbm4b:s8+s3], $0x20, s17, s3, $0xb8;
	[tilespmem:$0x14780] =	vst v63  }
0x9b: {  	s19 =	simm.s32 $0x600  }
0x9c: {  	[tilespmem:s20], [sflag:$0x1] =	stream.indirect.gather [hbm4b:s10+s3], $0x20, s19, s3, $0xb8;
	[tilespmem:$0x14780] =	vst v63  }
0x9d: {  	s16 =	simm.s32 $0x180  }
0x9e: {  	[tilespmem:s22], [sflag:$0x1] =	stream.indirect.gather [hbm4b:s7+s3], $0x40, s16, s3, $0xb8;
	[tilespmem:$0x14780] =	vst v63  }
0x9f: {  	_ = 	snop  }
0xa0: {  	[tilespmem:s24], [sflag:$0x1] =	stream.indirect.gather [hbm4b:s8+s3], $0x20, s23, s3, $0xb8;
	[tilespmem:$0x14780] =	vst v63  }
0xa1: {  	_ = 	snop  }
0xa2: {  	[tilespmem:s26], [sflag:$0x1] =	stream.indirect.gather [hbm4b:s10+s3], $0x20, s25, s3, $0xb8;
	[tilespmem:$0x14780] =	vst v63  }
0xa3: {  	_ = 	snop  }
0xa4: {  	[tilespmem:s29], [sflag:$0x1] =	stream.indirect.gather [hbm4b:s7+s3], $0x40, s28, s3, $0xb8;
	[tilespmem:$0x14780] =	vst v63  }
0xa5: {  	_ = 	snop  }
0xa6: {  	[tilespmem:s31], [sflag:$0x1] =	stream.indirect.gather [hbm4b:s8+s3], $0x20, s30, s3, $0xb8;
	[tilespmem:$0x14780] =	vst v63  }
0xa7: {  	s17 =	simm.s32 $0x13780  }
0xa8: {  	[tilespmem:s17], [sflag:$0x1] =	stream.indirect.gather [hbm4b:s10+s3], $0x20, s21, s3, $0xb8;
	[tilespmem:$0x14780] =	vst v63  }
0xa9: {  	_ =	swait.ge [sflag:s11], $0x2000  }
0xaa: {  	[sflag:s11] =	ssyncset.done $0x0  }
0xab: {  	[sflag:s11] =	ssyncadd.s32 $0xFFFFE000  }
0xac: {  	_ =	swait.ge [sflag:s11], $0x1000  }
0xad: {  	[sflag:s11] =	ssyncset.done $0x0  }
0xae: {  	[sflag:s11] =	ssyncadd.s32 $0xFFFFF000  }
0xaf: {  	_ =	swait.ge [sflag:s11], $0x1000  }
0xb0: {  	[sflag:s11] =	ssyncset.done $0x0  }
0xb1: {  	[sflag:s11] =	ssyncadd.s32 $0xFFFFF000  }
0xb2: {  	_ =	swait.ge [sflag:s11], $0x2000  }
0xb3: {  	[sflag:s11] =	ssyncset.done $0x0  }
0xb4: {  	[sflag:s11] =	ssyncadd.s32 $0xFFFFE000  }
0xb5: {  	_ =	swait.ge [sflag:s11], $0x1000  }
0xb6: {  	[sflag:s11] =	ssyncset.done $0x0  }
0xb7: {  	[sflag:s11] =	ssyncadd.s32 $0xFFFFF000  }
0xb8: {  	_ =	swait.ge [sflag:s11], $0x1000  }
0xb9: {  	[sflag:s11] =	ssyncset.done $0x0  }
0xba: {  	[sflag:s11] =	ssyncadd.s32 $0xFFFFF000  }
0xbb: {  	_ =	swait.ge [sflag:s11], $0x2000  }
0xbc: {  	[sflag:s11] =	ssyncset.done $0x0  }
0xbd: {  	[sflag:s11] =	ssyncadd.s32 $0xFFFFE000  }
0xbe: {  	_ =	swait.ge [sflag:s11], $0x1000  }
0xbf: {  	[sflag:s11] =	ssyncset.done $0x0  }
0xc0: {  	[sflag:s11] =	ssyncadd.s32 $0xFFFFF000  }
0xc1: {  	_ =	swait.ge [sflag:s11], $0x1000  }
0xc2: {  	[sflag:s11] =	ssyncset.done $0x0  }
0xc3: {  	[sflag:s11] =	ssyncadd.s32 $0xFFFFF000  }
0xc4: {  	_ =	swait.ge [sflag:s11], $0x2000  }
0xc5: {  	[sflag:s11] =	ssyncset.done $0x0  }
0xc6: {  	[sflag:s11] =	ssyncadd.s32 $0xFFFFE000  }
0xc7: {  	_ =	swait.ge [sflag:s11], $0x1000  }
0xc8: {  	[sflag:s11] =	ssyncset.done $0x0  }
0xc9: {  	[sflag:s11] =	ssyncadd.s32 $0xFFFFF000  }
0xca: {  	_ =	swait.ge [sflag:s11], $0x1000  }
0xcb: {  	[sflag:s11] =	ssyncset.done $0x0  }
0xcc: {  	[sflag:s11] =	ssyncadd.s32 $0xFFFFF000  }
0xcd: {  	_ =	swait.ge [sflag:s11], $0x2000  }
0xce: {  	[sflag:s11] =	ssyncset.done $0x0  }
0xcf: {  	[sflag:s11] =	ssyncadd.s32 $0xFFFFE000  }
0xd0: {  	_ =	swait.ge [sflag:s11], $0x1000  }
0xd1: {  	[sflag:s11] =	ssyncset.done $0x0  }
0xd2: {  	[sflag:s11] =	ssyncadd.s32 $0xFFFFF000  }
0xd3: {  	_ =	swait.ge [sflag:s11], $0x1000  }
0xd4: {  	[sflag:s11] =	ssyncset.done $0x0  }
0xd5: {  	s18 =	simm.s32 $0x40;
	s12 =	rddreg [dreg:$0x5];
	[sflag:s11] =	ssyncadd.s32 $0xFFFFF000  }
0xd6: {  	[hbm4b:s12+s18] =	stream.strided.scatter [tilespmem:s6], [sflag:$0x2], $0xA000, s3, s18, $0x38;
	[tilespmem:$0x14780] =	vst v63  }
0xd7: {  	_ =	swait.ge [sflag:s2], $0xA000  }
0xd8: {  	[sflag:s2] =	ssyncset.done $0x0  }
0xd9: {  	s16 =	rddreg [dreg:$0x6];
	[sflag:s2] =	ssyncadd.s32 $0xFFFF6000  }
0xda: {  	[hbm4b:s16+s9] =	stream.strided.scatter [tilespmem:s5], [sflag:$0x2], $0x5000, s3, s9, $0x38;
	[tilespmem:$0x14780] =	vst v63  }
0xdb: {  	p1 =	sne.s32 s1, $0x1;
	_ =	swait.ge [sflag:s2], $0x5000  }
.Ltmp2:
0xdc: {  	[sflag:s2] =	ssyncset.done $0x0;
	(pc) =	sbr.rel @p1 .LBB2_4-.Ltmp2, $4  }
0xdd: {  	s17 =	rddreg [dreg:$0x7];
	[sflag:s2] =	ssyncadd.s32 $0xFFFFB000  }
0xde: {  	[hbm4b:s17+s9] =	stream.strided.scatter [tilespmem:s4], [sflag:$0x2], $0x5000, s3, s9, $0x38;
	[tilespmem:$0x14780] =	vst v63  }
0xdf: {  	_ =	swait.ge [sflag:s2], $0x5000  }
0xe0: {  	s1 =	sadd.s32 $0xFFFFFFFF, s1;
	s0 =	rddreg [dreg:$0x2];
	[sflag:s2] =	ssyncset.done $0x0  }
0xe1: {  	s31 =	simm.s32 $0xE780  }
0xe2: {  	s30 =	simm.s32 $0x480;
	s29 =	simm.s32 $0x8780;
	s28 =	simm.s32 $0x200  }
0xe3: {  	s26 =	simm.s32 $0x12780;
	s25 =	simm.s32 $0x680;
	s24 =	simm.s32 $0xD780  }
0xe4: {  	s23 =	simm.s32 $0x400;
	s22 =	simm.s32 $0x6780;
	s21 =	simm.s32 $0x180  }
0xe5: {  	s20 =	simm.s32 $0x11780;
	s16 =	simm.s32 $0xC780;
	s17 =	rddreg [dreg:$0x1]  }
.LBB2_6:
0xe6: {  	[sflag:s2] =	ssyncadd.s32 @p0 $0xFFFFB000  }
0xe7: {  	[tilespmem:s13], [sflag:$0x2] =	stream.linear.gather [hbm4b:s0+s13], $0x280, $0x38;
	[tilespmem:$0x14780] =	vst v63  }
0xe8: {  	_ =	swait.ge [sflag:s2], $0x280  }
0xe9: {  	[sflag:s2] =	ssyncset.done $0x0  }
0xea: {  	s1 =	rddreg [dreg:$0x3];
	[sflag:s2] =	ssyncadd.s32 $0xFFFFFD80  }
0xeb: {  	[tilespmem:s14], [sflag:$0x2] =	stream.linear.gather [hbm4b:s1+s13], $0x280, $0x38;
	[tilespmem:$0x14780] =	vst v63  }
0xec: {  	_ =	swait.ge [sflag:s2], $0x280  }
0xed: {  	[sflag:s2] =	ssyncset.done $0x0  }
0xee: {  	s12 =	rddreg [dreg:$0x4];
	[sflag:s2] =	ssyncadd.s32 $0xFFFFFD80  }
0xef: {  	[tilespmem:s15], [sflag:$0x2] =	stream.linear.gather [hbm4b:s12+s13], $0x280, $0x38;
	[tilespmem:$0x14780] =	vst v63  }
0xf0: {  	_ =	swait.ge [sflag:s2], $0x280  }
0xf1: {  	[sflag:s2] =	ssyncset.done $0x0  }
0xf2: {  	[sflag:s2] =	ssyncadd.s32 $0xFFFFFD80  }
0xf3: {  	[tilespmem:s6], [sflag:$0x1] =	stream.indirect.gather [hbm4b:s7+s3], $0x40, s13, s3, $0xb8;
	[tilespmem:$0x14780] =	vst v63  }
0xf4: {  	s1 =	rddreg [dreg:$0xa]  }
0xf5: {  	[tilespmem:s5], [sflag:$0x1] =	stream.indirect.gather [hbm4b:s8+s3], $0x20, s14, s3, $0xb8;
	[tilespmem:$0x14780] =	vst v63  }
0xf6: {  	s12 =	rddreg [dreg:$0x9]  }
0xf7: {  	[tilespmem:s4], [sflag:$0x1] =	stream.indirect.gather [hbm4b:s10+s3], $0x20, s15, s3, $0xb8;
	[tilespmem:$0x14780] =	vst v63  }
0xf8: {  	s15 =	rddreg [dreg:$0x8]  }
0xf9: {  	[tilespmem:s15], [sflag:$0x1] =	stream.indirect.gather [hbm4b:s7+s3], $0x40, s3, s3, $0xb8;
	[tilespmem:$0x14780] =	vst v63  }
0xfa: {  	s13 =	rddreg [dreg:$0xe]  }
0xfb: {  	[tilespmem:s1], [sflag:$0x1] =	stream.indirect.gather [hbm4b:s8+s3], $0x20, s12, s3, $0xb8;
	[tilespmem:$0x14780] =	vst v63  }
0xfc: {  	s1 =	rddreg [dreg:$0xc]  }
0xfd: {  	s12 =	rddreg [dreg:$0xb]  }
0xfe: {  	[tilespmem:s1], [sflag:$0x1] =	stream.indirect.gather [hbm4b:s10+s3], $0x20, s12, s3, $0xb8;
	[tilespmem:$0x14780] =	vst v63  }
0xff: {  	s14 =	rddreg [dreg:$0xd]  }
0x100: {  	[tilespmem:s13], [sflag:$0x1] =	stream.indirect.gather [hbm4b:s7+s3], $0x40, s14, s3, $0xb8;
	[tilespmem:$0x14780] =	vst v63  }
0x101: {  	s15 =	rddreg [dreg:$0xf]  }
0x102: {  	[tilespmem:s16], [sflag:$0x1] =	stream.indirect.gather [hbm4b:s8+s3], $0x20, s15, s3, $0xb8;
	[tilespmem:$0x14780] =	vst v63  }
0x103: {  	_ = 	snop  }
0x104: {  	[tilespmem:s20], [sflag:$0x1] =	stream.indirect.gather [hbm4b:s10+s3], $0x20, s19, s3, $0xb8;
	[tilespmem:$0x14780] =	vst v63  }
0x105: {  	_ = 	snop  }
0x106: {  	[tilespmem:s22], [sflag:$0x1] =	stream.indirect.gather [hbm4b:s7+s3], $0x40, s21, s3, $0xb8;
	[tilespmem:$0x14780] =	vst v63  }
0x107: {  	_ = 	snop  }
0x108: {  	[tilespmem:s24], [sflag:$0x1] =	stream.indirect.gather [hbm4b:s8+s3], $0x20, s23, s3, $0xb8;
	[tilespmem:$0x14780] =	vst v63  }
0x109: {  	_ = 	snop  }
0x10a: {  	[tilespmem:s26], [sflag:$0x1] =	stream.indirect.gather [hbm4b:s10+s3], $0x20, s25, s3, $0xb8;
	[tilespmem:$0x14780] =	vst v63  }
0x10b: {  	_ = 	snop  }
0x10c: {  	[tilespmem:s29], [sflag:$0x1] =	stream.indirect.gather [hbm4b:s7+s3], $0x40, s28, s3, $0xb8;
	[tilespmem:$0x14780] =	vst v63  }
0x10d: {  	_ = 	snop  }
0x10e: {  	[tilespmem:s31], [sflag:$0x1] =	stream.indirect.gather [hbm4b:s8+s3], $0x20, s30, s3, $0xb8;
	[tilespmem:$0x14780] =	vst v63  }
0x10f: {  	s25 =	simm.s32 $0x700;
	s26 =	simm.s32 $0x13780  }
0x110: {  	[tilespmem:s26], [sflag:$0x1] =	stream.indirect.gather [hbm4b:s10+s3], $0x20, s25, s3, $0xb8;
	[tilespmem:$0x14780] =	vst v63  }
0x111: {  	_ =	swait.ge [sflag:s11], $0x2000  }
0x112: {  	[sflag:s11] =	ssyncset.done $0x0  }
0x113: {  	[sflag:s11] =	ssyncadd.s32 $0xFFFFE000  }
0x114: {  	_ =	swait.ge [sflag:s11], $0x1000  }
0x115: {  	[sflag:s11] =	ssyncset.done $0x0  }
0x116: {  	[sflag:s11] =	ssyncadd.s32 $0xFFFFF000  }
0x117: {  	_ =	swait.ge [sflag:s11], $0x1000  }
0x118: {  	[sflag:s11] =	ssyncset.done $0x0  }
0x119: {  	[sflag:s11] =	ssyncadd.s32 $0xFFFFF000  }
0x11a: {  	_ =	swait.ge [sflag:s11], $0x2000  }
0x11b: {  	[sflag:s11] =	ssyncset.done $0x0  }
0x11c: {  	[sflag:s11] =	ssyncadd.s32 $0xFFFFE000  }
0x11d: {  	_ =	swait.ge [sflag:s11], $0x1000  }
0x11e: {  	[sflag:s11] =	ssyncset.done $0x0  }
0x11f: {  	[sflag:s11] =	ssyncadd.s32 $0xFFFFF000  }
0x120: {  	_ =	swait.ge [sflag:s11], $0x1000  }
0x121: {  	[sflag:s11] =	ssyncset.done $0x0  }
0x122: {  	[sflag:s11] =	ssyncadd.s32 $0xFFFFF000  }
0x123: {  	_ =	swait.ge [sflag:s11], $0x2000  }
0x124: {  	[sflag:s11] =	ssyncset.done $0x0  }
0x125: {  	[sflag:s11] =	ssyncadd.s32 $0xFFFFE000  }
0x126: {  	_ =	swait.ge [sflag:s11], $0x1000  }
0x127: {  	[sflag:s11] =	ssyncset.done $0x0  }
0x128: {  	[sflag:s11] =	ssyncadd.s32 $0xFFFFF000  }
0x129: {  	_ =	swait.ge [sflag:s11], $0x1000  }
0x12a: {  	[sflag:s11] =	ssyncset.done $0x0  }
0x12b: {  	[sflag:s11] =	ssyncadd.s32 $0xFFFFF000  }
0x12c: {  	_ =	swait.ge [sflag:s11], $0x2000  }
0x12d: {  	[sflag:s11] =	ssyncset.done $0x0  }
0x12e: {  	[sflag:s11] =	ssyncadd.s32 $0xFFFFE000  }
0x12f: {  	_ =	swait.ge [sflag:s11], $0x1000  }
0x130: {  	[sflag:s11] =	ssyncset.done $0x0  }
0x131: {  	[sflag:s11] =	ssyncadd.s32 $0xFFFFF000  }
0x132: {  	_ =	swait.ge [sflag:s11], $0x1000  }
0x133: {  	[sflag:s11] =	ssyncset.done $0x0  }
0x134: {  	[sflag:s11] =	ssyncadd.s32 $0xFFFFF000  }
0x135: {  	_ =	swait.ge [sflag:s11], $0x2000  }
0x136: {  	[sflag:s11] =	ssyncset.done $0x0  }
0x137: {  	[sflag:s11] =	ssyncadd.s32 $0xFFFFE000  }
0x138: {  	_ =	swait.ge [sflag:s11], $0x1000  }
0x139: {  	[sflag:s11] =	ssyncset.done $0x0  }
0x13a: {  	[sflag:s11] =	ssyncadd.s32 $0xFFFFF000  }
0x13b: {  	_ =	swait.ge [sflag:s11], $0x1000  }
0x13c: {  	[sflag:s11] =	ssyncset.done $0x0  }
0x13d: {  	s28 =	rddreg [dreg:$0x5];
	[sflag:s11] =	ssyncadd.s32 $0xFFFFF000  }
0x13e: {  	[hbm4b:s28+s18] =	stream.strided.scatter [tilespmem:s6], [sflag:$0x2], $0xA000, s3, s18, $0x38;
	[tilespmem:$0x14780] =	vst v63  }
0x13f: {  	_ =	swait.ge [sflag:s2], $0xA000  }
0x140: {  	[sflag:s2] =	ssyncset.done $0x0  }
0x141: {  	s29 =	rddreg [dreg:$0x6];
	[sflag:s2] =	ssyncadd.s32 $0xFFFF6000  }
0x142: {  	[hbm4b:s29+s9] =	stream.strided.scatter [tilespmem:s5], [sflag:$0x2], $0x5000, s3, s9, $0x38;
	[tilespmem:$0x14780] =	vst v63  }
0x143: {  	_ =	swait.ge [sflag:s2], $0x5000  }
0x144: {  	[sflag:s2] =	ssyncset.done $0x0  }
0x145: {  	s30 =	rddreg [dreg:$0x7];
	[sflag:s2] =	ssyncadd.s32 $0xFFFFB000  }
0x146: {  	[hbm4b:s30+s9] =	stream.strided.scatter [tilespmem:s4], [sflag:$0x2], $0x5000, s3, s9, $0x38;
	[tilespmem:$0x14780] =	vst v63  }
0x147: {  	_ =	swait.ge [sflag:s2], $0x5000  }
0x148: {  	[sflag:s2] =	ssyncset.done $0x0  }
0x149: {  	[sflag:s2] =	ssyncadd.s32 $0xFFFFB000  }
0x14a: {  	_ =	sfence.sel $0x180000  }
0x14b: {  	s31 =	stileid.u32;
	[bflag:$0x0] =	sbarrier.arrive $0xFFFF  }
0x14c: {  	p0 =	sne.s32 s31, $0x0;
	_ =	strace $0x9000004A  }
0x14d: {  	s0 =	sadd.s32 @!p0 $0x100000, s17;
	[bflag:$0x2] =	sbarrier.arrive $0xFFFF  }
0x14e: {  	[sflag:s0] =	ssyncadd.tile.s32 @!p0 $0x1;
	_ =	shalt  }
.LBB2_1:
.Ltmp3:
0x14f: {  	(pc) =	sbr.rel .LBB2_6-.Ltmp3, $4  }
0x150: {  	s31 =	simm.s32 $0xE780;
	s30 =	simm.s32 $0x480;
	s29 =	simm.s32 $0x8780  }
0x151: {  	s28 =	simm.s32 $0x200;
	s26 =	simm.s32 $0x12780;
	s25 =	simm.s32 $0x680  }
0x152: {  	s24 =	simm.s32 $0xD780;
	s23 =	simm.s32 $0x400;
	s22 =	simm.s32 $0x6780  }
0x153: {  	s21 =	simm.s32 $0x180;
	s20 =	simm.s32 $0x11780;
	s16 =	simm.s32 $0xC780  }
.LBB2_3:
.Ltmp4:
0x154: {  	s31 =	simm.s32 $0xE780;
	(pc) =	sbr.rel .LBB2_6-.Ltmp4, $4  }
0x155: {  	s30 =	simm.s32 $0x480;
	s29 =	simm.s32 $0x8780;
	s28 =	simm.s32 $0x200  }
0x156: {  	s26 =	simm.s32 $0x12780;
	s25 =	simm.s32 $0x680;
	s24 =	simm.s32 $0xD780  }
0x157: {  	s23 =	simm.s32 $0x400;
	s22 =	simm.s32 $0x6780;
	s21 =	simm.s32 $0x180  }
0x158: {  	s20 =	simm.s32 $0x11780;
	s16 =	simm.s32 $0xC780;
	s17 =	rddreg [dreg:$0x1]  }
.Lfunc_end2:
_tile_overlayer_lowered:
.L_overlay_start_2:
0x159: {  	(tag) =	ssettag $0x2  }
0x15a: {  	s0 =	rddreg [dreg:$0x0];
	s2 =	stileid.u32  }
0x15b: {  	s1 =	rddreg [dreg:$0x1];
	p0 =	sne.s32 s2, $0x0  }
0x15c: {  	s3 =	rddreg [dreg:$0x2];
	[bflag:$0x3] =	sbarrier.arrive $0xFFFF;
	s2 =	simm.s32 @!p0 $0x1C02  }
0x15d: {  	[timem:s3], [sflag:s2] =	dma.local @!p0 [hbm:s0], s1  }
0x15e: {  	s0 =	simm.s32 @!p0 $0x2  }
0x15f: {  	_ =	swait.ge @!p0 [sflag:s0], s1  }
0x160: {  	s1 =	ssub.s32 @!p0 $0x0, s1;
	[sflag:s0] =	ssyncset.done @!p0 $0x0  }
0x161: {  	[sflag:s0] =	ssyncadd.s32 @!p0 s1  }
0x162: {  	[bflag:$0x3] =	sbarrier.arrive $0xFFFF  }
0x163: {  	_ =	shalt  }

// kernel: kernel.18.cloned.1.call-start
scs
__scs_entry_jumppad:
0x0: {  	(pc) =	sbr.rel $0x88, $3  }
0x1: {  	(tag) =	ssettag $0x0;
	lr =	simm.s32 $0x1  }
0x2: {  	[smem:$0x3F95] =	sst lr;
	_ =	strace $0xD0000000  }
0x3: {  	_ = 	snop  }
0x4: {  	_ = 	snop  }
0x5: {  	_ = 	snop  }
0x6: {  	_ = 	snop  }
0x7: {  	_ = 	snop  }
__scs_overlays_trampoline_lowered:
0x8: {  	[smem:$0x3FA4] =	sst s0  }
0x9: {  	[smem:$0x3FA5] =	sst s1  }
0xa: {  	[smem:$0x3FA6] =	sst s2  }
0xb: {  	[smem:$0x3FA7] =	sst s3  }
0xc: {  	[smem:$0x3FA8] =	sst s4  }
0xd: {  	[smem:$0x3FA9] =	sst s5  }
0xe: {  	[smem:$0x3FAA] =	sst s6  }
0xf: {  	[smem:$0x3FAB] =	sst s7  }
0x10: {  	[smem:$0x3FAC] =	sst s8  }
0x11: {  	[smem:$0x3FAD] =	sst s9;
	s0 =	simm.s32 @!p0 $0x0  }
0x12: {  	s1 =	sld [smem:$0x3F93];
	s0 =	simm.s32 @p0 $0x1  }
0x13: {  	[smem:$0x3FAE] =	sst s0;
	s0 =	simm.s32 @!p1 $0x0  }
0x14: {  	s2 =	sld [smem:$0x3F92];
	s0 =	simm.s32 @p1 $0x1  }
0x15: {  	[smem:$0x3FAF] =	sst s0;
	s0 =	simm.s32 @!p2 $0x0  }
0x16: {  	s3 =	sld [smem:$0x3FDB];
	s0 =	simm.s32 @p2 $0x1  }
0x17: {  	s4 =	simm.s32 $0x1BF5;
	[smem:$0x3FB1] =	sst s0  }
0x18: {  	s0 =	sld [smem:$0x3F94];
	_ =	swait.ge [sflag:s4], $0x0  }
0x19: {  	s7 =	sld [smem:$0x3F95]  }
0x1a: {  	s8 =	sadd.s32 $0xFFFFE003, lr  }
0x1b: {  	s9 =	sadd.s32 $0xFFFFFEF7, lr;
	s5 =	simm.s32 $0xFFFFFFFF;
	p2 =	slt.u32 s8, $0xFFFFF086  }
0x1c: {  	p1 =	slt.u32 s9, $0xF7A;
	s5 =	simm.s32 @!p2 $0x0  }
0x1d: {  	s5 =	simm.s32 @p1 $0x1;
	p0 =	seq.s32 s7, s2  }
0x1e: {  	s7 =	smul.u32 @!p0 $0xF7A, s2;
	p2 =	seq.s32 @!p0 s5, $0x0  }
0x1f: {  	s9 =	smul.u32 $0xF7A, s1;
	s8 =	simm.s32 @!p0 $0x1BF5;
	p2 =	por !p2, p0  }
0x20: {  	[sflag:s8] =	ssyncset.s32 @!p0 $0xFFFFF086;
	s6 =	sadd.s32 @!p0 s3, s7;
	s7 =	simm.s32 @!p0 $0x108  }
0x21: {  	s3 =	sadd.s32 s3, s9;
	s6 =	sadd.s32 @!p0 $0x88, s6;
	s7 =	simm.s32 @p2 $0x1082  }
0x22: {  	[simem:s7], [sflag:s8] =	dma.local @!p0 [hbm:s6], $0xF7A  }
0x23: {  	s9 =	sor.u32 $0xD0000000, s2;
	s6 =	simm.s32 $0x108;
	_ =	swait.ge @!p0 [sflag:s8], $0x0  }
0x24: {  	s3 =	sadd.s32 $0x88, s3;
	s6 =	simm.s32 @!p1 $0x1082;
	[sflag:s4] =	ssyncset.s32 $0xFFFFF086  }
0x25: {  	[simem:s6], [sflag:s4] =	dma.local [hbm:s3], $0xF7A  }
0x26: {  	[smem:$0x3F95] =	sst s1;
	(tag) =	ssettag s2;
	_ =	strace s9  }
0x27: {  	s1 =	sld [smem:$0x3FA5]  }
0x28: {  	s2 =	sld [smem:$0x3FA6]  }
0x29: {  	s4 =	sld [smem:$0x3FA8]  }
0x2a: {  	p0 =	seq.s32 s5, $0x0;
	s5 =	sld [smem:$0x3FA9]  }
0x2b: {  	s6 =	sld [smem:$0x3FAA]  }
0x2c: {  	s7 =	sld [smem:$0x3FAB]  }
0x2d: {  	s3 =	simm.s32 $0x108;
	s8 =	sld [smem:$0x3FAC]  }
0x2e: {  	s3 =	simm.s32 @!p0 $0x1082;
	s9 =	sld [smem:$0x3FAD]  }
0x2f: {  	lr =	sadd.s32 s0, s3;
	s0 =	sld [smem:$0x3FA4]  }
0x30: {  	s3 =	sld [smem:$0x3FA7]  }
0x31: {  	[smem:$0x3FB0] =	sst s10  }
0x32: {  	s10 =	sld [smem:$0x3FAE];
	_ =	sdelay $0x3  }
0x33: {  	p0 =	seq.s32 s10, $0x1;
	s10 =	sld [smem:$0x3FB0];
	_ =	sdelay $0x3  }
0x34: {  	[smem:$0x3FB0] =	sst s10  }
0x35: {  	s10 =	sld [smem:$0x3FAF];
	_ =	sdelay $0x3  }
0x36: {  	p1 =	seq.s32 s10, $0x1;
	s10 =	sld [smem:$0x3FB0];
	_ =	sdelay $0x3  }
0x37: {  	[smem:$0x3FB0] =	sst s10  }
0x38: {  	s10 =	sld [smem:$0x3FB1]  }
0x39: {  	_ = 	snop;
	(pc) =	sbr.ind lr, $3  }
0x3a: {  	_ = 	snop  }
0x3b: {  	_ = 	snop  }
0x3c: {  	p2 =	seq.s32 s10, $0x1;
	s10 =	sld [smem:$0x3FB0]  }
0x3d: {  	_ =	shalt  }
0x3e: {  	_ =	shalt  }
0x3f: {  	_ =	shalt  }
0x40: {  	_ =	shalt  }
0x41: {  	_ =	shalt  }
0x42: {  	_ =	shalt  }
0x43: {  	_ =	shalt  }
0x44: {  	_ =	shalt  }
0x45: {  	_ =	shalt  }
0x46: {  	_ =	shalt  }
0x47: {  	_ =	shalt  }
0x48: {  	_ =	shalt  }
0x49: {  	_ =	shalt  }
0x4a: {  	_ =	shalt  }
0x4b: {  	_ =	shalt  }
0x4c: {  	_ =	shalt  }
0x4d: {  	_ =	shalt  }
0x4e: {  	_ =	shalt  }
0x4f: {  	_ =	shalt  }
0x50: {  	_ =	shalt  }
0x51: {  	_ =	shalt  }
0x52: {  	_ =	shalt  }
0x53: {  	_ =	shalt  }
0x54: {  	_ =	shalt  }
0x55: {  	_ =	shalt  }
0x56: {  	_ =	shalt  }
0x57: {  	_ =	shalt  }
0x58: {  	_ =	shalt  }
0x59: {  	_ =	shalt  }
0x5a: {  	_ =	shalt  }
0x5b: {  	_ =	shalt  }
0x5c: {  	_ =	shalt  }
0x5d: {  	_ =	shalt  }
0x5e: {  	_ =	shalt  }
0x5f: {  	_ =	shalt  }
0x60: {  	_ =	shalt  }
0x61: {  	_ =	shalt  }
0x62: {  	_ =	shalt  }
0x63: {  	_ =	shalt  }
0x64: {  	_ =	shalt  }
0x65: {  	_ =	shalt  }
0x66: {  	_ =	shalt  }
0x67: {  	_ =	shalt  }
0x68: {  	_ =	shalt  }
0x69: {  	_ =	shalt  }
0x6a: {  	_ =	shalt  }
0x6b: {  	_ =	shalt  }
0x6c: {  	_ =	shalt  }
0x6d: {  	_ =	shalt  }
0x6e: {  	_ =	shalt  }
0x6f: {  	_ =	shalt  }
0x70: {  	_ =	shalt  }
0x71: {  	_ =	shalt  }
0x72: {  	_ =	shalt  }
0x73: {  	_ =	shalt  }
0x74: {  	_ =	shalt  }
0x75: {  	_ =	shalt  }
0x76: {  	_ =	shalt  }
0x77: {  	_ =	shalt  }
0x78: {  	_ =	shalt  }
0x79: {  	_ =	shalt  }
0x7a: {  	_ =	shalt  }
0x7b: {  	_ =	shalt  }
0x7c: {  	_ =	shalt  }
0x7d: {  	_ =	shalt  }
0x7e: {  	_ =	shalt  }
0x7f: {  	_ =	shalt  }
0x80: {  	_ =	shalt  }
0x81: {  	_ =	shalt  }
0x82: {  	_ =	shalt  }
0x83: {  	_ =	shalt  }
0x84: {  	_ =	shalt  }
0x85: {  	_ =	shalt  }
0x86: {  	_ =	shalt  }
0x87: {  	_ =	shalt  }
.Lfunc_end0:
.L_simem_size_0:
called_computation.2_lowered:
.L_overlay_start_0:
0x88: {  	s2 =	sld [smem:$0x3FD9]  }
0x89: {  	s3 =	sld [smem:$0x3FFE];
	_ =	sdelay $0x1  }
0x8a: {  	s1 =	srdreg.scid  }
0x8b: {  	s0 =	sand.u32 $0x1, s1  }
0x8c: {  	s17 =	sshll.u32 s0, $0xA;
	s2 =	sadd.s32 s3, s2  }
0x8d: {  	s2 =	sadd.s32 s2, s17  }
0x8e: {  	[smem:$0x3FBC] =	sst s2  }
0x8f: {  	_ = 	snop  }
0x90: {  	(tm) =	ssettm $0x1  }
0x91: {  	s18 =	sld [smem:$0x3FFB];
	_ =	sdelay $0x3  }
0x92: {  	_ =	strace s18  }
0x93: {  	s2 =	sld [smem:$0x3FFC];
	_ =	sdelay $0x3  }
0x94: {  	_ =	strace s2  }
0x95: {  	s2 =	sld [smem:$0x3FFD];
	_ =	sdelay $0x3  }
0x96: {  	_ =	strace s2  }
0x97: {  	_ =	strace $0x8FFFFFFF  }
0x98: {  	s19 =	sld [smem:$0x3FDB];
	_ =	sdelay $0x1  }
0x99: {  	s20 =	simm.s32 $_scs_section_size  }
0x9a: {  	s4 =	simm.s32 $_size__tile_overlayer_lowered;
	s5 =	simm.s32 $_tile_overlayer_lowered  }
0x9b: {  	s6 =	simm.s32 $0x1BFF;
	s21 =	sshll.u32 s5, $0x1;
	s3 =	sadd.s32 s20, s19  }
0x9c: {  	s22 =	simm.s32 $0x0;
	s4 =	sshll.u32 s4, $0x1;
	s5 =	sadd.s32 s21, s3  }
0x9d: {  	[timem:s22], [sflag:s6] =	dma.local [hbm:s5], s4  }
0x9e: {  	_ =	swait.ge [sflag:s6], s4  }
0x9f: {  	s4 =	ssub.s32 $0x0, s4;
	[sflag:s6] =	ssyncset.done $0x0  }
0xa0: {  	[sflag:s6] =	ssyncadd.s32 s4;
	_ =	sdelay $0x1  }
0xa1: {  	s23 =	simm.s32 $0x1B8B  }
0xa2: {  	_ =	swait.ge [sflag:s23], $0x1  }
0xa3: {  	[sflag:s23] =	ssyncset.done $0x0  }
0xa4: {  	[sflag:s23] =	ssyncadd.s32 $0xFFFFFFFF  }
0xa5: {  	s4 =	sld [smem:$0x0]  }
0xa6: {  	s5 =	sand.u32 $0xFFFFFFFE, s1  }
0xa7: {  	p0 =	sne.s32 s1, s5  }
0xa8: {  	s5 =	sshll.u32 @p0 s5, $0xE  }
0xa9: {  	s5 =	sadd.s32 @p0 $0x11B8D, s5;
	s6 =	sshll.u32 @p0 s4, $0x11  }
0xaa: {  	s5 =	sor.u32 @p0 s6, s5  }
0xab: {  	[sflag:s5] =	ssyncadd.remote.s32 @p0 $0x1;
	_ =	sdelay $0x1  }
0xac: {  	s5 =	simm.s32 @p0 $0x1B8D  }
0xad: {  	_ =	swait.eq @p0 [sflag:s5], $0x1  }
0xae: {  	[sflag:s5] =	ssyncadd.s32 @p0 $0xFFFFFFFF  }
0xaf: {  	s6 =	sshll.u32 @!p0 s1, $0xE  }
0xb0: {  	s6 =	sor.u32 @!p0 $0x4000, s6;
	s5 =	simm.s32 @!p0 $0x1B8D  }
0xb1: {  	s4 =	sshll.u32 @!p0 s4, $0x11;
	s6 =	sadd.s32 @!p0 $0x11B8D, s6;
	_ =	swait.eq @!p0 [sflag:s5], $0x1  }
0xb2: {  	s4 =	sor.u32 @!p0 s4, s6;
	[sflag:s5] =	ssyncadd.s32 @!p0 $0xFFFFFFFF  }
0xb3: {  	s25 =	simm.s32 $0x1B8E;
	s24 =	sld [smem:$0x3FFE];
	[sflag:s4] =	ssyncadd.remote.s32 @!p0 $0x1  }
0xb4: {  	s26 =	simm.s32 $execute0_lowered;
	[smem:$0x3FD2] =	sst s25  }
0xb5: {  	s5 =	sshll.u32 s26, $0x1;
	_ =	strace $0x8000004C;
	[dreg:$0x1] =	wrdreg $0xFFFFFFFF  }
0xb6: {  	s28 =	simm.s32 $_size_execute0_lowered;
	s3 =	sadd.s32 s3, s5;
	[dreg:$0x0] =	wrdreg $0x0  }
0xb7: {  	s5 =	sshll.u32 s28, $0x1;
	[dreg:$0x2] =	wrdreg s3  }
0xb8: {  	[dreg:$0x3] =	wrdreg s5  }
0xb9: {  	[dreg:$0x4] =	wrdreg $0xC0  }
0xba: {  	_ =	task [dreg:s22], $0x5FFFF  }
0xbb: {  	[dreg:$0x1] =	wrdreg $0xFFFFFFFF  }
0xbc: {  	[dreg:$0x0] =	wrdreg $0x60  }
0xbd: {  	[dreg:$0x2] =	wrdreg s24  }
0xbe: {  	[dreg:$0x3] =	wrdreg $0xB  }
0xbf: {  	_ =	task.clear_ibuf [dreg:s22], $0x4FFFF;
	_ =	strace $0x9000004C  }
0xc0: {  	s29 =	simm.s32 $0xB;
	_ =	strace $0x8000004E  }
0xc1: {  	_ =	swait.ge [sflag:s29], $0x1  }
0xc2: {  	[sflag:s29] =	ssyncadd.s32 $0xFFFFFFFF  }
0xc3: {  	_ =	strace $0x9000004E  }
0xc4: {  	_ =	sfence  }
0xc5: {  	s30 =	sld [smem:$0x0];
	_ =	sdelay $0x2  }
0xc6: {  	s31 =	sshll.u32 s1, $0xD;
	s1 =	sshrl.u32 s1, $0x2  }
0xc7: {  	s4 =	sand.u32 $0x4000, s31;
	s1 =	sadd.s32 s1, s30  }
0xc8: {  	s0 =	sor.u32 s4, s0;
	s1 =	sshll.u32 s1, $0x11  }
0xc9: {  	s0 =	sor.u32 s1, s0  }
0xca: {  	s0 =	sadd.s32 $0x8F2B, s0  }
0xcb: {  	[sflag:s0] =	ssyncadd.remote.s32 $0x1  }
0xcc: {  	_ =	sfence.sel $0xFFFF  }
0xcd: {  	[dreg:$0x0] =	wrdreg $0xFFFFFFFF;
	(pc) =	sbr.abs _section_cstart, $3  }
0xce: {  	[dreg:$0x1] =	wrdreg $0xFFFFFFFF  }
0xcf: {  	_ =	task.clear_ibuf [dreg:s22], $0x2FFFF;
	_ =	strace $0x9FFFFFFF  }
0xd0: {  	(tm) =	ssettm $0x7FFFFFFF  }
0xd1: {  	_ =	shalt  }
tec
execute0_lowered:
.L_overlay_start_1:
0x0: {  	(tag) =	ssettag $0x1  }
0x1: {  	s0 =	srdreg.scid;
	s2 =	rddreg [dreg:$0x0]  }
0x2: {  	s1 =	stileid.u32;
	s17 =	rddreg [dreg:$0x1];
	s13 =	simm.s32 $0x0  }
0x3: {  	s23 =	simm.s32 $0x2780;
	s24 =	simm.s32 $0x300;
	s25 =	simm.s32 $0xB780  }
0x4: {  	s14 =	simm.s32 $0x280;
	s26 =	simm.s32 $0x580;
	s15 =	simm.s32 $0x500  }
0x5: {  	s28 =	simm.s32 $0x10780;
	s29 =	simm.s32 $0x100;
	s6 =	simm.s32 $0x780  }
0x6: {  	s30 =	simm.s32 $0x4780;
	s5 =	simm.s32 $0xA780;
	[smem:$0x7FF] =	sst s13  }
0x7: {  	s31 =	simm.s32 $0x380;
	_ =	strace $0x8000004D;
	[dreg:$0x8] =	wrdreg s23  }
0x8: {  	p0 =	por $0x0, $0x0;
	s11 =	simm.s32 $0x1;
	[dreg:$0x9] =	wrdreg s24  }
0x9: {  	s18 =	simm.s32 $0x40;
	s9 =	simm.s32 $0x20;
	[dreg:$0xa] =	wrdreg s25  }
0xa: {  	s0 =	sand.u32 $0x1, s0;
	s1 =	sshll.u32 s1, $0x1;
	[dreg:$0xb] =	wrdreg s26  }
0xb: {  	s7 =	sadd.s32 $0x3800, s2;
	s1 =	sor.u32 s0, s1;
	[dreg:$0xc] =	wrdreg s28  }
0xc: {  	s8 =	sadd.s32 $0xCBE00, s2;
	[dreg:$0xd] =	wrdreg s29;
	s3 =	smul.u32 $0x50, s1  }
0xd: {  	s0 =	ssub.s32 $0x2, s0;
	[dreg:$0xe] =	wrdreg s30;
	s1 =	smul.u32 $0x2800, s1  }
0xe: {  	[dreg:$0xf] =	wrdreg s31;
	s22 =	sshrl.u32 s0, $0x1;
	s3 =	sadd.s32 s3, s2  }
0xf: {  	s0 =	ssub.s32 s0, s22;
	s1 =	sadd.s32 s1, s2;
	s4 =	sadd.s32 $0xD4600, s3  }
0x10: {  	s0 =	smax.u32 s0, $0x1;
	s19 =	sadd.s32 $0xD1400, s3;
	[dreg:$0x2] =	wrdreg s4  }
0x11: {  	s3 =	sadd.s32 $0xCE200, s3;
	p1 =	sne.s32 s0, $0x1;
	[dreg:$0x3] =	wrdreg s19  }
.Ltmp0:
0x12: {  	s20 =	sadd.s32 $0x176400, s1;
	[dreg:$0x4] =	wrdreg s3;
	(pc) =	sbr.rel @!p1 .LBB2_1-.Ltmp0, $4  }
0x13: {  	s10 =	sadd.s32 $0xC6E00, s2;
	s21 =	sadd.s32 $0x176408, s1;
	[dreg:$0x5] =	wrdreg s20  }
0x14: {  	s2 =	simm.s32 $0x2;
	s1 =	sadd.s32 $0x17640C, s1;
	[dreg:$0x6] =	wrdreg s21  }
0x15: {  	[dreg:$0x7] =	wrdreg s1;
	s3 =	simm.s32 $0x80;
	s4 =	simm.s32 $0xF780  }
0x16: {  	s19 =	simm.s32 $0x600;
	s1 =	sadd.s32 $0xFFFFFFFF, s0;
	s0 =	rddreg [dreg:$0x2]  }
0x17: {  	[tilespmem:s13], [sflag:$0x2] =	stream.linear.gather [hbm4b:s0+s13], $0x280, $0x38;
	[tilespmem:$0x14780] =	vst v63  }
0x18: {  	_ =	swait.ge [sflag:s2], $0x280  }
0x19: {  	[sflag:s2] =	ssyncset.done $0x0  }
0x1a: {  	s23 =	rddreg [dreg:$0x3];
	[sflag:s2] =	ssyncadd.s32 $0xFFFFFD80  }
0x1b: {  	[tilespmem:s14], [sflag:$0x2] =	stream.linear.gather [hbm4b:s23+s13], $0x280, $0x38;
	[tilespmem:$0x14780] =	vst v63  }
0x1c: {  	_ =	swait.ge [sflag:s2], $0x280  }
0x1d: {  	[sflag:s2] =	ssyncset.done $0x0  }
0x1e: {  	s24 =	rddreg [dreg:$0x4];
	[sflag:s2] =	ssyncadd.s32 $0xFFFFFD80  }
0x1f: {  	[tilespmem:s15], [sflag:$0x2] =	stream.linear.gather [hbm4b:s24+s13], $0x280, $0x38;
	[tilespmem:$0x14780] =	vst v63  }
0x20: {  	_ =	swait.ge [sflag:s2], $0x280;
	[dreg:$0x13] =	wrdreg s1  }
0x21: {  	s25 =	rddreg [dreg:$0xc]  }
0x22: {  	s26 =	rddreg [dreg:$0xa]  }
0x23: {  	s12 =	rddreg [dreg:$0x8]  }
0x24: {  	s16 =	rddreg [dreg:$0x9]  }
0x25: {  	s20 =	rddreg [dreg:$0xe]  }
0x26: {  	[sflag:s2] =	ssyncset.done $0x0;
	s1 =	rddreg [dreg:$0xd]  }
0x27: {  	[sflag:s2] =	ssyncadd.s32 $0xFFFFFD80;
	[dreg:$0x10] =	wrdreg s25  }
0x28: {  	[tilespmem:s6], [sflag:$0x1] =	stream.indirect.gather [hbm4b:s7+s3], $0x40, s13, s3, $0xb8;
	[tilespmem:$0x14780] =	vst v63  }
0x29: {  	[dreg:$0x11] =	wrdreg s26  }
0x2a: {  	[tilespmem:s5], [sflag:$0x1] =	stream.indirect.gather [hbm4b:s8+s3], $0x20, s14, s3, $0xb8;
	[tilespmem:$0x14780] =	vst v63  }
0x2b: {  	[dreg:$0x12] =	wrdreg s20  }
0x2c: {  	[tilespmem:s4], [sflag:$0x1] =	stream.indirect.gather [hbm4b:s10+s3], $0x20, s15, s3, $0xb8;
	[tilespmem:$0x14780] =	vst v63  }
0x2d: {  	s17 =	rddreg [dreg:$0x11]  }
0x2e: {  	[tilespmem:s12], [sflag:$0x1] =	stream.indirect.gather [hbm4b:s7+s3], $0x40, s3, s3, $0xb8;
	[tilespmem:$0x14780] =	vst v63  }
0x2f: {  	s21 =	rddreg [dreg:$0x10]  }
0x30: {  	[tilespmem:s17], [sflag:$0x1] =	stream.indirect.gather [hbm4b:s8+s3], $0x20, s16, s3, $0xb8;
	[tilespmem:$0x14780] =	vst v63  }
0x31: {  	s12 =	rddreg [dreg:$0xb]  }
0x32: {  	[tilespmem:s21], [sflag:$0x1] =	stream.indirect.gather [hbm4b:s10+s3], $0x20, s12, s3, $0xb8;
	[tilespmem:$0x14780] =	vst v63  }
0x33: {  	s12 =	rddreg [dreg:$0x12]  }
0x34: {  	[tilespmem:s12], [sflag:$0x1] =	stream.indirect.gather [hbm4b:s7+s3], $0x40, s1, s3, $0xb8;
	[tilespmem:$0x14780] =	vst v63  }
0x35: {  	s0 =	rddreg [dreg:$0xf];
	s16 =	simm.s32 $0xC780  }
0x36: {  	[tilespmem:s16], [sflag:$0x1] =	stream.indirect.gather [hbm4b:s8+s3], $0x20, s0, s3, $0xb8;
	[tilespmem:$0x14780] =	vst v63  }
0x37: {  	s20 =	simm.s32 $0x11780  }
0x38: {  	[tilespmem:s20], [sflag:$0x1] =	stream.indirect.gather [hbm4b:s10+s3], $0x20, s19, s3, $0xb8;
	[tilespmem:$0x14780] =	vst v63  }
0x39: {  	s22 =	simm.s32 $0x6780;
	s21 =	simm.s32 $0x180  }
0x3a: {  	[tilespmem:s22], [sflag:$0x1] =	stream.indirect.gather [hbm4b:s7+s3], $0x40, s21, s3, $0xb8;
	[tilespmem:$0x14780] =	vst v63  }
0x3b: {  	s23 =	simm.s32 $0x400;
	s24 =	simm.s32 $0xD780  }
0x3c: {  	[tilespmem:s24], [sflag:$0x1] =	stream.indirect.gather [hbm4b:s8+s3], $0x20, s23, s3, $0xb8;
	[tilespmem:$0x14780] =	vst v63  }
0x3d: {  	s25 =	simm.s32 $0x680;
	s26 =	simm.s32 $0x12780  }
0x3e: {  	[tilespmem:s26], [sflag:$0x1] =	stream.indirect.gather [hbm4b:s10+s3], $0x20, s25, s3, $0xb8;
	[tilespmem:$0x14780] =	vst v63  }
0x3f: {  	s28 =	simm.s32 $0x200;
	s29 =	simm.s32 $0x8780  }
0x40: {  	[tilespmem:s29], [sflag:$0x1] =	stream.indirect.gather [hbm4b:s7+s3], $0x40, s28, s3, $0xb8;
	[tilespmem:$0x14780] =	vst v63  }
0x41: {  	s30 =	simm.s32 $0x480;
	s31 =	simm.s32 $0xE780  }
0x42: {  	[tilespmem:s31], [sflag:$0x1] =	stream.indirect.gather [hbm4b:s8+s3], $0x20, s30, s3, $0xb8;
	[tilespmem:$0x14780] =	vst v63  }
0x43: {  	s17 =	simm.s32 $0x700;
	s22 =	simm.s32 $0x13780  }
0x44: {  	[tilespmem:s22], [sflag:$0x1] =	stream.indirect.gather [hbm4b:s10+s3], $0x20, s17, s3, $0xb8;
	[tilespmem:$0x14780] =	vst v63  }
0x45: {  	_ =	swait.ge [sflag:s11], $0x2000  }
0x46: {  	[sflag:s11] =	ssyncset.done $0x0  }
0x47: {  	[sflag:s11] =	ssyncadd.s32 $0xFFFFE000  }
0x48: {  	_ =	swait.ge [sflag:s11], $0x1000  }
0x49: {  	[sflag:s11] =	ssyncset.done $0x0  }
0x4a: {  	[sflag:s11] =	ssyncadd.s32 $0xFFFFF000  }
0x4b: {  	_ =	swait.ge [sflag:s11], $0x1000  }
0x4c: {  	[sflag:s11] =	ssyncset.done $0x0  }
0x4d: {  	[sflag:s11] =	ssyncadd.s32 $0xFFFFF000  }
0x4e: {  	_ =	swait.ge [sflag:s11], $0x2000  }
0x4f: {  	[sflag:s11] =	ssyncset.done $0x0  }
0x50: {  	[sflag:s11] =	ssyncadd.s32 $0xFFFFE000  }
0x51: {  	_ =	swait.ge [sflag:s11], $0x1000  }
0x52: {  	[sflag:s11] =	ssyncset.done $0x0  }
0x53: {  	[sflag:s11] =	ssyncadd.s32 $0xFFFFF000  }
0x54: {  	_ =	swait.ge [sflag:s11], $0x1000  }
0x55: {  	[sflag:s11] =	ssyncset.done $0x0  }
0x56: {  	[sflag:s11] =	ssyncadd.s32 $0xFFFFF000  }
0x57: {  	_ =	swait.ge [sflag:s11], $0x2000  }
0x58: {  	[sflag:s11] =	ssyncset.done $0x0  }
0x59: {  	[sflag:s11] =	ssyncadd.s32 $0xFFFFE000  }
0x5a: {  	_ =	swait.ge [sflag:s11], $0x1000  }
0x5b: {  	[sflag:s11] =	ssyncset.done $0x0  }
0x5c: {  	[sflag:s11] =	ssyncadd.s32 $0xFFFFF000  }
0x5d: {  	_ =	swait.ge [sflag:s11], $0x1000  }
0x5e: {  	[sflag:s11] =	ssyncset.done $0x0  }
0x5f: {  	[sflag:s11] =	ssyncadd.s32 $0xFFFFF000  }
0x60: {  	_ =	swait.ge [sflag:s11], $0x2000  }
0x61: {  	[sflag:s11] =	ssyncset.done $0x0  }
0x62: {  	[sflag:s11] =	ssyncadd.s32 $0xFFFFE000  }
0x63: {  	_ =	swait.ge [sflag:s11], $0x1000  }
0x64: {  	[sflag:s11] =	ssyncset.done $0x0  }
0x65: {  	[sflag:s11] =	ssyncadd.s32 $0xFFFFF000  }
0x66: {  	_ =	swait.ge [sflag:s11], $0x1000  }
0x67: {  	[sflag:s11] =	ssyncset.done $0x0  }
0x68: {  	[sflag:s11] =	ssyncadd.s32 $0xFFFFF000  }
0x69: {  	_ =	swait.ge [sflag:s11], $0x2000  }
0x6a: {  	[sflag:s11] =	ssyncset.done $0x0  }
0x6b: {  	[sflag:s11] =	ssyncadd.s32 $0xFFFFE000  }
0x6c: {  	_ =	swait.ge [sflag:s11], $0x1000  }
0x6d: {  	[sflag:s11] =	ssyncset.done $0x0  }
0x6e: {  	[sflag:s11] =	ssyncadd.s32 $0xFFFFF000  }
0x6f: {  	_ =	swait.ge [sflag:s11], $0x1000  }
0x70: {  	[sflag:s11] =	ssyncset.done $0x0  }
0x71: {  	s23 =	rddreg [dreg:$0x5];
	[sflag:s11] =	ssyncadd.s32 $0xFFFFF000  }
0x72: {  	[hbm4b:s23+s18] =	stream.strided.scatter [tilespmem:s6], [sflag:$0x2], $0xA000, s3, s18, $0x38;
	[tilespmem:$0x14780] =	vst v63  }
0x73: {  	_ =	swait.ge [sflag:s2], $0xA000  }
0x74: {  	p0 =	por $0x1, $0x1;
	[sflag:s2] =	ssyncset.done $0x0  }
0x75: {  	s20 =	simm.s32 $0x11780;
	s24 =	rddreg [dreg:$0x6];
	[sflag:s2] =	ssyncadd.s32 $0xFFFF6000  }
0x76: {  	[hbm4b:s24+s9] =	stream.strided.scatter [tilespmem:s5], [sflag:$0x2], $0x5000, s3, s9, $0x38;
	[tilespmem:$0x14780] =	vst v63  }
0x77: {  	s21 =	simm.s32 $0x700;
	s29 =	simm.s32 $0x8780;
	_ =	swait.ge [sflag:s2], $0x5000  }
0x78: {  	s28 =	simm.s32 $0x200;
	s31 =	simm.s32 $0xE780;
	s26 =	rddreg [dreg:$0x13]  }
0x79: {  	s30 =	simm.s32 $0x480;
	s22 =	simm.s32 $0x6780;
	p1 =	sne.s32 s26, $0x1  }
.Ltmp1:
0x7a: {  	s23 =	simm.s32 $0x400;
	[sflag:s2] =	ssyncset.done $0x0;
	(pc) =	sbr.rel @!p1 .LBB2_3-.Ltmp1, $4  }
0x7b: {  	s24 =	simm.s32 $0xD780;
	s25 =	rddreg [dreg:$0x7];
	[sflag:s2] =	ssyncadd.s32 $0xFFFFB000  }
0x7c: {  	[hbm4b:s25+s9] =	stream.strided.scatter [tilespmem:s4], [sflag:$0x2], $0x5000, s3, s9, $0x38;
	[tilespmem:$0x14780] =	vst v63  }
0x7d: {  	s1 =	sadd.s32 $0xFFFFFFFF, s26;
	s26 =	simm.s32 $0x12780;
	_ =	swait.ge [sflag:s2], $0x5000  }
0x7e: {  	s25 =	simm.s32 $0x680;
	s0 =	rddreg [dreg:$0x2];
	[sflag:s2] =	ssyncset.done $0x0  }
.LBB2_4:
0x7f: {  	[sflag:s2] =	ssyncadd.s32 $0xFFFFB000  }
0x80: {  	[tilespmem:s13], [sflag:$0x2] =	stream.linear.gather [hbm4b:s0+s13], $0x280, $0x38;
	[tilespmem:$0x14780] =	vst v63  }
0x81: {  	_ =	swait.ge [sflag:s2], $0x280  }
0x82: {  	[sflag:s2] =	ssyncset.done $0x0  }
0x83: {  	s12 =	rddreg [dreg:$0x3];
	[sflag:s2] =	ssyncadd.s32 $0xFFFFFD80  }
0x84: {  	[tilespmem:s14], [sflag:$0x2] =	stream.linear.gather [hbm4b:s12+s13], $0x280, $0x38;
	[tilespmem:$0x14780] =	vst v63  }
0x85: {  	_ =	swait.ge [sflag:s2], $0x280  }
0x86: {  	[sflag:s2] =	ssyncset.done $0x0  }
0x87: {  	s16 =	rddreg [dreg:$0x4];
	[sflag:s2] =	ssyncadd.s32 $0xFFFFFD80  }
0x88: {  	[tilespmem:s15], [sflag:$0x2] =	stream.linear.gather [hbm4b:s16+s13], $0x280, $0x38;
	[tilespmem:$0x14780] =	vst v63  }
0x89: {  	_ =	swait.ge [sflag:s2], $0x280  }
0x8a: {  	[sflag:s2] =	ssyncset.done $0x0  }
0x8b: {  	s0 =	rddreg [dreg:$0xe];
	[sflag:s2] =	ssyncadd.s32 $0xFFFFFD80  }
0x8c: {  	[tilespmem:s6], [sflag:$0x1] =	stream.indirect.gather [hbm4b:s7+s3], $0x40, s13, s3, $0xb8;
	[tilespmem:$0x14780] =	vst v63  }
0x8d: {  	s12 =	rddreg [dreg:$0xc]  }
0x8e: {  	[tilespmem:s5], [sflag:$0x1] =	stream.indirect.gather [hbm4b:s8+s3], $0x20, s14, s3, $0xb8;
	[tilespmem:$0x14780] =	vst v63  }
0x8f: {  	s16 =	rddreg [dreg:$0xa]  }
0x90: {  	[tilespmem:s4], [sflag:$0x1] =	stream.indirect.gather [hbm4b:s10+s3], $0x20, s15, s3, $0xb8;
	[tilespmem:$0x14780] =	vst v63  }
0x91: {  	s17 =	rddreg [dreg:$0x8]  }
0x92: {  	[tilespmem:s17], [sflag:$0x1] =	stream.indirect.gather [hbm4b:s7+s3], $0x40, s3, s3, $0xb8;
	[tilespmem:$0x14780] =	vst v63  }
0x93: {  	s18 =	rddreg [dreg:$0x9]  }
0x94: {  	[tilespmem:s16], [sflag:$0x1] =	stream.indirect.gather [hbm4b:s8+s3], $0x20, s18, s3, $0xb8;
	[tilespmem:$0x14780] =	vst v63  }
0x95: {  	s17 =	rddreg [dreg:$0xb]  }
0x96: {  	[tilespmem:s12], [sflag:$0x1] =	stream.indirect.gather [hbm4b:s10+s3], $0x20, s17, s3, $0xb8;
	[tilespmem:$0x14780] =	vst v63  }
0x97: {  	s16 =	rddreg [dreg:$0xd]  }
0x98: {  	[tilespmem:s0], [sflag:$0x1] =	stream.indirect.gather [hbm4b:s7+s3], $0x40, s16, s3, $0xb8;
	[tilespmem:$0x14780] =	vst v63  }
0x99: {  	s19 =	simm.s32 $0xC780;
	s17 =	rddreg [dreg:$0xf]  }
0x9a: {  	[tilespmem:s19], [sflag:$0x1] =	stream.indirect.gather [hbm4b:s8+s3], $0x20, s17, s3, $0xb8;
	[tilespmem:$0x14780] =	vst v63  }
0x9b: {  	s19 =	simm.s32 $0x600  }
0x9c: {  	[tilespmem:s20], [sflag:$0x1] =	stream.indirect.gather [hbm4b:s10+s3], $0x20, s19, s3, $0xb8;
	[tilespmem:$0x14780] =	vst v63  }
0x9d: {  	s16 =	simm.s32 $0x180  }
0x9e: {  	[tilespmem:s22], [sflag:$0x1] =	stream.indirect.gather [hbm4b:s7+s3], $0x40, s16, s3, $0xb8;
	[tilespmem:$0x14780] =	vst v63  }
0x9f: {  	_ = 	snop  }
0xa0: {  	[tilespmem:s24], [sflag:$0x1] =	stream.indirect.gather [hbm4b:s8+s3], $0x20, s23, s3, $0xb8;
	[tilespmem:$0x14780] =	vst v63  }
0xa1: {  	_ = 	snop  }
0xa2: {  	[tilespmem:s26], [sflag:$0x1] =	stream.indirect.gather [hbm4b:s10+s3], $0x20, s25, s3, $0xb8;
	[tilespmem:$0x14780] =	vst v63  }
0xa3: {  	_ = 	snop  }
0xa4: {  	[tilespmem:s29], [sflag:$0x1] =	stream.indirect.gather [hbm4b:s7+s3], $0x40, s28, s3, $0xb8;
	[tilespmem:$0x14780] =	vst v63  }
0xa5: {  	_ = 	snop  }
0xa6: {  	[tilespmem:s31], [sflag:$0x1] =	stream.indirect.gather [hbm4b:s8+s3], $0x20, s30, s3, $0xb8;
	[tilespmem:$0x14780] =	vst v63  }
0xa7: {  	s17 =	simm.s32 $0x13780  }
0xa8: {  	[tilespmem:s17], [sflag:$0x1] =	stream.indirect.gather [hbm4b:s10+s3], $0x20, s21, s3, $0xb8;
	[tilespmem:$0x14780] =	vst v63  }
0xa9: {  	_ =	swait.ge [sflag:s11], $0x2000  }
0xaa: {  	[sflag:s11] =	ssyncset.done $0x0  }
0xab: {  	[sflag:s11] =	ssyncadd.s32 $0xFFFFE000  }
0xac: {  	_ =	swait.ge [sflag:s11], $0x1000  }
0xad: {  	[sflag:s11] =	ssyncset.done $0x0  }
0xae: {  	[sflag:s11] =	ssyncadd.s32 $0xFFFFF000  }
0xaf: {  	_ =	swait.ge [sflag:s11], $0x1000  }
0xb0: {  	[sflag:s11] =	ssyncset.done $0x0  }
0xb1: {  	[sflag:s11] =	ssyncadd.s32 $0xFFFFF000  }
0xb2: {  	_ =	swait.ge [sflag:s11], $0x2000  }
0xb3: {  	[sflag:s11] =	ssyncset.done $0x0  }
0xb4: {  	[sflag:s11] =	ssyncadd.s32 $0xFFFFE000  }
0xb5: {  	_ =	swait.ge [sflag:s11], $0x1000  }
0xb6: {  	[sflag:s11] =	ssyncset.done $0x0  }
0xb7: {  	[sflag:s11] =	ssyncadd.s32 $0xFFFFF000  }
0xb8: {  	_ =	swait.ge [sflag:s11], $0x1000  }
0xb9: {  	[sflag:s11] =	ssyncset.done $0x0  }
0xba: {  	[sflag:s11] =	ssyncadd.s32 $0xFFFFF000  }
0xbb: {  	_ =	swait.ge [sflag:s11], $0x2000  }
0xbc: {  	[sflag:s11] =	ssyncset.done $0x0  }
0xbd: {  	[sflag:s11] =	ssyncadd.s32 $0xFFFFE000  }
0xbe: {  	_ =	swait.ge [sflag:s11], $0x1000  }
0xbf: {  	[sflag:s11] =	ssyncset.done $0x0  }
0xc0: {  	[sflag:s11] =	ssyncadd.s32 $0xFFFFF000  }
0xc1: {  	_ =	swait.ge [sflag:s11], $0x1000  }
0xc2: {  	[sflag:s11] =	ssyncset.done $0x0  }
0xc3: {  	[sflag:s11] =	ssyncadd.s32 $0xFFFFF000  }
0xc4: {  	_ =	swait.ge [sflag:s11], $0x2000  }
0xc5: {  	[sflag:s11] =	ssyncset.done $0x0  }
0xc6: {  	[sflag:s11] =	ssyncadd.s32 $0xFFFFE000  }
0xc7: {  	_ =	swait.ge [sflag:s11], $0x1000  }
0xc8: {  	[sflag:s11] =	ssyncset.done $0x0  }
0xc9: {  	[sflag:s11] =	ssyncadd.s32 $0xFFFFF000  }
0xca: {  	_ =	swait.ge [sflag:s11], $0x1000  }
0xcb: {  	[sflag:s11] =	ssyncset.done $0x0  }
0xcc: {  	[sflag:s11] =	ssyncadd.s32 $0xFFFFF000  }
0xcd: {  	_ =	swait.ge [sflag:s11], $0x2000  }
0xce: {  	[sflag:s11] =	ssyncset.done $0x0  }
0xcf: {  	[sflag:s11] =	ssyncadd.s32 $0xFFFFE000  }
0xd0: {  	_ =	swait.ge [sflag:s11], $0x1000  }
0xd1: {  	[sflag:s11] =	ssyncset.done $0x0  }
0xd2: {  	[sflag:s11] =	ssyncadd.s32 $0xFFFFF000  }
0xd3: {  	_ =	swait.ge [sflag:s11], $0x1000  }
0xd4: {  	[sflag:s11] =	ssyncset.done $0x0  }
0xd5: {  	s18 =	simm.s32 $0x40;
	s12 =	rddreg [dreg:$0x5];
	[sflag:s11] =	ssyncadd.s32 $0xFFFFF000  }
0xd6: {  	[hbm4b:s12+s18] =	stream.strided.scatter [tilespmem:s6], [sflag:$0x2], $0xA000, s3, s18, $0x38;
	[tilespmem:$0x14780] =	vst v63  }
0xd7: {  	_ =	swait.ge [sflag:s2], $0xA000  }
0xd8: {  	[sflag:s2] =	ssyncset.done $0x0  }
0xd9: {  	s16 =	rddreg [dreg:$0x6];
	[sflag:s2] =	ssyncadd.s32 $0xFFFF6000  }
0xda: {  	[hbm4b:s16+s9] =	stream.strided.scatter [tilespmem:s5], [sflag:$0x2], $0x5000, s3, s9, $0x38;
	[tilespmem:$0x14780] =	vst v63  }
0xdb: {  	p1 =	sne.s32 s1, $0x1;
	_ =	swait.ge [sflag:s2], $0x5000  }
.Ltmp2:
0xdc: {  	[sflag:s2] =	ssyncset.done $0x0;
	(pc) =	sbr.rel @p1 .LBB2_4-.Ltmp2, $4  }
0xdd: {  	s17 =	rddreg [dreg:$0x7];
	[sflag:s2] =	ssyncadd.s32 $0xFFFFB000  }
0xde: {  	[hbm4b:s17+s9] =	stream.strided.scatter [tilespmem:s4], [sflag:$0x2], $0x5000, s3, s9, $0x38;
	[tilespmem:$0x14780] =	vst v63  }
0xdf: {  	_ =	swait.ge [sflag:s2], $0x5000  }
0xe0: {  	s1 =	sadd.s32 $0xFFFFFFFF, s1;
	s0 =	rddreg [dreg:$0x2];
	[sflag:s2] =	ssyncset.done $0x0  }
0xe1: {  	s31 =	simm.s32 $0xE780  }
0xe2: {  	s30 =	simm.s32 $0x480;
	s29 =	simm.s32 $0x8780;
	s28 =	simm.s32 $0x200  }
0xe3: {  	s26 =	simm.s32 $0x12780;
	s25 =	simm.s32 $0x680;
	s24 =	simm.s32 $0xD780  }
0xe4: {  	s23 =	simm.s32 $0x400;
	s22 =	simm.s32 $0x6780;
	s21 =	simm.s32 $0x180  }
0xe5: {  	s20 =	simm.s32 $0x11780;
	s16 =	simm.s32 $0xC780;
	s17 =	rddreg [dreg:$0x1]  }
.LBB2_6:
0xe6: {  	[sflag:s2] =	ssyncadd.s32 @p0 $0xFFFFB000  }
0xe7: {  	[tilespmem:s13], [sflag:$0x2] =	stream.linear.gather [hbm4b:s0+s13], $0x280, $0x38;
	[tilespmem:$0x14780] =	vst v63  }
0xe8: {  	_ =	swait.ge [sflag:s2], $0x280  }
0xe9: {  	[sflag:s2] =	ssyncset.done $0x0  }
0xea: {  	s1 =	rddreg [dreg:$0x3];
	[sflag:s2] =	ssyncadd.s32 $0xFFFFFD80  }
0xeb: {  	[tilespmem:s14], [sflag:$0x2] =	stream.linear.gather [hbm4b:s1+s13], $0x280, $0x38;
	[tilespmem:$0x14780] =	vst v63  }
0xec: {  	_ =	swait.ge [sflag:s2], $0x280  }
0xed: {  	[sflag:s2] =	ssyncset.done $0x0  }
0xee: {  	s12 =	rddreg [dreg:$0x4];
	[sflag:s2] =	ssyncadd.s32 $0xFFFFFD80  }
0xef: {  	[tilespmem:s15], [sflag:$0x2] =	stream.linear.gather [hbm4b:s12+s13], $0x280, $0x38;
	[tilespmem:$0x14780] =	vst v63  }
0xf0: {  	_ =	swait.ge [sflag:s2], $0x280  }
0xf1: {  	[sflag:s2] =	ssyncset.done $0x0  }
0xf2: {  	[sflag:s2] =	ssyncadd.s32 $0xFFFFFD80  }
0xf3: {  	[tilespmem:s6], [sflag:$0x1] =	stream.indirect.gather [hbm4b:s7+s3], $0x40, s13, s3, $0xb8;
	[tilespmem:$0x14780] =	vst v63  }
0xf4: {  	s1 =	rddreg [dreg:$0xa]  }
0xf5: {  	[tilespmem:s5], [sflag:$0x1] =	stream.indirect.gather [hbm4b:s8+s3], $0x20, s14, s3, $0xb8;
	[tilespmem:$0x14780] =	vst v63  }
0xf6: {  	s12 =	rddreg [dreg:$0x9]  }
0xf7: {  	[tilespmem:s4], [sflag:$0x1] =	stream.indirect.gather [hbm4b:s10+s3], $0x20, s15, s3, $0xb8;
	[tilespmem:$0x14780] =	vst v63  }
0xf8: {  	s15 =	rddreg [dreg:$0x8]  }
0xf9: {  	[tilespmem:s15], [sflag:$0x1] =	stream.indirect.gather [hbm4b:s7+s3], $0x40, s3, s3, $0xb8;
	[tilespmem:$0x14780] =	vst v63  }
0xfa: {  	s13 =	rddreg [dreg:$0xe]  }
0xfb: {  	[tilespmem:s1], [sflag:$0x1] =	stream.indirect.gather [hbm4b:s8+s3], $0x20, s12, s3, $0xb8;
	[tilespmem:$0x14780] =	vst v63  }
0xfc: {  	s1 =	rddreg [dreg:$0xc]  }
0xfd: {  	s12 =	rddreg [dreg:$0xb]  }
0xfe: {  	[tilespmem:s1], [sflag:$0x1] =	stream.indirect.gather [hbm4b:s10+s3], $0x20, s12, s3, $0xb8;
	[tilespmem:$0x14780] =	vst v63  }
0xff: {  	s14 =	rddreg [dreg:$0xd]  }
0x100: {  	[tilespmem:s13], [sflag:$0x1] =	stream.indirect.gather [hbm4b:s7+s3], $0x40, s14, s3, $0xb8;
	[tilespmem:$0x14780] =	vst v63  }
0x101: {  	s15 =	rddreg [dreg:$0xf]  }
0x102: {  	[tilespmem:s16], [sflag:$0x1] =	stream.indirect.gather [hbm4b:s8+s3], $0x20, s15, s3, $0xb8;
	[tilespmem:$0x14780] =	vst v63  }
0x103: {  	_ = 	snop  }
0x104: {  	[tilespmem:s20], [sflag:$0x1] =	stream.indirect.gather [hbm4b:s10+s3], $0x20, s19, s3, $0xb8;
	[tilespmem:$0x14780] =	vst v63  }
0x105: {  	_ = 	snop  }
0x106: {  	[tilespmem:s22], [sflag:$0x1] =	stream.indirect.gather [hbm4b:s7+s3], $0x40, s21, s3, $0xb8;
	[tilespmem:$0x14780] =	vst v63  }
0x107: {  	_ = 	snop  }
0x108: {  	[tilespmem:s24], [sflag:$0x1] =	stream.indirect.gather [hbm4b:s8+s3], $0x20, s23, s3, $0xb8;
	[tilespmem:$0x14780] =	vst v63  }
0x109: {  	_ = 	snop  }
0x10a: {  	[tilespmem:s26], [sflag:$0x1] =	stream.indirect.gather [hbm4b:s10+s3], $0x20, s25, s3, $0xb8;
	[tilespmem:$0x14780] =	vst v63  }
0x10b: {  	_ = 	snop  }
0x10c: {  	[tilespmem:s29], [sflag:$0x1] =	stream.indirect.gather [hbm4b:s7+s3], $0x40, s28, s3, $0xb8;
	[tilespmem:$0x14780] =	vst v63  }
0x10d: {  	_ = 	snop  }
0x10e: {  	[tilespmem:s31], [sflag:$0x1] =	stream.indirect.gather [hbm4b:s8+s3], $0x20, s30, s3, $0xb8;
	[tilespmem:$0x14780] =	vst v63  }
0x10f: {  	s25 =	simm.s32 $0x700;
	s26 =	simm.s32 $0x13780  }
0x110: {  	[tilespmem:s26], [sflag:$0x1] =	stream.indirect.gather [hbm4b:s10+s3], $0x20, s25, s3, $0xb8;
	[tilespmem:$0x14780] =	vst v63  }
0x111: {  	_ =	swait.ge [sflag:s11], $0x2000  }
0x112: {  	[sflag:s11] =	ssyncset.done $0x0  }
0x113: {  	[sflag:s11] =	ssyncadd.s32 $0xFFFFE000  }
0x114: {  	_ =	swait.ge [sflag:s11], $0x1000  }
0x115: {  	[sflag:s11] =	ssyncset.done $0x0  }
0x116: {  	[sflag:s11] =	ssyncadd.s32 $0xFFFFF000  }
0x117: {  	_ =	swait.ge [sflag:s11], $0x1000  }
0x118: {  	[sflag:s11] =	ssyncset.done $0x0  }
0x119: {  	[sflag:s11] =	ssyncadd.s32 $0xFFFFF000  }
0x11a: {  	_ =	swait.ge [sflag:s11], $0x2000  }
0x11b: {  	[sflag:s11] =	ssyncset.done $0x0  }
0x11c: {  	[sflag:s11] =	ssyncadd.s32 $0xFFFFE000  }
0x11d: {  	_ =	swait.ge [sflag:s11], $0x1000  }
0x11e: {  	[sflag:s11] =	ssyncset.done $0x0  }
0x11f: {  	[sflag:s11] =	ssyncadd.s32 $0xFFFFF000  }
0x120: {  	_ =	swait.ge [sflag:s11], $0x1000  }
0x121: {  	[sflag:s11] =	ssyncset.done $0x0  }
0x122: {  	[sflag:s11] =	ssyncadd.s32 $0xFFFFF000  }
0x123: {  	_ =	swait.ge [sflag:s11], $0x2000  }
0x124: {  	[sflag:s11] =	ssyncset.done $0x0  }
0x125: {  	[sflag:s11] =	ssyncadd.s32 $0xFFFFE000  }
0x126: {  	_ =	swait.ge [sflag:s11], $0x1000  }
0x127: {  	[sflag:s11] =	ssyncset.done $0x0  }
0x128: {  	[sflag:s11] =	ssyncadd.s32 $0xFFFFF000  }
0x129: {  	_ =	swait.ge [sflag:s11], $0x1000  }
0x12a: {  	[sflag:s11] =	ssyncset.done $0x0  }
0x12b: {  	[sflag:s11] =	ssyncadd.s32 $0xFFFFF000  }
0x12c: {  	_ =	swait.ge [sflag:s11], $0x2000  }
0x12d: {  	[sflag:s11] =	ssyncset.done $0x0  }
0x12e: {  	[sflag:s11] =	ssyncadd.s32 $0xFFFFE000  }
0x12f: {  	_ =	swait.ge [sflag:s11], $0x1000  }
0x130: {  	[sflag:s11] =	ssyncset.done $0x0  }
0x131: {  	[sflag:s11] =	ssyncadd.s32 $0xFFFFF000  }
0x132: {  	_ =	swait.ge [sflag:s11], $0x1000  }
0x133: {  	[sflag:s11] =	ssyncset.done $0x0  }
0x134: {  	[sflag:s11] =	ssyncadd.s32 $0xFFFFF000  }
0x135: {  	_ =	swait.ge [sflag:s11], $0x2000  }
0x136: {  	[sflag:s11] =	ssyncset.done $0x0  }
0x137: {  	[sflag:s11] =	ssyncadd.s32 $0xFFFFE000  }
0x138: {  	_ =	swait.ge [sflag:s11], $0x1000  }
0x139: {  	[sflag:s11] =	ssyncset.done $0x0  }
0x13a: {  	[sflag:s11] =	ssyncadd.s32 $0xFFFFF000  }
0x13b: {  	_ =	swait.ge [sflag:s11], $0x1000  }
0x13c: {  	[sflag:s11] =	ssyncset.done $0x0  }
0x13d: {  	s28 =	rddreg [dreg:$0x5];
	[sflag:s11] =	ssyncadd.s32 $0xFFFFF000  }
0x13e: {  	[hbm4b:s28+s18] =	stream.strided.scatter [tilespmem:s6], [sflag:$0x2], $0xA000, s3, s18, $0x38;
	[tilespmem:$0x14780] =	vst v63  }
0x13f: {  	_ =	swait.ge [sflag:s2], $0xA000  }
0x140: {  	[sflag:s2] =	ssyncset.done $0x0  }
0x141: {  	s29 =	rddreg [dreg:$0x6];
	[sflag:s2] =	ssyncadd.s32 $0xFFFF6000  }
0x142: {  	[hbm4b:s29+s9] =	stream.strided.scatter [tilespmem:s5], [sflag:$0x2], $0x5000, s3, s9, $0x38;
	[tilespmem:$0x14780] =	vst v63  }
0x143: {  	_ =	swait.ge [sflag:s2], $0x5000  }
0x144: {  	[sflag:s2] =	ssyncset.done $0x0  }
0x145: {  	s30 =	rddreg [dreg:$0x7];
	[sflag:s2] =	ssyncadd.s32 $0xFFFFB000  }
0x146: {  	[hbm4b:s30+s9] =	stream.strided.scatter [tilespmem:s4], [sflag:$0x2], $0x5000, s3, s9, $0x38;
	[tilespmem:$0x14780] =	vst v63  }
0x147: {  	_ =	swait.ge [sflag:s2], $0x5000  }
0x148: {  	[sflag:s2] =	ssyncset.done $0x0  }
0x149: {  	[sflag:s2] =	ssyncadd.s32 $0xFFFFB000  }
0x14a: {  	_ =	sfence.sel $0x180000  }
0x14b: {  	s31 =	stileid.u32;
	[bflag:$0x0] =	sbarrier.arrive $0xFFFF  }
0x14c: {  	p0 =	sne.s32 s31, $0x0;
	_ =	strace $0x9000004D  }
0x14d: {  	s0 =	sadd.s32 @!p0 $0x100000, s17;
	[bflag:$0x2] =	sbarrier.arrive $0xFFFF  }
0x14e: {  	[sflag:s0] =	ssyncadd.tile.s32 @!p0 $0x1;
	_ =	shalt  }
.LBB2_1:
.Ltmp3:
0x14f: {  	(pc) =	sbr.rel .LBB2_6-.Ltmp3, $4  }
0x150: {  	s31 =	simm.s32 $0xE780;
	s30 =	simm.s32 $0x480;
	s29 =	simm.s32 $0x8780  }
0x151: {  	s28 =	simm.s32 $0x200;
	s26 =	simm.s32 $0x12780;
	s25 =	simm.s32 $0x680  }
0x152: {  	s24 =	simm.s32 $0xD780;
	s23 =	simm.s32 $0x400;
	s22 =	simm.s32 $0x6780  }
0x153: {  	s21 =	simm.s32 $0x180;
	s20 =	simm.s32 $0x11780;
	s16 =	simm.s32 $0xC780  }
.LBB2_3:
.Ltmp4:
0x154: {  	s31 =	simm.s32 $0xE780;
	(pc) =	sbr.rel .LBB2_6-.Ltmp4, $4  }
0x155: {  	s30 =	simm.s32 $0x480;
	s29 =	simm.s32 $0x8780;
	s28 =	simm.s32 $0x200  }
0x156: {  	s26 =	simm.s32 $0x12780;
	s25 =	simm.s32 $0x680;
	s24 =	simm.s32 $0xD780  }
0x157: {  	s23 =	simm.s32 $0x400;
	s22 =	simm.s32 $0x6780;
	s21 =	simm.s32 $0x180  }
0x158: {  	s20 =	simm.s32 $0x11780;
	s16 =	simm.s32 $0xC780;
	s17 =	rddreg [dreg:$0x1]  }
.Lfunc_end2:
_tile_overlayer_lowered:
.L_overlay_start_2:
0x159: {  	(tag) =	ssettag $0x2  }
0x15a: {  	s0 =	rddreg [dreg:$0x0];
	s2 =	stileid.u32  }
0x15b: {  	s1 =	rddreg [dreg:$0x1];
	p0 =	sne.s32 s2, $0x0  }
0x15c: {  	s3 =	rddreg [dreg:$0x2];
	[bflag:$0x3] =	sbarrier.arrive $0xFFFF;
	s2 =	simm.s32 @!p0 $0x1C02  }
0x15d: {  	[timem:s3], [sflag:s2] =	dma.local @!p0 [hbm:s0], s1  }
0x15e: {  	s0 =	simm.s32 @!p0 $0x2  }
0x15f: {  	_ =	swait.ge @!p0 [sflag:s0], s1  }
0x160: {  	s1 =	ssub.s32 @!p0 $0x0, s1;
	[sflag:s0] =	ssyncset.done @!p0 $0x0  }
0x161: {  	[sflag:s0] =	ssyncadd.s32 @!p0 s1  }
0x162: {  	[bflag:$0x3] =	sbarrier.arrive $0xFFFF  }
0x163: {  	_ =	shalt  }

// kernel: kernel.21.cloned.1.call-start
scs
__scs_entry_jumppad:
0x0: {  	(pc) =	sbr.rel $0x88, $3  }
0x1: {  	(tag) =	ssettag $0x0;
	lr =	simm.s32 $0x1  }
0x2: {  	[smem:$0x3F95] =	sst lr;
	_ =	strace $0xD0000000  }
0x3: {  	_ = 	snop  }
0x4: {  	_ = 	snop  }
0x5: {  	_ = 	snop  }
0x6: {  	_ = 	snop  }
0x7: {  	_ = 	snop  }
__scs_overlays_trampoline_lowered:
0x8: {  	[smem:$0x3FA4] =	sst s0  }
0x9: {  	[smem:$0x3FA5] =	sst s1  }
0xa: {  	[smem:$0x3FA6] =	sst s2  }
0xb: {  	[smem:$0x3FA7] =	sst s3  }
0xc: {  	[smem:$0x3FA8] =	sst s4  }
0xd: {  	[smem:$0x3FA9] =	sst s5  }
0xe: {  	[smem:$0x3FAA] =	sst s6  }
0xf: {  	[smem:$0x3FAB] =	sst s7  }
0x10: {  	[smem:$0x3FAC] =	sst s8  }
0x11: {  	[smem:$0x3FAD] =	sst s9;
	s0 =	simm.s32 @!p0 $0x0  }
0x12: {  	s1 =	sld [smem:$0x3F93];
	s0 =	simm.s32 @p0 $0x1  }
0x13: {  	[smem:$0x3FAE] =	sst s0;
	s0 =	simm.s32 @!p1 $0x0  }
0x14: {  	s2 =	sld [smem:$0x3F92];
	s0 =	simm.s32 @p1 $0x1  }
0x15: {  	[smem:$0x3FAF] =	sst s0;
	s0 =	simm.s32 @!p2 $0x0  }
0x16: {  	s3 =	sld [smem:$0x3FDB];
	s0 =	simm.s32 @p2 $0x1  }
0x17: {  	s4 =	simm.s32 $0x1BF5;
	[smem:$0x3FB1] =	sst s0  }
0x18: {  	s0 =	sld [smem:$0x3F94];
	_ =	swait.ge [sflag:s4], $0x0  }
0x19: {  	s7 =	sld [smem:$0x3F95]  }
0x1a: {  	s8 =	sadd.s32 $0xFFFFE003, lr  }
0x1b: {  	s9 =	sadd.s32 $0xFFFFFEF7, lr;
	s5 =	simm.s32 $0xFFFFFFFF;
	p2 =	slt.u32 s8, $0xFFFFF086  }
0x1c: {  	p1 =	slt.u32 s9, $0xF7A;
	s5 =	simm.s32 @!p2 $0x0  }
0x1d: {  	s5 =	simm.s32 @p1 $0x1;
	p0 =	seq.s32 s7, s2  }
0x1e: {  	s7 =	smul.u32 @!p0 $0xF7A, s2;
	p2 =	seq.s32 @!p0 s5, $0x0  }
0x1f: {  	s9 =	smul.u32 $0xF7A, s1;
	s8 =	simm.s32 @!p0 $0x1BF5;
	p2 =	por !p2, p0  }
0x20: {  	[sflag:s8] =	ssyncset.s32 @!p0 $0xFFFFF086;
	s6 =	sadd.s32 @!p0 s3, s7;
	s7 =	simm.s32 @!p0 $0x108  }
0x21: {  	s3 =	sadd.s32 s3, s9;
	s6 =	sadd.s32 @!p0 $0x88, s6;
	s7 =	simm.s32 @p2 $0x1082  }
0x22: {  	[simem:s7], [sflag:s8] =	dma.local @!p0 [hbm:s6], $0xF7A  }
0x23: {  	s9 =	sor.u32 $0xD0000000, s2;
	s6 =	simm.s32 $0x108;
	_ =	swait.ge @!p0 [sflag:s8], $0x0  }
0x24: {  	s3 =	sadd.s32 $0x88, s3;
	s6 =	simm.s32 @!p1 $0x1082;
	[sflag:s4] =	ssyncset.s32 $0xFFFFF086  }
0x25: {  	[simem:s6], [sflag:s4] =	dma.local [hbm:s3], $0xF7A  }
0x26: {  	[smem:$0x3F95] =	sst s1;
	(tag) =	ssettag s2;
	_ =	strace s9  }
0x27: {  	s1 =	sld [smem:$0x3FA5]  }
0x28: {  	s2 =	sld [smem:$0x3FA6]  }
0x29: {  	s4 =	sld [smem:$0x3FA8]  }
0x2a: {  	p0 =	seq.s32 s5, $0x0;
	s5 =	sld [smem:$0x3FA9]  }
0x2b: {  	s6 =	sld [smem:$0x3FAA]  }
0x2c: {  	s7 =	sld [smem:$0x3FAB]  }
0x2d: {  	s3 =	simm.s32 $0x108;
	s8 =	sld [smem:$0x3FAC]  }
0x2e: {  	s3 =	simm.s32 @!p0 $0x1082;
	s9 =	sld [smem:$0x3FAD]  }
0x2f: {  	lr =	sadd.s32 s0, s3;
	s0 =	sld [smem:$0x3FA4]  }
0x30: {  	s3 =	sld [smem:$0x3FA7]  }
0x31: {  	[smem:$0x3FB0] =	sst s10  }
0x32: {  	s10 =	sld [smem:$0x3FAE];
	_ =	sdelay $0x3  }
0x33: {  	p0 =	seq.s32 s10, $0x1;
	s10 =	sld [smem:$0x3FB0];
	_ =	sdelay $0x3  }
0x34: {  	[smem:$0x3FB0] =	sst s10  }
0x35: {  	s10 =	sld [smem:$0x3FAF];
	_ =	sdelay $0x3  }
0x36: {  	p1 =	seq.s32 s10, $0x1;
	s10 =	sld [smem:$0x3FB0];
	_ =	sdelay $0x3  }
0x37: {  	[smem:$0x3FB0] =	sst s10  }
0x38: {  	s10 =	sld [smem:$0x3FB1]  }
0x39: {  	_ = 	snop;
	(pc) =	sbr.ind lr, $3  }
0x3a: {  	_ = 	snop  }
0x3b: {  	_ = 	snop  }
0x3c: {  	p2 =	seq.s32 s10, $0x1;
	s10 =	sld [smem:$0x3FB0]  }
0x3d: {  	_ =	shalt  }
0x3e: {  	_ =	shalt  }
0x3f: {  	_ =	shalt  }
0x40: {  	_ =	shalt  }
0x41: {  	_ =	shalt  }
0x42: {  	_ =	shalt  }
0x43: {  	_ =	shalt  }
0x44: {  	_ =	shalt  }
0x45: {  	_ =	shalt  }
0x46: {  	_ =	shalt  }
0x47: {  	_ =	shalt  }
0x48: {  	_ =	shalt  }
0x49: {  	_ =	shalt  }
0x4a: {  	_ =	shalt  }
0x4b: {  	_ =	shalt  }
0x4c: {  	_ =	shalt  }
0x4d: {  	_ =	shalt  }
0x4e: {  	_ =	shalt  }
0x4f: {  	_ =	shalt  }
0x50: {  	_ =	shalt  }
0x51: {  	_ =	shalt  }
0x52: {  	_ =	shalt  }
0x53: {  	_ =	shalt  }
0x54: {  	_ =	shalt  }
0x55: {  	_ =	shalt  }
0x56: {  	_ =	shalt  }
0x57: {  	_ =	shalt  }
0x58: {  	_ =	shalt  }
0x59: {  	_ =	shalt  }
0x5a: {  	_ =	shalt  }
0x5b: {  	_ =	shalt  }
0x5c: {  	_ =	shalt  }
0x5d: {  	_ =	shalt  }
0x5e: {  	_ =	shalt  }
0x5f: {  	_ =	shalt  }
0x60: {  	_ =	shalt  }
0x61: {  	_ =	shalt  }
0x62: {  	_ =	shalt  }
0x63: {  	_ =	shalt  }
0x64: {  	_ =	shalt  }
0x65: {  	_ =	shalt  }
0x66: {  	_ =	shalt  }
0x67: {  	_ =	shalt  }
0x68: {  	_ =	shalt  }
0x69: {  	_ =	shalt  }
0x6a: {  	_ =	shalt  }
0x6b: {  	_ =	shalt  }
0x6c: {  	_ =	shalt  }
0x6d: {  	_ =	shalt  }
0x6e: {  	_ =	shalt  }
0x6f: {  	_ =	shalt  }
0x70: {  	_ =	shalt  }
0x71: {  	_ =	shalt  }
0x72: {  	_ =	shalt  }
0x73: {  	_ =	shalt  }
0x74: {  	_ =	shalt  }
0x75: {  	_ =	shalt  }
0x76: {  	_ =	shalt  }
0x77: {  	_ =	shalt  }
0x78: {  	_ =	shalt  }
0x79: {  	_ =	shalt  }
0x7a: {  	_ =	shalt  }
0x7b: {  	_ =	shalt  }
0x7c: {  	_ =	shalt  }
0x7d: {  	_ =	shalt  }
0x7e: {  	_ =	shalt  }
0x7f: {  	_ =	shalt  }
0x80: {  	_ =	shalt  }
0x81: {  	_ =	shalt  }
0x82: {  	_ =	shalt  }
0x83: {  	_ =	shalt  }
0x84: {  	_ =	shalt  }
0x85: {  	_ =	shalt  }
0x86: {  	_ =	shalt  }
0x87: {  	_ =	shalt  }
.Lfunc_end0:
.L_simem_size_0:
called_computation.3_lowered:
.L_overlay_start_0:
0x88: {  	s2 =	sld [smem:$0x3FD9]  }
0x89: {  	s3 =	sld [smem:$0x3FFE];
	_ =	sdelay $0x1  }
0x8a: {  	s1 =	srdreg.scid  }
0x8b: {  	s0 =	sand.u32 $0x1, s1  }
0x8c: {  	s17 =	sshll.u32 s0, $0xA;
	s2 =	sadd.s32 s3, s2  }
0x8d: {  	s2 =	sadd.s32 s2, s17  }
0x8e: {  	[smem:$0x3FBC] =	sst s2  }
0x8f: {  	_ = 	snop  }
0x90: {  	(tm) =	ssettm $0x1  }
0x91: {  	s18 =	sld [smem:$0x3FFB];
	_ =	sdelay $0x3  }
0x92: {  	_ =	strace s18  }
0x93: {  	s2 =	sld [smem:$0x3FFC];
	_ =	sdelay $0x3  }
0x94: {  	_ =	strace s2  }
0x95: {  	s2 =	sld [smem:$0x3FFD];
	_ =	sdelay $0x3  }
0x96: {  	_ =	strace s2  }
0x97: {  	_ =	strace $0x8FFFFFFF  }
0x98: {  	s19 =	sld [smem:$0x3FDB];
	_ =	sdelay $0x1  }
0x99: {  	s20 =	simm.s32 $_scs_section_size  }
0x9a: {  	s4 =	simm.s32 $_size__tile_overlayer_lowered;
	s5 =	simm.s32 $_tile_overlayer_lowered  }
0x9b: {  	s6 =	simm.s32 $0x1BFF;
	s21 =	sshll.u32 s5, $0x1;
	s3 =	sadd.s32 s20, s19  }
0x9c: {  	s22 =	simm.s32 $0x0;
	s4 =	sshll.u32 s4, $0x1;
	s5 =	sadd.s32 s21, s3  }
0x9d: {  	[timem:s22], [sflag:s6] =	dma.local [hbm:s5], s4  }
0x9e: {  	_ =	swait.ge [sflag:s6], s4  }
0x9f: {  	s4 =	ssub.s32 $0x0, s4;
	[sflag:s6] =	ssyncset.done $0x0  }
0xa0: {  	[sflag:s6] =	ssyncadd.s32 s4;
	_ =	sdelay $0x1  }
0xa1: {  	s23 =	simm.s32 $0x1B8B  }
0xa2: {  	_ =	swait.ge [sflag:s23], $0x1  }
0xa3: {  	[sflag:s23] =	ssyncset.done $0x0  }
0xa4: {  	[sflag:s23] =	ssyncadd.s32 $0xFFFFFFFF  }
0xa5: {  	s4 =	sld [smem:$0x0]  }
0xa6: {  	s5 =	sand.u32 $0xFFFFFFFE, s1  }
0xa7: {  	p0 =	sne.s32 s1, s5  }
0xa8: {  	s5 =	sshll.u32 @p0 s5, $0xE  }
0xa9: {  	s5 =	sadd.s32 @p0 $0x11B8D, s5;
	s6 =	sshll.u32 @p0 s4, $0x11  }
0xaa: {  	s5 =	sor.u32 @p0 s6, s5  }
0xab: {  	[sflag:s5] =	ssyncadd.remote.s32 @p0 $0x1;
	_ =	sdelay $0x1  }
0xac: {  	s5 =	simm.s32 @p0 $0x1B8D  }
0xad: {  	_ =	swait.eq @p0 [sflag:s5], $0x1  }
0xae: {  	[sflag:s5] =	ssyncadd.s32 @p0 $0xFFFFFFFF  }
0xaf: {  	s6 =	sshll.u32 @!p0 s1, $0xE  }
0xb0: {  	s6 =	sor.u32 @!p0 $0x4000, s6;
	s5 =	simm.s32 @!p0 $0x1B8D  }
0xb1: {  	s4 =	sshll.u32 @!p0 s4, $0x11;
	s6 =	sadd.s32 @!p0 $0x11B8D, s6;
	_ =	swait.eq @!p0 [sflag:s5], $0x1  }
0xb2: {  	s4 =	sor.u32 @!p0 s4, s6;
	[sflag:s5] =	ssyncadd.s32 @!p0 $0xFFFFFFFF  }
0xb3: {  	s25 =	simm.s32 $0x1B8E;
	s24 =	sld [smem:$0x3FFE];
	[sflag:s4] =	ssyncadd.remote.s32 @!p0 $0x1  }
0xb4: {  	s26 =	simm.s32 $execute0_lowered;
	[smem:$0x3FD2] =	sst s25  }
0xb5: {  	s5 =	sshll.u32 s26, $0x1;
	_ =	strace $0x8000004F;
	[dreg:$0x1] =	wrdreg $0xFFFFFFFF  }
0xb6: {  	s28 =	simm.s32 $_size_execute0_lowered;
	s3 =	sadd.s32 s3, s5;
	[dreg:$0x0] =	wrdreg $0x0  }
0xb7: {  	s5 =	sshll.u32 s28, $0x1;
	[dreg:$0x2] =	wrdreg s3  }
0xb8: {  	[dreg:$0x3] =	wrdreg s5  }
0xb9: {  	[dreg:$0x4] =	wrdreg $0xC0  }
0xba: {  	_ =	task [dreg:s22], $0x5FFFF  }
0xbb: {  	[dreg:$0x1] =	wrdreg $0xFFFFFFFF  }
0xbc: {  	[dreg:$0x0] =	wrdreg $0x60  }
0xbd: {  	[dreg:$0x2] =	wrdreg s24  }
0xbe: {  	[dreg:$0x3] =	wrdreg $0xC  }
0xbf: {  	_ =	task.clear_ibuf [dreg:s22], $0x4FFFF;
	_ =	strace $0x9000004F  }
0xc0: {  	s29 =	simm.s32 $0xC;
	_ =	strace $0x80000051  }
0xc1: {  	_ =	swait.ge [sflag:s29], $0x1  }
0xc2: {  	[sflag:s29] =	ssyncadd.s32 $0xFFFFFFFF  }
0xc3: {  	_ =	strace $0x90000051  }
0xc4: {  	_ =	sfence  }
0xc5: {  	s30 =	sld [smem:$0x0];
	_ =	sdelay $0x2  }
0xc6: {  	s31 =	sshll.u32 s1, $0xD;
	s1 =	sshrl.u32 s1, $0x2  }
0xc7: {  	s4 =	sand.u32 $0x4000, s31;
	s1 =	sadd.s32 s1, s30  }
0xc8: {  	s0 =	sor.u32 s4, s0;
	s1 =	sshll.u32 s1, $0x11  }
0xc9: {  	s0 =	sor.u32 s1, s0  }
0xca: {  	s0 =	sadd.s32 $0x8F2B, s0  }
0xcb: {  	[sflag:s0] =	ssyncadd.remote.s32 $0x1  }
0xcc: {  	_ =	sfence.sel $0xFFFF  }
0xcd: {  	[dreg:$0x0] =	wrdreg $0xFFFFFFFF;
	(pc) =	sbr.abs _section_cstart, $3  }
0xce: {  	[dreg:$0x1] =	wrdreg $0xFFFFFFFF  }
0xcf: {  	_ =	task.clear_ibuf [dreg:s22], $0x2FFFF;
	_ =	strace $0x9FFFFFFF  }
0xd0: {  	(tm) =	ssettm $0x7FFFFFFF  }
0xd1: {  	_ =	shalt  }
tec
execute0_lowered:
.L_overlay_start_1:
0x0: {  	(tag) =	ssettag $0x1  }
0x1: {  	s0 =	srdreg.scid;
	s2 =	rddreg [dreg:$0x0]  }
0x2: {  	s1 =	stileid.u32;
	s17 =	rddreg [dreg:$0x1];
	s13 =	simm.s32 $0x0  }
0x3: {  	s23 =	simm.s32 $0x2780;
	s24 =	simm.s32 $0x300;
	s25 =	simm.s32 $0xB780  }
0x4: {  	s14 =	simm.s32 $0x280;
	s26 =	simm.s32 $0x580;
	s15 =	simm.s32 $0x500  }
0x5: {  	s28 =	simm.s32 $0x10780;
	s29 =	simm.s32 $0x100;
	s6 =	simm.s32 $0x780  }
0x6: {  	s30 =	simm.s32 $0x4780;
	s5 =	simm.s32 $0xA780;
	[smem:$0x7FF] =	sst s13  }
0x7: {  	s31 =	simm.s32 $0x380;
	_ =	strace $0x80000050;
	[dreg:$0x8] =	wrdreg s23  }
0x8: {  	p0 =	por $0x0, $0x0;
	s11 =	simm.s32 $0x1;
	[dreg:$0x9] =	wrdreg s24  }
0x9: {  	s18 =	simm.s32 $0x40;
	s9 =	simm.s32 $0x20;
	[dreg:$0xa] =	wrdreg s25  }
0xa: {  	s0 =	sand.u32 $0x1, s0;
	s1 =	sshll.u32 s1, $0x1;
	[dreg:$0xb] =	wrdreg s26  }
0xb: {  	s7 =	sadd.s32 $0x3800, s2;
	s1 =	sor.u32 s0, s1;
	[dreg:$0xc] =	wrdreg s28  }
0xc: {  	s8 =	sadd.s32 $0xCBE00, s2;
	[dreg:$0xd] =	wrdreg s29;
	s3 =	smul.u32 $0x50, s1  }
0xd: {  	s0 =	ssub.s32 $0x2, s0;
	[dreg:$0xe] =	wrdreg s30;
	s1 =	smul.u32 $0x2800, s1  }
0xe: {  	[dreg:$0xf] =	wrdreg s31;
	s22 =	sshrl.u32 s0, $0x1;
	s3 =	sadd.s32 s3, s2  }
0xf: {  	s0 =	ssub.s32 s0, s22;
	s1 =	sadd.s32 s1, s2;
	s4 =	sadd.s32 $0xD5000, s3  }
0x10: {  	s0 =	smax.u32 s0, $0x1;
	s19 =	sadd.s32 $0xD1E00, s3;
	[dreg:$0x2] =	wrdreg s4  }
0x11: {  	s3 =	sadd.s32 $0xCEC00, s3;
	p1 =	sne.s32 s0, $0x1;
	[dreg:$0x3] =	wrdreg s19  }
.Ltmp0:
0x12: {  	s20 =	sadd.s32 $0x1C6400, s1;
	[dreg:$0x4] =	wrdreg s3;
	(pc) =	sbr.rel @!p1 .LBB2_1-.Ltmp0, $4  }
0x13: {  	s10 =	sadd.s32 $0xC6E00, s2;
	s21 =	sadd.s32 $0x1C6408, s1;
	[dreg:$0x5] =	wrdreg s20  }
0x14: {  	s2 =	simm.s32 $0x2;
	s1 =	sadd.s32 $0x1C640C, s1;
	[dreg:$0x6] =	wrdreg s21  }
0x15: {  	[dreg:$0x7] =	wrdreg s1;
	s3 =	simm.s32 $0x80;
	s4 =	simm.s32 $0xF780  }
0x16: {  	s19 =	simm.s32 $0x600;
	s1 =	sadd.s32 $0xFFFFFFFF, s0;
	s0 =	rddreg [dreg:$0x2]  }
0x17: {  	[tilespmem:s13], [sflag:$0x2] =	stream.linear.gather [hbm4b:s0+s13], $0x280, $0x38;
	[tilespmem:$0x14780] =	vst v63  }
0x18: {  	_ =	swait.ge [sflag:s2], $0x280  }
0x19: {  	[sflag:s2] =	ssyncset.done $0x0  }
0x1a: {  	s23 =	rddreg [dreg:$0x3];
	[sflag:s2] =	ssyncadd.s32 $0xFFFFFD80  }
0x1b: {  	[tilespmem:s14], [sflag:$0x2] =	stream.linear.gather [hbm4b:s23+s13], $0x280, $0x38;
	[tilespmem:$0x14780] =	vst v63  }
0x1c: {  	_ =	swait.ge [sflag:s2], $0x280  }
0x1d: {  	[sflag:s2] =	ssyncset.done $0x0  }
0x1e: {  	s24 =	rddreg [dreg:$0x4];
	[sflag:s2] =	ssyncadd.s32 $0xFFFFFD80  }
0x1f: {  	[tilespmem:s15], [sflag:$0x2] =	stream.linear.gather [hbm4b:s24+s13], $0x280, $0x38;
	[tilespmem:$0x14780] =	vst v63  }
0x20: {  	_ =	swait.ge [sflag:s2], $0x280;
	[dreg:$0x13] =	wrdreg s1  }
0x21: {  	s25 =	rddreg [dreg:$0xc]  }
0x22: {  	s26 =	rddreg [dreg:$0xa]  }
0x23: {  	s12 =	rddreg [dreg:$0x8]  }
0x24: {  	s16 =	rddreg [dreg:$0x9]  }
0x25: {  	s20 =	rddreg [dreg:$0xe]  }
0x26: {  	[sflag:s2] =	ssyncset.done $0x0;
	s1 =	rddreg [dreg:$0xd]  }
0x27: {  	[sflag:s2] =	ssyncadd.s32 $0xFFFFFD80;
	[dreg:$0x10] =	wrdreg s25  }
0x28: {  	[tilespmem:s6], [sflag:$0x1] =	stream.indirect.gather [hbm4b:s7+s3], $0x40, s13, s3, $0xb8;
	[tilespmem:$0x14780] =	vst v63  }
0x29: {  	[dreg:$0x11] =	wrdreg s26  }
0x2a: {  	[tilespmem:s5], [sflag:$0x1] =	stream.indirect.gather [hbm4b:s8+s3], $0x20, s14, s3, $0xb8;
	[tilespmem:$0x14780] =	vst v63  }
0x2b: {  	[dreg:$0x12] =	wrdreg s20  }
0x2c: {  	[tilespmem:s4], [sflag:$0x1] =	stream.indirect.gather [hbm4b:s10+s3], $0x20, s15, s3, $0xb8;
	[tilespmem:$0x14780] =	vst v63  }
0x2d: {  	s17 =	rddreg [dreg:$0x11]  }
0x2e: {  	[tilespmem:s12], [sflag:$0x1] =	stream.indirect.gather [hbm4b:s7+s3], $0x40, s3, s3, $0xb8;
	[tilespmem:$0x14780] =	vst v63  }
0x2f: {  	s21 =	rddreg [dreg:$0x10]  }
0x30: {  	[tilespmem:s17], [sflag:$0x1] =	stream.indirect.gather [hbm4b:s8+s3], $0x20, s16, s3, $0xb8;
	[tilespmem:$0x14780] =	vst v63  }
0x31: {  	s12 =	rddreg [dreg:$0xb]  }
0x32: {  	[tilespmem:s21], [sflag:$0x1] =	stream.indirect.gather [hbm4b:s10+s3], $0x20, s12, s3, $0xb8;
	[tilespmem:$0x14780] =	vst v63  }
0x33: {  	s12 =	rddreg [dreg:$0x12]  }
0x34: {  	[tilespmem:s12], [sflag:$0x1] =	stream.indirect.gather [hbm4b:s7+s3], $0x40, s1, s3, $0xb8;
	[tilespmem:$0x14780] =	vst v63  }
0x35: {  	s0 =	rddreg [dreg:$0xf];
	s16 =	simm.s32 $0xC780  }
0x36: {  	[tilespmem:s16], [sflag:$0x1] =	stream.indirect.gather [hbm4b:s8+s3], $0x20, s0, s3, $0xb8;
	[tilespmem:$0x14780] =	vst v63  }
0x37: {  	s20 =	simm.s32 $0x11780  }
0x38: {  	[tilespmem:s20], [sflag:$0x1] =	stream.indirect.gather [hbm4b:s10+s3], $0x20, s19, s3, $0xb8;
	[tilespmem:$0x14780] =	vst v63  }
0x39: {  	s22 =	simm.s32 $0x6780;
	s21 =	simm.s32 $0x180  }
0x3a: {  	[tilespmem:s22], [sflag:$0x1] =	stream.indirect.gather [hbm4b:s7+s3], $0x40, s21, s3, $0xb8;
	[tilespmem:$0x14780] =	vst v63  }
0x3b: {  	s23 =	simm.s32 $0x400;
	s24 =	simm.s32 $0xD780  }
0x3c: {  	[tilespmem:s24], [sflag:$0x1] =	stream.indirect.gather [hbm4b:s8+s3], $0x20, s23, s3, $0xb8;
	[tilespmem:$0x14780] =	vst v63  }
0x3d: {  	s25 =	simm.s32 $0x680;
	s26 =	simm.s32 $0x12780  }
0x3e: {  	[tilespmem:s26], [sflag:$0x1] =	stream.indirect.gather [hbm4b:s10+s3], $0x20, s25, s3, $0xb8;
	[tilespmem:$0x14780] =	vst v63  }
0x3f: {  	s28 =	simm.s32 $0x200;
	s29 =	simm.s32 $0x8780  }
0x40: {  	[tilespmem:s29], [sflag:$0x1] =	stream.indirect.gather [hbm4b:s7+s3], $0x40, s28, s3, $0xb8;
	[tilespmem:$0x14780] =	vst v63  }
0x41: {  	s30 =	simm.s32 $0x480;
	s31 =	simm.s32 $0xE780  }
0x42: {  	[tilespmem:s31], [sflag:$0x1] =	stream.indirect.gather [hbm4b:s8+s3], $0x20, s30, s3, $0xb8;
	[tilespmem:$0x14780] =	vst v63  }
0x43: {  	s17 =	simm.s32 $0x700;
	s22 =	simm.s32 $0x13780  }
0x44: {  	[tilespmem:s22], [sflag:$0x1] =	stream.indirect.gather [hbm4b:s10+s3], $0x20, s17, s3, $0xb8;
	[tilespmem:$0x14780] =	vst v63  }
0x45: {  	_ =	swait.ge [sflag:s11], $0x2000  }
0x46: {  	[sflag:s11] =	ssyncset.done $0x0  }
0x47: {  	[sflag:s11] =	ssyncadd.s32 $0xFFFFE000  }
0x48: {  	_ =	swait.ge [sflag:s11], $0x1000  }
0x49: {  	[sflag:s11] =	ssyncset.done $0x0  }
0x4a: {  	[sflag:s11] =	ssyncadd.s32 $0xFFFFF000  }
0x4b: {  	_ =	swait.ge [sflag:s11], $0x1000  }
0x4c: {  	[sflag:s11] =	ssyncset.done $0x0  }
0x4d: {  	[sflag:s11] =	ssyncadd.s32 $0xFFFFF000  }
0x4e: {  	_ =	swait.ge [sflag:s11], $0x2000  }
0x4f: {  	[sflag:s11] =	ssyncset.done $0x0  }
0x50: {  	[sflag:s11] =	ssyncadd.s32 $0xFFFFE000  }
0x51: {  	_ =	swait.ge [sflag:s11], $0x1000  }
0x52: {  	[sflag:s11] =	ssyncset.done $0x0  }
0x53: {  	[sflag:s11] =	ssyncadd.s32 $0xFFFFF000  }
0x54: {  	_ =	swait.ge [sflag:s11], $0x1000  }
0x55: {  	[sflag:s11] =	ssyncset.done $0x0  }
0x56: {  	[sflag:s11] =	ssyncadd.s32 $0xFFFFF000  }
0x57: {  	_ =	swait.ge [sflag:s11], $0x2000  }
0x58: {  	[sflag:s11] =	ssyncset.done $0x0  }
0x59: {  	[sflag:s11] =	ssyncadd.s32 $0xFFFFE000  }
0x5a: {  	_ =	swait.ge [sflag:s11], $0x1000  }
0x5b: {  	[sflag:s11] =	ssyncset.done $0x0  }
0x5c: {  	[sflag:s11] =	ssyncadd.s32 $0xFFFFF000  }
0x5d: {  	_ =	swait.ge [sflag:s11], $0x1000  }
0x5e: {  	[sflag:s11] =	ssyncset.done $0x0  }
0x5f: {  	[sflag:s11] =	ssyncadd.s32 $0xFFFFF000  }
0x60: {  	_ =	swait.ge [sflag:s11], $0x2000  }
0x61: {  	[sflag:s11] =	ssyncset.done $0x0  }
0x62: {  	[sflag:s11] =	ssyncadd.s32 $0xFFFFE000  }
0x63: {  	_ =	swait.ge [sflag:s11], $0x1000  }
0x64: {  	[sflag:s11] =	ssyncset.done $0x0  }
0x65: {  	[sflag:s11] =	ssyncadd.s32 $0xFFFFF000  }
0x66: {  	_ =	swait.ge [sflag:s11], $0x1000  }
0x67: {  	[sflag:s11] =	ssyncset.done $0x0  }
0x68: {  	[sflag:s11] =	ssyncadd.s32 $0xFFFFF000  }
0x69: {  	_ =	swait.ge [sflag:s11], $0x2000  }
0x6a: {  	[sflag:s11] =	ssyncset.done $0x0  }
0x6b: {  	[sflag:s11] =	ssyncadd.s32 $0xFFFFE000  }
0x6c: {  	_ =	swait.ge [sflag:s11], $0x1000  }
0x6d: {  	[sflag:s11] =	ssyncset.done $0x0  }
0x6e: {  	[sflag:s11] =	ssyncadd.s32 $0xFFFFF000  }
0x6f: {  	_ =	swait.ge [sflag:s11], $0x1000  }
0x70: {  	[sflag:s11] =	ssyncset.done $0x0  }
0x71: {  	s23 =	rddreg [dreg:$0x5];
	[sflag:s11] =	ssyncadd.s32 $0xFFFFF000  }
0x72: {  	[hbm4b:s23+s18] =	stream.strided.scatter [tilespmem:s6], [sflag:$0x2], $0xA000, s3, s18, $0x38;
	[tilespmem:$0x14780] =	vst v63  }
0x73: {  	_ =	swait.ge [sflag:s2], $0xA000  }
0x74: {  	p0 =	por $0x1, $0x1;
	[sflag:s2] =	ssyncset.done $0x0  }
0x75: {  	s20 =	simm.s32 $0x11780;
	s24 =	rddreg [dreg:$0x6];
	[sflag:s2] =	ssyncadd.s32 $0xFFFF6000  }
0x76: {  	[hbm4b:s24+s9] =	stream.strided.scatter [tilespmem:s5], [sflag:$0x2], $0x5000, s3, s9, $0x38;
	[tilespmem:$0x14780] =	vst v63  }
0x77: {  	s21 =	simm.s32 $0x700;
	s29 =	simm.s32 $0x8780;
	_ =	swait.ge [sflag:s2], $0x5000  }
0x78: {  	s28 =	simm.s32 $0x200;
	s31 =	simm.s32 $0xE780;
	s26 =	rddreg [dreg:$0x13]  }
0x79: {  	s30 =	simm.s32 $0x480;
	s22 =	simm.s32 $0x6780;
	p1 =	sne.s32 s26, $0x1  }
.Ltmp1:
0x7a: {  	s23 =	simm.s32 $0x400;
	[sflag:s2] =	ssyncset.done $0x0;
	(pc) =	sbr.rel @!p1 .LBB2_3-.Ltmp1, $4  }
0x7b: {  	s24 =	simm.s32 $0xD780;
	s25 =	rddreg [dreg:$0x7];
	[sflag:s2] =	ssyncadd.s32 $0xFFFFB000  }
0x7c: {  	[hbm4b:s25+s9] =	stream.strided.scatter [tilespmem:s4], [sflag:$0x2], $0x5000, s3, s9, $0x38;
	[tilespmem:$0x14780] =	vst v63  }
0x7d: {  	s1 =	sadd.s32 $0xFFFFFFFF, s26;
	s26 =	simm.s32 $0x12780;
	_ =	swait.ge [sflag:s2], $0x5000  }
0x7e: {  	s25 =	simm.s32 $0x680;
	s0 =	rddreg [dreg:$0x2];
	[sflag:s2] =	ssyncset.done $0x0  }
.LBB2_4:
0x7f: {  	[sflag:s2] =	ssyncadd.s32 $0xFFFFB000  }
0x80: {  	[tilespmem:s13], [sflag:$0x2] =	stream.linear.gather [hbm4b:s0+s13], $0x280, $0x38;
	[tilespmem:$0x14780] =	vst v63  }
0x81: {  	_ =	swait.ge [sflag:s2], $0x280  }
0x82: {  	[sflag:s2] =	ssyncset.done $0x0  }
0x83: {  	s12 =	rddreg [dreg:$0x3];
	[sflag:s2] =	ssyncadd.s32 $0xFFFFFD80  }
0x84: {  	[tilespmem:s14], [sflag:$0x2] =	stream.linear.gather [hbm4b:s12+s13], $0x280, $0x38;
	[tilespmem:$0x14780] =	vst v63  }
0x85: {  	_ =	swait.ge [sflag:s2], $0x280  }
0x86: {  	[sflag:s2] =	ssyncset.done $0x0  }
0x87: {  	s16 =	rddreg [dreg:$0x4];
	[sflag:s2] =	ssyncadd.s32 $0xFFFFFD80  }
0x88: {  	[tilespmem:s15], [sflag:$0x2] =	stream.linear.gather [hbm4b:s16+s13], $0x280, $0x38;
	[tilespmem:$0x14780] =	vst v63  }
0x89: {  	_ =	swait.ge [sflag:s2], $0x280  }
0x8a: {  	[sflag:s2] =	ssyncset.done $0x0  }
0x8b: {  	s0 =	rddreg [dreg:$0xe];
	[sflag:s2] =	ssyncadd.s32 $0xFFFFFD80  }
0x8c: {  	[tilespmem:s6], [sflag:$0x1] =	stream.indirect.gather [hbm4b:s7+s3], $0x40, s13, s3, $0xb8;
	[tilespmem:$0x14780] =	vst v63  }
0x8d: {  	s12 =	rddreg [dreg:$0xc]  }
0x8e: {  	[tilespmem:s5], [sflag:$0x1] =	stream.indirect.gather [hbm4b:s8+s3], $0x20, s14, s3, $0xb8;
	[tilespmem:$0x14780] =	vst v63  }
0x8f: {  	s16 =	rddreg [dreg:$0xa]  }
0x90: {  	[tilespmem:s4], [sflag:$0x1] =	stream.indirect.gather [hbm4b:s10+s3], $0x20, s15, s3, $0xb8;
	[tilespmem:$0x14780] =	vst v63  }
0x91: {  	s17 =	rddreg [dreg:$0x8]  }
0x92: {  	[tilespmem:s17], [sflag:$0x1] =	stream.indirect.gather [hbm4b:s7+s3], $0x40, s3, s3, $0xb8;
	[tilespmem:$0x14780] =	vst v63  }
0x93: {  	s18 =	rddreg [dreg:$0x9]  }
0x94: {  	[tilespmem:s16], [sflag:$0x1] =	stream.indirect.gather [hbm4b:s8+s3], $0x20, s18, s3, $0xb8;
	[tilespmem:$0x14780] =	vst v63  }
0x95: {  	s17 =	rddreg [dreg:$0xb]  }
0x96: {  	[tilespmem:s12], [sflag:$0x1] =	stream.indirect.gather [hbm4b:s10+s3], $0x20, s17, s3, $0xb8;
	[tilespmem:$0x14780] =	vst v63  }
0x97: {  	s16 =	rddreg [dreg:$0xd]  }
0x98: {  	[tilespmem:s0], [sflag:$0x1] =	stream.indirect.gather [hbm4b:s7+s3], $0x40, s16, s3, $0xb8;
	[tilespmem:$0x14780] =	vst v63  }
0x99: {  	s19 =	simm.s32 $0xC780;
	s17 =	rddreg [dreg:$0xf]  }
0x9a: {  	[tilespmem:s19], [sflag:$0x1] =	stream.indirect.gather [hbm4b:s8+s3], $0x20, s17, s3, $0xb8;
	[tilespmem:$0x14780] =	vst v63  }
0x9b: {  	s19 =	simm.s32 $0x600  }
0x9c: {  	[tilespmem:s20], [sflag:$0x1] =	stream.indirect.gather [hbm4b:s10+s3], $0x20, s19, s3, $0xb8;
	[tilespmem:$0x14780] =	vst v63  }
0x9d: {  	s16 =	simm.s32 $0x180  }
0x9e: {  	[tilespmem:s22], [sflag:$0x1] =	stream.indirect.gather [hbm4b:s7+s3], $0x40, s16, s3, $0xb8;
	[tilespmem:$0x14780] =	vst v63  }
0x9f: {  	_ = 	snop  }
0xa0: {  	[tilespmem:s24], [sflag:$0x1] =	stream.indirect.gather [hbm4b:s8+s3], $0x20, s23, s3, $0xb8;
	[tilespmem:$0x14780] =	vst v63  }
0xa1: {  	_ = 	snop  }
0xa2: {  	[tilespmem:s26], [sflag:$0x1] =	stream.indirect.gather [hbm4b:s10+s3], $0x20, s25, s3, $0xb8;
	[tilespmem:$0x14780] =	vst v63  }
0xa3: {  	_ = 	snop  }
0xa4: {  	[tilespmem:s29], [sflag:$0x1] =	stream.indirect.gather [hbm4b:s7+s3], $0x40, s28, s3, $0xb8;
	[tilespmem:$0x14780] =	vst v63  }
0xa5: {  	_ = 	snop  }
0xa6: {  	[tilespmem:s31], [sflag:$0x1] =	stream.indirect.gather [hbm4b:s8+s3], $0x20, s30, s3, $0xb8;
	[tilespmem:$0x14780] =	vst v63  }
0xa7: {  	s17 =	simm.s32 $0x13780  }
0xa8: {  	[tilespmem:s17], [sflag:$0x1] =	stream.indirect.gather [hbm4b:s10+s3], $0x20, s21, s3, $0xb8;
	[tilespmem:$0x14780] =	vst v63  }
0xa9: {  	_ =	swait.ge [sflag:s11], $0x2000  }
0xaa: {  	[sflag:s11] =	ssyncset.done $0x0  }
0xab: {  	[sflag:s11] =	ssyncadd.s32 $0xFFFFE000  }
0xac: {  	_ =	swait.ge [sflag:s11], $0x1000  }
0xad: {  	[sflag:s11] =	ssyncset.done $0x0  }
0xae: {  	[sflag:s11] =	ssyncadd.s32 $0xFFFFF000  }
0xaf: {  	_ =	swait.ge [sflag:s11], $0x1000  }
0xb0: {  	[sflag:s11] =	ssyncset.done $0x0  }
0xb1: {  	[sflag:s11] =	ssyncadd.s32 $0xFFFFF000  }
0xb2: {  	_ =	swait.ge [sflag:s11], $0x2000  }
0xb3: {  	[sflag:s11] =	ssyncset.done $0x0  }
0xb4: {  	[sflag:s11] =	ssyncadd.s32 $0xFFFFE000  }
0xb5: {  	_ =	swait.ge [sflag:s11], $0x1000  }
0xb6: {  	[sflag:s11] =	ssyncset.done $0x0  }
0xb7: {  	[sflag:s11] =	ssyncadd.s32 $0xFFFFF000  }
0xb8: {  	_ =	swait.ge [sflag:s11], $0x1000  }
0xb9: {  	[sflag:s11] =	ssyncset.done $0x0  }
0xba: {  	[sflag:s11] =	ssyncadd.s32 $0xFFFFF000  }
0xbb: {  	_ =	swait.ge [sflag:s11], $0x2000  }
0xbc: {  	[sflag:s11] =	ssyncset.done $0x0  }
0xbd: {  	[sflag:s11] =	ssyncadd.s32 $0xFFFFE000  }
0xbe: {  	_ =	swait.ge [sflag:s11], $0x1000  }
0xbf: {  	[sflag:s11] =	ssyncset.done $0x0  }
0xc0: {  	[sflag:s11] =	ssyncadd.s32 $0xFFFFF000  }
0xc1: {  	_ =	swait.ge [sflag:s11], $0x1000  }
0xc2: {  	[sflag:s11] =	ssyncset.done $0x0  }
0xc3: {  	[sflag:s11] =	ssyncadd.s32 $0xFFFFF000  }
0xc4: {  	_ =	swait.ge [sflag:s11], $0x2000  }
0xc5: {  	[sflag:s11] =	ssyncset.done $0x0  }
0xc6: {  	[sflag:s11] =	ssyncadd.s32 $0xFFFFE000  }
0xc7: {  	_ =	swait.ge [sflag:s11], $0x1000  }
0xc8: {  	[sflag:s11] =	ssyncset.done $0x0  }
0xc9: {  	[sflag:s11] =	ssyncadd.s32 $0xFFFFF000  }
0xca: {  	_ =	swait.ge [sflag:s11], $0x1000  }
0xcb: {  	[sflag:s11] =	ssyncset.done $0x0  }
0xcc: {  	[sflag:s11] =	ssyncadd.s32 $0xFFFFF000  }
0xcd: {  	_ =	swait.ge [sflag:s11], $0x2000  }
0xce: {  	[sflag:s11] =	ssyncset.done $0x0  }
0xcf: {  	[sflag:s11] =	ssyncadd.s32 $0xFFFFE000  }
0xd0: {  	_ =	swait.ge [sflag:s11], $0x1000  }
0xd1: {  	[sflag:s11] =	ssyncset.done $0x0  }
0xd2: {  	[sflag:s11] =	ssyncadd.s32 $0xFFFFF000  }
0xd3: {  	_ =	swait.ge [sflag:s11], $0x1000  }
0xd4: {  	[sflag:s11] =	ssyncset.done $0x0  }
0xd5: {  	s18 =	simm.s32 $0x40;
	s12 =	rddreg [dreg:$0x5];
	[sflag:s11] =	ssyncadd.s32 $0xFFFFF000  }
0xd6: {  	[hbm4b:s12+s18] =	stream.strided.scatter [tilespmem:s6], [sflag:$0x2], $0xA000, s3, s18, $0x38;
	[tilespmem:$0x14780] =	vst v63  }
0xd7: {  	_ =	swait.ge [sflag:s2], $0xA000  }
0xd8: {  	[sflag:s2] =	ssyncset.done $0x0  }
0xd9: {  	s16 =	rddreg [dreg:$0x6];
	[sflag:s2] =	ssyncadd.s32 $0xFFFF6000  }
0xda: {  	[hbm4b:s16+s9] =	stream.strided.scatter [tilespmem:s5], [sflag:$0x2], $0x5000, s3, s9, $0x38;
	[tilespmem:$0x14780] =	vst v63  }
0xdb: {  	p1 =	sne.s32 s1, $0x1;
	_ =	swait.ge [sflag:s2], $0x5000  }
.Ltmp2:
0xdc: {  	[sflag:s2] =	ssyncset.done $0x0;
	(pc) =	sbr.rel @p1 .LBB2_4-.Ltmp2, $4  }
0xdd: {  	s17 =	rddreg [dreg:$0x7];
	[sflag:s2] =	ssyncadd.s32 $0xFFFFB000  }
0xde: {  	[hbm4b:s17+s9] =	stream.strided.scatter [tilespmem:s4], [sflag:$0x2], $0x5000, s3, s9, $0x38;
	[tilespmem:$0x14780] =	vst v63  }
0xdf: {  	_ =	swait.ge [sflag:s2], $0x5000  }
0xe0: {  	s1 =	sadd.s32 $0xFFFFFFFF, s1;
	s0 =	rddreg [dreg:$0x2];
	[sflag:s2] =	ssyncset.done $0x0  }
0xe1: {  	s31 =	simm.s32 $0xE780  }
0xe2: {  	s30 =	simm.s32 $0x480;
	s29 =	simm.s32 $0x8780;
	s28 =	simm.s32 $0x200  }
0xe3: {  	s26 =	simm.s32 $0x12780;
	s25 =	simm.s32 $0x680;
	s24 =	simm.s32 $0xD780  }
0xe4: {  	s23 =	simm.s32 $0x400;
	s22 =	simm.s32 $0x6780;
	s21 =	simm.s32 $0x180  }
0xe5: {  	s20 =	simm.s32 $0x11780;
	s16 =	simm.s32 $0xC780;
	s17 =	rddreg [dreg:$0x1]  }
.LBB2_6:
0xe6: {  	[sflag:s2] =	ssyncadd.s32 @p0 $0xFFFFB000  }
0xe7: {  	[tilespmem:s13], [sflag:$0x2] =	stream.linear.gather [hbm4b:s0+s13], $0x280, $0x38;
	[tilespmem:$0x14780] =	vst v63  }
0xe8: {  	_ =	swait.ge [sflag:s2], $0x280  }
0xe9: {  	[sflag:s2] =	ssyncset.done $0x0  }
0xea: {  	s1 =	rddreg [dreg:$0x3];
	[sflag:s2] =	ssyncadd.s32 $0xFFFFFD80  }
0xeb: {  	[tilespmem:s14], [sflag:$0x2] =	stream.linear.gather [hbm4b:s1+s13], $0x280, $0x38;
	[tilespmem:$0x14780] =	vst v63  }
0xec: {  	_ =	swait.ge [sflag:s2], $0x280  }
0xed: {  	[sflag:s2] =	ssyncset.done $0x0  }
0xee: {  	s12 =	rddreg [dreg:$0x4];
	[sflag:s2] =	ssyncadd.s32 $0xFFFFFD80  }
0xef: {  	[tilespmem:s15], [sflag:$0x2] =	stream.linear.gather [hbm4b:s12+s13], $0x280, $0x38;
	[tilespmem:$0x14780] =	vst v63  }
0xf0: {  	_ =	swait.ge [sflag:s2], $0x280  }
0xf1: {  	[sflag:s2] =	ssyncset.done $0x0  }
0xf2: {  	[sflag:s2] =	ssyncadd.s32 $0xFFFFFD80  }
0xf3: {  	[tilespmem:s6], [sflag:$0x1] =	stream.indirect.gather [hbm4b:s7+s3], $0x40, s13, s3, $0xb8;
	[tilespmem:$0x14780] =	vst v63  }
0xf4: {  	s1 =	rddreg [dreg:$0xa]  }
0xf5: {  	[tilespmem:s5], [sflag:$0x1] =	stream.indirect.gather [hbm4b:s8+s3], $0x20, s14, s3, $0xb8;
	[tilespmem:$0x14780] =	vst v63  }
0xf6: {  	s12 =	rddreg [dreg:$0x9]  }
0xf7: {  	[tilespmem:s4], [sflag:$0x1] =	stream.indirect.gather [hbm4b:s10+s3], $0x20, s15, s3, $0xb8;
	[tilespmem:$0x14780] =	vst v63  }
0xf8: {  	s15 =	rddreg [dreg:$0x8]  }
0xf9: {  	[tilespmem:s15], [sflag:$0x1] =	stream.indirect.gather [hbm4b:s7+s3], $0x40, s3, s3, $0xb8;
	[tilespmem:$0x14780] =	vst v63  }
0xfa: {  	s13 =	rddreg [dreg:$0xe]  }
0xfb: {  	[tilespmem:s1], [sflag:$0x1] =	stream.indirect.gather [hbm4b:s8+s3], $0x20, s12, s3, $0xb8;
	[tilespmem:$0x14780] =	vst v63  }
0xfc: {  	s1 =	rddreg [dreg:$0xc]  }
0xfd: {  	s12 =	rddreg [dreg:$0xb]  }
0xfe: {  	[tilespmem:s1], [sflag:$0x1] =	stream.indirect.gather [hbm4b:s10+s3], $0x20, s12, s3, $0xb8;
	[tilespmem:$0x14780] =	vst v63  }
0xff: {  	s14 =	rddreg [dreg:$0xd]  }
0x100: {  	[tilespmem:s13], [sflag:$0x1] =	stream.indirect.gather [hbm4b:s7+s3], $0x40, s14, s3, $0xb8;
	[tilespmem:$0x14780] =	vst v63  }
0x101: {  	s15 =	rddreg [dreg:$0xf]  }
0x102: {  	[tilespmem:s16], [sflag:$0x1] =	stream.indirect.gather [hbm4b:s8+s3], $0x20, s15, s3, $0xb8;
	[tilespmem:$0x14780] =	vst v63  }
0x103: {  	_ = 	snop  }
0x104: {  	[tilespmem:s20], [sflag:$0x1] =	stream.indirect.gather [hbm4b:s10+s3], $0x20, s19, s3, $0xb8;
	[tilespmem:$0x14780] =	vst v63  }
0x105: {  	_ = 	snop  }
0x106: {  	[tilespmem:s22], [sflag:$0x1] =	stream.indirect.gather [hbm4b:s7+s3], $0x40, s21, s3, $0xb8;
	[tilespmem:$0x14780] =	vst v63  }
0x107: {  	_ = 	snop  }
0x108: {  	[tilespmem:s24], [sflag:$0x1] =	stream.indirect.gather [hbm4b:s8+s3], $0x20, s23, s3, $0xb8;
	[tilespmem:$0x14780] =	vst v63  }
0x109: {  	_ = 	snop  }
0x10a: {  	[tilespmem:s26], [sflag:$0x1] =	stream.indirect.gather [hbm4b:s10+s3], $0x20, s25, s3, $0xb8;
	[tilespmem:$0x14780] =	vst v63  }
0x10b: {  	_ = 	snop  }
0x10c: {  	[tilespmem:s29], [sflag:$0x1] =	stream.indirect.gather [hbm4b:s7+s3], $0x40, s28, s3, $0xb8;
	[tilespmem:$0x14780] =	vst v63  }
0x10d: {  	_ = 	snop  }
0x10e: {  	[tilespmem:s31], [sflag:$0x1] =	stream.indirect.gather [hbm4b:s8+s3], $0x20, s30, s3, $0xb8;
	[tilespmem:$0x14780] =	vst v63  }
0x10f: {  	s25 =	simm.s32 $0x700;
	s26 =	simm.s32 $0x13780  }
0x110: {  	[tilespmem:s26], [sflag:$0x1] =	stream.indirect.gather [hbm4b:s10+s3], $0x20, s25, s3, $0xb8;
	[tilespmem:$0x14780] =	vst v63  }
0x111: {  	_ =	swait.ge [sflag:s11], $0x2000  }
0x112: {  	[sflag:s11] =	ssyncset.done $0x0  }
0x113: {  	[sflag:s11] =	ssyncadd.s32 $0xFFFFE000  }
0x114: {  	_ =	swait.ge [sflag:s11], $0x1000  }
0x115: {  	[sflag:s11] =	ssyncset.done $0x0  }
0x116: {  	[sflag:s11] =	ssyncadd.s32 $0xFFFFF000  }
0x117: {  	_ =	swait.ge [sflag:s11], $0x1000  }
0x118: {  	[sflag:s11] =	ssyncset.done $0x0  }
0x119: {  	[sflag:s11] =	ssyncadd.s32 $0xFFFFF000  }
0x11a: {  	_ =	swait.ge [sflag:s11], $0x2000  }
0x11b: {  	[sflag:s11] =	ssyncset.done $0x0  }
0x11c: {  	[sflag:s11] =	ssyncadd.s32 $0xFFFFE000  }
0x11d: {  	_ =	swait.ge [sflag:s11], $0x1000  }
0x11e: {  	[sflag:s11] =	ssyncset.done $0x0  }
0x11f: {  	[sflag:s11] =	ssyncadd.s32 $0xFFFFF000  }
0x120: {  	_ =	swait.ge [sflag:s11], $0x1000  }
0x121: {  	[sflag:s11] =	ssyncset.done $0x0  }
0x122: {  	[sflag:s11] =	ssyncadd.s32 $0xFFFFF000  }
0x123: {  	_ =	swait.ge [sflag:s11], $0x2000  }
0x124: {  	[sflag:s11] =	ssyncset.done $0x0  }
0x125: {  	[sflag:s11] =	ssyncadd.s32 $0xFFFFE000  }
0x126: {  	_ =	swait.ge [sflag:s11], $0x1000  }
0x127: {  	[sflag:s11] =	ssyncset.done $0x0  }
0x128: {  	[sflag:s11] =	ssyncadd.s32 $0xFFFFF000  }
0x129: {  	_ =	swait.ge [sflag:s11], $0x1000  }
0x12a: {  	[sflag:s11] =	ssyncset.done $0x0  }
0x12b: {  	[sflag:s11] =	ssyncadd.s32 $0xFFFFF000  }
0x12c: {  	_ =	swait.ge [sflag:s11], $0x2000  }
0x12d: {  	[sflag:s11] =	ssyncset.done $0x0  }
0x12e: {  	[sflag:s11] =	ssyncadd.s32 $0xFFFFE000  }
0x12f: {  	_ =	swait.ge [sflag:s11], $0x1000  }
0x130: {  	[sflag:s11] =	ssyncset.done $0x0  }
0x131: {  	[sflag:s11] =	ssyncadd.s32 $0xFFFFF000  }
0x132: {  	_ =	swait.ge [sflag:s11], $0x1000  }
0x133: {  	[sflag:s11] =	ssyncset.done $0x0  }
0x134: {  	[sflag:s11] =	ssyncadd.s32 $0xFFFFF000  }
0x135: {  	_ =	swait.ge [sflag:s11], $0x2000  }
0x136: {  	[sflag:s11] =	ssyncset.done $0x0  }
0x137: {  	[sflag:s11] =	ssyncadd.s32 $0xFFFFE000  }
0x138: {  	_ =	swait.ge [sflag:s11], $0x1000  }
0x139: {  	[sflag:s11] =	ssyncset.done $0x0  }
0x13a: {  	[sflag:s11] =	ssyncadd.s32 $0xFFFFF000  }
0x13b: {  	_ =	swait.ge [sflag:s11], $0x1000  }
0x13c: {  	[sflag:s11] =	ssyncset.done $0x0  }
0x13d: {  	s28 =	rddreg [dreg:$0x5];
	[sflag:s11] =	ssyncadd.s32 $0xFFFFF000  }
0x13e: {  	[hbm4b:s28+s18] =	stream.strided.scatter [tilespmem:s6], [sflag:$0x2], $0xA000, s3, s18, $0x38;
	[tilespmem:$0x14780] =	vst v63  }
0x13f: {  	_ =	swait.ge [sflag:s2], $0xA000  }
0x140: {  	[sflag:s2] =	ssyncset.done $0x0  }
0x141: {  	s29 =	rddreg [dreg:$0x6];
	[sflag:s2] =	ssyncadd.s32 $0xFFFF6000  }
0x142: {  	[hbm4b:s29+s9] =	stream.strided.scatter [tilespmem:s5], [sflag:$0x2], $0x5000, s3, s9, $0x38;
	[tilespmem:$0x14780] =	vst v63  }
0x143: {  	_ =	swait.ge [sflag:s2], $0x5000  }
0x144: {  	[sflag:s2] =	ssyncset.done $0x0  }
0x145: {  	s30 =	rddreg [dreg:$0x7];
	[sflag:s2] =	ssyncadd.s32 $0xFFFFB000  }
0x146: {  	[hbm4b:s30+s9] =	stream.strided.scatter [tilespmem:s4], [sflag:$0x2], $0x5000, s3, s9, $0x38;
	[tilespmem:$0x14780] =	vst v63  }
0x147: {  	_ =	swait.ge [sflag:s2], $0x5000  }
0x148: {  	[sflag:s2] =	ssyncset.done $0x0  }
0x149: {  	[sflag:s2] =	ssyncadd.s32 $0xFFFFB000  }
0x14a: {  	_ =	sfence.sel $0x180000  }
0x14b: {  	s31 =	stileid.u32;
	[bflag:$0x0] =	sbarrier.arrive $0xFFFF  }
0x14c: {  	p0 =	sne.s32 s31, $0x0;
	_ =	strace $0x90000050  }
0x14d: {  	s0 =	sadd.s32 @!p0 $0x100000, s17;
	[bflag:$0x2] =	sbarrier.arrive $0xFFFF  }
0x14e: {  	[sflag:s0] =	ssyncadd.tile.s32 @!p0 $0x1;
	_ =	shalt  }
.LBB2_1:
.Ltmp3:
0x14f: {  	(pc) =	sbr.rel .LBB2_6-.Ltmp3, $4  }
0x150: {  	s31 =	simm.s32 $0xE780;
	s30 =	simm.s32 $0x480;
	s29 =	simm.s32 $0x8780  }
0x151: {  	s28 =	simm.s32 $0x200;
	s26 =	simm.s32 $0x12780;
	s25 =	simm.s32 $0x680  }
0x152: {  	s24 =	simm.s32 $0xD780;
	s23 =	simm.s32 $0x400;
	s22 =	simm.s32 $0x6780  }
0x153: {  	s21 =	simm.s32 $0x180;
	s20 =	simm.s32 $0x11780;
	s16 =	simm.s32 $0xC780  }
.LBB2_3:
.Ltmp4:
0x154: {  	s31 =	simm.s32 $0xE780;
	(pc) =	sbr.rel .LBB2_6-.Ltmp4, $4  }
0x155: {  	s30 =	simm.s32 $0x480;
	s29 =	simm.s32 $0x8780;
	s28 =	simm.s32 $0x200  }
0x156: {  	s26 =	simm.s32 $0x12780;
	s25 =	simm.s32 $0x680;
	s24 =	simm.s32 $0xD780  }
0x157: {  	s23 =	simm.s32 $0x400;
	s22 =	simm.s32 $0x6780;
	s21 =	simm.s32 $0x180  }
0x158: {  	s20 =	simm.s32 $0x11780;
	s16 =	simm.s32 $0xC780;
	s17 =	rddreg [dreg:$0x1]  }
.Lfunc_end2:
_tile_overlayer_lowered:
.L_overlay_start_2:
0x159: {  	(tag) =	ssettag $0x2  }
0x15a: {  	s0 =	rddreg [dreg:$0x0];
	s2 =	stileid.u32  }
0x15b: {  	s1 =	rddreg [dreg:$0x1];
	p0 =	sne.s32 s2, $0x0  }
0x15c: {  	s3 =	rddreg [dreg:$0x2];
	[bflag:$0x3] =	sbarrier.arrive $0xFFFF;
	s2 =	simm.s32 @!p0 $0x1C02  }
0x15d: {  	[timem:s3], [sflag:s2] =	dma.local @!p0 [hbm:s0], s1  }
0x15e: {  	s0 =	simm.s32 @!p0 $0x2  }
0x15f: {  	_ =	swait.ge @!p0 [sflag:s0], s1  }
0x160: {  	s1 =	ssub.s32 @!p0 $0x0, s1;
	[sflag:s0] =	ssyncset.done @!p0 $0x0  }
0x161: {  	[sflag:s0] =	ssyncadd.s32 @!p0 s1  }
0x162: {  	[bflag:$0x3] =	sbarrier.arrive $0xFFFF  }
0x163: {  	_ =	shalt  }

// kernel: kernel.24.cloned.1.call-start
scs
__scs_entry_jumppad:
0x0: {  	(pc) =	sbr.rel $0x88, $3  }
0x1: {  	(tag) =	ssettag $0x0;
	lr =	simm.s32 $0x1  }
0x2: {  	[smem:$0x3F95] =	sst lr;
	_ =	strace $0xD0000000  }
0x3: {  	_ = 	snop  }
0x4: {  	_ = 	snop  }
0x5: {  	_ = 	snop  }
0x6: {  	_ = 	snop  }
0x7: {  	_ = 	snop  }
__scs_overlays_trampoline_lowered:
0x8: {  	[smem:$0x3FA4] =	sst s0  }
0x9: {  	[smem:$0x3FA5] =	sst s1  }
0xa: {  	[smem:$0x3FA6] =	sst s2  }
0xb: {  	[smem:$0x3FA7] =	sst s3  }
0xc: {  	[smem:$0x3FA8] =	sst s4  }
0xd: {  	[smem:$0x3FA9] =	sst s5  }
0xe: {  	[smem:$0x3FAA] =	sst s6  }
0xf: {  	[smem:$0x3FAB] =	sst s7  }
0x10: {  	[smem:$0x3FAC] =	sst s8  }
0x11: {  	[smem:$0x3FAD] =	sst s9;
	s0 =	simm.s32 @!p0 $0x0  }
0x12: {  	s1 =	sld [smem:$0x3F93];
	s0 =	simm.s32 @p0 $0x1  }
0x13: {  	[smem:$0x3FAE] =	sst s0;
	s0 =	simm.s32 @!p1 $0x0  }
0x14: {  	s2 =	sld [smem:$0x3F92];
	s0 =	simm.s32 @p1 $0x1  }
0x15: {  	[smem:$0x3FAF] =	sst s0;
	s0 =	simm.s32 @!p2 $0x0  }
0x16: {  	s3 =	sld [smem:$0x3FDB];
	s0 =	simm.s32 @p2 $0x1  }
0x17: {  	s4 =	simm.s32 $0x1BF5;
	[smem:$0x3FB1] =	sst s0  }
0x18: {  	s0 =	sld [smem:$0x3F94];
	_ =	swait.ge [sflag:s4], $0x0  }
0x19: {  	s7 =	sld [smem:$0x3F95]  }
0x1a: {  	s8 =	sadd.s32 $0xFFFFE003, lr  }
0x1b: {  	s9 =	sadd.s32 $0xFFFFFEF7, lr;
	s5 =	simm.s32 $0xFFFFFFFF;
	p2 =	slt.u32 s8, $0xFFFFF086  }
0x1c: {  	p1 =	slt.u32 s9, $0xF7A;
	s5 =	simm.s32 @!p2 $0x0  }
0x1d: {  	s5 =	simm.s32 @p1 $0x1;
	p0 =	seq.s32 s7, s2  }
0x1e: {  	s7 =	smul.u32 @!p0 $0xF7A, s2;
	p2 =	seq.s32 @!p0 s5, $0x0  }
0x1f: {  	s9 =	smul.u32 $0xF7A, s1;
	s8 =	simm.s32 @!p0 $0x1BF5;
	p2 =	por !p2, p0  }
0x20: {  	[sflag:s8] =	ssyncset.s32 @!p0 $0xFFFFF086;
	s6 =	sadd.s32 @!p0 s3, s7;
	s7 =	simm.s32 @!p0 $0x108  }
0x21: {  	s3 =	sadd.s32 s3, s9;
	s6 =	sadd.s32 @!p0 $0x88, s6;
	s7 =	simm.s32 @p2 $0x1082  }
0x22: {  	[simem:s7], [sflag:s8] =	dma.local @!p0 [hbm:s6], $0xF7A  }
0x23: {  	s9 =	sor.u32 $0xD0000000, s2;
	s6 =	simm.s32 $0x108;
	_ =	swait.ge @!p0 [sflag:s8], $0x0  }
0x24: {  	s3 =	sadd.s32 $0x88, s3;
	s6 =	simm.s32 @!p1 $0x1082;
	[sflag:s4] =	ssyncset.s32 $0xFFFFF086  }
0x25: {  	[simem:s6], [sflag:s4] =	dma.local [hbm:s3], $0xF7A  }
0x26: {  	[smem:$0x3F95] =	sst s1;
	(tag) =	ssettag s2;
	_ =	strace s9  }
0x27: {  	s1 =	sld [smem:$0x3FA5]  }
0x28: {  	s2 =	sld [smem:$0x3FA6]  }
0x29: {  	s4 =	sld [smem:$0x3FA8]  }
0x2a: {  	p0 =	seq.s32 s5, $0x0;
	s5 =	sld [smem:$0x3FA9]  }
0x2b: {  	s6 =	sld [smem:$0x3FAA]  }
0x2c: {  	s7 =	sld [smem:$0x3FAB]  }
0x2d: {  	s3 =	simm.s32 $0x108;
	s8 =	sld [smem:$0x3FAC]  }
0x2e: {  	s3 =	simm.s32 @!p0 $0x1082;
	s9 =	sld [smem:$0x3FAD]  }
0x2f: {  	lr =	sadd.s32 s0, s3;
	s0 =	sld [smem:$0x3FA4]  }
0x30: {  	s3 =	sld [smem:$0x3FA7]  }
0x31: {  	[smem:$0x3FB0] =	sst s10  }
0x32: {  	s10 =	sld [smem:$0x3FAE];
	_ =	sdelay $0x3  }
0x33: {  	p0 =	seq.s32 s10, $0x1;
	s10 =	sld [smem:$0x3FB0];
	_ =	sdelay $0x3  }
0x34: {  	[smem:$0x3FB0] =	sst s10  }
0x35: {  	s10 =	sld [smem:$0x3FAF];
	_ =	sdelay $0x3  }
0x36: {  	p1 =	seq.s32 s10, $0x1;
	s10 =	sld [smem:$0x3FB0];
	_ =	sdelay $0x3  }
0x37: {  	[smem:$0x3FB0] =	sst s10  }
0x38: {  	s10 =	sld [smem:$0x3FB1]  }
0x39: {  	_ = 	snop;
	(pc) =	sbr.ind lr, $3  }
0x3a: {  	_ = 	snop  }
0x3b: {  	_ = 	snop  }
0x3c: {  	p2 =	seq.s32 s10, $0x1;
	s10 =	sld [smem:$0x3FB0]  }
0x3d: {  	_ =	shalt  }
0x3e: {  	_ =	shalt  }
0x3f: {  	_ =	shalt  }
0x40: {  	_ =	shalt  }
0x41: {  	_ =	shalt  }
0x42: {  	_ =	shalt  }
0x43: {  	_ =	shalt  }
0x44: {  	_ =	shalt  }
0x45: {  	_ =	shalt  }
0x46: {  	_ =	shalt  }
0x47: {  	_ =	shalt  }
0x48: {  	_ =	shalt  }
0x49: {  	_ =	shalt  }
0x4a: {  	_ =	shalt  }
0x4b: {  	_ =	shalt  }
0x4c: {  	_ =	shalt  }
0x4d: {  	_ =	shalt  }
0x4e: {  	_ =	shalt  }
0x4f: {  	_ =	shalt  }
0x50: {  	_ =	shalt  }
0x51: {  	_ =	shalt  }
0x52: {  	_ =	shalt  }
0x53: {  	_ =	shalt  }
0x54: {  	_ =	shalt  }
0x55: {  	_ =	shalt  }
0x56: {  	_ =	shalt  }
0x57: {  	_ =	shalt  }
0x58: {  	_ =	shalt  }
0x59: {  	_ =	shalt  }
0x5a: {  	_ =	shalt  }
0x5b: {  	_ =	shalt  }
0x5c: {  	_ =	shalt  }
0x5d: {  	_ =	shalt  }
0x5e: {  	_ =	shalt  }
0x5f: {  	_ =	shalt  }
0x60: {  	_ =	shalt  }
0x61: {  	_ =	shalt  }
0x62: {  	_ =	shalt  }
0x63: {  	_ =	shalt  }
0x64: {  	_ =	shalt  }
0x65: {  	_ =	shalt  }
0x66: {  	_ =	shalt  }
0x67: {  	_ =	shalt  }
0x68: {  	_ =	shalt  }
0x69: {  	_ =	shalt  }
0x6a: {  	_ =	shalt  }
0x6b: {  	_ =	shalt  }
0x6c: {  	_ =	shalt  }
0x6d: {  	_ =	shalt  }
0x6e: {  	_ =	shalt  }
0x6f: {  	_ =	shalt  }
0x70: {  	_ =	shalt  }
0x71: {  	_ =	shalt  }
0x72: {  	_ =	shalt  }
0x73: {  	_ =	shalt  }
0x74: {  	_ =	shalt  }
0x75: {  	_ =	shalt  }
0x76: {  	_ =	shalt  }
0x77: {  	_ =	shalt  }
0x78: {  	_ =	shalt  }
0x79: {  	_ =	shalt  }
0x7a: {  	_ =	shalt  }
0x7b: {  	_ =	shalt  }
0x7c: {  	_ =	shalt  }
0x7d: {  	_ =	shalt  }
0x7e: {  	_ =	shalt  }
0x7f: {  	_ =	shalt  }
0x80: {  	_ =	shalt  }
0x81: {  	_ =	shalt  }
0x82: {  	_ =	shalt  }
0x83: {  	_ =	shalt  }
0x84: {  	_ =	shalt  }
0x85: {  	_ =	shalt  }
0x86: {  	_ =	shalt  }
0x87: {  	_ =	shalt  }
.Lfunc_end0:
.L_simem_size_0:
called_computation.4_lowered:
.L_overlay_start_0:
0x88: {  	s2 =	sld [smem:$0x3FD9]  }
0x89: {  	s3 =	sld [smem:$0x3FFE];
	_ =	sdelay $0x1  }
0x8a: {  	s1 =	srdreg.scid  }
0x8b: {  	s0 =	sand.u32 $0x1, s1  }
0x8c: {  	s17 =	sshll.u32 s0, $0xA;
	s2 =	sadd.s32 s3, s2  }
0x8d: {  	s2 =	sadd.s32 s2, s17  }
0x8e: {  	[smem:$0x3FBC] =	sst s2  }
0x8f: {  	_ = 	snop  }
0x90: {  	s18 =	sld [smem:$0x3FD0];
	(tm) =	ssettm $0x1  }
0x91: {  	s19 =	sld [smem:$0x3FFB];
	_ =	sdelay $0x3  }
0x92: {  	_ =	strace s19  }
0x93: {  	s2 =	sld [smem:$0x3FFC];
	_ =	sdelay $0x3  }
0x94: {  	_ =	strace s2  }
0x95: {  	s2 =	sld [smem:$0x3FFD];
	_ =	sdelay $0x3  }
0x96: {  	_ =	strace s2  }
0x97: {  	_ =	strace $0x8FFFFFFF  }
0x98: {  	s20 =	sld [smem:$0x3FDB];
	_ =	sdelay $0x1  }
0x99: {  	s4 =	simm.s32 $_scs_section_size  }
0x9a: {  	s5 =	simm.s32 $_size__tile_overlayer_lowered;
	s6 =	simm.s32 $_tile_overlayer_lowered  }
0x9b: {  	s7 =	simm.s32 $0x1BFF;
	s21 =	sshll.u32 s6, $0x1;
	s4 =	sadd.s32 s4, s20  }
0x9c: {  	s22 =	simm.s32 $0x0;
	s5 =	sshll.u32 s5, $0x1;
	s6 =	sadd.s32 s21, s4  }
0x9d: {  	[timem:s22], [sflag:s7] =	dma.local [hbm:s6], s5  }
0x9e: {  	_ =	swait.ge [sflag:s7], s5  }
0x9f: {  	s5 =	ssub.s32 $0x0, s5;
	[sflag:s7] =	ssyncset.done $0x0  }
0xa0: {  	[sflag:s7] =	ssyncadd.s32 s5;
	_ =	sdelay $0x1  }
0xa1: {  	s23 =	simm.s32 $0x1B8B  }
0xa2: {  	_ =	swait.ge [sflag:s23], $0x1  }
0xa3: {  	[sflag:s23] =	ssyncset.done $0x0  }
0xa4: {  	[sflag:s23] =	ssyncadd.s32 $0xFFFFFFFF  }
0xa5: {  	s5 =	sld [smem:$0x0]  }
0xa6: {  	s6 =	sand.u32 $0xFFFFFFFE, s1  }
0xa7: {  	p0 =	sne.s32 s1, s6  }
0xa8: {  	s6 =	sshll.u32 @p0 s6, $0xE  }
0xa9: {  	s6 =	sadd.s32 @p0 $0x11B8D, s6;
	s7 =	sshll.u32 @p0 s5, $0x11  }
0xaa: {  	s6 =	sor.u32 @p0 s7, s6  }
0xab: {  	[sflag:s6] =	ssyncadd.remote.s32 @p0 $0x1;
	_ =	sdelay $0x1  }
0xac: {  	s6 =	simm.s32 @p0 $0x1B8D  }
0xad: {  	_ =	swait.eq @p0 [sflag:s6], $0x1  }
0xae: {  	[sflag:s6] =	ssyncadd.s32 @p0 $0xFFFFFFFF  }
0xaf: {  	s7 =	sshll.u32 @!p0 s1, $0xE  }
0xb0: {  	s7 =	sor.u32 @!p0 $0x4000, s7;
	s6 =	simm.s32 @!p0 $0x1B8D  }
0xb1: {  	s5 =	sshll.u32 @!p0 s5, $0x11;
	s7 =	sadd.s32 @!p0 $0x11B8D, s7;
	_ =	swait.eq @!p0 [sflag:s6], $0x1  }
0xb2: {  	s5 =	sor.u32 @!p0 s5, s7;
	[sflag:s6] =	ssyncadd.s32 @!p0 $0xFFFFFFFF  }
0xb3: {  	s25 =	simm.s32 $0x1B8E;
	s24 =	sld [smem:$0x3FFE];
	[sflag:s5] =	ssyncadd.remote.s32 @!p0 $0x1  }
0xb4: {  	s26 =	simm.s32 $execute0_lowered;
	[smem:$0x3FD2] =	sst s25  }
0xb5: {  	s6 =	sshll.u32 s26, $0x1;
	_ =	strace $0x80000052;
	[dreg:$0x1] =	wrdreg $0xFFFFFFFF  }
0xb6: {  	s28 =	simm.s32 $_size_execute0_lowered;
	s4 =	sadd.s32 s4, s6;
	[dreg:$0x0] =	wrdreg $0x0  }
0xb7: {  	s6 =	sshll.u32 s28, $0x1;
	[dreg:$0x2] =	wrdreg s4  }
0xb8: {  	[dreg:$0x3] =	wrdreg s6  }
0xb9: {  	[dreg:$0x4] =	wrdreg $0xC0  }
0xba: {  	_ =	task [dreg:s22], $0x5FFFF  }
0xbb: {  	[dreg:$0x1] =	wrdreg $0xFFFFFFFF  }
0xbc: {  	[dreg:$0x0] =	wrdreg $0x60  }
0xbd: {  	[dreg:$0x2] =	wrdreg s24  }
0xbe: {  	[dreg:$0x3] =	wrdreg s18  }
0xbf: {  	[dreg:$0x4] =	wrdreg $0xD  }
0xc0: {  	_ =	task.clear_ibuf [dreg:s22], $0x5FFFF;
	_ =	strace $0x90000052  }
0xc1: {  	s29 =	simm.s32 $0xD;
	_ =	strace $0x80000054  }
0xc2: {  	_ =	swait.ge [sflag:s29], $0x1  }
0xc3: {  	[sflag:s29] =	ssyncadd.s32 $0xFFFFFFFF  }
0xc4: {  	_ =	strace $0x90000054  }
0xc5: {  	_ =	sfence  }
0xc6: {  	s30 =	sld [smem:$0x0];
	_ =	sdelay $0x2  }
0xc7: {  	s31 =	sshll.u32 s1, $0xD;
	s1 =	sshrl.u32 s1, $0x2  }
0xc8: {  	s4 =	sand.u32 $0x4000, s31;
	s1 =	sadd.s32 s1, s30  }
0xc9: {  	s0 =	sor.u32 s4, s0;
	s1 =	sshll.u32 s1, $0x11  }
0xca: {  	s0 =	sor.u32 s1, s0  }
0xcb: {  	s0 =	sadd.s32 $0x8F2B, s0  }
0xcc: {  	[sflag:s0] =	ssyncadd.remote.s32 $0x1  }
0xcd: {  	_ =	sfence.sel $0xFFFF  }
0xce: {  	[dreg:$0x0] =	wrdreg $0xFFFFFFFF;
	(pc) =	sbr.abs _section_cstart, $3  }
0xcf: {  	[dreg:$0x1] =	wrdreg $0xFFFFFFFF  }
0xd0: {  	_ =	task.clear_ibuf [dreg:s22], $0x2FFFF;
	_ =	strace $0x9FFFFFFF  }
0xd1: {  	(tm) =	ssettm $0x7FFFFFFF  }
tec
execute0_lowered:
.L_overlay_start_1:
0x0: {  	(tag) =	ssettag $0x1  }
0x1: {  	s2 =	rddreg [dreg:$0x0]  }
0x2: {  	s1 =	srdreg.scid;
	s4 =	rddreg [dreg:$0x1]  }
0x3: {  	s17 =	stileid.u32;
	s18 =	rddreg [dreg:$0x2];
	s14 =	simm.s32 $0x0  }
0x4: {  	s19 =	simm.s32 $0x2780;
	s20 =	simm.s32 $0x300;
	s21 =	simm.s32 $0xB780  }
0x5: {  	s22 =	simm.s32 $0x580;
	s23 =	simm.s32 $0x10780;
	s24 =	simm.s32 $0x100  }
0x6: {  	s7 =	simm.s32 $0x780;
	s25 =	simm.s32 $0x4780;
	[smem:$0x7FF] =	sst s14  }
0x7: {  	s11 =	simm.s32 $0x380;
	_ =	strace $0x80000053;
	[dreg:$0x8] =	wrdreg s19  }
0x8: {  	s26 =	simm.s32 $0xC780;
	s28 =	simm.s32 $0x480;
	[dreg:$0x9] =	wrdreg s20  }
0x9: {  	p0 =	por $0x0, $0x0;
	s29 =	simm.s32 $0xE780;
	[dreg:$0xa] =	wrdreg s21  }
0xa: {  	s30 =	simm.s32 $0x700;
	s31 =	simm.s32 $0x13780;
	[dreg:$0xb] =	wrdreg s22  }
0xb: {  	s12 =	simm.s32 $0x1;
	s1 =	sand.u32 $0x1, s1;
	[dreg:$0xc] =	wrdreg s23  }
0xc: {  	s3 =	sshll.u32 s17, $0x1;
	s8 =	sadd.s32 $0x3800, s2;
	[dreg:$0xd] =	wrdreg s24  }
0xd: {  	s9 =	sadd.s32 $0xCBE00, s2;
	s10 =	sadd.s32 $0xC6E00, s2;
	[dreg:$0xe] =	wrdreg s25  }
0xe: {  	s3 =	sor.u32 s1, s3;
	s1 =	ssub.s32 $0x2, s1;
	[dreg:$0xf] =	wrdreg s11  }
0xf: {  	[dreg:$0x10] =	wrdreg s26;
	s20 =	simm.s32 $0x600;
	s21 =	simm.s32 $0x400  }
0x10: {  	s22 =	simm.s32 $0xD780;
	s23 =	simm.s32 $0x680;
	s24 =	simm.s32 $0x12780  }
0x11: {  	s25 =	simm.s32 $0x200;
	s26 =	simm.s32 $0x8780;
	s5 =	smul.u32 $0x50, s3  }
0x12: {  	s19 =	simm.s32 $0x40;
	s3 =	smul.u32 $0x2800, s3;
	s15 =	sshrl.u32 s1, $0x1  }
0x13: {  	s11 =	simm.s32 $0x20;
	s1 =	ssub.s32 s1, s15;
	s5 =	sadd.s32 s5, s2  }
0x14: {  	s2 =	sadd.s32 s4, s3;
	s1 =	smax.u32 s1, $0x1;
	s6 =	sadd.s32 $0xD5A00, s5  }
0x15: {  	s13 =	sadd.s32 $0xD2800, s5;
	p1 =	sne.s32 s1, $0x1;
	[dreg:$0x3] =	wrdreg s6  }
.Ltmp0:
0x16: {  	s5 =	sadd.s32 $0xCF600, s5;
	[dreg:$0x4] =	wrdreg s13;
	(pc) =	sbr.rel @!p1 .LBB2_5-.Ltmp0, $4  }
0x17: {  	s15 =	simm.s32 $0x280;
	s3 =	sadd.s32 $0x8, s2;
	[dreg:$0x5] =	wrdreg s5  }
0x18: {  	s4 =	simm.s32 $0x80;
	s16 =	sadd.s32 $0xC, s2;
	[dreg:$0x6] =	wrdreg s3  }
0x19: {  	s0 =	sadd.s32 $0xFFFFFFFF, s1;
	[dreg:$0x7] =	wrdreg s16;
	s3 =	simm.s32 $0x2  }
0x1a: {  	s16 =	simm.s32 $0x500;
	s6 =	simm.s32 $0xA780;
	s5 =	simm.s32 $0xF780  }
0x1b: {  	[dreg:$0x13] =	wrdreg s0  }
0x1c: {  	s13 =	rddreg [dreg:$0x3]  }
0x1d: {  	[tilespmem:s14], [sflag:$0x2] =	stream.linear.gather [hbm4b:s13+s14], $0x280, $0x38;
	[tilespmem:$0x14780] =	vst v63  }
0x1e: {  	_ =	swait.ge [sflag:s3], $0x280  }
0x1f: {  	[sflag:s3] =	ssyncset.done $0x0  }
0x20: {  	s17 =	rddreg [dreg:$0x4];
	[sflag:s3] =	ssyncadd.s32 $0xFFFFFD80  }
0x21: {  	[tilespmem:s15], [sflag:$0x2] =	stream.linear.gather [hbm4b:s17+s14], $0x280, $0x38;
	[tilespmem:$0x14780] =	vst v63  }
0x22: {  	_ =	swait.ge [sflag:s3], $0x280  }
0x23: {  	[sflag:s3] =	ssyncset.done $0x0  }
0x24: {  	s18 =	rddreg [dreg:$0x5];
	[sflag:s3] =	ssyncadd.s32 $0xFFFFFD80  }
0x25: {  	[tilespmem:s16], [sflag:$0x2] =	stream.linear.gather [hbm4b:s18+s14], $0x280, $0x38;
	[tilespmem:$0x14780] =	vst v63  }
0x26: {  	_ =	swait.ge [sflag:s3], $0x280  }
0x27: {  	s18 =	rddreg [dreg:$0xa]  }
0x28: {  	s1 =	rddreg [dreg:$0xc]  }
0x29: {  	s13 =	rddreg [dreg:$0x8]  }
0x2a: {  	[sflag:s3] =	ssyncset.done $0x0;
	s0 =	rddreg [dreg:$0xb]  }
0x2b: {  	s17 =	rddreg [dreg:$0xd];
	[sflag:s3] =	ssyncadd.s32 $0xFFFFFD80  }
0x2c: {  	[tilespmem:s7], [sflag:$0x1] =	stream.indirect.gather [hbm4b:s8+s4], $0x40, s14, s4, $0xb8;
	[tilespmem:$0x14780] =	vst v63  }
0x2d: {  	[dreg:$0x11] =	wrdreg s1  }
0x2e: {  	[tilespmem:s6], [sflag:$0x1] =	stream.indirect.gather [hbm4b:s9+s4], $0x20, s15, s4, $0xb8;
	[tilespmem:$0x14780] =	vst v63  }
0x2f: {  	s1 =	rddreg [dreg:$0x9]  }
0x30: {  	[tilespmem:s5], [sflag:$0x1] =	stream.indirect.gather [hbm4b:s10+s4], $0x20, s16, s4, $0xb8;
	[tilespmem:$0x14780] =	vst v63  }
0x31: {  	[dreg:$0x12] =	wrdreg s17  }
0x32: {  	[tilespmem:s13], [sflag:$0x1] =	stream.indirect.gather [hbm4b:s8+s4], $0x40, s4, s4, $0xb8;
	[tilespmem:$0x14780] =	vst v63  }
0x33: {  	s13 =	rddreg [dreg:$0x11]  }
0x34: {  	[tilespmem:s18], [sflag:$0x1] =	stream.indirect.gather [hbm4b:s9+s4], $0x20, s1, s4, $0xb8;
	[tilespmem:$0x14780] =	vst v63  }
0x35: {  	s18 =	rddreg [dreg:$0xe]  }
0x36: {  	s1 =	rddreg [dreg:$0x10]  }
0x37: {  	[tilespmem:s13], [sflag:$0x1] =	stream.indirect.gather [hbm4b:s10+s4], $0x20, s0, s4, $0xb8;
	[tilespmem:$0x14780] =	vst v63  }
0x38: {  	s13 =	rddreg [dreg:$0x12]  }
0x39: {  	[tilespmem:s18], [sflag:$0x1] =	stream.indirect.gather [hbm4b:s8+s4], $0x40, s13, s4, $0xb8;
	[tilespmem:$0x14780] =	vst v63  }
0x3a: {  	s0 =	rddreg [dreg:$0xf]  }
0x3b: {  	[tilespmem:s1], [sflag:$0x1] =	stream.indirect.gather [hbm4b:s9+s4], $0x20, s0, s4, $0xb8;
	[tilespmem:$0x14780] =	vst v63  }
0x3c: {  	s17 =	simm.s32 $0x11780  }
0x3d: {  	[tilespmem:s17], [sflag:$0x1] =	stream.indirect.gather [hbm4b:s10+s4], $0x20, s20, s4, $0xb8;
	[tilespmem:$0x14780] =	vst v63  }
0x3e: {  	s18 =	simm.s32 $0x6780;
	s17 =	simm.s32 $0x180  }
0x3f: {  	[tilespmem:s18], [sflag:$0x1] =	stream.indirect.gather [hbm4b:s8+s4], $0x40, s17, s4, $0xb8;
	[tilespmem:$0x14780] =	vst v63  }
0x40: {  	_ = 	snop  }
0x41: {  	[tilespmem:s22], [sflag:$0x1] =	stream.indirect.gather [hbm4b:s9+s4], $0x20, s21, s4, $0xb8;
	[tilespmem:$0x14780] =	vst v63  }
0x42: {  	_ = 	snop  }
0x43: {  	[tilespmem:s24], [sflag:$0x1] =	stream.indirect.gather [hbm4b:s10+s4], $0x20, s23, s4, $0xb8;
	[tilespmem:$0x14780] =	vst v63  }
0x44: {  	_ = 	snop  }
0x45: {  	[tilespmem:s26], [sflag:$0x1] =	stream.indirect.gather [hbm4b:s8+s4], $0x40, s25, s4, $0xb8;
	[tilespmem:$0x14780] =	vst v63  }
0x46: {  	_ = 	snop  }
0x47: {  	[tilespmem:s29], [sflag:$0x1] =	stream.indirect.gather [hbm4b:s9+s4], $0x20, s28, s4, $0xb8;
	[tilespmem:$0x14780] =	vst v63  }
0x48: {  	_ = 	snop  }
0x49: {  	[tilespmem:s31], [sflag:$0x1] =	stream.indirect.gather [hbm4b:s10+s4], $0x20, s30, s4, $0xb8;
	[tilespmem:$0x14780] =	vst v63  }
0x4a: {  	_ =	swait.ge [sflag:s12], $0x2000  }
0x4b: {  	[sflag:s12] =	ssyncset.done $0x0  }
0x4c: {  	[sflag:s12] =	ssyncadd.s32 $0xFFFFE000  }
0x4d: {  	_ =	swait.ge [sflag:s12], $0x1000  }
0x4e: {  	[sflag:s12] =	ssyncset.done $0x0  }
0x4f: {  	[sflag:s12] =	ssyncadd.s32 $0xFFFFF000  }
0x50: {  	_ =	swait.ge [sflag:s12], $0x1000  }
0x51: {  	[sflag:s12] =	ssyncset.done $0x0  }
0x52: {  	[sflag:s12] =	ssyncadd.s32 $0xFFFFF000  }
0x53: {  	_ =	swait.ge [sflag:s12], $0x2000  }
0x54: {  	[sflag:s12] =	ssyncset.done $0x0  }
0x55: {  	[sflag:s12] =	ssyncadd.s32 $0xFFFFE000  }
0x56: {  	_ =	swait.ge [sflag:s12], $0x1000  }
0x57: {  	[sflag:s12] =	ssyncset.done $0x0  }
0x58: {  	[sflag:s12] =	ssyncadd.s32 $0xFFFFF000  }
0x59: {  	_ =	swait.ge [sflag:s12], $0x1000  }
0x5a: {  	[sflag:s12] =	ssyncset.done $0x0  }
0x5b: {  	[sflag:s12] =	ssyncadd.s32 $0xFFFFF000  }
0x5c: {  	_ =	swait.ge [sflag:s12], $0x2000  }
0x5d: {  	[sflag:s12] =	ssyncset.done $0x0  }
0x5e: {  	[sflag:s12] =	ssyncadd.s32 $0xFFFFE000  }
0x5f: {  	_ =	swait.ge [sflag:s12], $0x1000  }
0x60: {  	[sflag:s12] =	ssyncset.done $0x0  }
0x61: {  	[sflag:s12] =	ssyncadd.s32 $0xFFFFF000  }
0x62: {  	_ =	swait.ge [sflag:s12], $0x1000  }
0x63: {  	[sflag:s12] =	ssyncset.done $0x0  }
0x64: {  	[sflag:s12] =	ssyncadd.s32 $0xFFFFF000  }
0x65: {  	_ =	swait.ge [sflag:s12], $0x2000  }
0x66: {  	[sflag:s12] =	ssyncset.done $0x0  }
0x67: {  	[sflag:s12] =	ssyncadd.s32 $0xFFFFE000  }
0x68: {  	_ =	swait.ge [sflag:s12], $0x1000  }
0x69: {  	[sflag:s12] =	ssyncset.done $0x0  }
0x6a: {  	[sflag:s12] =	ssyncadd.s32 $0xFFFFF000  }
0x6b: {  	_ =	swait.ge [sflag:s12], $0x1000  }
0x6c: {  	[sflag:s12] =	ssyncset.done $0x0  }
0x6d: {  	[sflag:s12] =	ssyncadd.s32 $0xFFFFF000  }
0x6e: {  	_ =	swait.ge [sflag:s12], $0x2000  }
0x6f: {  	[sflag:s12] =	ssyncset.done $0x0  }
0x70: {  	[sflag:s12] =	ssyncadd.s32 $0xFFFFE000  }
0x71: {  	_ =	swait.ge [sflag:s12], $0x1000  }
0x72: {  	[sflag:s12] =	ssyncset.done $0x0  }
0x73: {  	[sflag:s12] =	ssyncadd.s32 $0xFFFFF000  }
0x74: {  	_ =	swait.ge [sflag:s12], $0x1000  }
0x75: {  	[sflag:s12] =	ssyncset.done $0x0  }
0x76: {  	[sflag:s12] =	ssyncadd.s32 $0xFFFFF000  }
0x77: {  	[hbm4b:s2+s19] =	stream.strided.scatter [tilespmem:s7], [sflag:$0x2], $0xA000, s4, s19, $0x38;
	[tilespmem:$0x14780] =	vst v63  }
0x78: {  	_ =	swait.ge [sflag:s3], $0xA000  }
0x79: {  	[sflag:s3] =	ssyncset.done $0x0  }
0x7a: {  	s13 =	rddreg [dreg:$0x6];
	[sflag:s3] =	ssyncadd.s32 $0xFFFF6000  }
0x7b: {  	[hbm4b:s13+s11] =	stream.strided.scatter [tilespmem:s6], [sflag:$0x2], $0x5000, s4, s11, $0x38;
	[tilespmem:$0x14780] =	vst v63  }
0x7c: {  	_ =	swait.ge [sflag:s3], $0x5000  }
0x7d: {  	s18 =	rddreg [dreg:$0x13]  }
0x7e: {  	p1 =	sne.s32 s18, $0x1  }
.Ltmp1:
0x7f: {  	_ = 	snop;
	(pc) =	sbr.rel @!p1 .LBB2_2-.Ltmp1, $4  }
0x80: {  	[sflag:s3] =	ssyncset.done $0x0  }
0x81: {  	s17 =	rddreg [dreg:$0x7];
	[sflag:s3] =	ssyncadd.s32 $0xFFFFB000  }
0x82: {  	[hbm4b:s17+s11] =	stream.strided.scatter [tilespmem:s5], [sflag:$0x2], $0x5000, s4, s11, $0x38;
	[tilespmem:$0x14780] =	vst v63  }
0x83: {  	p0 =	por $0x1, $0x1;
	s1 =	sadd.s32 $0xFFFFFFFF, s18;
	_ =	swait.ge [sflag:s3], $0x5000  }
.LBB2_3:
0x84: {  	[sflag:s3] =	ssyncset.done $0x0  }
0x85: {  	s0 =	rddreg [dreg:$0x3];
	[sflag:s3] =	ssyncadd.s32 $0xFFFFB000  }
0x86: {  	[tilespmem:s14], [sflag:$0x2] =	stream.linear.gather [hbm4b:s0+s14], $0x280, $0x38;
	[tilespmem:$0x14780] =	vst v63  }
0x87: {  	_ =	swait.ge [sflag:s3], $0x280  }
0x88: {  	[sflag:s3] =	ssyncset.done $0x0  }
0x89: {  	s19 =	rddreg [dreg:$0x4];
	[sflag:s3] =	ssyncadd.s32 $0xFFFFFD80  }
0x8a: {  	[tilespmem:s15], [sflag:$0x2] =	stream.linear.gather [hbm4b:s19+s14], $0x280, $0x38;
	[tilespmem:$0x14780] =	vst v63  }
0x8b: {  	_ =	swait.ge [sflag:s3], $0x280  }
0x8c: {  	[sflag:s3] =	ssyncset.done $0x0  }
0x8d: {  	s20 =	rddreg [dreg:$0x5];
	[sflag:s3] =	ssyncadd.s32 $0xFFFFFD80  }
0x8e: {  	[tilespmem:s16], [sflag:$0x2] =	stream.linear.gather [hbm4b:s20+s14], $0x280, $0x38;
	[tilespmem:$0x14780] =	vst v63  }
0x8f: {  	_ =	swait.ge [sflag:s3], $0x280  }
0x90: {  	[sflag:s3] =	ssyncset.done $0x0;
	s0 =	rddreg [dreg:$0xa]  }
0x91: {  	s13 =	rddreg [dreg:$0xc];
	[sflag:s3] =	ssyncadd.s32 $0xFFFFFD80  }
0x92: {  	[tilespmem:s7], [sflag:$0x1] =	stream.indirect.gather [hbm4b:s8+s4], $0x40, s14, s4, $0xb8;
	[tilespmem:$0x14780] =	vst v63  }
0x93: {  	s17 =	rddreg [dreg:$0xe]  }
0x94: {  	[tilespmem:s6], [sflag:$0x1] =	stream.indirect.gather [hbm4b:s9+s4], $0x20, s15, s4, $0xb8;
	[tilespmem:$0x14780] =	vst v63  }
0x95: {  	s18 =	rddreg [dreg:$0x10]  }
0x96: {  	[tilespmem:s5], [sflag:$0x1] =	stream.indirect.gather [hbm4b:s10+s4], $0x20, s16, s4, $0xb8;
	[tilespmem:$0x14780] =	vst v63  }
0x97: {  	s19 =	rddreg [dreg:$0x8]  }
0x98: {  	[tilespmem:s19], [sflag:$0x1] =	stream.indirect.gather [hbm4b:s8+s4], $0x40, s4, s4, $0xb8;
	[tilespmem:$0x14780] =	vst v63  }
0x99: {  	s20 =	rddreg [dreg:$0x9]  }
0x9a: {  	[tilespmem:s0], [sflag:$0x1] =	stream.indirect.gather [hbm4b:s9+s4], $0x20, s20, s4, $0xb8;
	[tilespmem:$0x14780] =	vst v63  }
0x9b: {  	s19 =	rddreg [dreg:$0xb]  }
0x9c: {  	[tilespmem:s13], [sflag:$0x1] =	stream.indirect.gather [hbm4b:s10+s4], $0x20, s19, s4, $0xb8;
	[tilespmem:$0x14780] =	vst v63  }
0x9d: {  	s0 =	rddreg [dreg:$0xd]  }
0x9e: {  	[tilespmem:s17], [sflag:$0x1] =	stream.indirect.gather [hbm4b:s8+s4], $0x40, s0, s4, $0xb8;
	[tilespmem:$0x14780] =	vst v63  }
0x9f: {  	s13 =	rddreg [dreg:$0xf]  }
0xa0: {  	[tilespmem:s18], [sflag:$0x1] =	stream.indirect.gather [hbm4b:s9+s4], $0x20, s13, s4, $0xb8;
	[tilespmem:$0x14780] =	vst v63  }
0xa1: {  	s20 =	simm.s32 $0x600;
	s13 =	simm.s32 $0x11780  }
0xa2: {  	[tilespmem:s13], [sflag:$0x1] =	stream.indirect.gather [hbm4b:s10+s4], $0x20, s20, s4, $0xb8;
	[tilespmem:$0x14780] =	vst v63  }
0xa3: {  	s17 =	simm.s32 $0x180;
	s18 =	simm.s32 $0x6780  }
0xa4: {  	[tilespmem:s18], [sflag:$0x1] =	stream.indirect.gather [hbm4b:s8+s4], $0x40, s17, s4, $0xb8;
	[tilespmem:$0x14780] =	vst v63  }
0xa5: {  	_ = 	snop  }
0xa6: {  	[tilespmem:s22], [sflag:$0x1] =	stream.indirect.gather [hbm4b:s9+s4], $0x20, s21, s4, $0xb8;
	[tilespmem:$0x14780] =	vst v63  }
0xa7: {  	_ = 	snop  }
0xa8: {  	[tilespmem:s24], [sflag:$0x1] =	stream.indirect.gather [hbm4b:s10+s4], $0x20, s23, s4, $0xb8;
	[tilespmem:$0x14780] =	vst v63  }
0xa9: {  	_ = 	snop  }
0xaa: {  	[tilespmem:s26], [sflag:$0x1] =	stream.indirect.gather [hbm4b:s8+s4], $0x40, s25, s4, $0xb8;
	[tilespmem:$0x14780] =	vst v63  }
0xab: {  	_ = 	snop  }
0xac: {  	[tilespmem:s29], [sflag:$0x1] =	stream.indirect.gather [hbm4b:s9+s4], $0x20, s28, s4, $0xb8;
	[tilespmem:$0x14780] =	vst v63  }
0xad: {  	_ = 	snop  }
0xae: {  	[tilespmem:s31], [sflag:$0x1] =	stream.indirect.gather [hbm4b:s10+s4], $0x20, s30, s4, $0xb8;
	[tilespmem:$0x14780] =	vst v63  }
0xaf: {  	_ =	swait.ge [sflag:s12], $0x2000  }
0xb0: {  	[sflag:s12] =	ssyncset.done $0x0  }
0xb1: {  	[sflag:s12] =	ssyncadd.s32 $0xFFFFE000  }
0xb2: {  	_ =	swait.ge [sflag:s12], $0x1000  }
0xb3: {  	[sflag:s12] =	ssyncset.done $0x0  }
0xb4: {  	[sflag:s12] =	ssyncadd.s32 $0xFFFFF000  }
0xb5: {  	_ =	swait.ge [sflag:s12], $0x1000  }
0xb6: {  	[sflag:s12] =	ssyncset.done $0x0  }
0xb7: {  	[sflag:s12] =	ssyncadd.s32 $0xFFFFF000  }
0xb8: {  	_ =	swait.ge [sflag:s12], $0x2000  }
0xb9: {  	[sflag:s12] =	ssyncset.done $0x0  }
0xba: {  	[sflag:s12] =	ssyncadd.s32 $0xFFFFE000  }
0xbb: {  	_ =	swait.ge [sflag:s12], $0x1000  }
0xbc: {  	[sflag:s12] =	ssyncset.done $0x0  }
0xbd: {  	[sflag:s12] =	ssyncadd.s32 $0xFFFFF000  }
0xbe: {  	_ =	swait.ge [sflag:s12], $0x1000  }
0xbf: {  	[sflag:s12] =	ssyncset.done $0x0  }
0xc0: {  	[sflag:s12] =	ssyncadd.s32 $0xFFFFF000  }
0xc1: {  	_ =	swait.ge [sflag:s12], $0x2000  }
0xc2: {  	[sflag:s12] =	ssyncset.done $0x0  }
0xc3: {  	[sflag:s12] =	ssyncadd.s32 $0xFFFFE000  }
0xc4: {  	_ =	swait.ge [sflag:s12], $0x1000  }
0xc5: {  	[sflag:s12] =	ssyncset.done $0x0  }
0xc6: {  	[sflag:s12] =	ssyncadd.s32 $0xFFFFF000  }
0xc7: {  	_ =	swait.ge [sflag:s12], $0x1000  }
0xc8: {  	[sflag:s12] =	ssyncset.done $0x0  }
0xc9: {  	[sflag:s12] =	ssyncadd.s32 $0xFFFFF000  }
0xca: {  	_ =	swait.ge [sflag:s12], $0x2000  }
0xcb: {  	[sflag:s12] =	ssyncset.done $0x0  }
0xcc: {  	[sflag:s12] =	ssyncadd.s32 $0xFFFFE000  }
0xcd: {  	_ =	swait.ge [sflag:s12], $0x1000  }
0xce: {  	[sflag:s12] =	ssyncset.done $0x0  }
0xcf: {  	[sflag:s12] =	ssyncadd.s32 $0xFFFFF000  }
0xd0: {  	_ =	swait.ge [sflag:s12], $0x1000  }
0xd1: {  	[sflag:s12] =	ssyncset.done $0x0  }
0xd2: {  	[sflag:s12] =	ssyncadd.s32 $0xFFFFF000  }
0xd3: {  	_ =	swait.ge [sflag:s12], $0x2000  }
0xd4: {  	[sflag:s12] =	ssyncset.done $0x0  }
0xd5: {  	[sflag:s12] =	ssyncadd.s32 $0xFFFFE000  }
0xd6: {  	_ =	swait.ge [sflag:s12], $0x1000  }
0xd7: {  	[sflag:s12] =	ssyncset.done $0x0  }
0xd8: {  	[sflag:s12] =	ssyncadd.s32 $0xFFFFF000  }
0xd9: {  	_ =	swait.ge [sflag:s12], $0x1000  }
0xda: {  	[sflag:s12] =	ssyncset.done $0x0  }
0xdb: {  	s19 =	simm.s32 $0x40;
	[sflag:s12] =	ssyncadd.s32 $0xFFFFF000  }
0xdc: {  	[hbm4b:s2+s19] =	stream.strided.scatter [tilespmem:s7], [sflag:$0x2], $0xA000, s4, s19, $0x38;
	[tilespmem:$0x14780] =	vst v63  }
0xdd: {  	_ =	swait.ge [sflag:s3], $0xA000  }
0xde: {  	[sflag:s3] =	ssyncset.done $0x0  }
0xdf: {  	p1 =	sne.s32 s1, $0x1;
	s17 =	rddreg [dreg:$0x6];
	[sflag:s3] =	ssyncadd.s32 $0xFFFF6000  }
0xe0: {  	[hbm4b:s17+s11] =	stream.strided.scatter [tilespmem:s6], [sflag:$0x2], $0x5000, s4, s11, $0x38;
	[tilespmem:$0x14780] =	vst v63  }
.Ltmp2:
0xe1: {  	_ =	swait.ge [sflag:s3], $0x5000;
	(pc) =	sbr.rel @p1 .LBB2_3-.Ltmp2, $4  }
0xe2: {  	[sflag:s3] =	ssyncset.done $0x0  }
0xe3: {  	s18 =	rddreg [dreg:$0x7];
	[sflag:s3] =	ssyncadd.s32 $0xFFFFB000  }
0xe4: {  	[hbm4b:s18+s11] =	stream.strided.scatter [tilespmem:s5], [sflag:$0x2], $0x5000, s4, s11, $0x38;
	[tilespmem:$0x14780] =	vst v63  }
0xe5: {  	s1 =	sadd.s32 $0xFFFFFFFF, s1;
	_ =	swait.ge [sflag:s3], $0x5000  }
0xe6: {  	s17 =	stileid.u32;
	s18 =	rddreg [dreg:$0x2]  }
.LBB2_5:
0xe7: {  	[sflag:s3] =	ssyncset.done @p0 $0x0  }
0xe8: {  	s0 =	rddreg [dreg:$0x3];
	[sflag:s3] =	ssyncadd.s32 @p0 $0xFFFFB000  }
0xe9: {  	[tilespmem:s14], [sflag:$0x2] =	stream.linear.gather [hbm4b:s0+s14], $0x280, $0x38;
	[tilespmem:$0x14780] =	vst v63  }
0xea: {  	_ =	swait.ge [sflag:s3], $0x280  }
0xeb: {  	[sflag:s3] =	ssyncset.done $0x0  }
0xec: {  	s13 =	rddreg [dreg:$0x4];
	[sflag:s3] =	ssyncadd.s32 $0xFFFFFD80  }
0xed: {  	[tilespmem:s15], [sflag:$0x2] =	stream.linear.gather [hbm4b:s13+s14], $0x280, $0x38;
	[tilespmem:$0x14780] =	vst v63  }
0xee: {  	_ =	swait.ge [sflag:s3], $0x280  }
0xef: {  	[sflag:s3] =	ssyncset.done $0x0  }
0xf0: {  	s1 =	rddreg [dreg:$0x5];
	[sflag:s3] =	ssyncadd.s32 $0xFFFFFD80  }
0xf1: {  	[tilespmem:s16], [sflag:$0x2] =	stream.linear.gather [hbm4b:s1+s14], $0x280, $0x38;
	[tilespmem:$0x14780] =	vst v63  }
0xf2: {  	_ =	swait.ge [sflag:s3], $0x280  }
0xf3: {  	[sflag:s3] =	ssyncset.done $0x0  }
0xf4: {  	s13 =	rddreg [dreg:$0x8];
	[sflag:s3] =	ssyncadd.s32 $0xFFFFFD80  }
0xf5: {  	[tilespmem:s7], [sflag:$0x1] =	stream.indirect.gather [hbm4b:s8+s4], $0x40, s14, s4, $0xb8;
	[tilespmem:$0x14780] =	vst v63  }
0xf6: {  	s1 =	rddreg [dreg:$0x9]  }
0xf7: {  	[tilespmem:s6], [sflag:$0x1] =	stream.indirect.gather [hbm4b:s9+s4], $0x20, s15, s4, $0xb8;
	[tilespmem:$0x14780] =	vst v63  }
0xf8: {  	s14 =	rddreg [dreg:$0xa]  }
0xf9: {  	[tilespmem:s5], [sflag:$0x1] =	stream.indirect.gather [hbm4b:s10+s4], $0x20, s16, s4, $0xb8;
	[tilespmem:$0x14780] =	vst v63  }
0xfa: {  	s16 =	rddreg [dreg:$0xb]  }
0xfb: {  	[tilespmem:s13], [sflag:$0x1] =	stream.indirect.gather [hbm4b:s8+s4], $0x40, s4, s4, $0xb8;
	[tilespmem:$0x14780] =	vst v63  }
0xfc: {  	s13 =	rddreg [dreg:$0xc]  }
0xfd: {  	[tilespmem:s14], [sflag:$0x1] =	stream.indirect.gather [hbm4b:s9+s4], $0x20, s1, s4, $0xb8;
	[tilespmem:$0x14780] =	vst v63  }
0xfe: {  	s1 =	rddreg [dreg:$0xe]  }
0xff: {  	s14 =	rddreg [dreg:$0x10]  }
0x100: {  	[tilespmem:s13], [sflag:$0x1] =	stream.indirect.gather [hbm4b:s10+s4], $0x20, s16, s4, $0xb8;
	[tilespmem:$0x14780] =	vst v63  }
0x101: {  	s13 =	rddreg [dreg:$0xd]  }
0x102: {  	[tilespmem:s1], [sflag:$0x1] =	stream.indirect.gather [hbm4b:s8+s4], $0x40, s13, s4, $0xb8;
	[tilespmem:$0x14780] =	vst v63  }
0x103: {  	s16 =	rddreg [dreg:$0xf]  }
0x104: {  	[tilespmem:s14], [sflag:$0x1] =	stream.indirect.gather [hbm4b:s9+s4], $0x20, s16, s4, $0xb8;
	[tilespmem:$0x14780] =	vst v63  }
0x105: {  	s15 =	simm.s32 $0x11780  }
0x106: {  	[tilespmem:s15], [sflag:$0x1] =	stream.indirect.gather [hbm4b:s10+s4], $0x20, s20, s4, $0xb8;
	[tilespmem:$0x14780] =	vst v63  }
0x107: {  	s16 =	simm.s32 $0x180;
	s20 =	simm.s32 $0x6780  }
0x108: {  	[tilespmem:s20], [sflag:$0x1] =	stream.indirect.gather [hbm4b:s8+s4], $0x40, s16, s4, $0xb8;
	[tilespmem:$0x14780] =	vst v63  }
0x109: {  	_ = 	snop  }
0x10a: {  	[tilespmem:s22], [sflag:$0x1] =	stream.indirect.gather [hbm4b:s9+s4], $0x20, s21, s4, $0xb8;
	[tilespmem:$0x14780] =	vst v63  }
0x10b: {  	_ = 	snop  }
0x10c: {  	[tilespmem:s24], [sflag:$0x1] =	stream.indirect.gather [hbm4b:s10+s4], $0x20, s23, s4, $0xb8;
	[tilespmem:$0x14780] =	vst v63  }
0x10d: {  	_ = 	snop  }
0x10e: {  	[tilespmem:s26], [sflag:$0x1] =	stream.indirect.gather [hbm4b:s8+s4], $0x40, s25, s4, $0xb8;
	[tilespmem:$0x14780] =	vst v63  }
0x10f: {  	_ = 	snop  }
0x110: {  	[tilespmem:s29], [sflag:$0x1] =	stream.indirect.gather [hbm4b:s9+s4], $0x20, s28, s4, $0xb8;
	[tilespmem:$0x14780] =	vst v63  }
0x111: {  	_ = 	snop  }
0x112: {  	[tilespmem:s31], [sflag:$0x1] =	stream.indirect.gather [hbm4b:s10+s4], $0x20, s30, s4, $0xb8;
	[tilespmem:$0x14780] =	vst v63  }
0x113: {  	_ =	swait.ge [sflag:s12], $0x2000  }
0x114: {  	[sflag:s12] =	ssyncset.done $0x0  }
0x115: {  	[sflag:s12] =	ssyncadd.s32 $0xFFFFE000  }
0x116: {  	_ =	swait.ge [sflag:s12], $0x1000  }
0x117: {  	[sflag:s12] =	ssyncset.done $0x0  }
0x118: {  	[sflag:s12] =	ssyncadd.s32 $0xFFFFF000  }
0x119: {  	_ =	swait.ge [sflag:s12], $0x1000  }
0x11a: {  	[sflag:s12] =	ssyncset.done $0x0  }
0x11b: {  	[sflag:s12] =	ssyncadd.s32 $0xFFFFF000  }
0x11c: {  	_ =	swait.ge [sflag:s12], $0x2000  }
0x11d: {  	[sflag:s12] =	ssyncset.done $0x0  }
0x11e: {  	[sflag:s12] =	ssyncadd.s32 $0xFFFFE000  }
0x11f: {  	_ =	swait.ge [sflag:s12], $0x1000  }
0x120: {  	[sflag:s12] =	ssyncset.done $0x0  }
0x121: {  	[sflag:s12] =	ssyncadd.s32 $0xFFFFF000  }
0x122: {  	_ =	swait.ge [sflag:s12], $0x1000  }
0x123: {  	[sflag:s12] =	ssyncset.done $0x0  }
0x124: {  	[sflag:s12] =	ssyncadd.s32 $0xFFFFF000  }
0x125: {  	_ =	swait.ge [sflag:s12], $0x2000  }
0x126: {  	[sflag:s12] =	ssyncset.done $0x0  }
0x127: {  	[sflag:s12] =	ssyncadd.s32 $0xFFFFE000  }
0x128: {  	_ =	swait.ge [sflag:s12], $0x1000  }
0x129: {  	[sflag:s12] =	ssyncset.done $0x0  }
0x12a: {  	[sflag:s12] =	ssyncadd.s32 $0xFFFFF000  }
0x12b: {  	_ =	swait.ge [sflag:s12], $0x1000  }
0x12c: {  	[sflag:s12] =	ssyncset.done $0x0  }
0x12d: {  	[sflag:s12] =	ssyncadd.s32 $0xFFFFF000  }
0x12e: {  	_ =	swait.ge [sflag:s12], $0x2000  }
0x12f: {  	[sflag:s12] =	ssyncset.done $0x0  }
0x130: {  	[sflag:s12] =	ssyncadd.s32 $0xFFFFE000  }
0x131: {  	_ =	swait.ge [sflag:s12], $0x1000  }
0x132: {  	[sflag:s12] =	ssyncset.done $0x0  }
0x133: {  	[sflag:s12] =	ssyncadd.s32 $0xFFFFF000  }
0x134: {  	_ =	swait.ge [sflag:s12], $0x1000  }
0x135: {  	[sflag:s12] =	ssyncset.done $0x0  }
0x136: {  	[sflag:s12] =	ssyncadd.s32 $0xFFFFF000  }
0x137: {  	_ =	swait.ge [sflag:s12], $0x2000  }
0x138: {  	[sflag:s12] =	ssyncset.done $0x0  }
0x139: {  	[sflag:s12] =	ssyncadd.s32 $0xFFFFE000  }
0x13a: {  	_ =	swait.ge [sflag:s12], $0x1000  }
0x13b: {  	[sflag:s12] =	ssyncset.done $0x0  }
0x13c: {  	[sflag:s12] =	ssyncadd.s32 $0xFFFFF000  }
0x13d: {  	_ =	swait.ge [sflag:s12], $0x1000  }
0x13e: {  	[sflag:s12] =	ssyncset.done $0x0  }
0x13f: {  	[sflag:s12] =	ssyncadd.s32 $0xFFFFF000  }
0x140: {  	[hbm4b:s2+s19] =	stream.strided.scatter [tilespmem:s7], [sflag:$0x2], $0xA000, s4, s19, $0x38;
	[tilespmem:$0x14780] =	vst v63  }
0x141: {  	_ =	swait.ge [sflag:s3], $0xA000  }
0x142: {  	[sflag:s3] =	ssyncset.done $0x0  }
0x143: {  	s30 =	rddreg [dreg:$0x6];
	[sflag:s3] =	ssyncadd.s32 $0xFFFF6000  }
0x144: {  	[hbm4b:s30+s11] =	stream.strided.scatter [tilespmem:s6], [sflag:$0x2], $0x5000, s4, s11, $0x38;
	[tilespmem:$0x14780] =	vst v63  }
0x145: {  	_ =	swait.ge [sflag:s3], $0x5000  }
0x146: {  	[sflag:s3] =	ssyncset.done $0x0  }
0x147: {  	s31 =	rddreg [dreg:$0x7];
	[sflag:s3] =	ssyncadd.s32 $0xFFFFB000  }
0x148: {  	[hbm4b:s31+s11] =	stream.strided.scatter [tilespmem:s5], [sflag:$0x2], $0x5000, s4, s11, $0x38;
	[tilespmem:$0x14780] =	vst v63  }
0x149: {  	_ =	swait.ge [sflag:s3], $0x5000  }
0x14a: {  	[sflag:s3] =	ssyncset.done $0x0  }
0x14b: {  	[sflag:s3] =	ssyncadd.s32 $0xFFFFB000  }
0x14c: {  	_ =	sfence.sel $0x180000  }
0x14d: {  	[bflag:$0x0] =	sbarrier.arrive $0xFFFF  }
0x14e: {  	p0 =	sne.s32 s17, $0x0;
	_ =	strace $0x90000053  }
0x14f: {  	s0 =	sadd.s32 @!p0 $0x100000, s18;
	[bflag:$0x2] =	sbarrier.arrive $0xFFFF  }
0x150: {  	[sflag:s0] =	ssyncadd.tile.s32 @!p0 $0x1;
	_ =	shalt  }
.LBB2_2:
.Ltmp3:
0x151: {  	(pc) =	sbr.rel .LBB2_5-.Ltmp3, $2  }
0x152: {  	_ =	sdelay $0x2  }
0x153: {  	s17 =	stileid.u32;
	s18 =	rddreg [dreg:$0x2]  }
.Lfunc_end2:
_tile_overlayer_lowered:
.L_overlay_start_2:
0x154: {  	(tag) =	ssettag $0x2  }
0x155: {  	s0 =	rddreg [dreg:$0x0];
	s2 =	stileid.u32  }
0x156: {  	s1 =	rddreg [dreg:$0x1];
	p0 =	sne.s32 s2, $0x0  }
0x157: {  	s3 =	rddreg [dreg:$0x2];
	[bflag:$0x3] =	sbarrier.arrive $0xFFFF;
	s2 =	simm.s32 @!p0 $0x1C02  }
0x158: {  	[timem:s3], [sflag:s2] =	dma.local @!p0 [hbm:s0], s1  }
0x159: {  	s0 =	simm.s32 @!p0 $0x2  }
0x15a: {  	_ =	swait.ge @!p0 [sflag:s0], s1  }
0x15b: {  	s1 =	ssub.s32 @!p0 $0x0, s1;
	[sflag:s0] =	ssyncset.done @!p0 $0x0  }
0x15c: {  	[sflag:s0] =	ssyncadd.s32 @!p0 s1  }
0x15d: {  	[bflag:$0x3] =	sbarrier.arrive $0xFFFF  }
0x15e: {  	_ =	shalt  }

</sc_bundles>
